<compile_context>
chip_gen: v7x
topology: tpu7x:2x2x1
jax: 0.10.2.dev20260603
libtpu: 0.0.44.dev20260713+nightly
codegen_flags: <defaults>
</compile_context>

<pallas_src>
import math

import jax
import jax.numpy as jnp
from jax import lax
from jax.experimental import pallas as pl
from jax.experimental.pallas import tpu as pltpu
from jax.experimental.pallas import tpu_sc as plsc

_B = 1048576
_N_LEVELS = 16
_F = 2
_BASE = 16.0
_FINEST = 8192.0
_IMG = 1.0
_b = math.exp((math.log(_FINEST) - math.log(_BASE)) / (_N_LEVELS - 1))

_RES = [float(math.floor(_BASE * _b ** i)) for i in range(_N_LEVELS)]
_GS = [_IMG / r for r in _RES]
_N_USED = [int(r) + 2 for r in _RES]
_SEG_ELEMS = [((2 * n + 7) // 8) * 8 for n in _N_USED]
_OFF = [0]
for _e in _SEG_ELEMS[:-1]:
    _OFF.append(_OFF[-1] + _e)
_T_ELEMS = _OFF[-1] + _SEG_ELEMS[-1]

_NC = 2
_NS = 16
_NW = _NC * _NS
_L = 16

_PER_W = _B // _NW
_BLK = 256
_NB = _PER_W // _BLK
_VPB = _BLK // _L


def _tec_body(x_hbm, tab_hbm, out_hbm, tab_v, x_v0, x_v1, cmp_v, dma_v0,
              dma_v1, sem0, sem1, sx0, sx1):
    wid = lax.axis_index("s") * _NC + lax.axis_index("c")
    base = wid * _PER_W

    pltpu.sync_copy(tab_hbm, tab_v)
    lane = lax.iota(jnp.int32, 16)

    def x_src(ib):
        row0 = base + ib * _BLK
        return x_hbm.at[pl.ds(pl.multiple_of(row0, 8), _BLK)]

    def run_inner(x_v):
        @plsc.parallel_loop(0, _VPB, unroll=4)
        def _loop(j):
            xv = x_v[pl.ds(j * _L, _L)]
            obase = lane * 33 + j * (_L * 33)
            for l in range(_N_LEVELS):
                t = xv * _RES[l]
                li = t.astype(jnp.int32)
                w = t - li.astype(jnp.float32)
                eidx = li * 2 + _OFF[l]
                e00 = plsc.load_gather(tab_v, [eidx])
                e01 = plsc.load_gather(tab_v, [eidx + 1])
                e10 = plsc.load_gather(tab_v, [eidx + 2])
                e11 = plsc.load_gather(tab_v, [eidx + 3])
                c0 = e00 + (e10 - e00) * w
                c1 = e01 + (e11 - e01) * w
                plsc.store_scatter(cmp_v, [obase + (2 * l)], c0)
                plsc.store_scatter(cmp_v, [obase + (2 * l + 1)], c1)

    def repack(dma_v):
        @plsc.parallel_loop(0, _BLK, unroll=16)
        def _rp(p):
            lo = cmp_v[pl.ds(p * 33, _L)]
            hi = cmp_v[pl.ds(p * 33 + 16, _L)]
            dma_v[p, pl.ds(0, _L)] = lo
            dma_v[p, pl.ds(16, _L)] = hi

    def out_slice(row0):
        return out_hbm.at[pl.ds(pl.multiple_of(row0, 8), _BLK), :]

    def dma_src(dma_v):
        return dma_v.at[:, :]

    def half(ib, x_v, sx, dma_v, sem):
        row0 = base + ib * _BLK
        pltpu.make_async_copy(x_src(ib), x_v, sx).wait()
        run_inner(x_v)

        @pl.when(ib + 2 < _NB)
        def _prefetch():
            pltpu.async_copy(x_src(ib + 2), x_v, sx)

        @pl.when(ib >= 2)
        def _wait():
            pltpu.make_async_copy(
                dma_src(dma_v), out_slice(row0 - 2 * _BLK), sem).wait()

        repack(dma_v)
        pltpu.async_copy(dma_src(dma_v), out_slice(row0), sem)

    pltpu.async_copy(x_src(0), x_v0, sx0)
    pltpu.async_copy(x_src(1), x_v1, sx1)

    def pair(i2, carry):
        half(i2 * 2, x_v0, sx0, dma_v0, sem0)
        half(i2 * 2 + 1, x_v1, sx1, dma_v1, sem1)
        return carry

    lax.fori_loop(0, _NB // 2, pair, 0, unroll=False)
    last0 = base + (_NB - 2) * _BLK
    last1 = base + (_NB - 1) * _BLK
    pltpu.make_async_copy(dma_src(dma_v0), out_slice(last0), sem0).wait()
    pltpu.make_async_copy(dma_src(dma_v1), out_slice(last1), sem1).wait()


@jax.jit
def _hash_embed(x_flat, tab_flat):
    mesh = plsc.VectorSubcoreMesh(core_axis_name="c", subcore_axis_name="s")
    fn = pl.kernel(
        _tec_body,
        out_type=jax.ShapeDtypeStruct((_B, 128), jnp.float32),
        mesh=mesh,
        compiler_params=pltpu.CompilerParams(
            needs_layout_passes=False, use_tc_tiling_on_sc=True),
        scratch_types=[
            pltpu.VMEM((_T_ELEMS,), jnp.float32),
            pltpu.VMEM((_BLK,), jnp.float32),
            pltpu.VMEM((_BLK,), jnp.float32),
            pltpu.VMEM((_BLK * 33,), jnp.float32),
            pltpu.VMEM((_BLK, 128), jnp.float32),
            pltpu.VMEM((_BLK, 128), jnp.float32),
            pltpu.SemaphoreType.DMA,
            pltpu.SemaphoreType.DMA,
            pltpu.SemaphoreType.DMA,
            pltpu.SemaphoreType.DMA,
        ],
    )
    return fn(x_flat, tab_flat)


def kernel(x, tables):
    segs = []
    for i in range(_N_LEVELS):
        seg = tables[i][: _N_USED[i]].reshape(-1)
        pad = _SEG_ELEMS[i] - seg.shape[0]
        if pad:
            seg = jnp.concatenate([seg, jnp.zeros((pad,), jnp.float32)])
        segs.append(seg)
    tab_flat = jnp.concatenate(segs)
    out = _hash_embed(x.reshape(-1), tab_flat)
    return out[:, : _N_LEVELS * _F]

# --- scband reference (transcript-rebuilt; emitter-appended) ---
"""Pipeline reference for scband-hash-embedder1-d-42262478193060 (READ-ONLY COPY).

The authoritative reference and input builder live on the scoring server;
editing this copy changes nothing except your own understanding.
"""

import jax, jax.numpy as jnp
import numpy as np
import math

B = 1048576
N_LEVELS = 16
F = 2
LOG2T = 19
BASE = 16.0
FINEST = 8192.0
IMG = 1.0
b = math.exp((math.log(FINEST) - math.log(BASE)) / (N_LEVELS - 1))


def setup_inputs(seed: int = 0) -> dict:
    key = jax.random.key(seed)
    kx, kt = jax.random.split(key)
    x = jax.random.uniform(kx, (B, 1), dtype=jnp.float32)
    tables = []
    for i in range(N_LEVELS):
        res = math.floor(BASE * b ** i)
        if res ** 2 < 2 ** LOG2T:
            n_rows = (res + 1) ** 2
        else:
            n_rows = 2 ** LOG2T
        kt, sub = jax.random.split(kt)
        tables.append(jax.random.uniform(sub, (n_rows, F), minval=-0.0001, maxval=0.0001, dtype=jnp.float32))
    return {"x": x, "tables": tuple(tables)}


def reference(x, tables):
    offset = jnp.array([[0], [1]], dtype=jnp.int32)  # 2 x 1
    outs = []
    for i in range(N_LEVELS):
        res = float(math.floor(BASE * b ** i))
        grid_size = IMG / res
        left_idx = jnp.floor(x / grid_size).astype(jnp.int32)  # B x 1
        grid_min_vertex = left_idx.astype(jnp.float32) * grid_size  # B x 1
        grid_max_vertex = grid_min_vertex + grid_size  # B x 1
        grid_indices = left_idx[:, None, :] + offset[None, :, :]  # B x 2 x 1
        if res * res < 2 ** LOG2T:
            hashed = grid_indices[..., 0]  # B x 2 (one2one hash)
        else:
            xor_result = grid_indices[..., 0] * 1  # prime[0] == 1, single coord dim
            hashed = jnp.bitwise_and(xor_result, (1 << LOG2T) - 1)  # B x 2
        grid_embedds = jnp.take(tables[i], hashed, axis=0)  # B x 2 x F
        weights = (x - grid_min_vertex) / (grid_max_vertex - grid_min_vertex)  # B x 1
        c = grid_embedds[:, 0] * (1.0 - weights) + grid_embedds[:, 1] * weights  # B x F
        outs.append(c)
    return jnp.concatenate(outs, axis=-1)  # B x (N_LEVELS*F)

if __name__ == "__main__":
    import jax
    _d = setup_inputs()
    print(jax.jit(kernel)(*tuple(_d.values())))

</pallas_src>

<mosaic_0001>
#map = affine_map<(d0, d1) -> (0)>
#map1 = affine_map<(d0, d1) -> (0, 0)>
module attributes {stable_mosaic.version = 14 : i64} {
  func.func @_tec_body(%arg0: i32, %arg1: i32, %arg2: memref<1048576xf32, #tpu.memory_space<hbm>>, %arg3: memref<48200xf32, #tpu.memory_space<hbm>>, %arg4: memref<1048576x128xf32, #tpu.memory_space<hbm>>, %arg5: memref<48200xf32, #tpu.memory_space<vmem>>, %arg6: memref<256xf32, #tpu.memory_space<vmem>>, %arg7: memref<256xf32, #tpu.memory_space<vmem>>, %arg8: memref<8448xf32, #tpu.memory_space<vmem>>, %arg9: memref<256x128xf32, #tpu.memory_space<vmem>>, %arg10: memref<256x128xf32, #tpu.memory_space<vmem>>, %arg11: memref<!tpu.dma_semaphore, #tpu.memory_space<semaphore_mem>>, %arg12: memref<!tpu.dma_semaphore, #tpu.memory_space<semaphore_mem>>, %arg13: memref<!tpu.dma_semaphore, #tpu.memory_space<semaphore_mem>>, %arg14: memref<!tpu.dma_semaphore, #tpu.memory_space<semaphore_mem>>) attributes {dimension_semantics = [#tpu.dimension_semantics<core_parallel>, #tpu.dimension_semantics<subcore_parallel>], iteration_bounds = array<i64: 2, 16>, scalar_prefetch = 0 : i64, scratch_operands = 10 : i64, tpu.core_type = #tpu.core_type<sc_vector_subcore>, window_params = [{transform_indices = #map}, {transform_indices = #map}, {transform_indices = #map1}]} {
    %mul3A = arith.constant 2 : i32
    %mul3A_0 = arith.muli %arg1, %mul3A : i32
    %add3A = arith.addi %mul3A_0, %arg0 : i32
    %mul3A_1 = arith.constant 32768 : i32
    %mul3A_2 = arith.muli %add3A, %mul3A_1 : i32
    "tpu.region"() ({
      %run_scoped3A = tpu.sem_alloc : memref<!tpu.dma_semaphore, #tpu.memory_space<semaphore_mem>>
      tpu.enqueue_dma source(%arg3 : memref<48200xf32, #tpu.memory_space<hbm>>) target(%arg5 : memref<48200xf32, #tpu.memory_space<vmem>>) target_semaphore(%run_scoped3A : memref<!tpu.dma_semaphore, #tpu.memory_space<semaphore_mem>>)
      tpu.wait_dma2 semaphore(%run_scoped3A : memref<!tpu.dma_semaphore, #tpu.memory_space<semaphore_mem>>) src(%arg3 : memref<48200xf32, #tpu.memory_space<hbm>>) dst(%arg5 : memref<48200xf32, #tpu.memory_space<vmem>>)
      tpu.yield
    }) : () -> ()
    %iota3A = tpu.iota {dimensions = array<i32: 0>} : vector<16xi32>
    %add3A_3 = arith.constant 0 : i32
    %add3A_4 = arith.addi %mul3A_2, %add3A_3 : i32
    %multiple_of3A = tpu.assume_multiple %add3A_4, 8 : i32
    %dma_start3A = tpu.memref_slice %arg2[%multiple_of3A] : memref<1048576xf32, #tpu.memory_space<hbm>> -> memref<256xf32, #tpu.memory_space<hbm>>
    %dma_start3A_5 = tpu.memref_slice %arg2[%multiple_of3A] : memref<1048576xf32, #tpu.memory_space<hbm>> -> memref<256xf32, #tpu.memory_space<hbm>>
    tpu.enqueue_dma source(%dma_start3A_5 : memref<256xf32, #tpu.memory_space<hbm>>) target(%arg6 : memref<256xf32, #tpu.memory_space<vmem>>) target_semaphore(%arg13 : memref<!tpu.dma_semaphore, #tpu.memory_space<semaphore_mem>>)
    %add3A_6 = arith.constant 256 : i32
    %add3A_7 = arith.addi %mul3A_2, %add3A_6 : i32
    %multiple_of3A_8 = tpu.assume_multiple %add3A_7, 8 : i32
    %dma_start3A_9 = tpu.memref_slice %arg2[%multiple_of3A_8] : memref<1048576xf32, #tpu.memory_space<hbm>> -> memref<256xf32, #tpu.memory_space<hbm>>
    %dma_start3A_10 = tpu.memref_slice %arg2[%multiple_of3A_8] : memref<1048576xf32, #tpu.memory_space<hbm>> -> memref<256xf32, #tpu.memory_space<hbm>>
    tpu.enqueue_dma source(%dma_start3A_10 : memref<256xf32, #tpu.memory_space<hbm>>) target(%arg7 : memref<256xf32, #tpu.memory_space<vmem>>) target_semaphore(%arg14 : memref<!tpu.dma_semaphore, #tpu.memory_space<semaphore_mem>>)
    %scan3A = arith.constant 0 : i32
    %scan3A_11 = arith.constant 0 : i32
    %scan3A_12 = arith.constant 64 : i32
    %scan3A_13 = arith.addi %scan3A_11, %scan3A_12 : i32
    %scan3A_14 = arith.constant 1 : i32
    scf.for %scan3A_41 = %scan3A_11 to %scan3A_13 step %scan3A_14  : i32 {
      %mul3A_42 = arith.constant 2 : i32
      %mul3A_43 = arith.muli %scan3A_41, %mul3A_42 : i32
      %mul3A_44 = arith.constant 256 : i32
      %mul3A_45 = arith.muli %mul3A_43, %mul3A_44 : i32
      %add3A_46 = arith.addi %mul3A_2, %mul3A_45 : i32
      %mul3A_47 = arith.constant 256 : i32
      %mul3A_48 = arith.muli %mul3A_43, %mul3A_47 : i32
      %add3A_49 = arith.addi %mul3A_2, %mul3A_48 : i32
      %multiple_of3A_50 = tpu.assume_multiple %add3A_49, 8 : i32
      %dma_wait3A_51 = tpu.memref_slice %arg2[%multiple_of3A_50] : memref<1048576xf32, #tpu.memory_space<hbm>> -> memref<256xf32, #tpu.memory_space<hbm>>
      %dma_wait3A_52 = tpu.memref_slice %arg2[%multiple_of3A_50] : memref<1048576xf32, #tpu.memory_space<hbm>> -> memref<256xf32, #tpu.memory_space<hbm>>
      tpu.wait_dma2 semaphore(%arg13 : memref<!tpu.dma_semaphore, #tpu.memory_space<semaphore_mem>>) src(%dma_wait3A_52 : memref<256xf32, #tpu.memory_space<hbm>>) dst(%arg6 : memref<256xf32, #tpu.memory_space<vmem>>)
      %parallel_loop3A = arith.constant 0 : i32
      %parallel_loop3A_53 = arith.constant 16 : i32
      %parallel_loop3A_54 = arith.constant 1 : i32
      scf.for %parallel_loop3A_119 = %parallel_loop3A to %parallel_loop3A_53 step %parallel_loop3A_54  : i32 {
        %parallel_loop3A_120 = arith.constant 16 : i32
        %parallel_loop3A_121 = arith.muli %parallel_loop3A_119, %parallel_loop3A_120 : i32
        %parallel_loop3A_122 = arith.index_cast %parallel_loop3A_121 : i32 to index
        %parallel_loop3A_123 = tpu.vector_load %arg6[%parallel_loop3A_122] {strides = array<i32>} : memref<256xf32, #tpu.memory_space<vmem>>, vector<16xf32>,
        %parallel_loop3A_124 = arith.constant 33 : i32
        %parallel_loop3A_125 = vector.broadcast %parallel_loop3A_124 : i32 to vector<16xi32>
        %parallel_loop3A_126 = arith.muli %iota3A, %parallel_loop3A_125 : vector<16xi32>
        %parallel_loop3A_127 = arith.constant 528 : i32
        %parallel_loop3A_128 = arith.muli %parallel_loop3A_119, %parallel_loop3A_127 : i32
        %parallel_loop3A_129 = vector.broadcast %parallel_loop3A_128 : i32 to vector<16xi32>
        %parallel_loop3A_130 = arith.addi %parallel_loop3A_126, %parallel_loop3A_129 : vector<16xi32>
        %parallel_loop3A_131 = arith.constant 1.600000e+01 : f32
        %parallel_loop3A_132 = vector.broadcast %parallel_loop3A_131 : f32 to vector<16xf32>
        %parallel_loop3A_133 = arith.mulf %parallel_loop3A_123, %parallel_loop3A_132 : vector<16xf32>
        %parallel_loop3A_134 = arith.fptosi %parallel_loop3A_133 : vector<16xf32> to vector<16xi32>
        %parallel_loop3A_135 = arith.sitofp %parallel_loop3A_134 : vector<16xi32> to vector<16xf32>
        %parallel_loop3A_136 = arith.subf %parallel_loop3A_133, %parallel_loop3A_135 : vector<16xf32>
        %parallel_loop3A_137 = arith.constant 2 : i32
        %parallel_loop3A_138 = vector.broadcast %parallel_loop3A_137 : i32 to vector<16xi32>
        %parallel_loop3A_139 = arith.muli %parallel_loop3A_134, %parallel_loop3A_138 : vector<16xi32>
        %parallel_loop3A_140 = arith.constant 0 : i32
        %parallel_loop3A_141 = vector.broadcast %parallel_loop3A_140 : i32 to vector<16xi32>
        %parallel_loop3A_142 = arith.addi %parallel_loop3A_139, %parallel_loop3A_141 : vector<16xi32>
        %parallel_loop3A_143 = tpu.vector_load_idx %arg5[%parallel_loop3A_142] : memref<48200xf32, #tpu.memory_space<vmem>>[vector<16xi32>], vector<16xf32>,
        %parallel_loop3A_144 = arith.constant 1 : i32
        %parallel_loop3A_145 = vector.broadcast %parallel_loop3A_144 : i32 to vector<16xi32>
        %parallel_loop3A_146 = arith.addi %parallel_loop3A_142, %parallel_loop3A_145 : vector<16xi32>
        %parallel_loop3A_147 = tpu.vector_load_idx %arg5[%parallel_loop3A_146] : memref<48200xf32, #tpu.memory_space<vmem>>[vector<16xi32>], vector<16xf32>,
        %parallel_loop3A_148 = arith.constant 2 : i32
        %parallel_loop3A_149 = vector.broadcast %parallel_loop3A_148 : i32 to vector<16xi32>
        %parallel_loop3A_150 = arith.addi %parallel_loop3A_142, %parallel_loop3A_149 : vector<16xi32>
        %parallel_loop3A_151 = tpu.vector_load_idx %arg5[%parallel_loop3A_150] : memref<48200xf32, #tpu.memory_space<vmem>>[vector<16xi32>], vector<16xf32>,
        %parallel_loop3A_152 = arith.constant 3 : i32
        %parallel_loop3A_153 = vector.broadcast %parallel_loop3A_152 : i32 to vector<16xi32>
        %parallel_loop3A_154 = arith.addi %parallel_loop3A_142, %parallel_loop3A_153 : vector<16xi32>
        %parallel_loop3A_155 = tpu.vector_load_idx %arg5[%parallel_loop3A_154] : memref<48200xf32, #tpu.memory_space<vmem>>[vector<16xi32>], vector<16xf32>,
        %parallel_loop3A_156 = arith.subf %parallel_loop3A_151, %parallel_loop3A_143 : vector<16xf32>
        %parallel_loop3A_157 = arith.mulf %parallel_loop3A_156, %parallel_loop3A_136 : vector<16xf32>
        %parallel_loop3A_158 = arith.addf %parallel_loop3A_143, %parallel_loop3A_157 : vector<16xf32>
        %parallel_loop3A_159 = arith.subf %parallel_loop3A_155, %parallel_loop3A_147 : vector<16xf32>
        %parallel_loop3A_160 = arith.mulf %parallel_loop3A_159, %parallel_loop3A_136 : vector<16xf32>
        %parallel_loop3A_161 = arith.addf %parallel_loop3A_147, %parallel_loop3A_160 : vector<16xf32>
        %parallel_loop3A_162 = arith.constant 0 : i32
        %parallel_loop3A_163 = vector.broadcast %parallel_loop3A_162 : i32 to vector<16xi32>
        %parallel_loop3A_164 = arith.addi %parallel_loop3A_130, %parallel_loop3A_163 : vector<16xi32>
        tpu.vector_store_idx %arg8[%parallel_loop3A_164], %parallel_loop3A_158 : memref<8448xf32, #tpu.memory_space<vmem>>[vector<16xi32>], vector<16xf32>,
        %parallel_loop3A_165 = arith.constant 1 : i32
        %parallel_loop3A_166 = vector.broadcast %parallel_loop3A_165 : i32 to vector<16xi32>
        %parallel_loop3A_167 = arith.addi %parallel_loop3A_130, %parallel_loop3A_166 : vector<16xi32>
        tpu.vector_store_idx %arg8[%parallel_loop3A_167], %parallel_loop3A_161 : memref<8448xf32, #tpu.memory_space<vmem>>[vector<16xi32>], vector<16xf32>,
        %parallel_loop3A_168 = arith.constant 2.400000e+01 : f32
        %parallel_loop3A_169 = vector.broadcast %parallel_loop3A_168 : f32 to vector<16xf32>
        %parallel_loop3A_170 = arith.mulf %parallel_loop3A_123, %parallel_loop3A_169 : vector<16xf32>
        %parallel_loop3A_171 = arith.fptosi %parallel_loop3A_170 : vector<16xf32> to vector<16xi32>
        %parallel_loop3A_172 = arith.sitofp %parallel_loop3A_171 : vector<16xi32> to vector<16xf32>
        %parallel_loop3A_173 = arith.subf %parallel_loop3A_170, %parallel_loop3A_172 : vector<16xf32>
        %parallel_loop3A_174 = arith.constant 2 : i32
        %parallel_loop3A_175 = vector.broadcast %parallel_loop3A_174 : i32 to vector<16xi32>
        %parallel_loop3A_176 = arith.muli %parallel_loop3A_171, %parallel_loop3A_175 : vector<16xi32>
        %parallel_loop3A_177 = arith.constant 40 : i32
        %parallel_loop3A_178 = vector.broadcast %parallel_loop3A_177 : i32 to vector<16xi32>
        %parallel_loop3A_179 = arith.addi %parallel_loop3A_176, %parallel_loop3A_178 : vector<16xi32>
        %parallel_loop3A_180 = tpu.vector_load_idx %arg5[%parallel_loop3A_179] : memref<48200xf32, #tpu.memory_space<vmem>>[vector<16xi32>], vector<16xf32>,
        %parallel_loop3A_181 = arith.constant 1 : i32
        %parallel_loop3A_182 = vector.broadcast %parallel_loop3A_181 : i32 to vector<16xi32>
        %parallel_loop3A_183 = arith.addi %parallel_loop3A_179, %parallel_loop3A_182 : vector<16xi32>
        %parallel_loop3A_184 = tpu.vector_load_idx %arg5[%parallel_loop3A_183] : memref<48200xf32, #tpu.memory_space<vmem>>[vector<16xi32>], vector<16xf32>,
        %parallel_loop3A_185 = arith.constant 2 : i32
        %parallel_loop3A_186 = vector.broadcast %parallel_loop3A_185 : i32 to vector<16xi32>
        %parallel_loop3A_187 = arith.addi %parallel_loop3A_179, %parallel_loop3A_186 : vector<16xi32>
        %parallel_loop3A_188 = tpu.vector_load_idx %arg5[%parallel_loop3A_187] : memref<48200xf32, #tpu.memory_space<vmem>>[vector<16xi32>], vector<16xf32>,
        %parallel_loop3A_189 = arith.constant 3 : i32
        %parallel_loop3A_190 = vector.broadcast %parallel_loop3A_189 : i32 to vector<16xi32>
        %parallel_loop3A_191 = arith.addi %parallel_loop3A_179, %parallel_loop3A_190 : vector<16xi32>
        %parallel_loop3A_192 = tpu.vector_load_idx %arg5[%parallel_loop3A_191] : memref<48200xf32, #tpu.memory_space<vmem>>[vector<16xi32>], vector<16xf32>,
        %parallel_loop3A_193 = arith.subf %parallel_loop3A_188, %parallel_loop3A_180 : vector<16xf32>
        %parallel_loop3A_194 = arith.mulf %parallel_loop3A_193, %parallel_loop3A_173 : vector<16xf32>
        %parallel_loop3A_195 = arith.addf %parallel_loop3A_180, %parallel_loop3A_194 : vector<16xf32>
        %parallel_loop3A_196 = arith.subf %parallel_loop3A_192, %parallel_loop3A_184 : vector<16xf32>
        %parallel_loop3A_197 = arith.mulf %parallel_loop3A_196, %parallel_loop3A_173 : vector<16xf32>
        %parallel_loop3A_198 = arith.addf %parallel_loop3A_184, %parallel_loop3A_197 : vector<16xf32>
        %parallel_loop3A_199 = arith.constant 2 : i32
        %parallel_loop3A_200 = vector.broadcast %parallel_loop3A_199 : i32 to vector<16xi32>
        %parallel_loop3A_201 = arith.addi %parallel_loop3A_130, %parallel_loop3A_200 : vector<16xi32>
        tpu.vector_store_idx %arg8[%parallel_loop3A_201], %parallel_loop3A_195 : memref<8448xf32, #tpu.memory_space<vmem>>[vector<16xi32>], vector<16xf32>,
        %parallel_loop3A_202 = arith.constant 3 : i32
        %parallel_loop3A_203 = vector.broadcast %parallel_loop3A_202 : i32 to vector<16xi32>
        %parallel_loop3A_204 = arith.addi %parallel_loop3A_130, %parallel_loop3A_203 : vector<16xi32>
        tpu.vector_store_idx %arg8[%parallel_loop3A_204], %parallel_loop3A_198 : memref<8448xf32, #tpu.memory_space<vmem>>[vector<16xi32>], vector<16xf32>,
        %parallel_loop3A_205 = arith.constant 3.600000e+01 : f32
        %parallel_loop3A_206 = vector.broadcast %parallel_loop3A_205 : f32 to vector<16xf32>
        %parallel_loop3A_207 = arith.mulf %parallel_loop3A_123, %parallel_loop3A_206 : vector<16xf32>
        %parallel_loop3A_208 = arith.fptosi %parallel_loop3A_207 : vector<16xf32> to vector<16xi32>
        %parallel_loop3A_209 = arith.sitofp %parallel_loop3A_208 : vector<16xi32> to vector<16xf32>
        %parallel_loop3A_210 = arith.subf %parallel_loop3A_207, %parallel_loop3A_209 : vector<16xf32>
        %parallel_loop3A_211 = arith.constant 2 : i32
        %parallel_loop3A_212 = vector.broadcast %parallel_loop3A_211 : i32 to vector<16xi32>
        %parallel_loop3A_213 = arith.muli %parallel_loop3A_208, %parallel_loop3A_212 : vector<16xi32>
        %parallel_loop3A_214 = arith.constant 96 : i32
        %parallel_loop3A_215 = vector.broadcast %parallel_loop3A_214 : i32 to vector<16xi32>
        %parallel_loop3A_216 = arith.addi %parallel_loop3A_213, %parallel_loop3A_215 : vector<16xi32>
        %parallel_loop3A_217 = tpu.vector_load_idx %arg5[%parallel_loop3A_216] : memref<48200xf32, #tpu.memory_space<vmem>>[vector<16xi32>], vector<16xf32>,
        %parallel_loop3A_218 = arith.constant 1 : i32
        %parallel_loop3A_219 = vector.broadcast %parallel_loop3A_218 : i32 to vector<16xi32>
        %parallel_loop3A_220 = arith.addi %parallel_loop3A_216, %parallel_loop3A_219 : vector<16xi32>
        %parallel_loop3A_221 = tpu.vector_load_idx %arg5[%parallel_loop3A_220] : memref<48200xf32, #tpu.memory_space<vmem>>[vector<16xi32>], vector<16xf32>,
        %parallel_loop3A_222 = arith.constant 2 : i32
        %parallel_loop3A_223 = vector.broadcast %parallel_loop3A_222 : i32 to vector<16xi32>
        %parallel_loop3A_224 = arith.addi %parallel_loop3A_216, %parallel_loop3A_223 : vector<16xi32>
        %parallel_loop3A_225 = tpu.vector_load_idx %arg5[%parallel_loop3A_224] : memref<48200xf32, #tpu.memory_space<vmem>>[vector<16xi32>], vector<16xf32>,
        %parallel_loop3A_226 = arith.constant 3 : i32
        %parallel_loop3A_227 = vector.broadcast %parallel_loop3A_226 : i32 to vector<16xi32>
        %parallel_loop3A_228 = arith.addi %parallel_loop3A_216, %parallel_loop3A_227 : vector<16xi32>
        %parallel_loop3A_229 = tpu.vector_load_idx %arg5[%parallel_loop3A_228] : memref<48200xf32, #tpu.memory_space<vmem>>[vector<16xi32>], vector<16xf32>,
        %parallel_loop3A_230 = arith.subf %parallel_loop3A_225, %parallel_loop3A_217 : vector<16xf32>
        %parallel_loop3A_231 = arith.mulf %parallel_loop3A_230, %parallel_loop3A_210 : vector<16xf32>
        %parallel_loop3A_232 = arith.addf %parallel_loop3A_217, %parallel_loop3A_231 : vector<16xf32>
        %parallel_loop3A_233 = arith.subf %parallel_loop3A_229, %parallel_loop3A_221 : vector<16xf32>
        %parallel_loop3A_234 = arith.mulf %parallel_loop3A_233, %parallel_loop3A_210 : vector<16xf32>
        %parallel_loop3A_235 = arith.addf %parallel_loop3A_221, %parallel_loop3A_234 : vector<16xf32>
        %parallel_loop3A_236 = arith.constant 4 : i32
        %parallel_loop3A_237 = vector.broadcast %parallel_loop3A_236 : i32 to vector<16xi32>
        %parallel_loop3A_238 = arith.addi %parallel_loop3A_130, %parallel_loop3A_237 : vector<16xi32>
        tpu.vector_store_idx %arg8[%parallel_loop3A_238], %parallel_loop3A_232 : memref<8448xf32, #tpu.memory_space<vmem>>[vector<16xi32>], vector<16xf32>,
        %parallel_loop3A_239 = arith.constant 5 : i32
        %parallel_loop3A_240 = vector.broadcast %parallel_loop3A_239 : i32 to vector<16xi32>
        %parallel_loop3A_241 = arith.addi %parallel_loop3A_130, %parallel_loop3A_240 : vector<16xi32>
        tpu.vector_store_idx %arg8[%parallel_loop3A_241], %parallel_loop3A_235 : memref<8448xf32, #tpu.memory_space<vmem>>[vector<16xi32>], vector<16xf32>,
        %parallel_loop3A_242 = arith.constant 5.500000e+01 : f32
        %parallel_loop3A_243 = vector.broadcast %parallel_loop3A_242 : f32 to vector<16xf32>
        %parallel_loop3A_244 = arith.mulf %parallel_loop3A_123, %parallel_loop3A_243 : vector<16xf32>
        %parallel_loop3A_245 = arith.fptosi %parallel_loop3A_244 : vector<16xf32> to vector<16xi32>
        %parallel_loop3A_246 = arith.sitofp %parallel_loop3A_245 : vector<16xi32> to vector<16xf32>
        %parallel_loop3A_247 = arith.subf %parallel_loop3A_244, %parallel_loop3A_246 : vector<16xf32>
        %parallel_loop3A_248 = arith.constant 2 : i32
        %parallel_loop3A_249 = vector.broadcast %parallel_loop3A_248 : i32 to vector<16xi32>
        %parallel_loop3A_250 = arith.muli %parallel_loop3A_245, %parallel_loop3A_249 : vector<16xi32>
        %parallel_loop3A_251 = arith.constant 176 : i32
        %parallel_loop3A_252 = vector.broadcast %parallel_loop3A_251 : i32 to vector<16xi32>
        %parallel_loop3A_253 = arith.addi %parallel_loop3A_250, %parallel_loop3A_252 : vector<16xi32>
        %parallel_loop3A_254 = tpu.vector_load_idx %arg5[%parallel_loop3A_253] : memref<48200xf32, #tpu.memory_space<vmem>>[vector<16xi32>], vector<16xf32>,
        %parallel_loop3A_255 = arith.constant 1 : i32
        %parallel_loop3A_256 = vector.broadcast %parallel_loop3A_255 : i32 to vector<16xi32>
        %parallel_loop3A_257 = arith.addi %parallel_loop3A_253, %parallel_loop3A_256 : vector<16xi32>
        %parallel_loop3A_258 = tpu.vector_load_idx %arg5[%parallel_loop3A_257] : memref<48200xf32, #tpu.memory_space<vmem>>[vector<16xi32>], vector<16xf32>,
        %parallel_loop3A_259 = arith.constant 2 : i32
        %parallel_loop3A_260 = vector.broadcast %parallel_loop3A_259 : i32 to vector<16xi32>
        %parallel_loop3A_261 = arith.addi %parallel_loop3A_253, %parallel_loop3A_260 : vector<16xi32>
        %parallel_loop3A_262 = tpu.vector_load_idx %arg5[%parallel_loop3A_261] : memref<48200xf32, #tpu.memory_space<vmem>>[vector<16xi32>], vector<16xf32>,
        %parallel_loop3A_263 = arith.constant 3 : i32
        %parallel_loop3A_264 = vector.broadcast %parallel_loop3A_263 : i32 to vector<16xi32>
        %parallel_loop3A_265 = arith.addi %parallel_loop3A_253, %parallel_loop3A_264 : vector<16xi32>
        %parallel_loop3A_266 = tpu.vector_load_idx %arg5[%parallel_loop3A_265] : memref<48200xf32, #tpu.memory_space<vmem>>[vector<16xi32>], vector<16xf32>,
        %parallel_loop3A_267 = arith.subf %parallel_loop3A_262, %parallel_loop3A_254 : vector<16xf32>
        %parallel_loop3A_268 = arith.mulf %parallel_loop3A_267, %parallel_loop3A_247 : vector<16xf32>
        %parallel_loop3A_269 = arith.addf %parallel_loop3A_254, %parallel_loop3A_268 : vector<16xf32>
        %parallel_loop3A_270 = arith.subf %parallel_loop3A_266, %parallel_loop3A_258 : vector<16xf32>
        %parallel_loop3A_271 = arith.mulf %parallel_loop3A_270, %parallel_loop3A_247 : vector<16xf32>
        %parallel_loop3A_272 = arith.addf %parallel_loop3A_258, %parallel_loop3A_271 : vector<16xf32>
        %parallel_loop3A_273 = arith.constant 6 : i32
        %parallel_loop3A_274 = vector.broadcast %parallel_loop3A_273 : i32 to vector<16xi32>
        %parallel_loop3A_275 = arith.addi %parallel_loop3A_130, %parallel_loop3A_274 : vector<16xi32>
        tpu.vector_store_idx %arg8[%parallel_loop3A_275], %parallel_loop3A_269 : memref<8448xf32, #tpu.memory_space<vmem>>[vector<16xi32>], vector<16xf32>,
        %parallel_loop3A_276 = arith.constant 7 : i32
        %parallel_loop3A_277 = vector.broadcast %parallel_loop3A_276 : i32 to vector<16xi32>
        %parallel_loop3A_278 = arith.addi %parallel_loop3A_130, %parallel_loop3A_277 : vector<16xi32>
        tpu.vector_store_idx %arg8[%parallel_loop3A_278], %parallel_loop3A_272 : memref<8448xf32, #tpu.memory_space<vmem>>[vector<16xi32>], vector<16xf32>,
        %parallel_loop3A_279 = arith.constant 8.400000e+01 : f32
        %parallel_loop3A_280 = vector.broadcast %parallel_loop3A_279 : f32 to vector<16xf32>
        %parallel_loop3A_281 = arith.mulf %parallel_loop3A_123, %parallel_loop3A_280 : vector<16xf32>
        %parallel_loop3A_282 = arith.fptosi %parallel_loop3A_281 : vector<16xf32> to vector<16xi32>
        %parallel_loop3A_283 = arith.sitofp %parallel_loop3A_282 : vector<16xi32> to vector<16xf32>
        %parallel_loop3A_284 = arith.subf %parallel_loop3A_281, %parallel_loop3A_283 : vector<16xf32>
        %parallel_loop3A_285 = arith.constant 2 : i32
        %parallel_loop3A_286 = vector.broadcast %parallel_loop3A_285 : i32 to vector<16xi32>
        %parallel_loop3A_287 = arith.muli %parallel_loop3A_282, %parallel_loop3A_286 : vector<16xi32>
        %parallel_loop3A_288 = arith.constant 296 : i32
        %parallel_loop3A_289 = vector.broadcast %parallel_loop3A_288 : i32 to vector<16xi32>
        %parallel_loop3A_290 = arith.addi %parallel_loop3A_287, %parallel_loop3A_289 : vector<16xi32>
        %parallel_loop3A_291 = tpu.vector_load_idx %arg5[%parallel_loop3A_290] : memref<48200xf32, #tpu.memory_space<vmem>>[vector<16xi32>], vector<16xf32>,
        %parallel_loop3A_292 = arith.constant 1 : i32
        %parallel_loop3A_293 = vector.broadcast %parallel_loop3A_292 : i32 to vector<16xi32>
        %parallel_loop3A_294 = arith.addi %parallel_loop3A_290, %parallel_loop3A_293 : vector<16xi32>
        %parallel_loop3A_295 = tpu.vector_load_idx %arg5[%parallel_loop3A_294] : memref<48200xf32, #tpu.memory_space<vmem>>[vector<16xi32>], vector<16xf32>,
        %parallel_loop3A_296 = arith.constant 2 : i32
        %parallel_loop3A_297 = vector.broadcast %parallel_loop3A_296 : i32 to vector<16xi32>
        %parallel_loop3A_298 = arith.addi %parallel_loop3A_290, %parallel_loop3A_297 : vector<16xi32>
        %parallel_loop3A_299 = tpu.vector_load_idx %arg5[%parallel_loop3A_298] : memref<48200xf32, #tpu.memory_space<vmem>>[vector<16xi32>], vector<16xf32>,
        %parallel_loop3A_300 = arith.constant 3 : i32
        %parallel_loop3A_301 = vector.broadcast %parallel_loop3A_300 : i32 to vector<16xi32>
        %parallel_loop3A_302 = arith.addi %parallel_loop3A_290, %parallel_loop3A_301 : vector<16xi32>
        %parallel_loop3A_303 = tpu.vector_load_idx %arg5[%parallel_loop3A_302] : memref<48200xf32, #tpu.memory_space<vmem>>[vector<16xi32>], vector<16xf32>,
        %parallel_loop3A_304 = arith.subf %parallel_loop3A_299, %parallel_loop3A_291 : vector<16xf32>
        %parallel_loop3A_305 = arith.mulf %parallel_loop3A_304, %parallel_loop3A_284 : vector<16xf32>
        %parallel_loop3A_306 = arith.addf %parallel_loop3A_291, %parallel_loop3A_305 : vector<16xf32>
        %parallel_loop3A_307 = arith.subf %parallel_loop3A_303, %parallel_loop3A_295 : vector<16xf32>
        %parallel_loop3A_308 = arith.mulf %parallel_loop3A_307, %parallel_loop3A_284 : vector<16xf32>
        %parallel_loop3A_309 = arith.addf %parallel_loop3A_295, %parallel_loop3A_308 : vector<16xf32>
        %parallel_loop3A_310 = arith.constant 8 : i32
        %parallel_loop3A_311 = vector.broadcast %parallel_loop3A_310 : i32 to vector<16xi32>
        %parallel_loop3A_312 = arith.addi %parallel_loop3A_130, %parallel_loop3A_311 : vector<16xi32>
        tpu.vector_store_idx %arg8[%parallel_loop3A_312], %parallel_loop3A_306 : memref<8448xf32, #tpu.memory_space<vmem>>[vector<16xi32>], vector<16xf32>,
        %parallel_loop3A_313 = arith.constant 9 : i32
        %parallel_loop3A_314 = vector.broadcast %parallel_loop3A_313 : i32 to vector<16xi32>
        %parallel_loop3A_315 = arith.addi %parallel_loop3A_130, %parallel_loop3A_314 : vector<16xi32>
        tpu.vector_store_idx %arg8[%parallel_loop3A_315], %parallel_loop3A_309 : memref<8448xf32, #tpu.memory_space<vmem>>[vector<16xi32>], vector<16xf32>,
        %parallel_loop3A_316 = arith.constant 1.270000e+02 : f32
        %parallel_loop3A_317 = vector.broadcast %parallel_loop3A_316 : f32 to vector<16xf32>
        %parallel_loop3A_318 = arith.mulf %parallel_loop3A_123, %parallel_loop3A_317 : vector<16xf32>
        %parallel_loop3A_319 = arith.fptosi %parallel_loop3A_318 : vector<16xf32> to vector<16xi32>
        %parallel_loop3A_320 = arith.sitofp %parallel_loop3A_319 : vector<16xi32> to vector<16xf32>
        %parallel_loop3A_321 = arith.subf %parallel_loop3A_318, %parallel_loop3A_320 : vector<16xf32>
        %parallel_loop3A_322 = arith.constant 2 : i32
        %parallel_loop3A_323 = vector.broadcast %parallel_loop3A_322 : i32 to vector<16xi32>
        %parallel_loop3A_324 = arith.muli %parallel_loop3A_319, %parallel_loop3A_323 : vector<16xi32>
        %parallel_loop3A_325 = arith.constant 472 : i32
        %parallel_loop3A_326 = vector.broadcast %parallel_loop3A_325 : i32 to vector<16xi32>
        %parallel_loop3A_327 = arith.addi %parallel_loop3A_324, %parallel_loop3A_326 : vector<16xi32>
        %parallel_loop3A_328 = tpu.vector_load_idx %arg5[%parallel_loop3A_327] : memref<48200xf32, #tpu.memory_space<vmem>>[vector<16xi32>], vector<16xf32>,
        %parallel_loop3A_329 = arith.constant 1 : i32
        %parallel_loop3A_330 = vector.broadcast %parallel_loop3A_329 : i32 to vector<16xi32>
        %parallel_loop3A_331 = arith.addi %parallel_loop3A_327, %parallel_loop3A_330 : vector<16xi32>
        %parallel_loop3A_332 = tpu.vector_load_idx %arg5[%parallel_loop3A_331] : memref<48200xf32, #tpu.memory_space<vmem>>[vector<16xi32>], vector<16xf32>,
        %parallel_loop3A_333 = arith.constant 2 : i32
        %parallel_loop3A_334 = vector.broadcast %parallel_loop3A_333 : i32 to vector<16xi32>
        %parallel_loop3A_335 = arith.addi %parallel_loop3A_327, %parallel_loop3A_334 : vector<16xi32>
        %parallel_loop3A_336 = tpu.vector_load_idx %arg5[%parallel_loop3A_335] : memref<48200xf32, #tpu.memory_space<vmem>>[vector<16xi32>], vector<16xf32>,
        %parallel_loop3A_337 = arith.constant 3 : i32
        %parallel_loop3A_338 = vector.broadcast %parallel_loop3A_337 : i32 to vector<16xi32>
        %parallel_loop3A_339 = arith.addi %parallel_loop3A_327, %parallel_loop3A_338 : vector<16xi32>
        %parallel_loop3A_340 = tpu.vector_load_idx %arg5[%parallel_loop3A_339] : memref<48200xf32, #tpu.memory_space<vmem>>[vector<16xi32>], vector<16xf32>,
        %parallel_loop3A_341 = arith.subf %parallel_loop3A_336, %parallel_loop3A_328 : vector<16xf32>
        %parallel_loop3A_342 = arith.mulf %parallel_loop3A_341, %parallel_loop3A_321 : vector<16xf32>
        %parallel_loop3A_343 = arith.addf %parallel_loop3A_328, %parallel_loop3A_342 : vector<16xf32>
        %parallel_loop3A_344 = arith.subf %parallel_loop3A_340, %parallel_loop3A_332 : vector<16xf32>
        %parallel_loop3A_345 = arith.mulf %parallel_loop3A_344, %parallel_loop3A_321 : vector<16xf32>
        %parallel_loop3A_346 = arith.addf %parallel_loop3A_332, %parallel_loop3A_345 : vector<16xf32>
        %parallel_loop3A_347 = arith.constant 10 : i32
        %parallel_loop3A_348 = vector.broadcast %parallel_loop3A_347 : i32 to vector<16xi32>
        %parallel_loop3A_349 = arith.addi %parallel_loop3A_130, %parallel_loop3A_348 : vector<16xi32>
        tpu.vector_store_idx %arg8[%parallel_loop3A_349], %parallel_loop3A_343 : memref<8448xf32, #tpu.memory_space<vmem>>[vector<16xi32>], vector<16xf32>,
        %parallel_loop3A_350 = arith.constant 11 : i32
        %parallel_loop3A_351 = vector.broadcast %parallel_loop3A_350 : i32 to vector<16xi32>
        %parallel_loop3A_352 = arith.addi %parallel_loop3A_130, %parallel_loop3A_351 : vector<16xi32>
        tpu.vector_store_idx %arg8[%parallel_loop3A_352], %parallel_loop3A_346 : memref<8448xf32, #tpu.memory_space<vmem>>[vector<16xi32>], vector<16xf32>,
        %parallel_loop3A_353 = arith.constant 1.940000e+02 : f32
        %parallel_loop3A_354 = vector.broadcast %parallel_loop3A_353 : f32 to vector<16xf32>
        %parallel_loop3A_355 = arith.mulf %parallel_loop3A_123, %parallel_loop3A_354 : vector<16xf32>
        %parallel_loop3A_356 = arith.fptosi %parallel_loop3A_355 : vector<16xf32> to vector<16xi32>
        %parallel_loop3A_357 = arith.sitofp %parallel_loop3A_356 : vector<16xi32> to vector<16xf32>
        %parallel_loop3A_358 = arith.subf %parallel_loop3A_355, %parallel_loop3A_357 : vector<16xf32>
        %parallel_loop3A_359 = arith.constant 2 : i32
        %parallel_loop3A_360 = vector.broadcast %parallel_loop3A_359 : i32 to vector<16xi32>
        %parallel_loop3A_361 = arith.muli %parallel_loop3A_356, %parallel_loop3A_360 : vector<16xi32>
        %parallel_loop3A_362 = arith.constant 736 : i32
        %parallel_loop3A_363 = vector.broadcast %parallel_loop3A_362 : i32 to vector<16xi32>
        %parallel_loop3A_364 = arith.addi %parallel_loop3A_361, %parallel_loop3A_363 : vector<16xi32>
        %parallel_loop3A_365 = tpu.vector_load_idx %arg5[%parallel_loop3A_364] : memref<48200xf32, #tpu.memory_space<vmem>>[vector<16xi32>], vector<16xf32>,
        %parallel_loop3A_366 = arith.constant 1 : i32
        %parallel_loop3A_367 = vector.broadcast %parallel_loop3A_366 : i32 to vector<16xi32>
        %parallel_loop3A_368 = arith.addi %parallel_loop3A_364, %parallel_loop3A_367 : vector<16xi32>
        %parallel_loop3A_369 = tpu.vector_load_idx %arg5[%parallel_loop3A_368] : memref<48200xf32, #tpu.memory_space<vmem>>[vector<16xi32>], vector<16xf32>,
        %parallel_loop3A_370 = arith.constant 2 : i32
        %parallel_loop3A_371 = vector.broadcast %parallel_loop3A_370 : i32 to vector<16xi32>
        %parallel_loop3A_372 = arith.addi %parallel_loop3A_364, %parallel_loop3A_371 : vector<16xi32>
        %parallel_loop3A_373 = tpu.vector_load_idx %arg5[%parallel_loop3A_372] : memref<48200xf32, #tpu.memory_space<vmem>>[vector<16xi32>], vector<16xf32>,
        %parallel_loop3A_374 = arith.constant 3 : i32
        %parallel_loop3A_375 = vector.broadcast %parallel_loop3A_374 : i32 to vector<16xi32>
        %parallel_loop3A_376 = arith.addi %parallel_loop3A_364, %parallel_loop3A_375 : vector<16xi32>
        %parallel_loop3A_377 = tpu.vector_load_idx %arg5[%parallel_loop3A_376] : memref<48200xf32, #tpu.memory_space<vmem>>[vector<16xi32>], vector<16xf32>,
        %parallel_loop3A_378 = arith.subf %parallel_loop3A_373, %parallel_loop3A_365 : vector<16xf32>
        %parallel_loop3A_379 = arith.mulf %parallel_loop3A_378, %parallel_loop3A_358 : vector<16xf32>
        %parallel_loop3A_380 = arith.addf %parallel_loop3A_365, %parallel_loop3A_379 : vector<16xf32>
        %parallel_loop3A_381 = arith.subf %parallel_loop3A_377, %parallel_loop3A_369 : vector<16xf32>
        %parallel_loop3A_382 = arith.mulf %parallel_loop3A_381, %parallel_loop3A_358 : vector<16xf32>
        %parallel_loop3A_383 = arith.addf %parallel_loop3A_369, %parallel_loop3A_382 : vector<16xf32>
        %parallel_loop3A_384 = arith.constant 12 : i32
        %parallel_loop3A_385 = vector.broadcast %parallel_loop3A_384 : i32 to vector<16xi32>
        %parallel_loop3A_386 = arith.addi %parallel_loop3A_130, %parallel_loop3A_385 : vector<16xi32>
        tpu.vector_store_idx %arg8[%parallel_loop3A_386], %parallel_loop3A_380 : memref<8448xf32, #tpu.memory_space<vmem>>[vector<16xi32>], vector<16xf32>,
        %parallel_loop3A_387 = arith.constant 13 : i32
        %parallel_loop3A_388 = vector.broadcast %parallel_loop3A_387 : i32 to vector<16xi32>
        %parallel_loop3A_389 = arith.addi %parallel_loop3A_130, %parallel_loop3A_388 : vector<16xi32>
        tpu.vector_store_idx %arg8[%parallel_loop3A_389], %parallel_loop3A_383 : memref<8448xf32, #tpu.memory_space<vmem>>[vector<16xi32>], vector<16xf32>,
        %parallel_loop3A_390 = arith.constant 2.940000e+02 : f32
        %parallel_loop3A_391 = vector.broadcast %parallel_loop3A_390 : f32 to vector<16xf32>
        %parallel_loop3A_392 = arith.mulf %parallel_loop3A_123, %parallel_loop3A_391 : vector<16xf32>
        %parallel_loop3A_393 = arith.fptosi %parallel_loop3A_392 : vector<16xf32> to vector<16xi32>
        %parallel_loop3A_394 = arith.sitofp %parallel_loop3A_393 : vector<16xi32> to vector<16xf32>
        %parallel_loop3A_395 = arith.subf %parallel_loop3A_392, %parallel_loop3A_394 : vector<16xf32>
        %parallel_loop3A_396 = arith.constant 2 : i32
        %parallel_loop3A_397 = vector.broadcast %parallel_loop3A_396 : i32 to vector<16xi32>
        %parallel_loop3A_398 = arith.muli %parallel_loop3A_393, %parallel_loop3A_397 : vector<16xi32>
        %parallel_loop3A_399 = arith.constant 1128 : i32
        %parallel_loop3A_400 = vector.broadcast %parallel_loop3A_399 : i32 to vector<16xi32>
        %parallel_loop3A_401 = arith.addi %parallel_loop3A_398, %parallel_loop3A_400 : vector<16xi32>
        %parallel_loop3A_402 = tpu.vector_load_idx %arg5[%parallel_loop3A_401] : memref<48200xf32, #tpu.memory_space<vmem>>[vector<16xi32>], vector<16xf32>,
        %parallel_loop3A_403 = arith.constant 1 : i32
        %parallel_loop3A_404 = vector.broadcast %parallel_loop3A_403 : i32 to vector<16xi32>
        %parallel_loop3A_405 = arith.addi %parallel_loop3A_401, %parallel_loop3A_404 : vector<16xi32>
        %parallel_loop3A_406 = tpu.vector_load_idx %arg5[%parallel_loop3A_405] : memref<48200xf32, #tpu.memory_space<vmem>>[vector<16xi32>], vector<16xf32>,
        %parallel_loop3A_407 = arith.constant 2 : i32
        %parallel_loop3A_408 = vector.broadcast %parallel_loop3A_407 : i32 to vector<16xi32>
        %parallel_loop3A_409 = arith.addi %parallel_loop3A_401, %parallel_loop3A_408 : vector<16xi32>
        %parallel_loop3A_410 = tpu.vector_load_idx %arg5[%parallel_loop3A_409] : memref<48200xf32, #tpu.memory_space<vmem>>[vector<16xi32>], vector<16xf32>,
        %parallel_loop3A_411 = arith.constant 3 : i32
        %parallel_loop3A_412 = vector.broadcast %parallel_loop3A_411 : i32 to vector<16xi32>
        %parallel_loop3A_413 = arith.addi %parallel_loop3A_401, %parallel_loop3A_412 : vector<16xi32>
        %parallel_loop3A_414 = tpu.vector_load_idx %arg5[%parallel_loop3A_413] : memref<48200xf32, #tpu.memory_space<vmem>>[vector<16xi32>], vector<16xf32>,
        %parallel_loop3A_415 = arith.subf %parallel_loop3A_410, %parallel_loop3A_402 : vector<16xf32>
        %parallel_loop3A_416 = arith.mulf %parallel_loop3A_415, %parallel_loop3A_395 : vector<16xf32>
        %parallel_loop3A_417 = arith.addf %parallel_loop3A_402, %parallel_loop3A_416 : vector<16xf32>
        %parallel_loop3A_418 = arith.subf %parallel_loop3A_414, %parallel_loop3A_406 : vector<16xf32>
        %parallel_loop3A_419 = arith.mulf %parallel_loop3A_418, %parallel_loop3A_395 : vector<16xf32>
        %parallel_loop3A_420 = arith.addf %parallel_loop3A_406, %parallel_loop3A_419 : vector<16xf32>
        %parallel_loop3A_421 = arith.constant 14 : i32
        %parallel_loop3A_422 = vector.broadcast %parallel_loop3A_421 : i32 to vector<16xi32>
        %parallel_loop3A_423 = arith.addi %parallel_loop3A_130, %parallel_loop3A_422 : vector<16xi32>
        tpu.vector_store_idx %arg8[%parallel_loop3A_423], %parallel_loop3A_417 : memref<8448xf32, #tpu.memory_space<vmem>>[vector<16xi32>], vector<16xf32>,
        %parallel_loop3A_424 = arith.constant 15 : i32
        %parallel_loop3A_425 = vector.broadcast %parallel_loop3A_424 : i32 to vector<16xi32>
        %parallel_loop3A_426 = arith.addi %parallel_loop3A_130, %parallel_loop3A_425 : vector<16xi32>
        tpu.vector_store_idx %arg8[%parallel_loop3A_426], %parallel_loop3A_420 : memref<8448xf32, #tpu.memory_space<vmem>>[vector<16xi32>], vector<16xf32>,
        %parallel_loop3A_427 = arith.constant 4.450000e+02 : f32
        %parallel_loop3A_428 = vector.broadcast %parallel_loop3A_427 : f32 to vector<16xf32>
        %parallel_loop3A_429 = arith.mulf %parallel_loop3A_123, %parallel_loop3A_428 : vector<16xf32>
        %parallel_loop3A_430 = arith.fptosi %parallel_loop3A_429 : vector<16xf32> to vector<16xi32>
        %parallel_loop3A_431 = arith.sitofp %parallel_loop3A_430 : vector<16xi32> to vector<16xf32>
        %parallel_loop3A_432 = arith.subf %parallel_loop3A_429, %parallel_loop3A_431 : vector<16xf32>
        %parallel_loop3A_433 = arith.constant 2 : i32
        %parallel_loop3A_434 = vector.broadcast %parallel_loop3A_433 : i32 to vector<16xi32>
        %parallel_loop3A_435 = arith.muli %parallel_loop3A_430, %parallel_loop3A_434 : vector<16xi32>
        %parallel_loop3A_436 = arith.constant 1720 : i32
        %parallel_loop3A_437 = vector.broadcast %parallel_loop3A_436 : i32 to vector<16xi32>
        %parallel_loop3A_438 = arith.addi %parallel_loop3A_435, %parallel_loop3A_437 : vector<16xi32>
        %parallel_loop3A_439 = tpu.vector_load_idx %arg5[%parallel_loop3A_438] : memref<48200xf32, #tpu.memory_space<vmem>>[vector<16xi32>], vector<16xf32>,
        %parallel_loop3A_440 = arith.constant 1 : i32
        %parallel_loop3A_441 = vector.broadcast %parallel_loop3A_440 : i32 to vector<16xi32>
        %parallel_loop3A_442 = arith.addi %parallel_loop3A_438, %parallel_loop3A_441 : vector<16xi32>
        %parallel_loop3A_443 = tpu.vector_load_idx %arg5[%parallel_loop3A_442] : memref<48200xf32, #tpu.memory_space<vmem>>[vector<16xi32>], vector<16xf32>,
        %parallel_loop3A_444 = arith.constant 2 : i32
        %parallel_loop3A_445 = vector.broadcast %parallel_loop3A_444 : i32 to vector<16xi32>
        %parallel_loop3A_446 = arith.addi %parallel_loop3A_438, %parallel_loop3A_445 : vector<16xi32>
        %parallel_loop3A_447 = tpu.vector_load_idx %arg5[%parallel_loop3A_446] : memref<48200xf32, #tpu.memory_space<vmem>>[vector<16xi32>], vector<16xf32>,
        %parallel_loop3A_448 = arith.constant 3 : i32
        %parallel_loop3A_449 = vector.broadcast %parallel_loop3A_448 : i32 to vector<16xi32>
        %parallel_loop3A_450 = arith.addi %parallel_loop3A_438, %parallel_loop3A_449 : vector<16xi32>
        %parallel_loop3A_451 = tpu.vector_load_idx %arg5[%parallel_loop3A_450] : memref<48200xf32, #tpu.memory_space<vmem>>[vector<16xi32>], vector<16xf32>,
        %parallel_loop3A_452 = arith.subf %parallel_loop3A_447, %parallel_loop3A_439 : vector<16xf32>
        %parallel_loop3A_453 = arith.mulf %parallel_loop3A_452, %parallel_loop3A_432 : vector<16xf32>
        %parallel_loop3A_454 = arith.addf %parallel_loop3A_439, %parallel_loop3A_453 : vector<16xf32>
        %parallel_loop3A_455 = arith.subf %parallel_loop3A_451, %parallel_loop3A_443 : vector<16xf32>
        %parallel_loop3A_456 = arith.mulf %parallel_loop3A_455, %parallel_loop3A_432 : vector<16xf32>
        %parallel_loop3A_457 = arith.addf %parallel_loop3A_443, %parallel_loop3A_456 : vector<16xf32>
        %parallel_loop3A_458 = arith.constant 16 : i32
        %parallel_loop3A_459 = vector.broadcast %parallel_loop3A_458 : i32 to vector<16xi32>
        %parallel_loop3A_460 = arith.addi %parallel_loop3A_130, %parallel_loop3A_459 : vector<16xi32>
        tpu.vector_store_idx %arg8[%parallel_loop3A_460], %parallel_loop3A_454 : memref<8448xf32, #tpu.memory_space<vmem>>[vector<16xi32>], vector<16xf32>,
        %parallel_loop3A_461 = arith.constant 17 : i32
        %parallel_loop3A_462 = vector.broadcast %parallel_loop3A_461 : i32 to vector<16xi32>
        %parallel_loop3A_463 = arith.addi %parallel_loop3A_130, %parallel_loop3A_462 : vector<16xi32>
        tpu.vector_store_idx %arg8[%parallel_loop3A_463], %parallel_loop3A_457 : memref<8448xf32, #tpu.memory_space<vmem>>[vector<16xi32>], vector<16xf32>,
        %parallel_loop3A_464 = arith.constant 6.750000e+02 : f32
        %parallel_loop3A_465 = vector.broadcast %parallel_loop3A_464 : f32 to vector<16xf32>
        %parallel_loop3A_466 = arith.mulf %parallel_loop3A_123, %parallel_loop3A_465 : vector<16xf32>
        %parallel_loop3A_467 = arith.fptosi %parallel_loop3A_466 : vector<16xf32> to vector<16xi32>
        %parallel_loop3A_468 = arith.sitofp %parallel_loop3A_467 : vector<16xi32> to vector<16xf32>
        %parallel_loop3A_469 = arith.subf %parallel_loop3A_466, %parallel_loop3A_468 : vector<16xf32>
        %parallel_loop3A_470 = arith.constant 2 : i32
        %parallel_loop3A_471 = vector.broadcast %parallel_loop3A_470 : i32 to vector<16xi32>
        %parallel_loop3A_472 = arith.muli %parallel_loop3A_467, %parallel_loop3A_471 : vector<16xi32>
        %parallel_loop3A_473 = arith.constant 2616 : i32
        %parallel_loop3A_474 = vector.broadcast %parallel_loop3A_473 : i32 to vector<16xi32>
        %parallel_loop3A_475 = arith.addi %parallel_loop3A_472, %parallel_loop3A_474 : vector<16xi32>
        %parallel_loop3A_476 = tpu.vector_load_idx %arg5[%parallel_loop3A_475] : memref<48200xf32, #tpu.memory_space<vmem>>[vector<16xi32>], vector<16xf32>,
        %parallel_loop3A_477 = arith.constant 1 : i32
        %parallel_loop3A_478 = vector.broadcast %parallel_loop3A_477 : i32 to vector<16xi32>
        %parallel_loop3A_479 = arith.addi %parallel_loop3A_475, %parallel_loop3A_478 : vector<16xi32>
        %parallel_loop3A_480 = tpu.vector_load_idx %arg5[%parallel_loop3A_479] : memref<48200xf32, #tpu.memory_space<vmem>>[vector<16xi32>], vector<16xf32>,
        %parallel_loop3A_481 = arith.constant 2 : i32
        %parallel_loop3A_482 = vector.broadcast %parallel_loop3A_481 : i32 to vector<16xi32>
        %parallel_loop3A_483 = arith.addi %parallel_loop3A_475, %parallel_loop3A_482 : vector<16xi32>
        %parallel_loop3A_484 = tpu.vector_load_idx %arg5[%parallel_loop3A_483] : memref<48200xf32, #tpu.memory_space<vmem>>[vector<16xi32>], vector<16xf32>,
        %parallel_loop3A_485 = arith.constant 3 : i32
        %parallel_loop3A_486 = vector.broadcast %parallel_loop3A_485 : i32 to vector<16xi32>
        %parallel_loop3A_487 = arith.addi %parallel_loop3A_475, %parallel_loop3A_486 : vector<16xi32>
        %parallel_loop3A_488 = tpu.vector_load_idx %arg5[%parallel_loop3A_487] : memref<48200xf32, #tpu.memory_space<vmem>>[vector<16xi32>], vector<16xf32>,
        %parallel_loop3A_489 = arith.subf %parallel_loop3A_484, %parallel_loop3A_476 : vector<16xf32>
        %parallel_loop3A_490 = arith.mulf %parallel_loop3A_489, %parallel_loop3A_469 : vector<16xf32>
        %parallel_loop3A_491 = arith.addf %parallel_loop3A_476, %parallel_loop3A_490 : vector<16xf32>
        %parallel_loop3A_492 = arith.subf %parallel_loop3A_488, %parallel_loop3A_480 : vector<16xf32>
        %parallel_loop3A_493 = arith.mulf %parallel_loop3A_492, %parallel_loop3A_469 : vector<16xf32>
        %parallel_loop3A_494 = arith.addf %parallel_loop3A_480, %parallel_loop3A_493 : vector<16xf32>
        %parallel_loop3A_495 = arith.constant 18 : i32
        %parallel_loop3A_496 = vector.broadcast %parallel_loop3A_495 : i32 to vector<16xi32>
        %parallel_loop3A_497 = arith.addi %parallel_loop3A_130, %parallel_loop3A_496 : vector<16xi32>
        tpu.vector_store_idx %arg8[%parallel_loop3A_497], %parallel_loop3A_491 : memref<8448xf32, #tpu.memory_space<vmem>>[vector<16xi32>], vector<16xf32>,
        %parallel_loop3A_498 = arith.constant 19 : i32
        %parallel_loop3A_499 = vector.broadcast %parallel_loop3A_498 : i32 to vector<16xi32>
        %parallel_loop3A_500 = arith.addi %parallel_loop3A_130, %parallel_loop3A_499 : vector<16xi32>
        tpu.vector_store_idx %arg8[%parallel_loop3A_500], %parallel_loop3A_494 : memref<8448xf32, #tpu.memory_space<vmem>>[vector<16xi32>], vector<16xf32>,
        %parallel_loop3A_501 = arith.constant 1.023000e+03 : f32
        %parallel_loop3A_502 = vector.broadcast %parallel_loop3A_501 : f32 to vector<16xf32>
        %parallel_loop3A_503 = arith.mulf %parallel_loop3A_123, %parallel_loop3A_502 : vector<16xf32>
        %parallel_loop3A_504 = arith.fptosi %parallel_loop3A_503 : vector<16xf32> to vector<16xi32>
        %parallel_loop3A_505 = arith.sitofp %parallel_loop3A_504 : vector<16xi32> to vector<16xf32>
        %parallel_loop3A_506 = arith.subf %parallel_loop3A_503, %parallel_loop3A_505 : vector<16xf32>
        %parallel_loop3A_507 = arith.constant 2 : i32
        %parallel_loop3A_508 = vector.broadcast %parallel_loop3A_507 : i32 to vector<16xi32>
        %parallel_loop3A_509 = arith.muli %parallel_loop3A_504, %parallel_loop3A_508 : vector<16xi32>
        %parallel_loop3A_510 = arith.constant 3976 : i32
        %parallel_loop3A_511 = vector.broadcast %parallel_loop3A_510 : i32 to vector<16xi32>
        %parallel_loop3A_512 = arith.addi %parallel_loop3A_509, %parallel_loop3A_511 : vector<16xi32>
        %parallel_loop3A_513 = tpu.vector_load_idx %arg5[%parallel_loop3A_512] : memref<48200xf32, #tpu.memory_space<vmem>>[vector<16xi32>], vector<16xf32>,
        %parallel_loop3A_514 = arith.constant 1 : i32
        %parallel_loop3A_515 = vector.broadcast %parallel_loop3A_514 : i32 to vector<16xi32>
        %parallel_loop3A_516 = arith.addi %parallel_loop3A_512, %parallel_loop3A_515 : vector<16xi32>
        %parallel_loop3A_517 = tpu.vector_load_idx %arg5[%parallel_loop3A_516] : memref<48200xf32, #tpu.memory_space<vmem>>[vector<16xi32>], vector<16xf32>,
        %parallel_loop3A_518 = arith.constant 2 : i32
        %parallel_loop3A_519 = vector.broadcast %parallel_loop3A_518 : i32 to vector<16xi32>
        %parallel_loop3A_520 = arith.addi %parallel_loop3A_512, %parallel_loop3A_519 : vector<16xi32>
        %parallel_loop3A_521 = tpu.vector_load_idx %arg5[%parallel_loop3A_520] : memref<48200xf32, #tpu.memory_space<vmem>>[vector<16xi32>], vector<16xf32>,
        %parallel_loop3A_522 = arith.constant 3 : i32
        %parallel_loop3A_523 = vector.broadcast %parallel_loop3A_522 : i32 to vector<16xi32>
        %parallel_loop3A_524 = arith.addi %parallel_loop3A_512, %parallel_loop3A_523 : vector<16xi32>
        %parallel_loop3A_525 = tpu.vector_load_idx %arg5[%parallel_loop3A_524] : memref<48200xf32, #tpu.memory_space<vmem>>[vector<16xi32>], vector<16xf32>,
        %parallel_loop3A_526 = arith.subf %parallel_loop3A_521, %parallel_loop3A_513 : vector<16xf32>
        %parallel_loop3A_527 = arith.mulf %parallel_loop3A_526, %parallel_loop3A_506 : vector<16xf32>
        %parallel_loop3A_528 = arith.addf %parallel_loop3A_513, %parallel_loop3A_527 : vector<16xf32>
        %parallel_loop3A_529 = arith.subf %parallel_loop3A_525, %parallel_loop3A_517 : vector<16xf32>
        %parallel_loop3A_530 = arith.mulf %parallel_loop3A_529, %parallel_loop3A_506 : vector<16xf32>
        %parallel_loop3A_531 = arith.addf %parallel_loop3A_517, %parallel_loop3A_530 : vector<16xf32>
        %parallel_loop3A_532 = arith.constant 20 : i32
        %parallel_loop3A_533 = vector.broadcast %parallel_loop3A_532 : i32 to vector<16xi32>
        %parallel_loop3A_534 = arith.addi %parallel_loop3A_130, %parallel_loop3A_533 : vector<16xi32>
        tpu.vector_store_idx %arg8[%parallel_loop3A_534], %parallel_loop3A_528 : memref<8448xf32, #tpu.memory_space<vmem>>[vector<16xi32>], vector<16xf32>,
        %parallel_loop3A_535 = arith.constant 21 : i32
        %parallel_loop3A_536 = vector.broadcast %parallel_loop3A_535 : i32 to vector<16xi32>
        %parallel_loop3A_537 = arith.addi %parallel_loop3A_130, %parallel_loop3A_536 : vector<16xi32>
        tpu.vector_store_idx %arg8[%parallel_loop3A_537], %parallel_loop3A_531 : memref<8448xf32, #tpu.memory_space<vmem>>[vector<16xi32>], vector<16xf32>,
        %parallel_loop3A_538 = arith.constant 1.552000e+03 : f32
        %parallel_loop3A_539 = vector.broadcast %parallel_loop3A_538 : f32 to vector<16xf32>
        %parallel_loop3A_540 = arith.mulf %parallel_loop3A_123, %parallel_loop3A_539 : vector<16xf32>
        %parallel_loop3A_541 = arith.fptosi %parallel_loop3A_540 : vector<16xf32> to vector<16xi32>
        %parallel_loop3A_542 = arith.sitofp %parallel_loop3A_541 : vector<16xi32> to vector<16xf32>
        %parallel_loop3A_543 = arith.subf %parallel_loop3A_540, %parallel_loop3A_542 : vector<16xf32>
        %parallel_loop3A_544 = arith.constant 2 : i32
        %parallel_loop3A_545 = vector.broadcast %parallel_loop3A_544 : i32 to vector<16xi32>
        %parallel_loop3A_546 = arith.muli %parallel_loop3A_541, %parallel_loop3A_545 : vector<16xi32>
        %parallel_loop3A_547 = arith.constant 6032 : i32
        %parallel_loop3A_548 = vector.broadcast %parallel_loop3A_547 : i32 to vector<16xi32>
        %parallel_loop3A_549 = arith.addi %parallel_loop3A_546, %parallel_loop3A_548 : vector<16xi32>
        %parallel_loop3A_550 = tpu.vector_load_idx %arg5[%parallel_loop3A_549] : memref<48200xf32, #tpu.memory_space<vmem>>[vector<16xi32>], vector<16xf32>,
        %parallel_loop3A_551 = arith.constant 1 : i32
        %parallel_loop3A_552 = vector.broadcast %parallel_loop3A_551 : i32 to vector<16xi32>
        %parallel_loop3A_553 = arith.addi %parallel_loop3A_549, %parallel_loop3A_552 : vector<16xi32>
        %parallel_loop3A_554 = tpu.vector_load_idx %arg5[%parallel_loop3A_553] : memref<48200xf32, #tpu.memory_space<vmem>>[vector<16xi32>], vector<16xf32>,
        %parallel_loop3A_555 = arith.constant 2 : i32
        %parallel_loop3A_556 = vector.broadcast %parallel_loop3A_555 : i32 to vector<16xi32>
        %parallel_loop3A_557 = arith.addi %parallel_loop3A_549, %parallel_loop3A_556 : vector<16xi32>
        %parallel_loop3A_558 = tpu.vector_load_idx %arg5[%parallel_loop3A_557] : memref<48200xf32, #tpu.memory_space<vmem>>[vector<16xi32>], vector<16xf32>,
        %parallel_loop3A_559 = arith.constant 3 : i32
        %parallel_loop3A_560 = vector.broadcast %parallel_loop3A_559 : i32 to vector<16xi32>
        %parallel_loop3A_561 = arith.addi %parallel_loop3A_549, %parallel_loop3A_560 : vector<16xi32>
        %parallel_loop3A_562 = tpu.vector_load_idx %arg5[%parallel_loop3A_561] : memref<48200xf32, #tpu.memory_space<vmem>>[vector<16xi32>], vector<16xf32>,
        %parallel_loop3A_563 = arith.subf %parallel_loop3A_558, %parallel_loop3A_550 : vector<16xf32>
        %parallel_loop3A_564 = arith.mulf %parallel_loop3A_563, %parallel_loop3A_543 : vector<16xf32>
        %parallel_loop3A_565 = arith.addf %parallel_loop3A_550, %parallel_loop3A_564 : vector<16xf32>
        %parallel_loop3A_566 = arith.subf %parallel_loop3A_562, %parallel_loop3A_554 : vector<16xf32>
        %parallel_loop3A_567 = arith.mulf %parallel_loop3A_566, %parallel_loop3A_543 : vector<16xf32>
        %parallel_loop3A_568 = arith.addf %parallel_loop3A_554, %parallel_loop3A_567 : vector<16xf32>
        %parallel_loop3A_569 = arith.constant 22 : i32
        %parallel_loop3A_570 = vector.broadcast %parallel_loop3A_569 : i32 to vector<16xi32>
        %parallel_loop3A_571 = arith.addi %parallel_loop3A_130, %parallel_loop3A_570 : vector<16xi32>
        tpu.vector_store_idx %arg8[%parallel_loop3A_571], %parallel_loop3A_565 : memref<8448xf32, #tpu.memory_space<vmem>>[vector<16xi32>], vector<16xf32>,
        %parallel_loop3A_572 = arith.constant 23 : i32
        %parallel_loop3A_573 = vector.broadcast %parallel_loop3A_572 : i32 to vector<16xi32>
        %parallel_loop3A_574 = arith.addi %parallel_loop3A_130, %parallel_loop3A_573 : vector<16xi32>
        tpu.vector_store_idx %arg8[%parallel_loop3A_574], %parallel_loop3A_568 : memref<8448xf32, #tpu.memory_space<vmem>>[vector<16xi32>], vector<16xf32>,
        %parallel_loop3A_575 = arith.constant 2.352000e+03 : f32
        %parallel_loop3A_576 = vector.broadcast %parallel_loop3A_575 : f32 to vector<16xf32>
        %parallel_loop3A_577 = arith.mulf %parallel_loop3A_123, %parallel_loop3A_576 : vector<16xf32>
        %parallel_loop3A_578 = arith.fptosi %parallel_loop3A_577 : vector<16xf32> to vector<16xi32>
        %parallel_loop3A_579 = arith.sitofp %parallel_loop3A_578 : vector<16xi32> to vector<16xf32>
        %parallel_loop3A_580 = arith.subf %parallel_loop3A_577, %parallel_loop3A_579 : vector<16xf32>
        %parallel_loop3A_581 = arith.constant 2 : i32
        %parallel_loop3A_582 = vector.broadcast %parallel_loop3A_581 : i32 to vector<16xi32>
        %parallel_loop3A_583 = arith.muli %parallel_loop3A_578, %parallel_loop3A_582 : vector<16xi32>
        %parallel_loop3A_584 = arith.constant 9144 : i32
        %parallel_loop3A_585 = vector.broadcast %parallel_loop3A_584 : i32 to vector<16xi32>
        %parallel_loop3A_586 = arith.addi %parallel_loop3A_583, %parallel_loop3A_585 : vector<16xi32>
        %parallel_loop3A_587 = tpu.vector_load_idx %arg5[%parallel_loop3A_586] : memref<48200xf32, #tpu.memory_space<vmem>>[vector<16xi32>], vector<16xf32>,
        %parallel_loop3A_588 = arith.constant 1 : i32
        %parallel_loop3A_589 = vector.broadcast %parallel_loop3A_588 : i32 to vector<16xi32>
        %parallel_loop3A_590 = arith.addi %parallel_loop3A_586, %parallel_loop3A_589 : vector<16xi32>
        %parallel_loop3A_591 = tpu.vector_load_idx %arg5[%parallel_loop3A_590] : memref<48200xf32, #tpu.memory_space<vmem>>[vector<16xi32>], vector<16xf32>,
        %parallel_loop3A_592 = arith.constant 2 : i32
        %parallel_loop3A_593 = vector.broadcast %parallel_loop3A_592 : i32 to vector<16xi32>
        %parallel_loop3A_594 = arith.addi %parallel_loop3A_586, %parallel_loop3A_593 : vector<16xi32>
        %parallel_loop3A_595 = tpu.vector_load_idx %arg5[%parallel_loop3A_594] : memref<48200xf32, #tpu.memory_space<vmem>>[vector<16xi32>], vector<16xf32>,
        %parallel_loop3A_596 = arith.constant 3 : i32
        %parallel_loop3A_597 = vector.broadcast %parallel_loop3A_596 : i32 to vector<16xi32>
        %parallel_loop3A_598 = arith.addi %parallel_loop3A_586, %parallel_loop3A_597 : vector<16xi32>
        %parallel_loop3A_599 = tpu.vector_load_idx %arg5[%parallel_loop3A_598] : memref<48200xf32, #tpu.memory_space<vmem>>[vector<16xi32>], vector<16xf32>,
        %parallel_loop3A_600 = arith.subf %parallel_loop3A_595, %parallel_loop3A_587 : vector<16xf32>
        %parallel_loop3A_601 = arith.mulf %parallel_loop3A_600, %parallel_loop3A_580 : vector<16xf32>
        %parallel_loop3A_602 = arith.addf %parallel_loop3A_587, %parallel_loop3A_601 : vector<16xf32>
        %parallel_loop3A_603 = arith.subf %parallel_loop3A_599, %parallel_loop3A_591 : vector<16xf32>
        %parallel_loop3A_604 = arith.mulf %parallel_loop3A_603, %parallel_loop3A_580 : vector<16xf32>
        %parallel_loop3A_605 = arith.addf %parallel_loop3A_591, %parallel_loop3A_604 : vector<16xf32>
        %parallel_loop3A_606 = arith.constant 24 : i32
        %parallel_loop3A_607 = vector.broadcast %parallel_loop3A_606 : i32 to vector<16xi32>
        %parallel_loop3A_608 = arith.addi %parallel_loop3A_130, %parallel_loop3A_607 : vector<16xi32>
        tpu.vector_store_idx %arg8[%parallel_loop3A_608], %parallel_loop3A_602 : memref<8448xf32, #tpu.memory_space<vmem>>[vector<16xi32>], vector<16xf32>,
        %parallel_loop3A_609 = arith.constant 25 : i32
        %parallel_loop3A_610 = vector.broadcast %parallel_loop3A_609 : i32 to vector<16xi32>
        %parallel_loop3A_611 = arith.addi %parallel_loop3A_130, %parallel_loop3A_610 : vector<16xi32>
        tpu.vector_store_idx %arg8[%parallel_loop3A_611], %parallel_loop3A_605 : memref<8448xf32, #tpu.memory_space<vmem>>[vector<16xi32>], vector<16xf32>,
        %parallel_loop3A_612 = arith.constant 3.565000e+03 : f32
        %parallel_loop3A_613 = vector.broadcast %parallel_loop3A_612 : f32 to vector<16xf32>
        %parallel_loop3A_614 = arith.mulf %parallel_loop3A_123, %parallel_loop3A_613 : vector<16xf32>
        %parallel_loop3A_615 = arith.fptosi %parallel_loop3A_614 : vector<16xf32> to vector<16xi32>
        %parallel_loop3A_616 = arith.sitofp %parallel_loop3A_615 : vector<16xi32> to vector<16xf32>
        %parallel_loop3A_617 = arith.subf %parallel_loop3A_614, %parallel_loop3A_616 : vector<16xf32>
        %parallel_loop3A_618 = arith.constant 2 : i32
        %parallel_loop3A_619 = vector.broadcast %parallel_loop3A_618 : i32 to vector<16xi32>
        %parallel_loop3A_620 = arith.muli %parallel_loop3A_615, %parallel_loop3A_619 : vector<16xi32>
        %parallel_loop3A_621 = arith.constant 13856 : i32
        %parallel_loop3A_622 = vector.broadcast %parallel_loop3A_621 : i32 to vector<16xi32>
        %parallel_loop3A_623 = arith.addi %parallel_loop3A_620, %parallel_loop3A_622 : vector<16xi32>
        %parallel_loop3A_624 = tpu.vector_load_idx %arg5[%parallel_loop3A_623] : memref<48200xf32, #tpu.memory_space<vmem>>[vector<16xi32>], vector<16xf32>,
        %parallel_loop3A_625 = arith.constant 1 : i32
        %parallel_loop3A_626 = vector.broadcast %parallel_loop3A_625 : i32 to vector<16xi32>
        %parallel_loop3A_627 = arith.addi %parallel_loop3A_623, %parallel_loop3A_626 : vector<16xi32>
        %parallel_loop3A_628 = tpu.vector_load_idx %arg5[%parallel_loop3A_627] : memref<48200xf32, #tpu.memory_space<vmem>>[vector<16xi32>], vector<16xf32>,
        %parallel_loop3A_629 = arith.constant 2 : i32
        %parallel_loop3A_630 = vector.broadcast %parallel_loop3A_629 : i32 to vector<16xi32>
        %parallel_loop3A_631 = arith.addi %parallel_loop3A_623, %parallel_loop3A_630 : vector<16xi32>
        %parallel_loop3A_632 = tpu.vector_load_idx %arg5[%parallel_loop3A_631] : memref<48200xf32, #tpu.memory_space<vmem>>[vector<16xi32>], vector<16xf32>,
        %parallel_loop3A_633 = arith.constant 3 : i32
        %parallel_loop3A_634 = vector.broadcast %parallel_loop3A_633 : i32 to vector<16xi32>
        %parallel_loop3A_635 = arith.addi %parallel_loop3A_623, %parallel_loop3A_634 : vector<16xi32>
        %parallel_loop3A_636 = tpu.vector_load_idx %arg5[%parallel_loop3A_635] : memref<48200xf32, #tpu.memory_space<vmem>>[vector<16xi32>], vector<16xf32>,
        %parallel_loop3A_637 = arith.subf %parallel_loop3A_632, %parallel_loop3A_624 : vector<16xf32>
        %parallel_loop3A_638 = arith.mulf %parallel_loop3A_637, %parallel_loop3A_617 : vector<16xf32>
        %parallel_loop3A_639 = arith.addf %parallel_loop3A_624, %parallel_loop3A_638 : vector<16xf32>
        %parallel_loop3A_640 = arith.subf %parallel_loop3A_636, %parallel_loop3A_628 : vector<16xf32>
        %parallel_loop3A_641 = arith.mulf %parallel_loop3A_640, %parallel_loop3A_617 : vector<16xf32>
        %parallel_loop3A_642 = arith.addf %parallel_loop3A_628, %parallel_loop3A_641 : vector<16xf32>
        %parallel_loop3A_643 = arith.constant 26 : i32
        %parallel_loop3A_644 = vector.broadcast %parallel_loop3A_643 : i32 to vector<16xi32>
        %parallel_loop3A_645 = arith.addi %parallel_loop3A_130, %parallel_loop3A_644 : vector<16xi32>
        tpu.vector_store_idx %arg8[%parallel_loop3A_645], %parallel_loop3A_639 : memref<8448xf32, #tpu.memory_space<vmem>>[vector<16xi32>], vector<16xf32>,
        %parallel_loop3A_646 = arith.constant 27 : i32
        %parallel_loop3A_647 = vector.broadcast %parallel_loop3A_646 : i32 to vector<16xi32>
        %parallel_loop3A_648 = arith.addi %parallel_loop3A_130, %parallel_loop3A_647 : vector<16xi32>
        tpu.vector_store_idx %arg8[%parallel_loop3A_648], %parallel_loop3A_642 : memref<8448xf32, #tpu.memory_space<vmem>>[vector<16xi32>], vector<16xf32>,
        %parallel_loop3A_649 = arith.constant 5.404000e+03 : f32
        %parallel_loop3A_650 = vector.broadcast %parallel_loop3A_649 : f32 to vector<16xf32>
        %parallel_loop3A_651 = arith.mulf %parallel_loop3A_123, %parallel_loop3A_650 : vector<16xf32>
        %parallel_loop3A_652 = arith.fptosi %parallel_loop3A_651 : vector<16xf32> to vector<16xi32>
        %parallel_loop3A_653 = arith.sitofp %parallel_loop3A_652 : vector<16xi32> to vector<16xf32>
        %parallel_loop3A_654 = arith.subf %parallel_loop3A_651, %parallel_loop3A_653 : vector<16xf32>
        %parallel_loop3A_655 = arith.constant 2 : i32
        %parallel_loop3A_656 = vector.broadcast %parallel_loop3A_655 : i32 to vector<16xi32>
        %parallel_loop3A_657 = arith.muli %parallel_loop3A_652, %parallel_loop3A_656 : vector<16xi32>
        %parallel_loop3A_658 = arith.constant 20992 : i32
        %parallel_loop3A_659 = vector.broadcast %parallel_loop3A_658 : i32 to vector<16xi32>
        %parallel_loop3A_660 = arith.addi %parallel_loop3A_657, %parallel_loop3A_659 : vector<16xi32>
        %parallel_loop3A_661 = tpu.vector_load_idx %arg5[%parallel_loop3A_660] : memref<48200xf32, #tpu.memory_space<vmem>>[vector<16xi32>], vector<16xf32>,
        %parallel_loop3A_662 = arith.constant 1 : i32
        %parallel_loop3A_663 = vector.broadcast %parallel_loop3A_662 : i32 to vector<16xi32>
        %parallel_loop3A_664 = arith.addi %parallel_loop3A_660, %parallel_loop3A_663 : vector<16xi32>
        %parallel_loop3A_665 = tpu.vector_load_idx %arg5[%parallel_loop3A_664] : memref<48200xf32, #tpu.memory_space<vmem>>[vector<16xi32>], vector<16xf32>,
        %parallel_loop3A_666 = arith.constant 2 : i32
        %parallel_loop3A_667 = vector.broadcast %parallel_loop3A_666 : i32 to vector<16xi32>
        %parallel_loop3A_668 = arith.addi %parallel_loop3A_660, %parallel_loop3A_667 : vector<16xi32>
        %parallel_loop3A_669 = tpu.vector_load_idx %arg5[%parallel_loop3A_668] : memref<48200xf32, #tpu.memory_space<vmem>>[vector<16xi32>], vector<16xf32>,
        %parallel_loop3A_670 = arith.constant 3 : i32
        %parallel_loop3A_671 = vector.broadcast %parallel_loop3A_670 : i32 to vector<16xi32>
        %parallel_loop3A_672 = arith.addi %parallel_loop3A_660, %parallel_loop3A_671 : vector<16xi32>
        %parallel_loop3A_673 = tpu.vector_load_idx %arg5[%parallel_loop3A_672] : memref<48200xf32, #tpu.memory_space<vmem>>[vector<16xi32>], vector<16xf32>,
        %parallel_loop3A_674 = arith.subf %parallel_loop3A_669, %parallel_loop3A_661 : vector<16xf32>
        %parallel_loop3A_675 = arith.mulf %parallel_loop3A_674, %parallel_loop3A_654 : vector<16xf32>
        %parallel_loop3A_676 = arith.addf %parallel_loop3A_661, %parallel_loop3A_675 : vector<16xf32>
        %parallel_loop3A_677 = arith.subf %parallel_loop3A_673, %parallel_loop3A_665 : vector<16xf32>
        %parallel_loop3A_678 = arith.mulf %parallel_loop3A_677, %parallel_loop3A_654 : vector<16xf32>
        %parallel_loop3A_679 = arith.addf %parallel_loop3A_665, %parallel_loop3A_678 : vector<16xf32>
        %parallel_loop3A_680 = arith.constant 28 : i32
        %parallel_loop3A_681 = vector.broadcast %parallel_loop3A_680 : i32 to vector<16xi32>
        %parallel_loop3A_682 = arith.addi %parallel_loop3A_130, %parallel_loop3A_681 : vector<16xi32>
        tpu.vector_store_idx %arg8[%parallel_loop3A_682], %parallel_loop3A_676 : memref<8448xf32, #tpu.memory_space<vmem>>[vector<16xi32>], vector<16xf32>,
        %parallel_loop3A_683 = arith.constant 29 : i32
        %parallel_loop3A_684 = vector.broadcast %parallel_loop3A_683 : i32 to vector<16xi32>
        %parallel_loop3A_685 = arith.addi %parallel_loop3A_130, %parallel_loop3A_684 : vector<16xi32>
        tpu.vector_store_idx %arg8[%parallel_loop3A_685], %parallel_loop3A_679 : memref<8448xf32, #tpu.memory_space<vmem>>[vector<16xi32>], vector<16xf32>,
        %parallel_loop3A_686 = arith.constant 8.191000e+03 : f32
        %parallel_loop3A_687 = vector.broadcast %parallel_loop3A_686 : f32 to vector<16xf32>
        %parallel_loop3A_688 = arith.mulf %parallel_loop3A_123, %parallel_loop3A_687 : vector<16xf32>
        %parallel_loop3A_689 = arith.fptosi %parallel_loop3A_688 : vector<16xf32> to vector<16xi32>
        %parallel_loop3A_690 = arith.sitofp %parallel_loop3A_689 : vector<16xi32> to vector<16xf32>
        %parallel_loop3A_691 = arith.subf %parallel_loop3A_688, %parallel_loop3A_690 : vector<16xf32>
        %parallel_loop3A_692 = arith.constant 2 : i32
        %parallel_loop3A_693 = vector.broadcast %parallel_loop3A_692 : i32 to vector<16xi32>
        %parallel_loop3A_694 = arith.muli %parallel_loop3A_689, %parallel_loop3A_693 : vector<16xi32>
        %parallel_loop3A_695 = arith.constant 31808 : i32
        %parallel_loop3A_696 = vector.broadcast %parallel_loop3A_695 : i32 to vector<16xi32>
        %parallel_loop3A_697 = arith.addi %parallel_loop3A_694, %parallel_loop3A_696 : vector<16xi32>
        %parallel_loop3A_698 = tpu.vector_load_idx %arg5[%parallel_loop3A_697] : memref<48200xf32, #tpu.memory_space<vmem>>[vector<16xi32>], vector<16xf32>,
        %parallel_loop3A_699 = arith.constant 1 : i32
        %parallel_loop3A_700 = vector.broadcast %parallel_loop3A_699 : i32 to vector<16xi32>
        %parallel_loop3A_701 = arith.addi %parallel_loop3A_697, %parallel_loop3A_700 : vector<16xi32>
        %parallel_loop3A_702 = tpu.vector_load_idx %arg5[%parallel_loop3A_701] : memref<48200xf32, #tpu.memory_space<vmem>>[vector<16xi32>], vector<16xf32>,
        %parallel_loop3A_703 = arith.constant 2 : i32
        %parallel_loop3A_704 = vector.broadcast %parallel_loop3A_703 : i32 to vector<16xi32>
        %parallel_loop3A_705 = arith.addi %parallel_loop3A_697, %parallel_loop3A_704 : vector<16xi32>
        %parallel_loop3A_706 = tpu.vector_load_idx %arg5[%parallel_loop3A_705] : memref<48200xf32, #tpu.memory_space<vmem>>[vector<16xi32>], vector<16xf32>,
        %parallel_loop3A_707 = arith.constant 3 : i32
        %parallel_loop3A_708 = vector.broadcast %parallel_loop3A_707 : i32 to vector<16xi32>
        %parallel_loop3A_709 = arith.addi %parallel_loop3A_697, %parallel_loop3A_708 : vector<16xi32>
        %parallel_loop3A_710 = tpu.vector_load_idx %arg5[%parallel_loop3A_709] : memref<48200xf32, #tpu.memory_space<vmem>>[vector<16xi32>], vector<16xf32>,
        %parallel_loop3A_711 = arith.subf %parallel_loop3A_706, %parallel_loop3A_698 : vector<16xf32>
        %parallel_loop3A_712 = arith.mulf %parallel_loop3A_711, %parallel_loop3A_691 : vector<16xf32>
        %parallel_loop3A_713 = arith.addf %parallel_loop3A_698, %parallel_loop3A_712 : vector<16xf32>
        %parallel_loop3A_714 = arith.subf %parallel_loop3A_710, %parallel_loop3A_702 : vector<16xf32>
        %parallel_loop3A_715 = arith.mulf %parallel_loop3A_714, %parallel_loop3A_691 : vector<16xf32>
        %parallel_loop3A_716 = arith.addf %parallel_loop3A_702, %parallel_loop3A_715 : vector<16xf32>
        %parallel_loop3A_717 = arith.constant 30 : i32
        %parallel_loop3A_718 = vector.broadcast %parallel_loop3A_717 : i32 to vector<16xi32>
        %parallel_loop3A_719 = arith.addi %parallel_loop3A_130, %parallel_loop3A_718 : vector<16xi32>
        tpu.vector_store_idx %arg8[%parallel_loop3A_719], %parallel_loop3A_713 : memref<8448xf32, #tpu.memory_space<vmem>>[vector<16xi32>], vector<16xf32>,
        %parallel_loop3A_720 = arith.constant 31 : i32
        %parallel_loop3A_721 = vector.broadcast %parallel_loop3A_720 : i32 to vector<16xi32>
        %parallel_loop3A_722 = arith.addi %parallel_loop3A_130, %parallel_loop3A_721 : vector<16xi32>
        tpu.vector_store_idx %arg8[%parallel_loop3A_722], %parallel_loop3A_716 : memref<8448xf32, #tpu.memory_space<vmem>>[vector<16xi32>], vector<16xf32>,
      } {sc.loop_unroll_factor = 4 : i64, sc.parallel_access}
      %add3A_55 = arith.constant 2 : i32
      %add3A_56 = arith.addi %mul3A_43, %add3A_55 : i32
      %lt3A = arith.constant 128 : i32
      %lt3A_57 = arith.cmpi slt, %add3A_56, %lt3A : i32
      %convert_element_type3A = arith.extui %lt3A_57 : i1 to i32
      %cond3A = arith.constant 0 : i32
      %cond3A_58 = arith.cmpi ne, %convert_element_type3A, %cond3A : i32
      scf.if %cond3A_58 {
        %add3A_119 = arith.constant 2 : i32
        %add3A_120 = arith.addi %mul3A_43, %add3A_119 : i32
        %mul3A_121 = arith.constant 256 : i32
        %mul3A_122 = arith.muli %add3A_120, %mul3A_121 : i32
        %add3A_123 = arith.addi %mul3A_2, %mul3A_122 : i32
        %multiple_of3A_124 = tpu.assume_multiple %add3A_123, 8 : i32
        %dma_start3A_125 = tpu.memref_slice %arg2[%multiple_of3A_124] : memref<1048576xf32, #tpu.memory_space<hbm>> -> memref<256xf32, #tpu.memory_space<hbm>>
        %dma_start3A_126 = tpu.memref_slice %arg2[%multiple_of3A_124] : memref<1048576xf32, #tpu.memory_space<hbm>> -> memref<256xf32, #tpu.memory_space<hbm>>
        tpu.enqueue_dma source(%dma_start3A_126 : memref<256xf32, #tpu.memory_space<hbm>>) target(%arg6 : memref<256xf32, #tpu.memory_space<vmem>>) target_semaphore(%arg13 : memref<!tpu.dma_semaphore, #tpu.memory_space<semaphore_mem>>)
      } else {
      }
      %ge3A = arith.constant 2 : i32
      %ge3A_59 = arith.cmpi sge, %mul3A_43, %ge3A : i32
      %convert_element_type3A_60 = arith.extui %ge3A_59 : i1 to i32
      %cond3A_61 = arith.constant 0 : i32
      %cond3A_62 = arith.cmpi ne, %convert_element_type3A_60, %cond3A_61 : i32
      scf.if %cond3A_62 {
        %sub3A = arith.constant 512 : i32
        %sub3A_119 = arith.subi %add3A_46, %sub3A : i32
        %multiple_of3A_120 = tpu.assume_multiple %sub3A_119, 8 : i32
        %dma_wait3A_121 = arith.constant 0 : i32
        %dma_wait3A_122 = arith.constant 0 : i32
        %dma_wait3A_123 = tpu.memref_slice %arg9[%dma_wait3A_121, %dma_wait3A_122] : memref<256x128xf32, #tpu.memory_space<vmem>> -> memref<256x128xf32, #tpu.memory_space<vmem>>
        %dma_wait3A_124 = arith.constant 0 : i32
        %dma_wait3A_125 = tpu.memref_slice %arg4[%multiple_of3A_120, %dma_wait3A_124] : memref<1048576x128xf32, #tpu.memory_space<hbm>> -> memref<256x128xf32, #tpu.memory_space<hbm>>
        %dma_wait3A_126 = arith.constant 0 : i32
        %dma_wait3A_127 = tpu.memref_slice %arg4[%multiple_of3A_120, %dma_wait3A_126] : memref<1048576x128xf32, #tpu.memory_space<hbm>> -> memref<256x128xf32, #tpu.memory_space<hbm>>
        %dma_wait3A_128 = arith.constant 0 : i32
        %dma_wait3A_129 = arith.constant 0 : i32
        %dma_wait3A_130 = tpu.memref_slice %arg9[%dma_wait3A_128, %dma_wait3A_129] : memref<256x128xf32, #tpu.memory_space<vmem>> -> memref<256x128xf32, #tpu.memory_space<vmem>>
        tpu.wait_dma2 semaphore(%arg11 : memref<!tpu.dma_semaphore, #tpu.memory_space<semaphore_mem>>) src(%dma_wait3A_130 : memref<256x128xf32, #tpu.memory_space<vmem>>) dst(%dma_wait3A_127 : memref<256x128xf32, #tpu.memory_space<hbm>>)
      } else {
      }
      %parallel_loop3A_63 = arith.constant 0 : i32
      %parallel_loop3A_64 = arith.constant 256 : i32
      %parallel_loop3A_65 = arith.constant 1 : i32
      scf.for %parallel_loop3A_119 = %parallel_loop3A_63 to %parallel_loop3A_64 step %parallel_loop3A_65  : i32 {
        %parallel_loop3A_120 = arith.constant 33 : i32
        %parallel_loop3A_121 = arith.muli %parallel_loop3A_119, %parallel_loop3A_120 : i32
        %parallel_loop3A_122 = arith.index_cast %parallel_loop3A_121 : i32 to index
        %parallel_loop3A_123 = tpu.vector_load %arg8[%parallel_loop3A_122] {strides = array<i32>} : memref<8448xf32, #tpu.memory_space<vmem>>, vector<16xf32>,
        %parallel_loop3A_124 = arith.constant 33 : i32
        %parallel_loop3A_125 = arith.muli %parallel_loop3A_119, %parallel_loop3A_124 : i32
        %parallel_loop3A_126 = arith.constant 16 : i32
        %parallel_loop3A_127 = arith.addi %parallel_loop3A_125, %parallel_loop3A_126 : i32
        %parallel_loop3A_128 = arith.index_cast %parallel_loop3A_127 : i32 to index
        %parallel_loop3A_129 = tpu.vector_load %arg8[%parallel_loop3A_128] {strides = array<i32>} : memref<8448xf32, #tpu.memory_space<vmem>>, vector<16xf32>,
        %parallel_loop3A_130 = arith.index_cast %parallel_loop3A_119 : i32 to index
        %parallel_loop3A_131 = arith.constant 0 : index
        %parallel_loop3A_132 = tpu.vector_load %arg9[%parallel_loop3A_130, %parallel_loop3A_131] {strides = array<i32>} : memref<256x128xf32, #tpu.memory_space<vmem>>, vector<16xf32>,
        tpu.vector_store %arg9[%parallel_loop3A_130, %parallel_loop3A_131], %parallel_loop3A_123 {strides = array<i32>} : memref<256x128xf32, #tpu.memory_space<vmem>>, vector<16xf32>,
        %parallel_loop3A_133 = arith.index_cast %parallel_loop3A_119 : i32 to index
        %parallel_loop3A_134 = arith.constant 16 : index
        %parallel_loop3A_135 = tpu.vector_load %arg9[%parallel_loop3A_133, %parallel_loop3A_134] {strides = array<i32>} : memref<256x128xf32, #tpu.memory_space<vmem>>, vector<16xf32>,
        tpu.vector_store %arg9[%parallel_loop3A_133, %parallel_loop3A_134], %parallel_loop3A_129 {strides = array<i32>} : memref<256x128xf32, #tpu.memory_space<vmem>>, vector<16xf32>,
      } {sc.loop_unroll_factor = 16 : i64, sc.parallel_access}
      %multiple_of3A_66 = tpu.assume_multiple %add3A_46, 8 : i32
      %dma_start3A_67 = arith.constant 0 : i32
      %dma_start3A_68 = arith.constant 0 : i32
      %dma_start3A_69 = tpu.memref_slice %arg9[%dma_start3A_67, %dma_start3A_68] : memref<256x128xf32, #tpu.memory_space<vmem>> -> memref<256x128xf32, #tpu.memory_space<vmem>>
      %dma_start3A_70 = arith.constant 0 : i32
      %dma_start3A_71 = tpu.memref_slice %arg4[%multiple_of3A_66, %dma_start3A_70] : memref<1048576x128xf32, #tpu.memory_space<hbm>> -> memref<256x128xf32, #tpu.memory_space<hbm>>
      %dma_start3A_72 = arith.constant 0 : i32
      %dma_start3A_73 = tpu.memref_slice %arg4[%multiple_of3A_66, %dma_start3A_72] : memref<1048576x128xf32, #tpu.memory_space<hbm>> -> memref<256x128xf32, #tpu.memory_space<hbm>>
      %dma_start3A_74 = arith.constant 0 : i32
      %dma_start3A_75 = arith.constant 0 : i32
      %dma_start3A_76 = tpu.memref_slice %arg9[%dma_start3A_74, %dma_start3A_75] : memref<256x128xf32, #tpu.memory_space<vmem>> -> memref<256x128xf32, #tpu.memory_space<vmem>>
      tpu.enqueue_dma source(%dma_start3A_76 : memref<256x128xf32, #tpu.memory_space<vmem>>) target(%dma_start3A_73 : memref<256x128xf32, #tpu.memory_space<hbm>>) target_semaphore(%arg11 : memref<!tpu.dma_semaphore, #tpu.memory_space<semaphore_mem>>)
      %mul3A_77 = arith.constant 2 : i32
      %mul3A_78 = arith.muli %scan3A_41, %mul3A_77 : i32
      %add3A_79 = arith.constant 1 : i32
      %add3A_80 = arith.addi %mul3A_78, %add3A_79 : i32
      %mul3A_81 = arith.constant 256 : i32
      %mul3A_82 = arith.muli %add3A_80, %mul3A_81 : i32
      %add3A_83 = arith.addi %mul3A_2, %mul3A_82 : i32
      %mul3A_84 = arith.constant 256 : i32
      %mul3A_85 = arith.muli %add3A_80, %mul3A_84 : i32
      %add3A_86 = arith.addi %mul3A_2, %mul3A_85 : i32
      %multiple_of3A_87 = tpu.assume_multiple %add3A_86, 8 : i32
      %dma_wait3A_88 = tpu.memref_slice %arg2[%multiple_of3A_87] : memref<1048576xf32, #tpu.memory_space<hbm>> -> memref<256xf32, #tpu.memory_space<hbm>>
      %dma_wait3A_89 = tpu.memref_slice %arg2[%multiple_of3A_87] : memref<1048576xf32, #tpu.memory_space<hbm>> -> memref<256xf32, #tpu.memory_space<hbm>>
      tpu.wait_dma2 semaphore(%arg14 : memref<!tpu.dma_semaphore, #tpu.memory_space<semaphore_mem>>) src(%dma_wait3A_89 : memref<256xf32, #tpu.memory_space<hbm>>) dst(%arg7 : memref<256xf32, #tpu.memory_space<vmem>>)
      %parallel_loop3A_90 = arith.constant 0 : i32
      %parallel_loop3A_91 = arith.constant 16 : i32
      %parallel_loop3A_92 = arith.constant 1 : i32
      scf.for %parallel_loop3A_119 = %parallel_loop3A_90 to %parallel_loop3A_91 step %parallel_loop3A_92  : i32 {
        %parallel_loop3A_120 = arith.constant 16 : i32
        %parallel_loop3A_121 = arith.muli %parallel_loop3A_119, %parallel_loop3A_120 : i32
        %parallel_loop3A_122 = arith.index_cast %parallel_loop3A_121 : i32 to index
        %parallel_loop3A_123 = tpu.vector_load %arg7[%parallel_loop3A_122] {strides = array<i32>} : memref<256xf32, #tpu.memory_space<vmem>>, vector<16xf32>,
        %parallel_loop3A_124 = arith.constant 33 : i32
        %parallel_loop3A_125 = vector.broadcast %parallel_loop3A_124 : i32 to vector<16xi32>
        %parallel_loop3A_126 = arith.muli %iota3A, %parallel_loop3A_125 : vector<16xi32>
        %parallel_loop3A_127 = arith.constant 528 : i32
        %parallel_loop3A_128 = arith.muli %parallel_loop3A_119, %parallel_loop3A_127 : i32
        %parallel_loop3A_129 = vector.broadcast %parallel_loop3A_128 : i32 to vector<16xi32>
        %parallel_loop3A_130 = arith.addi %parallel_loop3A_126, %parallel_loop3A_129 : vector<16xi32>
        %parallel_loop3A_131 = arith.constant 1.600000e+01 : f32
        %parallel_loop3A_132 = vector.broadcast %parallel_loop3A_131 : f32 to vector<16xf32>
        %parallel_loop3A_133 = arith.mulf %parallel_loop3A_123, %parallel_loop3A_132 : vector<16xf32>
        %parallel_loop3A_134 = arith.fptosi %parallel_loop3A_133 : vector<16xf32> to vector<16xi32>
        %parallel_loop3A_135 = arith.sitofp %parallel_loop3A_134 : vector<16xi32> to vector<16xf32>
        %parallel_loop3A_136 = arith.subf %parallel_loop3A_133, %parallel_loop3A_135 : vector<16xf32>
        %parallel_loop3A_137 = arith.constant 2 : i32
        %parallel_loop3A_138 = vector.broadcast %parallel_loop3A_137 : i32 to vector<16xi32>
        %parallel_loop3A_139 = arith.muli %parallel_loop3A_134, %parallel_loop3A_138 : vector<16xi32>
        %parallel_loop3A_140 = arith.constant 0 : i32
        %parallel_loop3A_141 = vector.broadcast %parallel_loop3A_140 : i32 to vector<16xi32>
        %parallel_loop3A_142 = arith.addi %parallel_loop3A_139, %parallel_loop3A_141 : vector<16xi32>
        %parallel_loop3A_143 = tpu.vector_load_idx %arg5[%parallel_loop3A_142] : memref<48200xf32, #tpu.memory_space<vmem>>[vector<16xi32>], vector<16xf32>,
        %parallel_loop3A_144 = arith.constant 1 : i32
        %parallel_loop3A_145 = vector.broadcast %parallel_loop3A_144 : i32 to vector<16xi32>
        %parallel_loop3A_146 = arith.addi %parallel_loop3A_142, %parallel_loop3A_145 : vector<16xi32>
        %parallel_loop3A_147 = tpu.vector_load_idx %arg5[%parallel_loop3A_146] : memref<48200xf32, #tpu.memory_space<vmem>>[vector<16xi32>], vector<16xf32>,
        %parallel_loop3A_148 = arith.constant 2 : i32
        %parallel_loop3A_149 = vector.broadcast %parallel_loop3A_148 : i32 to vector<16xi32>
        %parallel_loop3A_150 = arith.addi %parallel_loop3A_142, %parallel_loop3A_149 : vector<16xi32>
        %parallel_loop3A_151 = tpu.vector_load_idx %arg5[%parallel_loop3A_150] : memref<48200xf32, #tpu.memory_space<vmem>>[vector<16xi32>], vector<16xf32>,
        %parallel_loop3A_152 = arith.constant 3 : i32
        %parallel_loop3A_153 = vector.broadcast %parallel_loop3A_152 : i32 to vector<16xi32>
        %parallel_loop3A_154 = arith.addi %parallel_loop3A_142, %parallel_loop3A_153 : vector<16xi32>
        %parallel_loop3A_155 = tpu.vector_load_idx %arg5[%parallel_loop3A_154] : memref<48200xf32, #tpu.memory_space<vmem>>[vector<16xi32>], vector<16xf32>,
        %parallel_loop3A_156 = arith.subf %parallel_loop3A_151, %parallel_loop3A_143 : vector<16xf32>
        %parallel_loop3A_157 = arith.mulf %parallel_loop3A_156, %parallel_loop3A_136 : vector<16xf32>
        %parallel_loop3A_158 = arith.addf %parallel_loop3A_143, %parallel_loop3A_157 : vector<16xf32>
        %parallel_loop3A_159 = arith.subf %parallel_loop3A_155, %parallel_loop3A_147 : vector<16xf32>
        %parallel_loop3A_160 = arith.mulf %parallel_loop3A_159, %parallel_loop3A_136 : vector<16xf32>
        %parallel_loop3A_161 = arith.addf %parallel_loop3A_147, %parallel_loop3A_160 : vector<16xf32>
        %parallel_loop3A_162 = arith.constant 0 : i32
        %parallel_loop3A_163 = vector.broadcast %parallel_loop3A_162 : i32 to vector<16xi32>
        %parallel_loop3A_164 = arith.addi %parallel_loop3A_130, %parallel_loop3A_163 : vector<16xi32>
        tpu.vector_store_idx %arg8[%parallel_loop3A_164], %parallel_loop3A_158 : memref<8448xf32, #tpu.memory_space<vmem>>[vector<16xi32>], vector<16xf32>,
        %parallel_loop3A_165 = arith.constant 1 : i32
        %parallel_loop3A_166 = vector.broadcast %parallel_loop3A_165 : i32 to vector<16xi32>
        %parallel_loop3A_167 = arith.addi %parallel_loop3A_130, %parallel_loop3A_166 : vector<16xi32>
        tpu.vector_store_idx %arg8[%parallel_loop3A_167], %parallel_loop3A_161 : memref<8448xf32, #tpu.memory_space<vmem>>[vector<16xi32>], vector<16xf32>,
        %parallel_loop3A_168 = arith.constant 2.400000e+01 : f32
        %parallel_loop3A_169 = vector.broadcast %parallel_loop3A_168 : f32 to vector<16xf32>
        %parallel_loop3A_170 = arith.mulf %parallel_loop3A_123, %parallel_loop3A_169 : vector<16xf32>
        %parallel_loop3A_171 = arith.fptosi %parallel_loop3A_170 : vector<16xf32> to vector<16xi32>
        %parallel_loop3A_172 = arith.sitofp %parallel_loop3A_171 : vector<16xi32> to vector<16xf32>
        %parallel_loop3A_173 = arith.subf %parallel_loop3A_170, %parallel_loop3A_172 : vector<16xf32>
        %parallel_loop3A_174 = arith.constant 2 : i32
        %parallel_loop3A_175 = vector.broadcast %parallel_loop3A_174 : i32 to vector<16xi32>
        %parallel_loop3A_176 = arith.muli %parallel_loop3A_171, %parallel_loop3A_175 : vector<16xi32>
        %parallel_loop3A_177 = arith.constant 40 : i32
        %parallel_loop3A_178 = vector.broadcast %parallel_loop3A_177 : i32 to vector<16xi32>
        %parallel_loop3A_179 = arith.addi %parallel_loop3A_176, %parallel_loop3A_178 : vector<16xi32>
        %parallel_loop3A_180 = tpu.vector_load_idx %arg5[%parallel_loop3A_179] : memref<48200xf32, #tpu.memory_space<vmem>>[vector<16xi32>], vector<16xf32>,
        %parallel_loop3A_181 = arith.constant 1 : i32
        %parallel_loop3A_182 = vector.broadcast %parallel_loop3A_181 : i32 to vector<16xi32>
        %parallel_loop3A_183 = arith.addi %parallel_loop3A_179, %parallel_loop3A_182 : vector<16xi32>
        %parallel_loop3A_184 = tpu.vector_load_idx %arg5[%parallel_loop3A_183] : memref<48200xf32, #tpu.memory_space<vmem>>[vector<16xi32>], vector<16xf32>,
        %parallel_loop3A_185 = arith.constant 2 : i32
        %parallel_loop3A_186 = vector.broadcast %parallel_loop3A_185 : i32 to vector<16xi32>
        %parallel_loop3A_187 = arith.addi %parallel_loop3A_179, %parallel_loop3A_186 : vector<16xi32>
        %parallel_loop3A_188 = tpu.vector_load_idx %arg5[%parallel_loop3A_187] : memref<48200xf32, #tpu.memory_space<vmem>>[vector<16xi32>], vector<16xf32>,
        %parallel_loop3A_189 = arith.constant 3 : i32
        %parallel_loop3A_190 = vector.broadcast %parallel_loop3A_189 : i32 to vector<16xi32>
        %parallel_loop3A_191 = arith.addi %parallel_loop3A_179, %parallel_loop3A_190 : vector<16xi32>
        %parallel_loop3A_192 = tpu.vector_load_idx %arg5[%parallel_loop3A_191] : memref<48200xf32, #tpu.memory_space<vmem>>[vector<16xi32>], vector<16xf32>,
        %parallel_loop3A_193 = arith.subf %parallel_loop3A_188, %parallel_loop3A_180 : vector<16xf32>
        %parallel_loop3A_194 = arith.mulf %parallel_loop3A_193, %parallel_loop3A_173 : vector<16xf32>
        %parallel_loop3A_195 = arith.addf %parallel_loop3A_180, %parallel_loop3A_194 : vector<16xf32>
        %parallel_loop3A_196 = arith.subf %parallel_loop3A_192, %parallel_loop3A_184 : vector<16xf32>
        %parallel_loop3A_197 = arith.mulf %parallel_loop3A_196, %parallel_loop3A_173 : vector<16xf32>
        %parallel_loop3A_198 = arith.addf %parallel_loop3A_184, %parallel_loop3A_197 : vector<16xf32>
        %parallel_loop3A_199 = arith.constant 2 : i32
        %parallel_loop3A_200 = vector.broadcast %parallel_loop3A_199 : i32 to vector<16xi32>
        %parallel_loop3A_201 = arith.addi %parallel_loop3A_130, %parallel_loop3A_200 : vector<16xi32>
        tpu.vector_store_idx %arg8[%parallel_loop3A_201], %parallel_loop3A_195 : memref<8448xf32, #tpu.memory_space<vmem>>[vector<16xi32>], vector<16xf32>,
        %parallel_loop3A_202 = arith.constant 3 : i32
        %parallel_loop3A_203 = vector.broadcast %parallel_loop3A_202 : i32 to vector<16xi32>
        %parallel_loop3A_204 = arith.addi %parallel_loop3A_130, %parallel_loop3A_203 : vector<16xi32>
        tpu.vector_store_idx %arg8[%parallel_loop3A_204], %parallel_loop3A_198 : memref<8448xf32, #tpu.memory_space<vmem>>[vector<16xi32>], vector<16xf32>,
        %parallel_loop3A_205 = arith.constant 3.600000e+01 : f32
        %parallel_loop3A_206 = vector.broadcast %parallel_loop3A_205 : f32 to vector<16xf32>
        %parallel_loop3A_207 = arith.mulf %parallel_loop3A_123, %parallel_loop3A_206 : vector<16xf32>
        %parallel_loop3A_208 = arith.fptosi %parallel_loop3A_207 : vector<16xf32> to vector<16xi32>
        %parallel_loop3A_209 = arith.sitofp %parallel_loop3A_208 : vector<16xi32> to vector<16xf32>
        %parallel_loop3A_210 = arith.subf %parallel_loop3A_207, %parallel_loop3A_209 : vector<16xf32>
        %parallel_loop3A_211 = arith.constant 2 : i32
        %parallel_loop3A_212 = vector.broadcast %parallel_loop3A_211 : i32 to vector<16xi32>
        %parallel_loop3A_213 = arith.muli %parallel_loop3A_208, %parallel_loop3A_212 : vector<16xi32>
        %parallel_loop3A_214 = arith.constant 96 : i32
        %parallel_loop3A_215 = vector.broadcast %parallel_loop3A_214 : i32 to vector<16xi32>
        %parallel_loop3A_216 = arith.addi %parallel_loop3A_213, %parallel_loop3A_215 : vector<16xi32>
        %parallel_loop3A_217 = tpu.vector_load_idx %arg5[%parallel_loop3A_216] : memref<48200xf32, #tpu.memory_space<vmem>>[vector<16xi32>], vector<16xf32>,
        %parallel_loop3A_218 = arith.constant 1 : i32
        %parallel_loop3A_219 = vector.broadcast %parallel_loop3A_218 : i32 to vector<16xi32>
        %parallel_loop3A_220 = arith.addi %parallel_loop3A_216, %parallel_loop3A_219 : vector<16xi32>
        %parallel_loop3A_221 = tpu.vector_load_idx %arg5[%parallel_loop3A_220] : memref<48200xf32, #tpu.memory_space<vmem>>[vector<16xi32>], vector<16xf32>,
        %parallel_loop3A_222 = arith.constant 2 : i32
        %parallel_loop3A_223 = vector.broadcast %parallel_loop3A_222 : i32 to vector<16xi32>
        %parallel_loop3A_224 = arith.addi %parallel_loop3A_216, %parallel_loop3A_223 : vector<16xi32>
        %parallel_loop3A_225 = tpu.vector_load_idx %arg5[%parallel_loop3A_224] : memref<48200xf32, #tpu.memory_space<vmem>>[vector<16xi32>], vector<16xf32>,
        %parallel_loop3A_226 = arith.constant 3 : i32
        %parallel_loop3A_227 = vector.broadcast %parallel_loop3A_226 : i32 to vector<16xi32>
        %parallel_loop3A_228 = arith.addi %parallel_loop3A_216, %parallel_loop3A_227 : vector<16xi32>
        %parallel_loop3A_229 = tpu.vector_load_idx %arg5[%parallel_loop3A_228] : memref<48200xf32, #tpu.memory_space<vmem>>[vector<16xi32>], vector<16xf32>,
        %parallel_loop3A_230 = arith.subf %parallel_loop3A_225, %parallel_loop3A_217 : vector<16xf32>
        %parallel_loop3A_231 = arith.mulf %parallel_loop3A_230, %parallel_loop3A_210 : vector<16xf32>
        %parallel_loop3A_232 = arith.addf %parallel_loop3A_217, %parallel_loop3A_231 : vector<16xf32>
        %parallel_loop3A_233 = arith.subf %parallel_loop3A_229, %parallel_loop3A_221 : vector<16xf32>
        %parallel_loop3A_234 = arith.mulf %parallel_loop3A_233, %parallel_loop3A_210 : vector<16xf32>
        %parallel_loop3A_235 = arith.addf %parallel_loop3A_221, %parallel_loop3A_234 : vector<16xf32>
        %parallel_loop3A_236 = arith.constant 4 : i32
        %parallel_loop3A_237 = vector.broadcast %parallel_loop3A_236 : i32 to vector<16xi32>
        %parallel_loop3A_238 = arith.addi %parallel_loop3A_130, %parallel_loop3A_237 : vector<16xi32>
        tpu.vector_store_idx %arg8[%parallel_loop3A_238], %parallel_loop3A_232 : memref<8448xf32, #tpu.memory_space<vmem>>[vector<16xi32>], vector<16xf32>,
        %parallel_loop3A_239 = arith.constant 5 : i32
        %parallel_loop3A_240 = vector.broadcast %parallel_loop3A_239 : i32 to vector<16xi32>
        %parallel_loop3A_241 = arith.addi %parallel_loop3A_130, %parallel_loop3A_240 : vector<16xi32>
        tpu.vector_store_idx %arg8[%parallel_loop3A_241], %parallel_loop3A_235 : memref<8448xf32, #tpu.memory_space<vmem>>[vector<16xi32>], vector<16xf32>,
        %parallel_loop3A_242 = arith.constant 5.500000e+01 : f32
        %parallel_loop3A_243 = vector.broadcast %parallel_loop3A_242 : f32 to vector<16xf32>
        %parallel_loop3A_244 = arith.mulf %parallel_loop3A_123, %parallel_loop3A_243 : vector<16xf32>
        %parallel_loop3A_245 = arith.fptosi %parallel_loop3A_244 : vector<16xf32> to vector<16xi32>
        %parallel_loop3A_246 = arith.sitofp %parallel_loop3A_245 : vector<16xi32> to vector<16xf32>
        %parallel_loop3A_247 = arith.subf %parallel_loop3A_244, %parallel_loop3A_246 : vector<16xf32>
        %parallel_loop3A_248 = arith.constant 2 : i32
        %parallel_loop3A_249 = vector.broadcast %parallel_loop3A_248 : i32 to vector<16xi32>
        %parallel_loop3A_250 = arith.muli %parallel_loop3A_245, %parallel_loop3A_249 : vector<16xi32>
        %parallel_loop3A_251 = arith.constant 176 : i32
        %parallel_loop3A_252 = vector.broadcast %parallel_loop3A_251 : i32 to vector<16xi32>
        %parallel_loop3A_253 = arith.addi %parallel_loop3A_250, %parallel_loop3A_252 : vector<16xi32>
        %parallel_loop3A_254 = tpu.vector_load_idx %arg5[%parallel_loop3A_253] : memref<48200xf32, #tpu.memory_space<vmem>>[vector<16xi32>], vector<16xf32>,
        %parallel_loop3A_255 = arith.constant 1 : i32
        %parallel_loop3A_256 = vector.broadcast %parallel_loop3A_255 : i32 to vector<16xi32>
        %parallel_loop3A_257 = arith.addi %parallel_loop3A_253, %parallel_loop3A_256 : vector<16xi32>
        %parallel_loop3A_258 = tpu.vector_load_idx %arg5[%parallel_loop3A_257] : memref<48200xf32, #tpu.memory_space<vmem>>[vector<16xi32>], vector<16xf32>,
        %parallel_loop3A_259 = arith.constant 2 : i32
        %parallel_loop3A_260 = vector.broadcast %parallel_loop3A_259 : i32 to vector<16xi32>
        %parallel_loop3A_261 = arith.addi %parallel_loop3A_253, %parallel_loop3A_260 : vector<16xi32>
        %parallel_loop3A_262 = tpu.vector_load_idx %arg5[%parallel_loop3A_261] : memref<48200xf32, #tpu.memory_space<vmem>>[vector<16xi32>], vector<16xf32>,
        %parallel_loop3A_263 = arith.constant 3 : i32
        %parallel_loop3A_264 = vector.broadcast %parallel_loop3A_263 : i32 to vector<16xi32>
        %parallel_loop3A_265 = arith.addi %parallel_loop3A_253, %parallel_loop3A_264 : vector<16xi32>
        %parallel_loop3A_266 = tpu.vector_load_idx %arg5[%parallel_loop3A_265] : memref<48200xf32, #tpu.memory_space<vmem>>[vector<16xi32>], vector<16xf32>,
        %parallel_loop3A_267 = arith.subf %parallel_loop3A_262, %parallel_loop3A_254 : vector<16xf32>
        %parallel_loop3A_268 = arith.mulf %parallel_loop3A_267, %parallel_loop3A_247 : vector<16xf32>
        %parallel_loop3A_269 = arith.addf %parallel_loop3A_254, %parallel_loop3A_268 : vector<16xf32>
        %parallel_loop3A_270 = arith.subf %parallel_loop3A_266, %parallel_loop3A_258 : vector<16xf32>
        %parallel_loop3A_271 = arith.mulf %parallel_loop3A_270, %parallel_loop3A_247 : vector<16xf32>
        %parallel_loop3A_272 = arith.addf %parallel_loop3A_258, %parallel_loop3A_271 : vector<16xf32>
        %parallel_loop3A_273 = arith.constant 6 : i32
        %parallel_loop3A_274 = vector.broadcast %parallel_loop3A_273 : i32 to vector<16xi32>
        %parallel_loop3A_275 = arith.addi %parallel_loop3A_130, %parallel_loop3A_274 : vector<16xi32>
        tpu.vector_store_idx %arg8[%parallel_loop3A_275], %parallel_loop3A_269 : memref<8448xf32, #tpu.memory_space<vmem>>[vector<16xi32>], vector<16xf32>,
        %parallel_loop3A_276 = arith.constant 7 : i32
        %parallel_loop3A_277 = vector.broadcast %parallel_loop3A_276 : i32 to vector<16xi32>
        %parallel_loop3A_278 = arith.addi %parallel_loop3A_130, %parallel_loop3A_277 : vector<16xi32>
        tpu.vector_store_idx %arg8[%parallel_loop3A_278], %parallel_loop3A_272 : memref<8448xf32, #tpu.memory_space<vmem>>[vector<16xi32>], vector<16xf32>,
        %parallel_loop3A_279 = arith.constant 8.400000e+01 : f32
        %parallel_loop3A_280 = vector.broadcast %parallel_loop3A_279 : f32 to vector<16xf32>
        %parallel_loop3A_281 = arith.mulf %parallel_loop3A_123, %parallel_loop3A_280 : vector<16xf32>
        %parallel_loop3A_282 = arith.fptosi %parallel_loop3A_281 : vector<16xf32> to vector<16xi32>
        %parallel_loop3A_283 = arith.sitofp %parallel_loop3A_282 : vector<16xi32> to vector<16xf32>
        %parallel_loop3A_284 = arith.subf %parallel_loop3A_281, %parallel_loop3A_283 : vector<16xf32>
        %parallel_loop3A_285 = arith.constant 2 : i32
        %parallel_loop3A_286 = vector.broadcast %parallel_loop3A_285 : i32 to vector<16xi32>
        %parallel_loop3A_287 = arith.muli %parallel_loop3A_282, %parallel_loop3A_286 : vector<16xi32>
        %parallel_loop3A_288 = arith.constant 296 : i32
        %parallel_loop3A_289 = vector.broadcast %parallel_loop3A_288 : i32 to vector<16xi32>
        %parallel_loop3A_290 = arith.addi %parallel_loop3A_287, %parallel_loop3A_289 : vector<16xi32>
        %parallel_loop3A_291 = tpu.vector_load_idx %arg5[%parallel_loop3A_290] : memref<48200xf32, #tpu.memory_space<vmem>>[vector<16xi32>], vector<16xf32>,
        %parallel_loop3A_292 = arith.constant 1 : i32
        %parallel_loop3A_293 = vector.broadcast %parallel_loop3A_292 : i32 to vector<16xi32>
        %parallel_loop3A_294 = arith.addi %parallel_loop3A_290, %parallel_loop3A_293 : vector<16xi32>
        %parallel_loop3A_295 = tpu.vector_load_idx %arg5[%parallel_loop3A_294] : memref<48200xf32, #tpu.memory_space<vmem>>[vector<16xi32>], vector<16xf32>,
        %parallel_loop3A_296 = arith.constant 2 : i32
        %parallel_loop3A_297 = vector.broadcast %parallel_loop3A_296 : i32 to vector<16xi32>
        %parallel_loop3A_298 = arith.addi %parallel_loop3A_290, %parallel_loop3A_297 : vector<16xi32>
        %parallel_loop3A_299 = tpu.vector_load_idx %arg5[%parallel_loop3A_298] : memref<48200xf32, #tpu.memory_space<vmem>>[vector<16xi32>], vector<16xf32>,
        %parallel_loop3A_300 = arith.constant 3 : i32
        %parallel_loop3A_301 = vector.broadcast %parallel_loop3A_300 : i32 to vector<16xi32>
        %parallel_loop3A_302 = arith.addi %parallel_loop3A_290, %parallel_loop3A_301 : vector<16xi32>
        %parallel_loop3A_303 = tpu.vector_load_idx %arg5[%parallel_loop3A_302] : memref<48200xf32, #tpu.memory_space<vmem>>[vector<16xi32>], vector<16xf32>,
        %parallel_loop3A_304 = arith.subf %parallel_loop3A_299, %parallel_loop3A_291 : vector<16xf32>
        %parallel_loop3A_305 = arith.mulf %parallel_loop3A_304, %parallel_loop3A_284 : vector<16xf32>
        %parallel_loop3A_306 = arith.addf %parallel_loop3A_291, %parallel_loop3A_305 : vector<16xf32>
        %parallel_loop3A_307 = arith.subf %parallel_loop3A_303, %parallel_loop3A_295 : vector<16xf32>
        %parallel_loop3A_308 = arith.mulf %parallel_loop3A_307, %parallel_loop3A_284 : vector<16xf32>
        %parallel_loop3A_309 = arith.addf %parallel_loop3A_295, %parallel_loop3A_308 : vector<16xf32>
        %parallel_loop3A_310 = arith.constant 8 : i32
        %parallel_loop3A_311 = vector.broadcast %parallel_loop3A_310 : i32 to vector<16xi32>
        %parallel_loop3A_312 = arith.addi %parallel_loop3A_130, %parallel_loop3A_311 : vector<16xi32>
        tpu.vector_store_idx %arg8[%parallel_loop3A_312], %parallel_loop3A_306 : memref<8448xf32, #tpu.memory_space<vmem>>[vector<16xi32>], vector<16xf32>,
        %parallel_loop3A_313 = arith.constant 9 : i32
        %parallel_loop3A_314 = vector.broadcast %parallel_loop3A_313 : i32 to vector<16xi32>
        %parallel_loop3A_315 = arith.addi %parallel_loop3A_130, %parallel_loop3A_314 : vector<16xi32>
        tpu.vector_store_idx %arg8[%parallel_loop3A_315], %parallel_loop3A_309 : memref<8448xf32, #tpu.memory_space<vmem>>[vector<16xi32>], vector<16xf32>,
        %parallel_loop3A_316 = arith.constant 1.270000e+02 : f32
        %parallel_loop3A_317 = vector.broadcast %parallel_loop3A_316 : f32 to vector<16xf32>
        %parallel_loop3A_318 = arith.mulf %parallel_loop3A_123, %parallel_loop3A_317 : vector<16xf32>
        %parallel_loop3A_319 = arith.fptosi %parallel_loop3A_318 : vector<16xf32> to vector<16xi32>
        %parallel_loop3A_320 = arith.sitofp %parallel_loop3A_319 : vector<16xi32> to vector<16xf32>
        %parallel_loop3A_321 = arith.subf %parallel_loop3A_318, %parallel_loop3A_320 : vector<16xf32>
        %parallel_loop3A_322 = arith.constant 2 : i32
        %parallel_loop3A_323 = vector.broadcast %parallel_loop3A_322 : i32 to vector<16xi32>
        %parallel_loop3A_324 = arith.muli %parallel_loop3A_319, %parallel_loop3A_323 : vector<16xi32>
        %parallel_loop3A_325 = arith.constant 472 : i32
        %parallel_loop3A_326 = vector.broadcast %parallel_loop3A_325 : i32 to vector<16xi32>
        %parallel_loop3A_327 = arith.addi %parallel_loop3A_324, %parallel_loop3A_326 : vector<16xi32>
        %parallel_loop3A_328 = tpu.vector_load_idx %arg5[%parallel_loop3A_327] : memref<48200xf32, #tpu.memory_space<vmem>>[vector<16xi32>], vector<16xf32>,
        %parallel_loop3A_329 = arith.constant 1 : i32
        %parallel_loop3A_330 = vector.broadcast %parallel_loop3A_329 : i32 to vector<16xi32>
        %parallel_loop3A_331 = arith.addi %parallel_loop3A_327, %parallel_loop3A_330 : vector<16xi32>
        %parallel_loop3A_332 = tpu.vector_load_idx %arg5[%parallel_loop3A_331] : memref<48200xf32, #tpu.memory_space<vmem>>[vector<16xi32>], vector<16xf32>,
        %parallel_loop3A_333 = arith.constant 2 : i32
        %parallel_loop3A_334 = vector.broadcast %parallel_loop3A_333 : i32 to vector<16xi32>
        %parallel_loop3A_335 = arith.addi %parallel_loop3A_327, %parallel_loop3A_334 : vector<16xi32>
        %parallel_loop3A_336 = tpu.vector_load_idx %arg5[%parallel_loop3A_335] : memref<48200xf32, #tpu.memory_space<vmem>>[vector<16xi32>], vector<16xf32>,
        %parallel_loop3A_337 = arith.constant 3 : i32
        %parallel_loop3A_338 = vector.broadcast %parallel_loop3A_337 : i32 to vector<16xi32>
        %parallel_loop3A_339 = arith.addi %parallel_loop3A_327, %parallel_loop3A_338 : vector<16xi32>
        %parallel_loop3A_340 = tpu.vector_load_idx %arg5[%parallel_loop3A_339] : memref<48200xf32, #tpu.memory_space<vmem>>[vector<16xi32>], vector<16xf32>,
        %parallel_loop3A_341 = arith.subf %parallel_loop3A_336, %parallel_loop3A_328 : vector<16xf32>
        %parallel_loop3A_342 = arith.mulf %parallel_loop3A_341, %parallel_loop3A_321 : vector<16xf32>
        %parallel_loop3A_343 = arith.addf %parallel_loop3A_328, %parallel_loop3A_342 : vector<16xf32>
        %parallel_loop3A_344 = arith.subf %parallel_loop3A_340, %parallel_loop3A_332 : vector<16xf32>
        %parallel_loop3A_345 = arith.mulf %parallel_loop3A_344, %parallel_loop3A_321 : vector<16xf32>
        %parallel_loop3A_346 = arith.addf %parallel_loop3A_332, %parallel_loop3A_345 : vector<16xf32>
        %parallel_loop3A_347 = arith.constant 10 : i32
        %parallel_loop3A_348 = vector.broadcast %parallel_loop3A_347 : i32 to vector<16xi32>
        %parallel_loop3A_349 = arith.addi %parallel_loop3A_130, %parallel_loop3A_348 : vector<16xi32>
        tpu.vector_store_idx %arg8[%parallel_loop3A_349], %parallel_loop3A_343 : memref<8448xf32, #tpu.memory_space<vmem>>[vector<16xi32>], vector<16xf32>,
        %parallel_loop3A_350 = arith.constant 11 : i32
        %parallel_loop3A_351 = vector.broadcast %parallel_loop3A_350 : i32 to vector<16xi32>
        %parallel_loop3A_352 = arith.addi %parallel_loop3A_130, %parallel_loop3A_351 : vector<16xi32>
        tpu.vector_store_idx %arg8[%parallel_loop3A_352], %parallel_loop3A_346 : memref<8448xf32, #tpu.memory_space<vmem>>[vector<16xi32>], vector<16xf32>,
        %parallel_loop3A_353 = arith.constant 1.940000e+02 : f32
        %parallel_loop3A_354 = vector.broadcast %parallel_loop3A_353 : f32 to vector<16xf32>
        %parallel_loop3A_355 = arith.mulf %parallel_loop3A_123, %parallel_loop3A_354 : vector<16xf32>
        %parallel_loop3A_356 = arith.fptosi %parallel_loop3A_355 : vector<16xf32> to vector<16xi32>
        %parallel_loop3A_357 = arith.sitofp %parallel_loop3A_356 : vector<16xi32> to vector<16xf32>
        %parallel_loop3A_358 = arith.subf %parallel_loop3A_355, %parallel_loop3A_357 : vector<16xf32>
        %parallel_loop3A_359 = arith.constant 2 : i32
        %parallel_loop3A_360 = vector.broadcast %parallel_loop3A_359 : i32 to vector<16xi32>
        %parallel_loop3A_361 = arith.muli %parallel_loop3A_356, %parallel_loop3A_360 : vector<16xi32>
        %parallel_loop3A_362 = arith.constant 736 : i32
        %parallel_loop3A_363 = vector.broadcast %parallel_loop3A_362 : i32 to vector<16xi32>
        %parallel_loop3A_364 = arith.addi %parallel_loop3A_361, %parallel_loop3A_363 : vector<16xi32>
        %parallel_loop3A_365 = tpu.vector_load_idx %arg5[%parallel_loop3A_364] : memref<48200xf32, #tpu.memory_space<vmem>>[vector<16xi32>], vector<16xf32>,
        %parallel_loop3A_366 = arith.constant 1 : i32
        %parallel_loop3A_367 = vector.broadcast %parallel_loop3A_366 : i32 to vector<16xi32>
        %parallel_loop3A_368 = arith.addi %parallel_loop3A_364, %parallel_loop3A_367 : vector<16xi32>
        %parallel_loop3A_369 = tpu.vector_load_idx %arg5[%parallel_loop3A_368] : memref<48200xf32, #tpu.memory_space<vmem>>[vector<16xi32>], vector<16xf32>,
        %parallel_loop3A_370 = arith.constant 2 : i32
        %parallel_loop3A_371 = vector.broadcast %parallel_loop3A_370 : i32 to vector<16xi32>
        %parallel_loop3A_372 = arith.addi %parallel_loop3A_364, %parallel_loop3A_371 : vector<16xi32>
        %parallel_loop3A_373 = tpu.vector_load_idx %arg5[%parallel_loop3A_372] : memref<48200xf32, #tpu.memory_space<vmem>>[vector<16xi32>], vector<16xf32>,
        %parallel_loop3A_374 = arith.constant 3 : i32
        %parallel_loop3A_375 = vector.broadcast %parallel_loop3A_374 : i32 to vector<16xi32>
        %parallel_loop3A_376 = arith.addi %parallel_loop3A_364, %parallel_loop3A_375 : vector<16xi32>
        %parallel_loop3A_377 = tpu.vector_load_idx %arg5[%parallel_loop3A_376] : memref<48200xf32, #tpu.memory_space<vmem>>[vector<16xi32>], vector<16xf32>,
        %parallel_loop3A_378 = arith.subf %parallel_loop3A_373, %parallel_loop3A_365 : vector<16xf32>
        %parallel_loop3A_379 = arith.mulf %parallel_loop3A_378, %parallel_loop3A_358 : vector<16xf32>
        %parallel_loop3A_380 = arith.addf %parallel_loop3A_365, %parallel_loop3A_379 : vector<16xf32>
        %parallel_loop3A_381 = arith.subf %parallel_loop3A_377, %parallel_loop3A_369 : vector<16xf32>
        %parallel_loop3A_382 = arith.mulf %parallel_loop3A_381, %parallel_loop3A_358 : vector<16xf32>
        %parallel_loop3A_383 = arith.addf %parallel_loop3A_369, %parallel_loop3A_382 : vector<16xf32>
        %parallel_loop3A_384 = arith.constant 12 : i32
        %parallel_loop3A_385 = vector.broadcast %parallel_loop3A_384 : i32 to vector<16xi32>
        %parallel_loop3A_386 = arith.addi %parallel_loop3A_130, %parallel_loop3A_385 : vector<16xi32>
        tpu.vector_store_idx %arg8[%parallel_loop3A_386], %parallel_loop3A_380 : memref<8448xf32, #tpu.memory_space<vmem>>[vector<16xi32>], vector<16xf32>,
        %parallel_loop3A_387 = arith.constant 13 : i32
        %parallel_loop3A_388 = vector.broadcast %parallel_loop3A_387 : i32 to vector<16xi32>
        %parallel_loop3A_389 = arith.addi %parallel_loop3A_130, %parallel_loop3A_388 : vector<16xi32>
        tpu.vector_store_idx %arg8[%parallel_loop3A_389], %parallel_loop3A_383 : memref<8448xf32, #tpu.memory_space<vmem>>[vector<16xi32>], vector<16xf32>,
        %parallel_loop3A_390 = arith.constant 2.940000e+02 : f32
        %parallel_loop3A_391 = vector.broadcast %parallel_loop3A_390 : f32 to vector<16xf32>
        %parallel_loop3A_392 = arith.mulf %parallel_loop3A_123, %parallel_loop3A_391 : vector<16xf32>
        %parallel_loop3A_393 = arith.fptosi %parallel_loop3A_392 : vector<16xf32> to vector<16xi32>
        %parallel_loop3A_394 = arith.sitofp %parallel_loop3A_393 : vector<16xi32> to vector<16xf32>
        %parallel_loop3A_395 = arith.subf %parallel_loop3A_392, %parallel_loop3A_394 : vector<16xf32>
        %parallel_loop3A_396 = arith.constant 2 : i32
        %parallel_loop3A_397 = vector.broadcast %parallel_loop3A_396 : i32 to vector<16xi32>
        %parallel_loop3A_398 = arith.muli %parallel_loop3A_393, %parallel_loop3A_397 : vector<16xi32>
        %parallel_loop3A_399 = arith.constant 1128 : i32
        %parallel_loop3A_400 = vector.broadcast %parallel_loop3A_399 : i32 to vector<16xi32>
        %parallel_loop3A_401 = arith.addi %parallel_loop3A_398, %parallel_loop3A_400 : vector<16xi32>
        %parallel_loop3A_402 = tpu.vector_load_idx %arg5[%parallel_loop3A_401] : memref<48200xf32, #tpu.memory_space<vmem>>[vector<16xi32>], vector<16xf32>,
        %parallel_loop3A_403 = arith.constant 1 : i32
        %parallel_loop3A_404 = vector.broadcast %parallel_loop3A_403 : i32 to vector<16xi32>
        %parallel_loop3A_405 = arith.addi %parallel_loop3A_401, %parallel_loop3A_404 : vector<16xi32>
        %parallel_loop3A_406 = tpu.vector_load_idx %arg5[%parallel_loop3A_405] : memref<48200xf32, #tpu.memory_space<vmem>>[vector<16xi32>], vector<16xf32>,
        %parallel_loop3A_407 = arith.constant 2 : i32
        %parallel_loop3A_408 = vector.broadcast %parallel_loop3A_407 : i32 to vector<16xi32>
        %parallel_loop3A_409 = arith.addi %parallel_loop3A_401, %parallel_loop3A_408 : vector<16xi32>
        %parallel_loop3A_410 = tpu.vector_load_idx %arg5[%parallel_loop3A_409] : memref<48200xf32, #tpu.memory_space<vmem>>[vector<16xi32>], vector<16xf32>,
        %parallel_loop3A_411 = arith.constant 3 : i32
        %parallel_loop3A_412 = vector.broadcast %parallel_loop3A_411 : i32 to vector<16xi32>
        %parallel_loop3A_413 = arith.addi %parallel_loop3A_401, %parallel_loop3A_412 : vector<16xi32>
        %parallel_loop3A_414 = tpu.vector_load_idx %arg5[%parallel_loop3A_413] : memref<48200xf32, #tpu.memory_space<vmem>>[vector<16xi32>], vector<16xf32>,
        %parallel_loop3A_415 = arith.subf %parallel_loop3A_410, %parallel_loop3A_402 : vector<16xf32>
        %parallel_loop3A_416 = arith.mulf %parallel_loop3A_415, %parallel_loop3A_395 : vector<16xf32>
        %parallel_loop3A_417 = arith.addf %parallel_loop3A_402, %parallel_loop3A_416 : vector<16xf32>
        %parallel_loop3A_418 = arith.subf %parallel_loop3A_414, %parallel_loop3A_406 : vector<16xf32>
        %parallel_loop3A_419 = arith.mulf %parallel_loop3A_418, %parallel_loop3A_395 : vector<16xf32>
        %parallel_loop3A_420 = arith.addf %parallel_loop3A_406, %parallel_loop3A_419 : vector<16xf32>
        %parallel_loop3A_421 = arith.constant 14 : i32
        %parallel_loop3A_422 = vector.broadcast %parallel_loop3A_421 : i32 to vector<16xi32>
        %parallel_loop3A_423 = arith.addi %parallel_loop3A_130, %parallel_loop3A_422 : vector<16xi32>
        tpu.vector_store_idx %arg8[%parallel_loop3A_423], %parallel_loop3A_417 : memref<8448xf32, #tpu.memory_space<vmem>>[vector<16xi32>], vector<16xf32>,
        %parallel_loop3A_424 = arith.constant 15 : i32
        %parallel_loop3A_425 = vector.broadcast %parallel_loop3A_424 : i32 to vector<16xi32>
        %parallel_loop3A_426 = arith.addi %parallel_loop3A_130, %parallel_loop3A_425 : vector<16xi32>
        tpu.vector_store_idx %arg8[%parallel_loop3A_426], %parallel_loop3A_420 : memref<8448xf32, #tpu.memory_space<vmem>>[vector<16xi32>], vector<16xf32>,
        %parallel_loop3A_427 = arith.constant 4.450000e+02 : f32
        %parallel_loop3A_428 = vector.broadcast %parallel_loop3A_427 : f32 to vector<16xf32>
        %parallel_loop3A_429 = arith.mulf %parallel_loop3A_123, %parallel_loop3A_428 : vector<16xf32>
        %parallel_loop3A_430 = arith.fptosi %parallel_loop3A_429 : vector<16xf32> to vector<16xi32>
        %parallel_loop3A_431 = arith.sitofp %parallel_loop3A_430 : vector<16xi32> to vector<16xf32>
        %parallel_loop3A_432 = arith.subf %parallel_loop3A_429, %parallel_loop3A_431 : vector<16xf32>
        %parallel_loop3A_433 = arith.constant 2 : i32
        %parallel_loop3A_434 = vector.broadcast %parallel_loop3A_433 : i32 to vector<16xi32>
        %parallel_loop3A_435 = arith.muli %parallel_loop3A_430, %parallel_loop3A_434 : vector<16xi32>
        %parallel_loop3A_436 = arith.constant 1720 : i32
        %parallel_loop3A_437 = vector.broadcast %parallel_loop3A_436 : i32 to vector<16xi32>
        %parallel_loop3A_438 = arith.addi %parallel_loop3A_435, %parallel_loop3A_437 : vector<16xi32>
        %parallel_loop3A_439 = tpu.vector_load_idx %arg5[%parallel_loop3A_438] : memref<48200xf32, #tpu.memory_space<vmem>>[vector<16xi32>], vector<16xf32>,
        %parallel_loop3A_440 = arith.constant 1 : i32
        %parallel_loop3A_441 = vector.broadcast %parallel_loop3A_440 : i32 to vector<16xi32>
        %parallel_loop3A_442 = arith.addi %parallel_loop3A_438, %parallel_loop3A_441 : vector<16xi32>
        %parallel_loop3A_443 = tpu.vector_load_idx %arg5[%parallel_loop3A_442] : memref<48200xf32, #tpu.memory_space<vmem>>[vector<16xi32>], vector<16xf32>,
        %parallel_loop3A_444 = arith.constant 2 : i32
        %parallel_loop3A_445 = vector.broadcast %parallel_loop3A_444 : i32 to vector<16xi32>
        %parallel_loop3A_446 = arith.addi %parallel_loop3A_438, %parallel_loop3A_445 : vector<16xi32>
        %parallel_loop3A_447 = tpu.vector_load_idx %arg5[%parallel_loop3A_446] : memref<48200xf32, #tpu.memory_space<vmem>>[vector<16xi32>], vector<16xf32>,
        %parallel_loop3A_448 = arith.constant 3 : i32
        %parallel_loop3A_449 = vector.broadcast %parallel_loop3A_448 : i32 to vector<16xi32>
        %parallel_loop3A_450 = arith.addi %parallel_loop3A_438, %parallel_loop3A_449 : vector<16xi32>
        %parallel_loop3A_451 = tpu.vector_load_idx %arg5[%parallel_loop3A_450] : memref<48200xf32, #tpu.memory_space<vmem>>[vector<16xi32>], vector<16xf32>,
        %parallel_loop3A_452 = arith.subf %parallel_loop3A_447, %parallel_loop3A_439 : vector<16xf32>
        %parallel_loop3A_453 = arith.mulf %parallel_loop3A_452, %parallel_loop3A_432 : vector<16xf32>
        %parallel_loop3A_454 = arith.addf %parallel_loop3A_439, %parallel_loop3A_453 : vector<16xf32>
        %parallel_loop3A_455 = arith.subf %parallel_loop3A_451, %parallel_loop3A_443 : vector<16xf32>
        %parallel_loop3A_456 = arith.mulf %parallel_loop3A_455, %parallel_loop3A_432 : vector<16xf32>
        %parallel_loop3A_457 = arith.addf %parallel_loop3A_443, %parallel_loop3A_456 : vector<16xf32>
        %parallel_loop3A_458 = arith.constant 16 : i32
        %parallel_loop3A_459 = vector.broadcast %parallel_loop3A_458 : i32 to vector<16xi32>
        %parallel_loop3A_460 = arith.addi %parallel_loop3A_130, %parallel_loop3A_459 : vector<16xi32>
        tpu.vector_store_idx %arg8[%parallel_loop3A_460], %parallel_loop3A_454 : memref<8448xf32, #tpu.memory_space<vmem>>[vector<16xi32>], vector<16xf32>,
        %parallel_loop3A_461 = arith.constant 17 : i32
        %parallel_loop3A_462 = vector.broadcast %parallel_loop3A_461 : i32 to vector<16xi32>
        %parallel_loop3A_463 = arith.addi %parallel_loop3A_130, %parallel_loop3A_462 : vector<16xi32>
        tpu.vector_store_idx %arg8[%parallel_loop3A_463], %parallel_loop3A_457 : memref<8448xf32, #tpu.memory_space<vmem>>[vector<16xi32>], vector<16xf32>,
        %parallel_loop3A_464 = arith.constant 6.750000e+02 : f32
        %parallel_loop3A_465 = vector.broadcast %parallel_loop3A_464 : f32 to vector<16xf32>
        %parallel_loop3A_466 = arith.mulf %parallel_loop3A_123, %parallel_loop3A_465 : vector<16xf32>
        %parallel_loop3A_467 = arith.fptosi %parallel_loop3A_466 : vector<16xf32> to vector<16xi32>
        %parallel_loop3A_468 = arith.sitofp %parallel_loop3A_467 : vector<16xi32> to vector<16xf32>
        %parallel_loop3A_469 = arith.subf %parallel_loop3A_466, %parallel_loop3A_468 : vector<16xf32>
        %parallel_loop3A_470 = arith.constant 2 : i32
        %parallel_loop3A_471 = vector.broadcast %parallel_loop3A_470 : i32 to vector<16xi32>
        %parallel_loop3A_472 = arith.muli %parallel_loop3A_467, %parallel_loop3A_471 : vector<16xi32>
        %parallel_loop3A_473 = arith.constant 2616 : i32
        %parallel_loop3A_474 = vector.broadcast %parallel_loop3A_473 : i32 to vector<16xi32>
        %parallel_loop3A_475 = arith.addi %parallel_loop3A_472, %parallel_loop3A_474 : vector<16xi32>
        %parallel_loop3A_476 = tpu.vector_load_idx %arg5[%parallel_loop3A_475] : memref<48200xf32, #tpu.memory_space<vmem>>[vector<16xi32>], vector<16xf32>,
        %parallel_loop3A_477 = arith.constant 1 : i32
        %parallel_loop3A_478 = vector.broadcast %parallel_loop3A_477 : i32 to vector<16xi32>
        %parallel_loop3A_479 = arith.addi %parallel_loop3A_475, %parallel_loop3A_478 : vector<16xi32>
        %parallel_loop3A_480 = tpu.vector_load_idx %arg5[%parallel_loop3A_479] : memref<48200xf32, #tpu.memory_space<vmem>>[vector<16xi32>], vector<16xf32>,
        %parallel_loop3A_481 = arith.constant 2 : i32
        %parallel_loop3A_482 = vector.broadcast %parallel_loop3A_481 : i32 to vector<16xi32>
        %parallel_loop3A_483 = arith.addi %parallel_loop3A_475, %parallel_loop3A_482 : vector<16xi32>
        %parallel_loop3A_484 = tpu.vector_load_idx %arg5[%parallel_loop3A_483] : memref<48200xf32, #tpu.memory_space<vmem>>[vector<16xi32>], vector<16xf32>,
        %parallel_loop3A_485 = arith.constant 3 : i32
        %parallel_loop3A_486 = vector.broadcast %parallel_loop3A_485 : i32 to vector<16xi32>
        %parallel_loop3A_487 = arith.addi %parallel_loop3A_475, %parallel_loop3A_486 : vector<16xi32>
        %parallel_loop3A_488 = tpu.vector_load_idx %arg5[%parallel_loop3A_487] : memref<48200xf32, #tpu.memory_space<vmem>>[vector<16xi32>], vector<16xf32>,
        %parallel_loop3A_489 = arith.subf %parallel_loop3A_484, %parallel_loop3A_476 : vector<16xf32>
        %parallel_loop3A_490 = arith.mulf %parallel_loop3A_489, %parallel_loop3A_469 : vector<16xf32>
        %parallel_loop3A_491 = arith.addf %parallel_loop3A_476, %parallel_loop3A_490 : vector<16xf32>
        %parallel_loop3A_492 = arith.subf %parallel_loop3A_488, %parallel_loop3A_480 : vector<16xf32>
        %parallel_loop3A_493 = arith.mulf %parallel_loop3A_492, %parallel_loop3A_469 : vector<16xf32>
        %parallel_loop3A_494 = arith.addf %parallel_loop3A_480, %parallel_loop3A_493 : vector<16xf32>
        %parallel_loop3A_495 = arith.constant 18 : i32
        %parallel_loop3A_496 = vector.broadcast %parallel_loop3A_495 : i32 to vector<16xi32>
        %parallel_loop3A_497 = arith.addi %parallel_loop3A_130, %parallel_loop3A_496 : vector<16xi32>
        tpu.vector_store_idx %arg8[%parallel_loop3A_497], %parallel_loop3A_491 : memref<8448xf32, #tpu.memory_space<vmem>>[vector<16xi32>], vector<16xf32>,
        %parallel_loop3A_498 = arith.constant 19 : i32
        %parallel_loop3A_499 = vector.broadcast %parallel_loop3A_498 : i32 to vector<16xi32>
        %parallel_loop3A_500 = arith.addi %parallel_loop3A_130, %parallel_loop3A_499 : vector<16xi32>
        tpu.vector_store_idx %arg8[%parallel_loop3A_500], %parallel_loop3A_494 : memref<8448xf32, #tpu.memory_space<vmem>>[vector<16xi32>], vector<16xf32>,
        %parallel_loop3A_501 = arith.constant 1.023000e+03 : f32
        %parallel_loop3A_502 = vector.broadcast %parallel_loop3A_501 : f32 to vector<16xf32>
        %parallel_loop3A_503 = arith.mulf %parallel_loop3A_123, %parallel_loop3A_502 : vector<16xf32>
        %parallel_loop3A_504 = arith.fptosi %parallel_loop3A_503 : vector<16xf32> to vector<16xi32>
        %parallel_loop3A_505 = arith.sitofp %parallel_loop3A_504 : vector<16xi32> to vector<16xf32>
        %parallel_loop3A_506 = arith.subf %parallel_loop3A_503, %parallel_loop3A_505 : vector<16xf32>
        %parallel_loop3A_507 = arith.constant 2 : i32
        %parallel_loop3A_508 = vector.broadcast %parallel_loop3A_507 : i32 to vector<16xi32>
        %parallel_loop3A_509 = arith.muli %parallel_loop3A_504, %parallel_loop3A_508 : vector<16xi32>
        %parallel_loop3A_510 = arith.constant 3976 : i32
        %parallel_loop3A_511 = vector.broadcast %parallel_loop3A_510 : i32 to vector<16xi32>
        %parallel_loop3A_512 = arith.addi %parallel_loop3A_509, %parallel_loop3A_511 : vector<16xi32>
        %parallel_loop3A_513 = tpu.vector_load_idx %arg5[%parallel_loop3A_512] : memref<48200xf32, #tpu.memory_space<vmem>>[vector<16xi32>], vector<16xf32>,
        %parallel_loop3A_514 = arith.constant 1 : i32
        %parallel_loop3A_515 = vector.broadcast %parallel_loop3A_514 : i32 to vector<16xi32>
        %parallel_loop3A_516 = arith.addi %parallel_loop3A_512, %parallel_loop3A_515 : vector<16xi32>
        %parallel_loop3A_517 = tpu.vector_load_idx %arg5[%parallel_loop3A_516] : memref<48200xf32, #tpu.memory_space<vmem>>[vector<16xi32>], vector<16xf32>,
        %parallel_loop3A_518 = arith.constant 2 : i32
        %parallel_loop3A_519 = vector.broadcast %parallel_loop3A_518 : i32 to vector<16xi32>
        %parallel_loop3A_520 = arith.addi %parallel_loop3A_512, %parallel_loop3A_519 : vector<16xi32>
        %parallel_loop3A_521 = tpu.vector_load_idx %arg5[%parallel_loop3A_520] : memref<48200xf32, #tpu.memory_space<vmem>>[vector<16xi32>], vector<16xf32>,
        %parallel_loop3A_522 = arith.constant 3 : i32
        %parallel_loop3A_523 = vector.broadcast %parallel_loop3A_522 : i32 to vector<16xi32>
        %parallel_loop3A_524 = arith.addi %parallel_loop3A_512, %parallel_loop3A_523 : vector<16xi32>
        %parallel_loop3A_525 = tpu.vector_load_idx %arg5[%parallel_loop3A_524] : memref<48200xf32, #tpu.memory_space<vmem>>[vector<16xi32>], vector<16xf32>,
        %parallel_loop3A_526 = arith.subf %parallel_loop3A_521, %parallel_loop3A_513 : vector<16xf32>
        %parallel_loop3A_527 = arith.mulf %parallel_loop3A_526, %parallel_loop3A_506 : vector<16xf32>
        %parallel_loop3A_528 = arith.addf %parallel_loop3A_513, %parallel_loop3A_527 : vector<16xf32>
        %parallel_loop3A_529 = arith.subf %parallel_loop3A_525, %parallel_loop3A_517 : vector<16xf32>
        %parallel_loop3A_530 = arith.mulf %parallel_loop3A_529, %parallel_loop3A_506 : vector<16xf32>
        %parallel_loop3A_531 = arith.addf %parallel_loop3A_517, %parallel_loop3A_530 : vector<16xf32>
        %parallel_loop3A_532 = arith.constant 20 : i32
        %parallel_loop3A_533 = vector.broadcast %parallel_loop3A_532 : i32 to vector<16xi32>
        %parallel_loop3A_534 = arith.addi %parallel_loop3A_130, %parallel_loop3A_533 : vector<16xi32>
        tpu.vector_store_idx %arg8[%parallel_loop3A_534], %parallel_loop3A_528 : memref<8448xf32, #tpu.memory_space<vmem>>[vector<16xi32>], vector<16xf32>,
        %parallel_loop3A_535 = arith.constant 21 : i32
        %parallel_loop3A_536 = vector.broadcast %parallel_loop3A_535 : i32 to vector<16xi32>
        %parallel_loop3A_537 = arith.addi %parallel_loop3A_130, %parallel_loop3A_536 : vector<16xi32>
        tpu.vector_store_idx %arg8[%parallel_loop3A_537], %parallel_loop3A_531 : memref<8448xf32, #tpu.memory_space<vmem>>[vector<16xi32>], vector<16xf32>,
        %parallel_loop3A_538 = arith.constant 1.552000e+03 : f32
        %parallel_loop3A_539 = vector.broadcast %parallel_loop3A_538 : f32 to vector<16xf32>
        %parallel_loop3A_540 = arith.mulf %parallel_loop3A_123, %parallel_loop3A_539 : vector<16xf32>
        %parallel_loop3A_541 = arith.fptosi %parallel_loop3A_540 : vector<16xf32> to vector<16xi32>
        %parallel_loop3A_542 = arith.sitofp %parallel_loop3A_541 : vector<16xi32> to vector<16xf32>
        %parallel_loop3A_543 = arith.subf %parallel_loop3A_540, %parallel_loop3A_542 : vector<16xf32>
        %parallel_loop3A_544 = arith.constant 2 : i32
        %parallel_loop3A_545 = vector.broadcast %parallel_loop3A_544 : i32 to vector<16xi32>
        %parallel_loop3A_546 = arith.muli %parallel_loop3A_541, %parallel_loop3A_545 : vector<16xi32>
        %parallel_loop3A_547 = arith.constant 6032 : i32
        %parallel_loop3A_548 = vector.broadcast %parallel_loop3A_547 : i32 to vector<16xi32>
        %parallel_loop3A_549 = arith.addi %parallel_loop3A_546, %parallel_loop3A_548 : vector<16xi32>
        %parallel_loop3A_550 = tpu.vector_load_idx %arg5[%parallel_loop3A_549] : memref<48200xf32, #tpu.memory_space<vmem>>[vector<16xi32>], vector<16xf32>,
        %parallel_loop3A_551 = arith.constant 1 : i32
        %parallel_loop3A_552 = vector.broadcast %parallel_loop3A_551 : i32 to vector<16xi32>
        %parallel_loop3A_553 = arith.addi %parallel_loop3A_549, %parallel_loop3A_552 : vector<16xi32>
        %parallel_loop3A_554 = tpu.vector_load_idx %arg5[%parallel_loop3A_553] : memref<48200xf32, #tpu.memory_space<vmem>>[vector<16xi32>], vector<16xf32>,
        %parallel_loop3A_555 = arith.constant 2 : i32
        %parallel_loop3A_556 = vector.broadcast %parallel_loop3A_555 : i32 to vector<16xi32>
        %parallel_loop3A_557 = arith.addi %parallel_loop3A_549, %parallel_loop3A_556 : vector<16xi32>
        %parallel_loop3A_558 = tpu.vector_load_idx %arg5[%parallel_loop3A_557] : memref<48200xf32, #tpu.memory_space<vmem>>[vector<16xi32>], vector<16xf32>,
        %parallel_loop3A_559 = arith.constant 3 : i32
        %parallel_loop3A_560 = vector.broadcast %parallel_loop3A_559 : i32 to vector<16xi32>
        %parallel_loop3A_561 = arith.addi %parallel_loop3A_549, %parallel_loop3A_560 : vector<16xi32>
        %parallel_loop3A_562 = tpu.vector_load_idx %arg5[%parallel_loop3A_561] : memref<48200xf32, #tpu.memory_space<vmem>>[vector<16xi32>], vector<16xf32>,
        %parallel_loop3A_563 = arith.subf %parallel_loop3A_558, %parallel_loop3A_550 : vector<16xf32>
        %parallel_loop3A_564 = arith.mulf %parallel_loop3A_563, %parallel_loop3A_543 : vector<16xf32>
        %parallel_loop3A_565 = arith.addf %parallel_loop3A_550, %parallel_loop3A_564 : vector<16xf32>
        %parallel_loop3A_566 = arith.subf %parallel_loop3A_562, %parallel_loop3A_554 : vector<16xf32>
        %parallel_loop3A_567 = arith.mulf %parallel_loop3A_566, %parallel_loop3A_543 : vector<16xf32>
        %parallel_loop3A_568 = arith.addf %parallel_loop3A_554, %parallel_loop3A_567 : vector<16xf32>
        %parallel_loop3A_569 = arith.constant 22 : i32
        %parallel_loop3A_570 = vector.broadcast %parallel_loop3A_569 : i32 to vector<16xi32>
        %parallel_loop3A_571 = arith.addi %parallel_loop3A_130, %parallel_loop3A_570 : vector<16xi32>
        tpu.vector_store_idx %arg8[%parallel_loop3A_571], %parallel_loop3A_565 : memref<8448xf32, #tpu.memory_space<vmem>>[vector<16xi32>], vector<16xf32>,
        %parallel_loop3A_572 = arith.constant 23 : i32
        %parallel_loop3A_573 = vector.broadcast %parallel_loop3A_572 : i32 to vector<16xi32>
        %parallel_loop3A_574 = arith.addi %parallel_loop3A_130, %parallel_loop3A_573 : vector<16xi32>
        tpu.vector_store_idx %arg8[%parallel_loop3A_574], %parallel_loop3A_568 : memref<8448xf32, #tpu.memory_space<vmem>>[vector<16xi32>], vector<16xf32>,
        %parallel_loop3A_575 = arith.constant 2.352000e+03 : f32
        %parallel_loop3A_576 = vector.broadcast %parallel_loop3A_575 : f32 to vector<16xf32>
        %parallel_loop3A_577 = arith.mulf %parallel_loop3A_123, %parallel_loop3A_576 : vector<16xf32>
        %parallel_loop3A_578 = arith.fptosi %parallel_loop3A_577 : vector<16xf32> to vector<16xi32>
        %parallel_loop3A_579 = arith.sitofp %parallel_loop3A_578 : vector<16xi32> to vector<16xf32>
        %parallel_loop3A_580 = arith.subf %parallel_loop3A_577, %parallel_loop3A_579 : vector<16xf32>
        %parallel_loop3A_581 = arith.constant 2 : i32
        %parallel_loop3A_582 = vector.broadcast %parallel_loop3A_581 : i32 to vector<16xi32>
        %parallel_loop3A_583 = arith.muli %parallel_loop3A_578, %parallel_loop3A_582 : vector<16xi32>
        %parallel_loop3A_584 = arith.constant 9144 : i32
        %parallel_loop3A_585 = vector.broadcast %parallel_loop3A_584 : i32 to vector<16xi32>
        %parallel_loop3A_586 = arith.addi %parallel_loop3A_583, %parallel_loop3A_585 : vector<16xi32>
        %parallel_loop3A_587 = tpu.vector_load_idx %arg5[%parallel_loop3A_586] : memref<48200xf32, #tpu.memory_space<vmem>>[vector<16xi32>], vector<16xf32>,
        %parallel_loop3A_588 = arith.constant 1 : i32
        %parallel_loop3A_589 = vector.broadcast %parallel_loop3A_588 : i32 to vector<16xi32>
        %parallel_loop3A_590 = arith.addi %parallel_loop3A_586, %parallel_loop3A_589 : vector<16xi32>
        %parallel_loop3A_591 = tpu.vector_load_idx %arg5[%parallel_loop3A_590] : memref<48200xf32, #tpu.memory_space<vmem>>[vector<16xi32>], vector<16xf32>,
        %parallel_loop3A_592 = arith.constant 2 : i32
        %parallel_loop3A_593 = vector.broadcast %parallel_loop3A_592 : i32 to vector<16xi32>
        %parallel_loop3A_594 = arith.addi %parallel_loop3A_586, %parallel_loop3A_593 : vector<16xi32>
        %parallel_loop3A_595 = tpu.vector_load_idx %arg5[%parallel_loop3A_594] : memref<48200xf32, #tpu.memory_space<vmem>>[vector<16xi32>], vector<16xf32>,
        %parallel_loop3A_596 = arith.constant 3 : i32
        %parallel_loop3A_597 = vector.broadcast %parallel_loop3A_596 : i32 to vector<16xi32>
        %parallel_loop3A_598 = arith.addi %parallel_loop3A_586, %parallel_loop3A_597 : vector<16xi32>
        %parallel_loop3A_599 = tpu.vector_load_idx %arg5[%parallel_loop3A_598] : memref<48200xf32, #tpu.memory_space<vmem>>[vector<16xi32>], vector<16xf32>,
        %parallel_loop3A_600 = arith.subf %parallel_loop3A_595, %parallel_loop3A_587 : vector<16xf32>
        %parallel_loop3A_601 = arith.mulf %parallel_loop3A_600, %parallel_loop3A_580 : vector<16xf32>
        %parallel_loop3A_602 = arith.addf %parallel_loop3A_587, %parallel_loop3A_601 : vector<16xf32>
        %parallel_loop3A_603 = arith.subf %parallel_loop3A_599, %parallel_loop3A_591 : vector<16xf32>
        %parallel_loop3A_604 = arith.mulf %parallel_loop3A_603, %parallel_loop3A_580 : vector<16xf32>
        %parallel_loop3A_605 = arith.addf %parallel_loop3A_591, %parallel_loop3A_604 : vector<16xf32>
        %parallel_loop3A_606 = arith.constant 24 : i32
        %parallel_loop3A_607 = vector.broadcast %parallel_loop3A_606 : i32 to vector<16xi32>
        %parallel_loop3A_608 = arith.addi %parallel_loop3A_130, %parallel_loop3A_607 : vector<16xi32>
        tpu.vector_store_idx %arg8[%parallel_loop3A_608], %parallel_loop3A_602 : memref<8448xf32, #tpu.memory_space<vmem>>[vector<16xi32>], vector<16xf32>,
        %parallel_loop3A_609 = arith.constant 25 : i32
        %parallel_loop3A_610 = vector.broadcast %parallel_loop3A_609 : i32 to vector<16xi32>
        %parallel_loop3A_611 = arith.addi %parallel_loop3A_130, %parallel_loop3A_610 : vector<16xi32>
        tpu.vector_store_idx %arg8[%parallel_loop3A_611], %parallel_loop3A_605 : memref<8448xf32, #tpu.memory_space<vmem>>[vector<16xi32>], vector<16xf32>,
        %parallel_loop3A_612 = arith.constant 3.565000e+03 : f32
        %parallel_loop3A_613 = vector.broadcast %parallel_loop3A_612 : f32 to vector<16xf32>
        %parallel_loop3A_614 = arith.mulf %parallel_loop3A_123, %parallel_loop3A_613 : vector<16xf32>
        %parallel_loop3A_615 = arith.fptosi %parallel_loop3A_614 : vector<16xf32> to vector<16xi32>
        %parallel_loop3A_616 = arith.sitofp %parallel_loop3A_615 : vector<16xi32> to vector<16xf32>
        %parallel_loop3A_617 = arith.subf %parallel_loop3A_614, %parallel_loop3A_616 : vector<16xf32>
        %parallel_loop3A_618 = arith.constant 2 : i32
        %parallel_loop3A_619 = vector.broadcast %parallel_loop3A_618 : i32 to vector<16xi32>
        %parallel_loop3A_620 = arith.muli %parallel_loop3A_615, %parallel_loop3A_619 : vector<16xi32>
        %parallel_loop3A_621 = arith.constant 13856 : i32
        %parallel_loop3A_622 = vector.broadcast %parallel_loop3A_621 : i32 to vector<16xi32>
        %parallel_loop3A_623 = arith.addi %parallel_loop3A_620, %parallel_loop3A_622 : vector<16xi32>
        %parallel_loop3A_624 = tpu.vector_load_idx %arg5[%parallel_loop3A_623] : memref<48200xf32, #tpu.memory_space<vmem>>[vector<16xi32>], vector<16xf32>,
        %parallel_loop3A_625 = arith.constant 1 : i32
        %parallel_loop3A_626 = vector.broadcast %parallel_loop3A_625 : i32 to vector<16xi32>
        %parallel_loop3A_627 = arith.addi %parallel_loop3A_623, %parallel_loop3A_626 : vector<16xi32>
        %parallel_loop3A_628 = tpu.vector_load_idx %arg5[%parallel_loop3A_627] : memref<48200xf32, #tpu.memory_space<vmem>>[vector<16xi32>], vector<16xf32>,
        %parallel_loop3A_629 = arith.constant 2 : i32
        %parallel_loop3A_630 = vector.broadcast %parallel_loop3A_629 : i32 to vector<16xi32>
        %parallel_loop3A_631 = arith.addi %parallel_loop3A_623, %parallel_loop3A_630 : vector<16xi32>
        %parallel_loop3A_632 = tpu.vector_load_idx %arg5[%parallel_loop3A_631] : memref<48200xf32, #tpu.memory_space<vmem>>[vector<16xi32>], vector<16xf32>,
        %parallel_loop3A_633 = arith.constant 3 : i32
        %parallel_loop3A_634 = vector.broadcast %parallel_loop3A_633 : i32 to vector<16xi32>
        %parallel_loop3A_635 = arith.addi %parallel_loop3A_623, %parallel_loop3A_634 : vector<16xi32>
        %parallel_loop3A_636 = tpu.vector_load_idx %arg5[%parallel_loop3A_635] : memref<48200xf32, #tpu.memory_space<vmem>>[vector<16xi32>], vector<16xf32>,
        %parallel_loop3A_637 = arith.subf %parallel_loop3A_632, %parallel_loop3A_624 : vector<16xf32>
        %parallel_loop3A_638 = arith.mulf %parallel_loop3A_637, %parallel_loop3A_617 : vector<16xf32>
        %parallel_loop3A_639 = arith.addf %parallel_loop3A_624, %parallel_loop3A_638 : vector<16xf32>
        %parallel_loop3A_640 = arith.subf %parallel_loop3A_636, %parallel_loop3A_628 : vector<16xf32>
        %parallel_loop3A_641 = arith.mulf %parallel_loop3A_640, %parallel_loop3A_617 : vector<16xf32>
        %parallel_loop3A_642 = arith.addf %parallel_loop3A_628, %parallel_loop3A_641 : vector<16xf32>
        %parallel_loop3A_643 = arith.constant 26 : i32
        %parallel_loop3A_644 = vector.broadcast %parallel_loop3A_643 : i32 to vector<16xi32>
        %parallel_loop3A_645 = arith.addi %parallel_loop3A_130, %parallel_loop3A_644 : vector<16xi32>
        tpu.vector_store_idx %arg8[%parallel_loop3A_645], %parallel_loop3A_639 : memref<8448xf32, #tpu.memory_space<vmem>>[vector<16xi32>], vector<16xf32>,
        %parallel_loop3A_646 = arith.constant 27 : i32
        %parallel_loop3A_647 = vector.broadcast %parallel_loop3A_646 : i32 to vector<16xi32>
        %parallel_loop3A_648 = arith.addi %parallel_loop3A_130, %parallel_loop3A_647 : vector<16xi32>
        tpu.vector_store_idx %arg8[%parallel_loop3A_648], %parallel_loop3A_642 : memref<8448xf32, #tpu.memory_space<vmem>>[vector<16xi32>], vector<16xf32>,
        %parallel_loop3A_649 = arith.constant 5.404000e+03 : f32
        %parallel_loop3A_650 = vector.broadcast %parallel_loop3A_649 : f32 to vector<16xf32>
        %parallel_loop3A_651 = arith.mulf %parallel_loop3A_123, %parallel_loop3A_650 : vector<16xf32>
        %parallel_loop3A_652 = arith.fptosi %parallel_loop3A_651 : vector<16xf32> to vector<16xi32>
        %parallel_loop3A_653 = arith.sitofp %parallel_loop3A_652 : vector<16xi32> to vector<16xf32>
        %parallel_loop3A_654 = arith.subf %parallel_loop3A_651, %parallel_loop3A_653 : vector<16xf32>
        %parallel_loop3A_655 = arith.constant 2 : i32
        %parallel_loop3A_656 = vector.broadcast %parallel_loop3A_655 : i32 to vector<16xi32>
        %parallel_loop3A_657 = arith.muli %parallel_loop3A_652, %parallel_loop3A_656 : vector<16xi32>
        %parallel_loop3A_658 = arith.constant 20992 : i32
        %parallel_loop3A_659 = vector.broadcast %parallel_loop3A_658 : i32 to vector<16xi32>
        %parallel_loop3A_660 = arith.addi %parallel_loop3A_657, %parallel_loop3A_659 : vector<16xi32>
        %parallel_loop3A_661 = tpu.vector_load_idx %arg5[%parallel_loop3A_660] : memref<48200xf32, #tpu.memory_space<vmem>>[vector<16xi32>], vector<16xf32>,
        %parallel_loop3A_662 = arith.constant 1 : i32
        %parallel_loop3A_663 = vector.broadcast %parallel_loop3A_662 : i32 to vector<16xi32>
        %parallel_loop3A_664 = arith.addi %parallel_loop3A_660, %parallel_loop3A_663 : vector<16xi32>
        %parallel_loop3A_665 = tpu.vector_load_idx %arg5[%parallel_loop3A_664] : memref<48200xf32, #tpu.memory_space<vmem>>[vector<16xi32>], vector<16xf32>,
        %parallel_loop3A_666 = arith.constant 2 : i32
        %parallel_loop3A_667 = vector.broadcast %parallel_loop3A_666 : i32 to vector<16xi32>
        %parallel_loop3A_668 = arith.addi %parallel_loop3A_660, %parallel_loop3A_667 : vector<16xi32>
        %parallel_loop3A_669 = tpu.vector_load_idx %arg5[%parallel_loop3A_668] : memref<48200xf32, #tpu.memory_space<vmem>>[vector<16xi32>], vector<16xf32>,
        %parallel_loop3A_670 = arith.constant 3 : i32
        %parallel_loop3A_671 = vector.broadcast %parallel_loop3A_670 : i32 to vector<16xi32>
        %parallel_loop3A_672 = arith.addi %parallel_loop3A_660, %parallel_loop3A_671 : vector<16xi32>
        %parallel_loop3A_673 = tpu.vector_load_idx %arg5[%parallel_loop3A_672] : memref<48200xf32, #tpu.memory_space<vmem>>[vector<16xi32>], vector<16xf32>,
        %parallel_loop3A_674 = arith.subf %parallel_loop3A_669, %parallel_loop3A_661 : vector<16xf32>
        %parallel_loop3A_675 = arith.mulf %parallel_loop3A_674, %parallel_loop3A_654 : vector<16xf32>
        %parallel_loop3A_676 = arith.addf %parallel_loop3A_661, %parallel_loop3A_675 : vector<16xf32>
        %parallel_loop3A_677 = arith.subf %parallel_loop3A_673, %parallel_loop3A_665 : vector<16xf32>
        %parallel_loop3A_678 = arith.mulf %parallel_loop3A_677, %parallel_loop3A_654 : vector<16xf32>
        %parallel_loop3A_679 = arith.addf %parallel_loop3A_665, %parallel_loop3A_678 : vector<16xf32>
        %parallel_loop3A_680 = arith.constant 28 : i32
        %parallel_loop3A_681 = vector.broadcast %parallel_loop3A_680 : i32 to vector<16xi32>
        %parallel_loop3A_682 = arith.addi %parallel_loop3A_130, %parallel_loop3A_681 : vector<16xi32>
        tpu.vector_store_idx %arg8[%parallel_loop3A_682], %parallel_loop3A_676 : memref<8448xf32, #tpu.memory_space<vmem>>[vector<16xi32>], vector<16xf32>,
        %parallel_loop3A_683 = arith.constant 29 : i32
        %parallel_loop3A_684 = vector.broadcast %parallel_loop3A_683 : i32 to vector<16xi32>
        %parallel_loop3A_685 = arith.addi %parallel_loop3A_130, %parallel_loop3A_684 : vector<16xi32>
        tpu.vector_store_idx %arg8[%parallel_loop3A_685], %parallel_loop3A_679 : memref<8448xf32, #tpu.memory_space<vmem>>[vector<16xi32>], vector<16xf32>,
        %parallel_loop3A_686 = arith.constant 8.191000e+03 : f32
        %parallel_loop3A_687 = vector.broadcast %parallel_loop3A_686 : f32 to vector<16xf32>
        %parallel_loop3A_688 = arith.mulf %parallel_loop3A_123, %parallel_loop3A_687 : vector<16xf32>
        %parallel_loop3A_689 = arith.fptosi %parallel_loop3A_688 : vector<16xf32> to vector<16xi32>
        %parallel_loop3A_690 = arith.sitofp %parallel_loop3A_689 : vector<16xi32> to vector<16xf32>
        %parallel_loop3A_691 = arith.subf %parallel_loop3A_688, %parallel_loop3A_690 : vector<16xf32>
        %parallel_loop3A_692 = arith.constant 2 : i32
        %parallel_loop3A_693 = vector.broadcast %parallel_loop3A_692 : i32 to vector<16xi32>
        %parallel_loop3A_694 = arith.muli %parallel_loop3A_689, %parallel_loop3A_693 : vector<16xi32>
        %parallel_loop3A_695 = arith.constant 31808 : i32
        %parallel_loop3A_696 = vector.broadcast %parallel_loop3A_695 : i32 to vector<16xi32>
        %parallel_loop3A_697 = arith.addi %parallel_loop3A_694, %parallel_loop3A_696 : vector<16xi32>
        %parallel_loop3A_698 = tpu.vector_load_idx %arg5[%parallel_loop3A_697] : memref<48200xf32, #tpu.memory_space<vmem>>[vector<16xi32>], vector<16xf32>,
        %parallel_loop3A_699 = arith.constant 1 : i32
        %parallel_loop3A_700 = vector.broadcast %parallel_loop3A_699 : i32 to vector<16xi32>
        %parallel_loop3A_701 = arith.addi %parallel_loop3A_697, %parallel_loop3A_700 : vector<16xi32>
        %parallel_loop3A_702 = tpu.vector_load_idx %arg5[%parallel_loop3A_701] : memref<48200xf32, #tpu.memory_space<vmem>>[vector<16xi32>], vector<16xf32>,
        %parallel_loop3A_703 = arith.constant 2 : i32
        %parallel_loop3A_704 = vector.broadcast %parallel_loop3A_703 : i32 to vector<16xi32>
        %parallel_loop3A_705 = arith.addi %parallel_loop3A_697, %parallel_loop3A_704 : vector<16xi32>
        %parallel_loop3A_706 = tpu.vector_load_idx %arg5[%parallel_loop3A_705] : memref<48200xf32, #tpu.memory_space<vmem>>[vector<16xi32>], vector<16xf32>,
        %parallel_loop3A_707 = arith.constant 3 : i32
        %parallel_loop3A_708 = vector.broadcast %parallel_loop3A_707 : i32 to vector<16xi32>
        %parallel_loop3A_709 = arith.addi %parallel_loop3A_697, %parallel_loop3A_708 : vector<16xi32>
        %parallel_loop3A_710 = tpu.vector_load_idx %arg5[%parallel_loop3A_709] : memref<48200xf32, #tpu.memory_space<vmem>>[vector<16xi32>], vector<16xf32>,
        %parallel_loop3A_711 = arith.subf %parallel_loop3A_706, %parallel_loop3A_698 : vector<16xf32>
        %parallel_loop3A_712 = arith.mulf %parallel_loop3A_711, %parallel_loop3A_691 : vector<16xf32>
        %parallel_loop3A_713 = arith.addf %parallel_loop3A_698, %parallel_loop3A_712 : vector<16xf32>
        %parallel_loop3A_714 = arith.subf %parallel_loop3A_710, %parallel_loop3A_702 : vector<16xf32>
        %parallel_loop3A_715 = arith.mulf %parallel_loop3A_714, %parallel_loop3A_691 : vector<16xf32>
        %parallel_loop3A_716 = arith.addf %parallel_loop3A_702, %parallel_loop3A_715 : vector<16xf32>
        %parallel_loop3A_717 = arith.constant 30 : i32
        %parallel_loop3A_718 = vector.broadcast %parallel_loop3A_717 : i32 to vector<16xi32>
        %parallel_loop3A_719 = arith.addi %parallel_loop3A_130, %parallel_loop3A_718 : vector<16xi32>
        tpu.vector_store_idx %arg8[%parallel_loop3A_719], %parallel_loop3A_713 : memref<8448xf32, #tpu.memory_space<vmem>>[vector<16xi32>], vector<16xf32>,
        %parallel_loop3A_720 = arith.constant 31 : i32
        %parallel_loop3A_721 = vector.broadcast %parallel_loop3A_720 : i32 to vector<16xi32>
        %parallel_loop3A_722 = arith.addi %parallel_loop3A_130, %parallel_loop3A_721 : vector<16xi32>
        tpu.vector_store_idx %arg8[%parallel_loop3A_722], %parallel_loop3A_716 : memref<8448xf32, #tpu.memory_space<vmem>>[vector<16xi32>], vector<16xf32>,
      } {sc.loop_unroll_factor = 4 : i64, sc.parallel_access}
      %add3A_93 = arith.constant 2 : i32
      %add3A_94 = arith.addi %add3A_80, %add3A_93 : i32
      %lt3A_95 = arith.constant 128 : i32
      %lt3A_96 = arith.cmpi slt, %add3A_94, %lt3A_95 : i32
      %convert_element_type3A_97 = arith.extui %lt3A_96 : i1 to i32
      %cond3A_98 = arith.constant 0 : i32
      %cond3A_99 = arith.cmpi ne, %convert_element_type3A_97, %cond3A_98 : i32
      scf.if %cond3A_99 {
        %add3A_119 = arith.constant 2 : i32
        %add3A_120 = arith.addi %add3A_80, %add3A_119 : i32
        %mul3A_121 = arith.constant 256 : i32
        %mul3A_122 = arith.muli %add3A_120, %mul3A_121 : i32
        %add3A_123 = arith.addi %mul3A_2, %mul3A_122 : i32
        %multiple_of3A_124 = tpu.assume_multiple %add3A_123, 8 : i32
        %dma_start3A_125 = tpu.memref_slice %arg2[%multiple_of3A_124] : memref<1048576xf32, #tpu.memory_space<hbm>> -> memref<256xf32, #tpu.memory_space<hbm>>
        %dma_start3A_126 = tpu.memref_slice %arg2[%multiple_of3A_124] : memref<1048576xf32, #tpu.memory_space<hbm>> -> memref<256xf32, #tpu.memory_space<hbm>>
        tpu.enqueue_dma source(%dma_start3A_126 : memref<256xf32, #tpu.memory_space<hbm>>) target(%arg7 : memref<256xf32, #tpu.memory_space<vmem>>) target_semaphore(%arg14 : memref<!tpu.dma_semaphore, #tpu.memory_space<semaphore_mem>>)
      } else {
      }
      %ge3A_100 = arith.constant 2 : i32
      %ge3A_101 = arith.cmpi sge, %add3A_80, %ge3A_100 : i32
      %convert_element_type3A_102 = arith.extui %ge3A_101 : i1 to i32
      %cond3A_103 = arith.constant 0 : i32
      %cond3A_104 = arith.cmpi ne, %convert_element_type3A_102, %cond3A_103 : i32
      scf.if %cond3A_104 {
        %sub3A = arith.constant 512 : i32
        %sub3A_119 = arith.subi %add3A_83, %sub3A : i32
        %multiple_of3A_120 = tpu.assume_multiple %sub3A_119, 8 : i32
        %dma_wait3A_121 = arith.constant 0 : i32
        %dma_wait3A_122 = arith.constant 0 : i32
        %dma_wait3A_123 = tpu.memref_slice %arg10[%dma_wait3A_121, %dma_wait3A_122] : memref<256x128xf32, #tpu.memory_space<vmem>> -> memref<256x128xf32, #tpu.memory_space<vmem>>
        %dma_wait3A_124 = arith.constant 0 : i32
        %dma_wait3A_125 = tpu.memref_slice %arg4[%multiple_of3A_120, %dma_wait3A_124] : memref<1048576x128xf32, #tpu.memory_space<hbm>> -> memref<256x128xf32, #tpu.memory_space<hbm>>
        %dma_wait3A_126 = arith.constant 0 : i32
        %dma_wait3A_127 = tpu.memref_slice %arg4[%multiple_of3A_120, %dma_wait3A_126] : memref<1048576x128xf32, #tpu.memory_space<hbm>> -> memref<256x128xf32, #tpu.memory_space<hbm>>
        %dma_wait3A_128 = arith.constant 0 : i32
        %dma_wait3A_129 = arith.constant 0 : i32
        %dma_wait3A_130 = tpu.memref_slice %arg10[%dma_wait3A_128, %dma_wait3A_129] : memref<256x128xf32, #tpu.memory_space<vmem>> -> memref<256x128xf32, #tpu.memory_space<vmem>>
        tpu.wait_dma2 semaphore(%arg12 : memref<!tpu.dma_semaphore, #tpu.memory_space<semaphore_mem>>) src(%dma_wait3A_130 : memref<256x128xf32, #tpu.memory_space<vmem>>) dst(%dma_wait3A_127 : memref<256x128xf32, #tpu.memory_space<hbm>>)
      } else {
      }
      %parallel_loop3A_105 = arith.constant 0 : i32
      %parallel_loop3A_106 = arith.constant 256 : i32
      %parallel_loop3A_107 = arith.constant 1 : i32
      scf.for %parallel_loop3A_119 = %parallel_loop3A_105 to %parallel_loop3A_106 step %parallel_loop3A_107  : i32 {
        %parallel_loop3A_120 = arith.constant 33 : i32
        %parallel_loop3A_121 = arith.muli %parallel_loop3A_119, %parallel_loop3A_120 : i32
        %parallel_loop3A_122 = arith.index_cast %parallel_loop3A_121 : i32 to index
        %parallel_loop3A_123 = tpu.vector_load %arg8[%parallel_loop3A_122] {strides = array<i32>} : memref<8448xf32, #tpu.memory_space<vmem>>, vector<16xf32>,
        %parallel_loop3A_124 = arith.constant 33 : i32
        %parallel_loop3A_125 = arith.muli %parallel_loop3A_119, %parallel_loop3A_124 : i32
        %parallel_loop3A_126 = arith.constant 16 : i32
        %parallel_loop3A_127 = arith.addi %parallel_loop3A_125, %parallel_loop3A_126 : i32
        %parallel_loop3A_128 = arith.index_cast %parallel_loop3A_127 : i32 to index
        %parallel_loop3A_129 = tpu.vector_load %arg8[%parallel_loop3A_128] {strides = array<i32>} : memref<8448xf32, #tpu.memory_space<vmem>>, vector<16xf32>,
        %parallel_loop3A_130 = arith.index_cast %parallel_loop3A_119 : i32 to index
        %parallel_loop3A_131 = arith.constant 0 : index
        %parallel_loop3A_132 = tpu.vector_load %arg10[%parallel_loop3A_130, %parallel_loop3A_131] {strides = array<i32>} : memref<256x128xf32, #tpu.memory_space<vmem>>, vector<16xf32>,
        tpu.vector_store %arg10[%parallel_loop3A_130, %parallel_loop3A_131], %parallel_loop3A_123 {strides = array<i32>} : memref<256x128xf32, #tpu.memory_space<vmem>>, vector<16xf32>,
        %parallel_loop3A_133 = arith.index_cast %parallel_loop3A_119 : i32 to index
        %parallel_loop3A_134 = arith.constant 16 : index
        %parallel_loop3A_135 = tpu.vector_load %arg10[%parallel_loop3A_133, %parallel_loop3A_134] {strides = array<i32>} : memref<256x128xf32, #tpu.memory_space<vmem>>, vector<16xf32>,
        tpu.vector_store %arg10[%parallel_loop3A_133, %parallel_loop3A_134], %parallel_loop3A_129 {strides = array<i32>} : memref<256x128xf32, #tpu.memory_space<vmem>>, vector<16xf32>,
      } {sc.loop_unroll_factor = 16 : i64, sc.parallel_access}
      %multiple_of3A_108 = tpu.assume_multiple %add3A_83, 8 : i32
      %dma_start3A_109 = arith.constant 0 : i32
      %dma_start3A_110 = arith.constant 0 : i32
      %dma_start3A_111 = tpu.memref_slice %arg10[%dma_start3A_109, %dma_start3A_110] : memref<256x128xf32, #tpu.memory_space<vmem>> -> memref<256x128xf32, #tpu.memory_space<vmem>>
      %dma_start3A_112 = arith.constant 0 : i32
      %dma_start3A_113 = tpu.memref_slice %arg4[%multiple_of3A_108, %dma_start3A_112] : memref<1048576x128xf32, #tpu.memory_space<hbm>> -> memref<256x128xf32, #tpu.memory_space<hbm>>
      %dma_start3A_114 = arith.constant 0 : i32
      %dma_start3A_115 = tpu.memref_slice %arg4[%multiple_of3A_108, %dma_start3A_114] : memref<1048576x128xf32, #tpu.memory_space<hbm>> -> memref<256x128xf32, #tpu.memory_space<hbm>>
      %dma_start3A_116 = arith.constant 0 : i32
      %dma_start3A_117 = arith.constant 0 : i32
      %dma_start3A_118 = tpu.memref_slice %arg10[%dma_start3A_116, %dma_start3A_117] : memref<256x128xf32, #tpu.memory_space<vmem>> -> memref<256x128xf32, #tpu.memory_space<vmem>>
      tpu.enqueue_dma source(%dma_start3A_118 : memref<256x128xf32, #tpu.memory_space<vmem>>) target(%dma_start3A_115 : memref<256x128xf32, #tpu.memory_space<hbm>>) target_semaphore(%arg12 : memref<!tpu.dma_semaphore, #tpu.memory_space<semaphore_mem>>)
    }
    %scan3A_15 = arith.constant 64 : i32
    %add3A_16 = arith.constant 32256 : i32
    %add3A_17 = arith.addi %mul3A_2, %add3A_16 : i32
    %add3A_18 = arith.constant 32512 : i32
    %add3A_19 = arith.addi %mul3A_2, %add3A_18 : i32
    %multiple_of3A_20 = tpu.assume_multiple %add3A_17, 8 : i32
    %dma_wait3A = arith.constant 0 : i32
    %dma_wait3A_21 = arith.constant 0 : i32
    %dma_wait3A_22 = tpu.memref_slice %arg9[%dma_wait3A, %dma_wait3A_21] : memref<256x128xf32, #tpu.memory_space<vmem>> -> memref<256x128xf32, #tpu.memory_space<vmem>>
    %dma_wait3A_23 = arith.constant 0 : i32
    %dma_wait3A_24 = tpu.memref_slice %arg4[%multiple_of3A_20, %dma_wait3A_23] : memref<1048576x128xf32, #tpu.memory_space<hbm>> -> memref<256x128xf32, #tpu.memory_space<hbm>>
    %dma_wait3A_25 = arith.constant 0 : i32
    %dma_wait3A_26 = tpu.memref_slice %arg4[%multiple_of3A_20, %dma_wait3A_25] : memref<1048576x128xf32, #tpu.memory_space<hbm>> -> memref<256x128xf32, #tpu.memory_space<hbm>>
    %dma_wait3A_27 = arith.constant 0 : i32
    %dma_wait3A_28 = arith.constant 0 : i32
    %dma_wait3A_29 = tpu.memref_slice %arg9[%dma_wait3A_27, %dma_wait3A_28] : memref<256x128xf32, #tpu.memory_space<vmem>> -> memref<256x128xf32, #tpu.memory_space<vmem>>
    tpu.wait_dma2 semaphore(%arg11 : memref<!tpu.dma_semaphore, #tpu.memory_space<semaphore_mem>>) src(%dma_wait3A_29 : memref<256x128xf32, #tpu.memory_space<vmem>>) dst(%dma_wait3A_26 : memref<256x128xf32, #tpu.memory_space<hbm>>)
    %multiple_of3A_30 = tpu.assume_multiple %add3A_19, 8 : i32
    %dma_wait3A_31 = arith.constant 0 : i32
    %dma_wait3A_32 = arith.constant 0 : i32
    %dma_wait3A_33 = tpu.memref_slice %arg10[%dma_wait3A_31, %dma_wait3A_32] : memref<256x128xf32, #tpu.memory_space<vmem>> -> memref<256x128xf32, #tpu.memory_space<vmem>>
    %dma_wait3A_34 = arith.constant 0 : i32
    %dma_wait3A_35 = tpu.memref_slice %arg4[%multiple_of3A_30, %dma_wait3A_34] : memref<1048576x128xf32, #tpu.memory_space<hbm>> -> memref<256x128xf32, #tpu.memory_space<hbm>>
    %dma_wait3A_36 = arith.constant 0 : i32
    %dma_wait3A_37 = tpu.memref_slice %arg4[%multiple_of3A_30, %dma_wait3A_36] : memref<1048576x128xf32, #tpu.memory_space<hbm>> -> memref<256x128xf32, #tpu.memory_space<hbm>>
    %dma_wait3A_38 = arith.constant 0 : i32
    %dma_wait3A_39 = arith.constant 0 : i32
    %dma_wait3A_40 = tpu.memref_slice %arg10[%dma_wait3A_38, %dma_wait3A_39] : memref<256x128xf32, #tpu.memory_space<vmem>> -> memref<256x128xf32, #tpu.memory_space<vmem>>
    tpu.wait_dma2 semaphore(%arg12 : memref<!tpu.dma_semaphore, #tpu.memory_space<semaphore_mem>>) src(%dma_wait3A_40 : memref<256x128xf32, #tpu.memory_space<vmem>>) dst(%dma_wait3A_37 : memref<256x128xf32, #tpu.memory_space<hbm>>)
    return
  }
}

</mosaic_0001>

<sc_bundles>
// kernel: _hash_embed.3.cloned.1.call-start
scs
__scs_entry_jumppad:
0x0: {  	(pc) =	sbr.rel $0x88, $3  }
0x1: {  	(tag) =	ssettag $0x0;
	lr =	simm.s32 $0x1  }
0x2: {  	[smem:$0x3F9F] =	sst lr;
	_ =	strace $0xD0000000  }
0x3: {  	_ = 	snop  }
0x4: {  	_ = 	snop  }
0x5: {  	_ = 	snop  }
0x6: {  	_ = 	snop  }
0x7: {  	_ = 	snop  }
__scs_overlays_trampoline_lowered:
0x8: {  	[smem:$0x3FAE] =	sst s0  }
0x9: {  	[smem:$0x3FAF] =	sst s1  }
0xa: {  	[smem:$0x3FB0] =	sst s2  }
0xb: {  	[smem:$0x3FB1] =	sst s3  }
0xc: {  	[smem:$0x3FB2] =	sst s4  }
0xd: {  	[smem:$0x3FB3] =	sst s5  }
0xe: {  	[smem:$0x3FB4] =	sst s6  }
0xf: {  	[smem:$0x3FB5] =	sst s7  }
0x10: {  	[smem:$0x3FB6] =	sst s8  }
0x11: {  	[smem:$0x3FB7] =	sst s9;
	s0 =	simm.s32 @!p0 $0x0  }
0x12: {  	s1 =	sld [smem:$0x3F9D];
	s0 =	simm.s32 @p0 $0x1  }
0x13: {  	[smem:$0x3FB8] =	sst s0;
	s0 =	simm.s32 @!p1 $0x0  }
0x14: {  	s2 =	sld [smem:$0x3F9C];
	s0 =	simm.s32 @p1 $0x1  }
0x15: {  	[smem:$0x3FB9] =	sst s0;
	s0 =	simm.s32 @!p2 $0x0  }
0x16: {  	s3 =	sld [smem:$0x3FDB];
	s0 =	simm.s32 @p2 $0x1  }
0x17: {  	s4 =	simm.s32 $0x1BF5;
	[smem:$0x3FBB] =	sst s0  }
0x18: {  	s0 =	sld [smem:$0x3F9E];
	_ =	swait.ge [sflag:s4], $0x0  }
0x19: {  	s7 =	sld [smem:$0x3F9F]  }
0x1a: {  	s8 =	sadd.s32 $0xFFFFE003, lr  }
0x1b: {  	s9 =	sadd.s32 $0xFFFFFEF7, lr;
	s5 =	simm.s32 $0xFFFFFFFF;
	p2 =	slt.u32 s8, $0xFFFFF086  }
0x1c: {  	p1 =	slt.u32 s9, $0xF7A;
	s5 =	simm.s32 @!p2 $0x0  }
0x1d: {  	s5 =	simm.s32 @p1 $0x1;
	p0 =	seq.s32 s7, s2  }
0x1e: {  	s7 =	smul.u32 @!p0 $0xF7A, s2;
	p2 =	seq.s32 @!p0 s5, $0x0  }
0x1f: {  	s9 =	smul.u32 $0xF7A, s1;
	s8 =	simm.s32 @!p0 $0x1BF5;
	p2 =	por !p2, p0  }
0x20: {  	[sflag:s8] =	ssyncset.s32 @!p0 $0xFFFFF086;
	s6 =	sadd.s32 @!p0 s3, s7;
	s7 =	simm.s32 @!p0 $0x108  }
0x21: {  	s3 =	sadd.s32 s3, s9;
	s6 =	sadd.s32 @!p0 $0x88, s6;
	s7 =	simm.s32 @p2 $0x1082  }
0x22: {  	[simem:s7], [sflag:s8] =	dma.local @!p0 [hbm:s6], $0xF7A  }
0x23: {  	s9 =	sor.u32 $0xD0000000, s2;
	s6 =	simm.s32 $0x108;
	_ =	swait.ge @!p0 [sflag:s8], $0x0  }
0x24: {  	s3 =	sadd.s32 $0x88, s3;
	s6 =	simm.s32 @!p1 $0x1082;
	[sflag:s4] =	ssyncset.s32 $0xFFFFF086  }
0x25: {  	[simem:s6], [sflag:s4] =	dma.local [hbm:s3], $0xF7A  }
0x26: {  	[smem:$0x3F9F] =	sst s1;
	(tag) =	ssettag s2;
	_ =	strace s9  }
0x27: {  	s1 =	sld [smem:$0x3FAF]  }
0x28: {  	s2 =	sld [smem:$0x3FB0]  }
0x29: {  	s4 =	sld [smem:$0x3FB2]  }
0x2a: {  	p0 =	seq.s32 s5, $0x0;
	s5 =	sld [smem:$0x3FB3]  }
0x2b: {  	s6 =	sld [smem:$0x3FB4]  }
0x2c: {  	s7 =	sld [smem:$0x3FB5]  }
0x2d: {  	s3 =	simm.s32 $0x108;
	s8 =	sld [smem:$0x3FB6]  }
0x2e: {  	s3 =	simm.s32 @!p0 $0x1082;
	s9 =	sld [smem:$0x3FB7]  }
0x2f: {  	lr =	sadd.s32 s0, s3;
	s0 =	sld [smem:$0x3FAE]  }
0x30: {  	s3 =	sld [smem:$0x3FB1]  }
0x31: {  	[smem:$0x3FBA] =	sst s10  }
0x32: {  	s10 =	sld [smem:$0x3FB8];
	_ =	sdelay $0x3  }
0x33: {  	p0 =	seq.s32 s10, $0x1;
	s10 =	sld [smem:$0x3FBA];
	_ =	sdelay $0x3  }
0x34: {  	[smem:$0x3FBA] =	sst s10  }
0x35: {  	s10 =	sld [smem:$0x3FB9];
	_ =	sdelay $0x3  }
0x36: {  	p1 =	seq.s32 s10, $0x1;
	s10 =	sld [smem:$0x3FBA];
	_ =	sdelay $0x3  }
0x37: {  	[smem:$0x3FBA] =	sst s10  }
0x38: {  	s10 =	sld [smem:$0x3FBB]  }
0x39: {  	_ = 	snop;
	(pc) =	sbr.ind lr, $3  }
0x3a: {  	_ = 	snop  }
0x3b: {  	_ = 	snop  }
0x3c: {  	p2 =	seq.s32 s10, $0x1;
	s10 =	sld [smem:$0x3FBA]  }
0x3d: {  	_ =	shalt  }
0x3e: {  	_ =	shalt  }
0x3f: {  	_ =	shalt  }
0x40: {  	_ =	shalt  }
0x41: {  	_ =	shalt  }
0x42: {  	_ =	shalt  }
0x43: {  	_ =	shalt  }
0x44: {  	_ =	shalt  }
0x45: {  	_ =	shalt  }
0x46: {  	_ =	shalt  }
0x47: {  	_ =	shalt  }
0x48: {  	_ =	shalt  }
0x49: {  	_ =	shalt  }
0x4a: {  	_ =	shalt  }
0x4b: {  	_ =	shalt  }
0x4c: {  	_ =	shalt  }
0x4d: {  	_ =	shalt  }
0x4e: {  	_ =	shalt  }
0x4f: {  	_ =	shalt  }
0x50: {  	_ =	shalt  }
0x51: {  	_ =	shalt  }
0x52: {  	_ =	shalt  }
0x53: {  	_ =	shalt  }
0x54: {  	_ =	shalt  }
0x55: {  	_ =	shalt  }
0x56: {  	_ =	shalt  }
0x57: {  	_ =	shalt  }
0x58: {  	_ =	shalt  }
0x59: {  	_ =	shalt  }
0x5a: {  	_ =	shalt  }
0x5b: {  	_ =	shalt  }
0x5c: {  	_ =	shalt  }
0x5d: {  	_ =	shalt  }
0x5e: {  	_ =	shalt  }
0x5f: {  	_ =	shalt  }
0x60: {  	_ =	shalt  }
0x61: {  	_ =	shalt  }
0x62: {  	_ =	shalt  }
0x63: {  	_ =	shalt  }
0x64: {  	_ =	shalt  }
0x65: {  	_ =	shalt  }
0x66: {  	_ =	shalt  }
0x67: {  	_ =	shalt  }
0x68: {  	_ =	shalt  }
0x69: {  	_ =	shalt  }
0x6a: {  	_ =	shalt  }
0x6b: {  	_ =	shalt  }
0x6c: {  	_ =	shalt  }
0x6d: {  	_ =	shalt  }
0x6e: {  	_ =	shalt  }
0x6f: {  	_ =	shalt  }
0x70: {  	_ =	shalt  }
0x71: {  	_ =	shalt  }
0x72: {  	_ =	shalt  }
0x73: {  	_ =	shalt  }
0x74: {  	_ =	shalt  }
0x75: {  	_ =	shalt  }
0x76: {  	_ =	shalt  }
0x77: {  	_ =	shalt  }
0x78: {  	_ =	shalt  }
0x79: {  	_ =	shalt  }
0x7a: {  	_ =	shalt  }
0x7b: {  	_ =	shalt  }
0x7c: {  	_ =	shalt  }
0x7d: {  	_ =	shalt  }
0x7e: {  	_ =	shalt  }
0x7f: {  	_ =	shalt  }
0x80: {  	_ =	shalt  }
0x81: {  	_ =	shalt  }
0x82: {  	_ =	shalt  }
0x83: {  	_ =	shalt  }
0x84: {  	_ =	shalt  }
0x85: {  	_ =	shalt  }
0x86: {  	_ =	shalt  }
0x87: {  	_ =	shalt  }
.Lfunc_end0:
.L_simem_size_0:
called_computation_lowered:
.L_overlay_start_0:
0x88: {  	s2 =	sld [smem:$0x3FD9]  }
0x89: {  	s3 =	sld [smem:$0x3FFE];
	_ =	sdelay $0x1  }
0x8a: {  	s1 =	srdreg.scid  }
0x8b: {  	s0 =	sand.u32 $0x1, s1  }
0x8c: {  	s18 =	sshll.u32 s0, $0xA;
	s2 =	sadd.s32 s3, s2  }
0x8d: {  	s2 =	sadd.s32 s2, s18  }
0x8e: {  	[smem:$0x3FC6] =	sst s2  }
0x8f: {  	_ = 	snop  }
0x90: {  	s2 =	sld [smem:$0x3FC9]  }
0x91: {  	s19 =	sld [smem:$0x3FC8]  }
0x92: {  	s4 =	sld [smem:$0x3FD0];
	(tm) =	ssettm $0x1  }
0x93: {  	s5 =	sld [smem:$0x3FFB];
	_ =	sdelay $0x3  }
0x94: {  	_ =	strace s5  }
0x95: {  	s5 =	sld [smem:$0x3FFC];
	_ =	sdelay $0x3  }
0x96: {  	_ =	strace s5  }
0x97: {  	s5 =	sld [smem:$0x3FFD];
	_ =	sdelay $0x3  }
0x98: {  	_ =	strace s5  }
0x99: {  	_ =	strace $0x8FFFFFFF  }
0x9a: {  	s20 =	sld [smem:$0x3FDB];
	_ =	sdelay $0x1  }
0x9b: {  	s6 =	simm.s32 $_scs_section_size  }
0x9c: {  	s7 =	simm.s32 $_size__tile_overlayer_lowered;
	s8 =	simm.s32 $_tile_overlayer_lowered  }
0x9d: {  	s23 =	simm.s32 $0x1BFF;
	s22 =	sshll.u32 s8, $0x1;
	s5 =	sadd.s32 s6, s20  }
0x9e: {  	s9 =	simm.s32 $0x0;
	s21 =	sshll.u32 s7, $0x1;
	s7 =	sadd.s32 s22, s5  }
0x9f: {  	[timem:s9], [sflag:s23] =	dma.local [hbm:s7], s21  }
0xa0: {  	_ =	swait.ge [sflag:s23], s21  }
0xa1: {  	s6 =	ssub.s32 $0x0, s21;
	[sflag:s23] =	ssyncset.done $0x0  }
0xa2: {  	[sflag:s23] =	ssyncadd.s32 s6;
	_ =	sdelay $0x1  }
0xa3: {  	s24 =	simm.s32 $0x1B8B  }
0xa4: {  	_ =	swait.ge [sflag:s24], $0x1  }
0xa5: {  	[sflag:s24] =	ssyncset.done $0x0  }
0xa6: {  	s25 =	simm.s32 $0x1B8E;
	[sflag:s24] =	ssyncadd.s32 $0xFFFFFFFF  }
0xa7: {  	s26 =	simm.s32 $execute0_lowered;
	[smem:$0x3FD2] =	sst s25  }
0xa8: {  	s6 =	sshll.u32 s26, $0x1;
	_ =	strace $0x80000046;
	[dreg:$0x1] =	wrdreg $0xFFFFFFFF  }
0xa9: {  	s28 =	simm.s32 $_size_execute0_lowered;
	s5 =	sadd.s32 s5, s6;
	[dreg:$0x0] =	wrdreg $0x0  }
0xaa: {  	s6 =	sshll.u32 s28, $0x1;
	[dreg:$0x2] =	wrdreg s5  }
0xab: {  	[dreg:$0x3] =	wrdreg s6  }
0xac: {  	[dreg:$0x4] =	wrdreg $0xC0  }
0xad: {  	_ =	task [dreg:s9], $0x5FFFF  }
0xae: {  	[dreg:$0x1] =	wrdreg $0xFFFFFFFF  }
0xaf: {  	[dreg:$0x0] =	wrdreg $0x60  }
0xb0: {  	[dreg:$0x2] =	wrdreg s2  }
0xb1: {  	[dreg:$0x3] =	wrdreg s19  }
0xb2: {  	[dreg:$0x4] =	wrdreg s4  }
0xb3: {  	[dreg:$0x5] =	wrdreg $0x9  }
0xb4: {  	_ =	task.clear_ibuf [dreg:s9], $0x6FFFF;
	_ =	strace $0x90000046  }
0xb5: {  	s29 =	simm.s32 $0x9;
	_ =	strace $0x80000048  }
0xb6: {  	_ =	swait.ge [sflag:s29], $0x1  }
0xb7: {  	[sflag:s29] =	ssyncadd.s32 $0xFFFFFFFF  }
0xb8: {  	_ =	strace $0x90000048  }
0xb9: {  	_ =	sfence  }
0xba: {  	s30 =	sld [smem:$0x0];
	_ =	sdelay $0x2  }
0xbb: {  	s31 =	sshll.u32 s1, $0xD;
	s1 =	sshrl.u32 s1, $0x2  }
0xbc: {  	s3 =	sand.u32 $0x4000, s31;
	s1 =	sadd.s32 s1, s30  }
0xbd: {  	s0 =	sor.u32 s3, s0;
	s1 =	sshll.u32 s1, $0x11  }
0xbe: {  	s0 =	sor.u32 s1, s0  }
0xbf: {  	s0 =	sadd.s32 $0x8F2B, s0  }
0xc0: {  	[sflag:s0] =	ssyncadd.remote.s32 $0x1  }
0xc1: {  	_ =	sfence.sel $0xFFFF  }
0xc2: {  	[dreg:$0x0] =	wrdreg $0xFFFFFFFF;
	(pc) =	sbr.abs _section_cstart, $3  }
0xc3: {  	[dreg:$0x1] =	wrdreg $0xFFFFFFFF  }
0xc4: {  	_ =	task.clear_ibuf [dreg:s9], $0x2FFFF;
	_ =	strace $0x9FFFFFFF  }
0xc5: {  	(tm) =	ssettm $0x7FFFFFFF  }
tec
execute0_lowered:
.L_overlay_start_1:
0x0: {  	(tag) =	ssettag $0x1  }
0x1: {  	s1 =	rddreg [dreg:$0x0]  }
0x2: {  	v0 =	vlaneseq.u32;
	s2 =	rddreg [dreg:$0x1]  }
0x3: {  	s4 =	rddreg [dreg:$0x2];
	s5 =	simm.s32 $0x0;
	v3 =	vmul.u32 $0x21, v0  }
0x4: {  	s3 =	srdreg.scid;
	[smem:$0x7FF] =	sst s5  }
0x5: {  	s7 =	sand.u32 $0x1, s3;
	s3 =	rddreg [dreg:$0x3];
	_ =	strace $0x80000047;
	v5 =	vadd.s32 $0x2, v3;
	[tilespmem:$0x1FFF0] =	vst v3  }
0x6: {  	v7 =	vadd.s32 $0x3, v3;
	[tilespmem:$0x1FE10] =	vst v5  }
0x7: {  	v8 =	vadd.s32 $0x4, v3;
	[tilespmem:$0x1FE20] =	vst v7  }
0x8: {  	v9 =	vadd.s32 $0x5, v3;
	[tilespmem:$0x1FE30] =	vst v8  }
0x9: {  	v10 =	vadd.s32 $0x6, v3;
	[tilespmem:$0x1FE40] =	vst v9  }
0xa: {  	v11 =	vadd.s32 $0x7, v3;
	[tilespmem:$0x1FE50] =	vst v10  }
0xb: {  	v12 =	vadd.s32 $0x8, v3;
	[tilespmem:$0x1FE60] =	vst v11  }
0xc: {  	v13 =	vadd.s32 $0x9, v3;
	[tilespmem:$0x1FE70] =	vst v12  }
0xd: {  	v14 =	vadd.s32 $0xA, v3;
	[tilespmem:$0x1FE80] =	vst v13  }
0xe: {  	v15 =	vadd.s32 $0xB, v3;
	[tilespmem:$0x1FE90] =	vst v14  }
0xf: {  	v16 =	vadd.s32 $0xC, v3;
	[tilespmem:$0x1FEA0] =	vst v15  }
0x10: {  	v17 =	vadd.s32 $0xD, v3;
	[tilespmem:$0x1FEB0] =	vst v16  }
0x11: {  	v18 =	vadd.s32 $0xE, v3;
	[tilespmem:$0x1FEC0] =	vst v17  }
0x12: {  	v19 =	vadd.s32 $0xF, v3;
	[tilespmem:$0x1FED0] =	vst v18  }
0x13: {  	v20 =	vadd.s32 $0x10, v3;
	[tilespmem:$0x1FEE0] =	vst v19  }
0x14: {  	v21 =	vadd.s32 $0x11, v3;
	[tilespmem:$0x1FEF0] =	vst v20  }
0x15: {  	v22 =	vadd.s32 $0x12, v3;
	[tilespmem:$0x1FF00] =	vst v21  }
0x16: {  	v23 =	vadd.s32 $0x13, v3;
	[tilespmem:$0x1FF10] =	vst v22  }
0x17: {  	v24 =	vadd.s32 $0x14, v3;
	[tilespmem:$0x1FF20] =	vst v23  }
0x18: {  	v25 =	vadd.s32 $0x15, v3;
	[tilespmem:$0x1FF30] =	vst v24  }
0x19: {  	v26 =	vadd.s32 $0x16, v3;
	[tilespmem:$0x1FF40] =	vst v25  }
0x1a: {  	v27 =	vadd.s32 $0x17, v3;
	[tilespmem:$0x1FF50] =	vst v26  }
0x1b: {  	s0 =	stileid.u32;
	s13 =	simm.s32 $0x5;
	v28 =	vadd.s32 $0x18, v3;
	[tilespmem:$0x1FF60] =	vst v27  }
0x1c: {  	s14 =	simm.s32 $0xBC80;
	s15 =	simm.s32 $0xBD80;
	s16 =	simm.s32 $0x3;
	v29 =	vadd.s32 $0x19, v3;
	[tilespmem:$0x1FF70] =	vst v28  }
0x1d: {  	s17 =	simm.s32 $0xBE80;
	s18 =	simm.s32 $0xDF80;
	s19 =	simm.s32 $0x4;
	v30 =	vadd.s32 $0x1A, v3;
	[tilespmem:$0x1FF80] =	vst v29  }
0x1e: {  	s20 =	simm.s32 $0x15F80;
	s21 =	simm.s32 $0x1;
	s22 =	simm.s32 $0x2;
	v31 =	vadd.s32 $0x1B, v3;
	[tilespmem:$0x1FF90] =	vst v30  }
0x1f: {  	s6 =	sshll.u32 s0, $0x10;
	s8 =	sshll.u32 s7, $0xF;
	s30 =	ssub.s32 $0x2, s7;
	v6 =	vadd.s32 $0x1C, v3;
	[tilespmem:$0x1FFA0] =	vst v31  }
0x20: {  	s23 =	simm.s32 $0x0;
	s6 =	sor.u32 s8, s6;
	s9 =	sshrl.u32 s30, $0x1;
	v63 =	vadd.s32 $0x1D, v3;
	[tilespmem:$0x1FFB0] =	vst v6  }
0x21: {  	v56 =	vadd.s32 $0x1E, v3;
	s31 =	sshrl.u32 s6, $0x3;
	s12 =	ssub.s32 s30, s9;
	s10 =	sshll.u32 s6, $0x4;
	[tilespmem:$0x1FFC0] =	vst v63  }
0x22: {  	v54 =	vadd.s32 $0x1F, v3;
	s9 =	sor.u32 $0x200, s6;
	s11 =	sor.u32 $0x300, s6;
	[tilespmem:$0x1FFD0] =	vst v56;
	s7 =	sadd.s32 s1, s31  }
0x23: {  	v4 =	vadd.s32 $0x1, v3;
	[tilespmem:$0x1FFE0] =	vst v54;
	s10 =	sadd.s32 s4, s10;
	s12 =	smax.u32 s12, $0x1;
	s8 =	sadd.s32 $0x20, s7  }
.LBB2_1:
0x24: {  	[tilespmem:s5], [sflag:$0x5] =	stream.linear.gather [hbm4b:s2+s5], $0xBC80, $0x38;
	[tilespmem:$0x1DF80] =	vst v63  }
0x25: {  	_ =	swait.ge [sflag:s13], $0xBC80  }
0x26: {  	[sflag:s13] =	ssyncset.done $0x0  }
0x27: {  	[sflag:s13] =	ssyncadd.s32 $0xFFFF4380  }
0x28: {  	[tilespmem:s14], [sflag:$0x3] =	stream.linear.gather [hbm4b:s7+s5], $0x100, $0x38;
	[tilespmem:$0x1DF80] =	vst v63  }
0x29: {  	s24 =	simm.s32 $0x0  }
0x2a: {  	[tilespmem:s15], [sflag:$0x4] =	stream.linear.gather [hbm4b:s8+s5], $0x100, $0x38;
	[tilespmem:$0x1DF80] =	vst v63  }
.LBB2_2:
0x2b: {  	_ =	swait.ge [sflag:s16], $0x100  }
0x2c: {  	s25 =	simm.s32 $0xFFFFFFFC;
	[sflag:s16] =	ssyncset.done $0x0  }
0x2d: {  	s26 =	simm.s32 $0x0;
	s28 =	simm.s32 $0xBCA0;
	[sflag:s16] =	ssyncadd.s32 $0xFFFFFF00  }
.LBB2_3:
0x2e: {  	v33 =	vld [tilespmem:s28+$0xFFFFFFE0];
	_ =	sdelay $0x4  }
0x2f: {  	v32 =	vmul.f32 $1.600000000e+01, v33;
	_ =	sdelay $0x1  }
0x30: {  	v34 =	vtrunc.f32 v32  }
0x31: {  	v34 =	vcvt.f32.s32 v34;
	_ =	sdelay $0x1  }
0x32: {  	v35 =	vshll.u32 v34, $0x1  }
0x33: {  	v36 =	vor.u32 $0x1, v35  }
0x34: {  	v37 =	vadd.s32 $0x2, v35  }
0x35: {  	v38 =	vadd.s32 $0x3, v35;
	_ =	sdelay $0x1  }
0x36: {  	v35 =	vld.idx.msk [tilespmem:v35+s5+$0x0], $0xffff  }
0x37: {  	v36 =	vld.idx.msk [tilespmem:v36+s5+$0x0], $0xffff  }
0x38: {  	v37 =	vld.idx.msk [tilespmem:v37+s5+$0x0], $0xffff  }
0x39: {  	v38 =	vld.idx.msk [tilespmem:v38+s5+$0x0], $0xffff  }
0x3a: {  	v39 =	vmul.f32 $2.400000000e+01, v33  }
0x3b: {  	v34 =	vcvt.s32.f32 v34  }
0x3c: {  	v40 =	vtrunc.f32 v39  }
0x3d: {  	v47 =	vcvt.f32.s32 v40;
	v32 =	vsub.f32 v32, v34;
	v46 =	vsub.f32 v37, v35  }
0x3e: {  	v48 =	vadd.s32 s26, v3;
	v38 =	vsub.f32 v38, v36  }
0x3f: {  	v41 =	vadd.s32 s26, v4;
	v42 =	vshll.u32 v47, $0x1;
	v34 =	vmul.f32 v32, v46  }
0x40: {  	v49 =	vadd.s32 $0x28, v42;
	v32 =	vmul.f32 v38, v32  }
0x41: {  	v50 =	vadd.s32 $0x29, v42;
	v34 =	vadd.f32 v34, v35  }
0x42: {  	v51 =	vadd.s32 $0x2A, v42;
	v32 =	vadd.f32 v32, v36  }
0x43: {  	v52 =	vadd.s32 $0x2B, v42;
	[tilespmem:v48+s17+$0x0] =	vst.idx.msk $0xffff, v34  }
0x44: {  	[tilespmem:v41+s17+$0x0] =	vst.idx.msk $0xffff, v32  }
0x45: {  	v32 =	vld.idx.msk [tilespmem:v49+s5+$0x0], $0xffff  }
0x46: {  	v35 =	vld.idx.msk [tilespmem:v50+s5+$0x0], $0xffff  }
0x47: {  	v36 =	vld.idx.msk [tilespmem:v51+s5+$0x0], $0xffff  }
0x48: {  	v34 =	vld.idx.msk [tilespmem:v52+s5+$0x0], $0xffff  }
0x49: {  	v53 =	vmul.f32 $3.600000000e+01, v33  }
0x4a: {  	v37 =	vcvt.s32.f32 v47  }
0x4b: {  	v54 =	vtrunc.f32 v53  }
0x4c: {  	v55 =	vcvt.f32.s32 v54;
	v37 =	vsub.f32 v39, v37;
	v36 =	vsub.f32 v36, v32  }
0x4d: {  	v56 =	vadd.s32 s26, v5;
	v34 =	vsub.f32 v34, v35  }
0x4e: {  	v57 =	vadd.s32 s26, v7;
	v58 =	vshll.u32 v55, $0x1;
	v36 =	vmul.f32 v36, v37  }
0x4f: {  	v59 =	vadd.s32 $0x60, v58;
	v34 =	vmul.f32 v34, v37  }
0x50: {  	v60 =	vadd.s32 $0x61, v58;
	v32 =	vadd.f32 v36, v32  }
0x51: {  	v61 =	vadd.s32 $0x62, v58;
	v34 =	vadd.f32 v34, v35  }
0x52: {  	v62 =	vadd.s32 $0x63, v58;
	[tilespmem:v56+s17+$0x0] =	vst.idx.msk $0xffff, v32  }
0x53: {  	[tilespmem:v57+s17+$0x0] =	vst.idx.msk $0xffff, v34  }
0x54: {  	v34 =	vld.idx.msk [tilespmem:v59+s5+$0x0], $0xffff  }
0x55: {  	v36 =	vld.idx.msk [tilespmem:v60+s5+$0x0], $0xffff  }
0x56: {  	v35 =	vld.idx.msk [tilespmem:v61+s5+$0x0], $0xffff  }
0x57: {  	v32 =	vld.idx.msk [tilespmem:v62+s5+$0x0], $0xffff  }
0x58: {  	v63 =	vmul.f32 $5.500000000e+01, v33  }
0x59: {  	v39 =	vcvt.s32.f32 v55  }
0x5a: {  	v44 =	vtrunc.f32 v63  }
0x5b: {  	v45 =	vcvt.f32.s32 v44;
	v38 =	vsub.f32 v53, v39;
	v35 =	vsub.f32 v35, v34  }
0x5c: {  	v46 =	vadd.s32 s26, v8;
	v32 =	vsub.f32 v32, v36  }
0x5d: {  	v47 =	vadd.s32 s26, v9;
	v48 =	vshll.u32 v45, $0x1;
	v35 =	vmul.f32 v35, v38  }
0x5e: {  	v49 =	vadd.s32 $0xB0, v48;
	v32 =	vmul.f32 v32, v38  }
0x5f: {  	v50 =	vadd.s32 $0xB1, v48;
	v34 =	vadd.f32 v35, v34  }
0x60: {  	v51 =	vadd.s32 $0xB2, v48;
	v32 =	vadd.f32 v32, v36  }
0x61: {  	v52 =	vadd.s32 $0xB3, v48;
	[tilespmem:v46+s17+$0x0] =	vst.idx.msk $0xffff, v34  }
0x62: {  	[tilespmem:v47+s17+$0x0] =	vst.idx.msk $0xffff, v32  }
0x63: {  	v32 =	vld.idx.msk [tilespmem:v49+s5+$0x0], $0xffff  }
0x64: {  	v35 =	vld.idx.msk [tilespmem:v50+s5+$0x0], $0xffff  }
0x65: {  	v36 =	vld.idx.msk [tilespmem:v51+s5+$0x0], $0xffff  }
0x66: {  	v34 =	vld.idx.msk [tilespmem:v52+s5+$0x0], $0xffff  }
0x67: {  	v53 =	vmul.f32 $8.400000000e+01, v33  }
0x68: {  	v39 =	vcvt.s32.f32 v45  }
0x69: {  	v54 =	vtrunc.f32 v53  }
0x6a: {  	v55 =	vcvt.f32.s32 v54;
	v37 =	vsub.f32 v63, v39;
	v36 =	vsub.f32 v36, v32  }
0x6b: {  	v56 =	vadd.s32 s26, v10;
	v34 =	vsub.f32 v34, v35  }
0x6c: {  	v58 =	vshll.u32 v55, $0x1;
	v57 =	vadd.s32 s26, v11;
	v36 =	vmul.f32 v36, v37  }
0x6d: {  	v59 =	vadd.s32 $0x128, v58;
	v34 =	vmul.f32 v34, v37  }
0x6e: {  	v60 =	vadd.s32 $0x129, v58;
	v32 =	vadd.f32 v36, v32  }
0x6f: {  	v61 =	vadd.s32 $0x12A, v58;
	v34 =	vadd.f32 v34, v35  }
0x70: {  	v62 =	vadd.s32 $0x12B, v58;
	[tilespmem:v56+s17+$0x0] =	vst.idx.msk $0xffff, v32  }
0x71: {  	[tilespmem:v57+s17+$0x0] =	vst.idx.msk $0xffff, v34  }
0x72: {  	v34 =	vld.idx.msk [tilespmem:v59+s5+$0x0], $0xffff  }
0x73: {  	v36 =	vld.idx.msk [tilespmem:v60+s5+$0x0], $0xffff  }
0x74: {  	v35 =	vld.idx.msk [tilespmem:v61+s5+$0x0], $0xffff  }
0x75: {  	v32 =	vld.idx.msk [tilespmem:v62+s5+$0x0], $0xffff  }
0x76: {  	v63 =	vmul.f32 $1.270000000e+02, v33  }
0x77: {  	v39 =	vcvt.s32.f32 v55  }
0x78: {  	v46 =	vtrunc.f32 v63  }
0x79: {  	v38 =	vsub.f32 v53, v39;
	v47 =	vcvt.f32.s32 v46;
	v35 =	vsub.f32 v35, v34  }
0x7a: {  	v49 =	vadd.s32 s26, v12;
	v48 =	vsub.f32 v32, v36;
	v32 =	vld [tilespmem:s28+$0xFFFFFFF0]  }
0x7b: {  	v50 =	vadd.s32 s26, v13;
	v43 =	vshll.u32 v47, $0x1;
	v35 =	vmul.f32 v35, v38  }
0x7c: {  	v51 =	vadd.s32 $0x1D8, v43;
	v38 =	vmul.f32 v48, v38  }
0x7d: {  	v53 =	vadd.s32 $0x1DA, v43;
	v34 =	vadd.f32 v35, v34  }
0x7e: {  	v52 =	vadd.s32 $0x1D9, v43;
	v36 =	vadd.f32 v38, v36  }
0x7f: {  	v54 =	vadd.s32 $0x1DB, v43;
	v55 =	vmul.f32 $1.600000000e+01, v32;
	[tilespmem:v49+s17+$0x0] =	vst.idx.msk $0xffff, v34  }
0x80: {  	[tilespmem:v50+s17+$0x0] =	vst.idx.msk $0xffff, v36  }
0x81: {  	v56 =	vtrunc.f32 v55;
	v40 =	vld.idx.msk [tilespmem:v51+s5+$0x0], $0xffff  }
0x82: {  	v38 =	vld.idx.msk [tilespmem:v53+s5+$0x0], $0xffff;
	v41 =	vcvt.f32.s32 v56  }
0x83: {  	v35 =	vld.idx.msk [tilespmem:v52+s5+$0x0], $0xffff  }
0x84: {  	v39 =	vcvt.s32.f32 v47;
	v34 =	vld.idx.msk [tilespmem:v54+s5+$0x0], $0xffff;
	v58 =	vshll.u32 v41, $0x1  }
0x85: {  	v57 =	vmul.f32 $1.940000000e+02, v33;
	v44 =	vor.u32 $0x1, v58  }
0x86: {  	v37 =	vsub.f32 v63, v39;
	v45 =	vadd.s32 $0x2, v58  }
0x87: {  	v59 =	vtrunc.f32 v57;
	v46 =	vadd.s32 $0x3, v58;
	v38 =	vsub.f32 v38, v40  }
0x88: {  	v47 =	vadd.s32 s26, v14;
	v39 =	vcvt.f32.s32 v59  }
0x89: {  	v34 =	vsub.f32 v34, v35;
	v38 =	vmul.f32 v38, v37;
	v43 =	vld.idx.msk [tilespmem:v58+s5+$0x0], $0xffff  }
0x8a: {  	v48 =	vadd.s32 s26, v15;
	v49 =	vshll.u32 v39, $0x1;
	v44 =	vld.idx.msk [tilespmem:v44+s5+$0x0], $0xffff  }
0x8b: {  	v60 =	vadd.s32 $0x2E0, v49;
	v34 =	vmul.f32 v34, v37;
	v45 =	vld.idx.msk [tilespmem:v45+s5+$0x0], $0xffff;
	v38 =	vadd.f32 v38, v40  }
0x8c: {  	v61 =	vadd.s32 $0x2E1, v49;
	v46 =	vld.idx.msk [tilespmem:v46+s5+$0x0], $0xffff  }
0x8d: {  	v62 =	vadd.s32 $0x2E2, v49;
	v34 =	vadd.f32 v34, v35;
	[tilespmem:v47+s17+$0x0] =	vst.idx.msk $0xffff, v38;
	v47 =	vmul.f32 $2.400000000e+01, v32  }
0x8e: {  	v63 =	vadd.s32 $0x2E3, v49;
	v49 =	vcvt.s32.f32 v41  }
0x8f: {  	[tilespmem:v48+s17+$0x0] =	vst.idx.msk $0xffff, v34;
	v50 =	vtrunc.f32 v47  }
0x90: {  	s29 =	sadd.s32 $0x210, s26;
	v34 =	vsub.f32 v55, v49;
	v37 =	vld.idx.msk [tilespmem:v60+s5+$0x0], $0xffff;
	v51 =	vsub.f32 v45, v43;
	v41 =	vcvt.f32.s32 v50  }
0x91: {  	v52 =	vadd.s32 s29, v3;
	v40 =	vld.idx.msk [tilespmem:v61+s5+$0x0], $0xffff;
	v46 =	vsub.f32 v46, v44  }
0x92: {  	v53 =	vadd.s32 s29, v4;
	v35 =	vld.idx.msk [tilespmem:v62+s5+$0x0], $0xffff;
	v36 =	vmul.f32 v34, v51;
	v54 =	vshll.u32 v41, $0x1  }
0x93: {  	v39 =	vcvt.s32.f32 v39;
	v38 =	vld.idx.msk [tilespmem:v63+s5+$0x0], $0xffff;
	v34 =	vmul.f32 v46, v34;
	v55 =	vadd.s32 $0x28, v54  }
0x94: {  	v50 =	vmul.f32 $2.940000000e+02, v33;
	v36 =	vadd.f32 v36, v43;
	v56 =	vadd.s32 $0x29, v54  }
0x95: {  	v34 =	vadd.f32 v34, v44;
	v58 =	vadd.s32 $0x2A, v54  }
0x96: {  	v39 =	vsub.f32 v57, v39;
	v57 =	vtrunc.f32 v50;
	v59 =	vadd.s32 $0x2B, v54;
	[tilespmem:v52+s17+$0x0] =	vst.idx.msk $0xffff, v36  }
0x97: {  	v43 =	vcvt.f32.s32 v57;
	v35 =	vsub.f32 v35, v37;
	[tilespmem:v53+s17+$0x0] =	vst.idx.msk $0xffff, v34  }
0x98: {  	v60 =	vadd.s32 s26, v16;
	v38 =	vsub.f32 v38, v40;
	v46 =	vld.idx.msk [tilespmem:v55+s5+$0x0], $0xffff  }
0x99: {  	v62 =	vadd.s32 s26, v17;
	v63 =	vshll.u32 v43, $0x1;
	v61 =	vmul.f32 v35, v39;
	v42 =	vld.idx.msk [tilespmem:v56+s5+$0x0], $0xffff  }
0x9a: {  	v38 =	vmul.f32 v38, v39;
	v49 =	vadd.s32 $0x468, v63;
	v44 =	vld.idx.msk [tilespmem:v58+s5+$0x0], $0xffff  }
0x9b: {  	v51 =	vadd.s32 $0x469, v63;
	v34 =	vadd.f32 v61, v37;
	v36 =	vld.idx.msk [tilespmem:v59+s5+$0x0], $0xffff  }
0x9c: {  	v45 =	vmul.f32 $3.600000000e+01, v32;
	v52 =	vadd.s32 $0x46A, v63;
	v38 =	vadd.f32 v38, v40  }
0x9d: {  	v54 =	vcvt.s32.f32 v41;
	v53 =	vadd.s32 $0x46B, v63;
	[tilespmem:v60+s17+$0x0] =	vst.idx.msk $0xffff, v34  }
0x9e: {  	v55 =	vtrunc.f32 v45;
	[tilespmem:v62+s17+$0x0] =	vst.idx.msk $0xffff, v38  }
0x9f: {  	v35 =	vsub.f32 v47, v54;
	v39 =	vcvt.f32.s32 v55;
	v38 =	vld.idx.msk [tilespmem:v49+s5+$0x0], $0xffff;
	v56 =	vsub.f32 v44, v46  }
0xa0: {  	v57 =	vadd.s32 s29, v5;
	v37 =	vld.idx.msk [tilespmem:v51+s5+$0x0], $0xffff;
	v36 =	vsub.f32 v36, v42  }
0xa1: {  	v58 =	vadd.s32 s29, v7;
	v59 =	vshll.u32 v39, $0x1;
	v40 =	vld.idx.msk [tilespmem:v52+s5+$0x0], $0xffff;
	v41 =	vmul.f32 v56, v35  }
0xa2: {  	v34 =	vld.idx.msk [tilespmem:v53+s5+$0x0], $0xffff;
	v60 =	vadd.s32 $0x60, v59;
	v35 =	vmul.f32 v36, v35  }
0xa3: {  	v49 =	vmul.f32 $4.450000000e+02, v33;
	v61 =	vadd.s32 $0x61, v59;
	v41 =	vadd.f32 v41, v46  }
0xa4: {  	v43 =	vcvt.s32.f32 v43;
	v63 =	vadd.s32 $0x62, v59;
	v35 =	vadd.f32 v35, v42  }
0xa5: {  	v51 =	vadd.s32 $0x63, v59;
	v62 =	vtrunc.f32 v49;
	[tilespmem:v57+s17+$0x0] =	vst.idx.msk $0xffff, v41  }
0xa6: {  	v43 =	vsub.f32 v50, v43;
	v50 =	vcvt.f32.s32 v62;
	v40 =	vsub.f32 v40, v38;
	[tilespmem:v58+s17+$0x0] =	vst.idx.msk $0xffff, v35  }
0xa7: {  	v52 =	vadd.s32 s26, v18;
	v34 =	vsub.f32 v34, v37;
	v36 =	vld.idx.msk [tilespmem:v60+s5+$0x0], $0xffff  }
0xa8: {  	v54 =	vadd.s32 s26, v19;
	v55 =	vshll.u32 v50, $0x1;
	v53 =	vmul.f32 v40, v43;
	v46 =	vld.idx.msk [tilespmem:v61+s5+$0x0], $0xffff  }
0xa9: {  	v56 =	vadd.s32 $0x6B8, v55;
	v34 =	vmul.f32 v34, v43;
	v42 =	vld.idx.msk [tilespmem:v63+s5+$0x0], $0xffff  }
0xaa: {  	v57 =	vadd.s32 $0x6B9, v55;
	v35 =	vadd.f32 v53, v38;
	v41 =	vld.idx.msk [tilespmem:v51+s5+$0x0], $0xffff  }
0xab: {  	v44 =	vmul.f32 $5.500000000e+01, v32;
	v58 =	vadd.s32 $0x6BA, v55;
	v34 =	vadd.f32 v34, v37  }
0xac: {  	v59 =	vadd.s32 $0x6BB, v55;
	v60 =	vcvt.s32.f32 v39;
	[tilespmem:v52+s17+$0x0] =	vst.idx.msk $0xffff, v35  }
0xad: {  	v61 =	vtrunc.f32 v44;
	[tilespmem:v54+s17+$0x0] =	vst.idx.msk $0xffff, v34  }
0xae: {  	v40 =	vcvt.f32.s32 v61;
	v34 =	vsub.f32 v45, v60;
	v39 =	vld.idx.msk [tilespmem:v56+s5+$0x0], $0xffff;
	v42 =	vsub.f32 v42, v36  }
0xaf: {  	v63 =	vadd.s32 s29, v8;
	v38 =	vld.idx.msk [tilespmem:v57+s5+$0x0], $0xffff;
	v41 =	vsub.f32 v41, v46  }
0xb0: {  	v52 =	vadd.s32 s29, v9;
	v53 =	vshll.u32 v40, $0x1;
	v37 =	vld.idx.msk [tilespmem:v58+s5+$0x0], $0xffff;
	v42 =	vmul.f32 v42, v34  }
0xb1: {  	v62 =	vcvt.s32.f32 v50;
	v35 =	vld.idx.msk [tilespmem:v59+s5+$0x0], $0xffff;
	v54 =	vadd.s32 $0xB0, v53;
	v34 =	vmul.f32 v41, v34  }
0xb2: {  	v50 =	vmul.f32 $6.750000000e+02, v33;
	v55 =	vadd.s32 $0xB1, v53;
	v36 =	vadd.f32 v42, v36  }
0xb3: {  	v57 =	vadd.s32 $0xB2, v53;
	v34 =	vadd.f32 v34, v46  }
0xb4: {  	v56 =	vtrunc.f32 v50;
	v58 =	vadd.s32 $0xB3, v53;
	[tilespmem:v63+s17+$0x0] =	vst.idx.msk $0xffff, v36  }
0xb5: {  	v43 =	vsub.f32 v49, v62;
	v49 =	vcvt.f32.s32 v56;
	v37 =	vsub.f32 v37, v39;
	[tilespmem:v52+s17+$0x0] =	vst.idx.msk $0xffff, v34  }
0xb6: {  	v59 =	vadd.s32 s26, v20;
	v35 =	vsub.f32 v35, v38;
	v41 =	vld.idx.msk [tilespmem:v54+s5+$0x0], $0xffff  }
0xb7: {  	v61 =	vadd.s32 s26, v21;
	v62 =	vshll.u32 v49, $0x1;
	v60 =	vmul.f32 v37, v43;
	v42 =	vld.idx.msk [tilespmem:v55+s5+$0x0], $0xffff  }
0xb8: {  	v35 =	vmul.f32 v35, v43;
	v63 =	vadd.s32 $0xA38, v62;
	v46 =	vld.idx.msk [tilespmem:v57+s5+$0x0], $0xffff  }
0xb9: {  	v48 =	vadd.s32 $0xA39, v62;
	v34 =	vadd.f32 v60, v39;
	v36 =	vld.idx.msk [tilespmem:v58+s5+$0x0], $0xffff  }
0xba: {  	v45 =	vmul.f32 $8.400000000e+01, v32;
	v51 =	vadd.s32 $0xA3A, v62;
	v35 =	vadd.f32 v35, v38  }
0xbb: {  	v53 =	vcvt.s32.f32 v40;
	v52 =	vadd.s32 $0xA3B, v62;
	[tilespmem:v59+s17+$0x0] =	vst.idx.msk $0xffff, v34  }
0xbc: {  	v54 =	vtrunc.f32 v45;
	[tilespmem:v61+s17+$0x0] =	vst.idx.msk $0xffff, v35  }
0xbd: {  	v40 =	vcvt.f32.s32 v54;
	v35 =	vsub.f32 v44, v53;
	v37 =	vld.idx.msk [tilespmem:v63+s5+$0x0], $0xffff;
	v55 =	vsub.f32 v46, v41  }
0xbe: {  	v57 =	vadd.s32 s29, v10;
	v39 =	vld.idx.msk [tilespmem:v48+s5+$0x0], $0xffff;
	v36 =	vsub.f32 v36, v42  }
0xbf: {  	v58 =	vadd.s32 s29, v11;
	v59 =	vshll.u32 v40, $0x1;
	v38 =	vld.idx.msk [tilespmem:v51+s5+$0x0], $0xffff;
	v43 =	vmul.f32 v55, v35  }
0xc0: {  	v56 =	vcvt.s32.f32 v49;
	v34 =	vld.idx.msk [tilespmem:v52+s5+$0x0], $0xffff;
	v60 =	vadd.s32 $0x128, v59;
	v35 =	vmul.f32 v36, v35  }
0xc1: {  	v49 =	vmul.f32 $1.023000000e+03, v33;
	v61 =	vadd.s32 $0x129, v59;
	v41 =	vadd.f32 v43, v41  }
0xc2: {  	v63 =	vadd.s32 $0x12A, v59;
	v35 =	vadd.f32 v35, v42  }
0xc3: {  	v62 =	vtrunc.f32 v49;
	v52 =	vadd.s32 $0x12B, v59;
	[tilespmem:v57+s17+$0x0] =	vst.idx.msk $0xffff, v41  }
0xc4: {  	v44 =	vsub.f32 v50, v56;
	v50 =	vcvt.f32.s32 v62;
	v38 =	vsub.f32 v38, v37;
	[tilespmem:v58+s17+$0x0] =	vst.idx.msk $0xffff, v35  }
0xc5: {  	v53 =	vadd.s32 s26, v22;
	v34 =	vsub.f32 v34, v39;
	v36 =	vld.idx.msk [tilespmem:v60+s5+$0x0], $0xffff  }
0xc6: {  	v56 =	vshll.u32 v50, $0x1;
	v55 =	vadd.s32 s26, v23;
	v54 =	vmul.f32 v38, v44;
	v43 =	vld.idx.msk [tilespmem:v61+s5+$0x0], $0xffff  }
0xc7: {  	v34 =	vmul.f32 v34, v44;
	v57 =	vadd.s32 $0xF88, v56;
	v42 =	vld.idx.msk [tilespmem:v63+s5+$0x0], $0xffff  }
0xc8: {  	v58 =	vadd.s32 $0xF89, v56;
	v35 =	vadd.f32 v54, v37;
	v41 =	vld.idx.msk [tilespmem:v52+s5+$0x0], $0xffff  }
0xc9: {  	v46 =	vmul.f32 $1.270000000e+02, v32;
	v59 =	vadd.s32 $0xF8A, v56;
	v34 =	vadd.f32 v34, v39  }
0xca: {  	v60 =	vadd.s32 $0xF8B, v56;
	v61 =	vcvt.s32.f32 v40;
	[tilespmem:v53+s17+$0x0] =	vst.idx.msk $0xffff, v35  }
0xcb: {  	v62 =	vtrunc.f32 v46;
	[tilespmem:v55+s17+$0x0] =	vst.idx.msk $0xffff, v34  }
0xcc: {  	v40 =	vcvt.f32.s32 v62;
	v34 =	vsub.f32 v45, v61;
	v38 =	vld.idx.msk [tilespmem:v57+s5+$0x0], $0xffff;
	v42 =	vsub.f32 v42, v36  }
0xcd: {  	v52 =	vadd.s32 s29, v12;
	v37 =	vld.idx.msk [tilespmem:v58+s5+$0x0], $0xffff;
	v41 =	vsub.f32 v41, v43  }
0xce: {  	v53 =	vadd.s32 s29, v13;
	v54 =	vshll.u32 v40, $0x1;
	v39 =	vld.idx.msk [tilespmem:v59+s5+$0x0], $0xffff;
	v42 =	vmul.f32 v42, v34  }
0xcf: {  	v63 =	vcvt.s32.f32 v50;
	v55 =	vadd.s32 $0x1D8, v54;
	v35 =	vld.idx.msk [tilespmem:v60+s5+$0x0], $0xffff;
	v34 =	vmul.f32 v41, v34  }
0xd0: {  	v50 =	vmul.f32 $1.552000000e+03, v33;
	v56 =	vadd.s32 $0x1D9, v54;
	v36 =	vadd.f32 v42, v36  }
0xd1: {  	v58 =	vadd.s32 $0x1DA, v54;
	v34 =	vadd.f32 v34, v43  }
0xd2: {  	v57 =	vtrunc.f32 v50;
	v59 =	vadd.s32 $0x1DB, v54;
	[tilespmem:v52+s17+$0x0] =	vst.idx.msk $0xffff, v36  }
0xd3: {  	v44 =	vsub.f32 v49, v63;
	v49 =	vcvt.f32.s32 v57;
	v39 =	vsub.f32 v39, v38;
	[tilespmem:v53+s17+$0x0] =	vst.idx.msk $0xffff, v34  }
0xd4: {  	v60 =	vadd.s32 s26, v24;
	v35 =	vsub.f32 v35, v37;
	v41 =	vld.idx.msk [tilespmem:v55+s5+$0x0], $0xffff  }
0xd5: {  	v62 =	vadd.s32 s26, v25;
	v63 =	vshll.u32 v49, $0x1;
	v61 =	vmul.f32 v39, v44;
	v42 =	vld.idx.msk [tilespmem:v56+s5+$0x0], $0xffff  }
0xd6: {  	v48 =	vadd.s32 $0x1790, v63;
	v35 =	vmul.f32 v35, v44;
	v43 =	vld.idx.msk [tilespmem:v58+s5+$0x0], $0xffff  }
0xd7: {  	v51 =	vadd.s32 $0x1791, v63;
	v34 =	vadd.f32 v61, v38;
	v36 =	vld.idx.msk [tilespmem:v59+s5+$0x0], $0xffff  }
0xd8: {  	v45 =	vmul.f32 $1.940000000e+02, v32;
	v52 =	vadd.s32 $0x1792, v63;
	v35 =	vadd.f32 v35, v37  }
0xd9: {  	v54 =	vcvt.s32.f32 v40;
	v53 =	vadd.s32 $0x1793, v63;
	[tilespmem:v60+s17+$0x0] =	vst.idx.msk $0xffff, v34  }
0xda: {  	v55 =	vtrunc.f32 v45;
	[tilespmem:v62+s17+$0x0] =	vst.idx.msk $0xffff, v35  }
0xdb: {  	v40 =	vcvt.f32.s32 v55;
	v35 =	vsub.f32 v46, v54;
	v39 =	vld.idx.msk [tilespmem:v48+s5+$0x0], $0xffff;
	v43 =	vsub.f32 v43, v41  }
0xdc: {  	v57 =	vadd.s32 s29, v14;
	v38 =	vld.idx.msk [tilespmem:v51+s5+$0x0], $0xffff;
	v36 =	vsub.f32 v36, v42  }
0xdd: {  	v58 =	vadd.s32 s29, v15;
	v59 =	vshll.u32 v40, $0x1;
	v37 =	vld.idx.msk [tilespmem:v52+s5+$0x0], $0xffff;
	v43 =	vmul.f32 v43, v35  }
0xde: {  	v56 =	vcvt.s32.f32 v49;
	v34 =	vld.idx.msk [tilespmem:v53+s5+$0x0], $0xffff;
	v60 =	vadd.s32 $0x2E0, v59;
	v35 =	vmul.f32 v36, v35  }
0xdf: {  	v49 =	vmul.f32 $2.352000000e+03, v33;
	v61 =	vadd.s32 $0x2E1, v59;
	v41 =	vadd.f32 v43, v41  }
0xe0: {  	v63 =	vadd.s32 $0x2E2, v59;
	v35 =	vadd.f32 v35, v42  }
0xe1: {  	v62 =	vtrunc.f32 v49;
	v48 =	vadd.s32 $0x2E3, v59;
	[tilespmem:v57+s17+$0x0] =	vst.idx.msk $0xffff, v41  }
0xe2: {  	v44 =	vsub.f32 v50, v56;
	v50 =	vcvt.f32.s32 v62;
	v37 =	vsub.f32 v37, v39;
	[tilespmem:v58+s17+$0x0] =	vst.idx.msk $0xffff, v35  }
0xe3: {  	v51 =	vadd.s32 s26, v26;
	v34 =	vsub.f32 v34, v38;
	v36 =	vld.idx.msk [tilespmem:v60+s5+$0x0], $0xffff  }
0xe4: {  	v53 =	vadd.s32 s26, v27;
	v54 =	vshll.u32 v50, $0x1;
	v52 =	vmul.f32 v37, v44;
	v43 =	vld.idx.msk [tilespmem:v61+s5+$0x0], $0xffff  }
0xe5: {  	v55 =	vadd.s32 $0x23B8, v54;
	v34 =	vmul.f32 v34, v44;
	v42 =	vld.idx.msk [tilespmem:v63+s5+$0x0], $0xffff  }
0xe6: {  	v57 =	vadd.s32 $0x23BA, v54;
	v35 =	vadd.f32 v52, v39;
	v41 =	vld.idx.msk [tilespmem:v48+s5+$0x0], $0xffff  }
0xe7: {  	v46 =	vmul.f32 $2.940000000e+02, v32;
	v34 =	vadd.f32 v34, v38  }
0xe8: {  	v59 =	vcvt.s32.f32 v40;
	[tilespmem:v51+s17+$0x0] =	vst.idx.msk $0xffff, v35  }
0xe9: {  	v56 =	vadd.s32 $0x23B9, v54;
	v58 =	vadd.s32 $0x23BB, v54;
	v60 =	vtrunc.f32 v46;
	[tilespmem:v53+s17+$0x0] =	vst.idx.msk $0xffff, v34  }
0xea: {  	v40 =	vcvt.f32.s32 v60;
	v34 =	vsub.f32 v45, v59;
	v37 =	vld.idx.msk [tilespmem:v55+s5+$0x0], $0xffff;
	v42 =	vsub.f32 v42, v36  }
0xeb: {  	v61 =	vadd.s32 s29, v16;
	v38 =	vld.idx.msk [tilespmem:v57+s5+$0x0], $0xffff;
	v41 =	vsub.f32 v41, v43  }
0xec: {  	v62 =	vadd.s32 s29, v17;
	v63 =	vshll.u32 v40, $0x1;
	v42 =	vmul.f32 v42, v34  }
0xed: {  	v52 =	vadd.s32 $0x468, v63;
	v34 =	vmul.f32 v41, v34  }
0xee: {  	v53 =	vcvt.s32.f32 v50;
	v39 =	vld.idx.msk [tilespmem:v56+s5+$0x0], $0xffff;
	v54 =	vadd.s32 $0x469, v63;
	v36 =	vadd.f32 v42, v36  }
0xef: {  	v35 =	vld.idx.msk [tilespmem:v58+s5+$0x0], $0xffff;
	v55 =	vadd.s32 $0x46A, v63;
	v34 =	vadd.f32 v34, v43  }
0xf0: {  	v56 =	vadd.s32 $0x46B, v63;
	v48 =	vsub.f32 v49, v53;
	v38 =	vsub.f32 v38, v37;
	[tilespmem:v61+s17+$0x0] =	vst.idx.msk $0xffff, v36  }
0xf1: {  	v44 =	vmul.f32 $3.565000000e+03, v33;
	[tilespmem:v62+s17+$0x0] =	vst.idx.msk $0xffff, v34  }
0xf2: {  	v57 =	vmul.f32 v38, v48;
	v38 =	vld.idx.msk [tilespmem:v52+s5+$0x0], $0xffff  }
0xf3: {  	v58 =	vtrunc.f32 v44;
	v42 =	vld.idx.msk [tilespmem:v54+s5+$0x0], $0xffff  }
0xf4: {  	v45 =	vmul.f32 $4.450000000e+02, v32;
	v41 =	vcvt.f32.s32 v58;
	v43 =	vld.idx.msk [tilespmem:v55+s5+$0x0], $0xffff  }
0xf5: {  	v59 =	vadd.s32 s26, v28;
	v40 =	vcvt.s32.f32 v40;
	v35 =	vsub.f32 v35, v39;
	v36 =	vld.idx.msk [tilespmem:v56+s5+$0x0], $0xffff  }
0xf6: {  	v51 =	vtrunc.f32 v45;
	v60 =	vshll.u32 v41, $0x1;
	v61 =	vadd.s32 s26, v29  }
0xf7: {  	v40 =	vsub.f32 v46, v40;
	v63 =	vadd.s32 $0x3621, v60;
	v35 =	vmul.f32 v35, v48  }
0xf8: {  	v46 =	vcvt.f32.s32 v51;
	v62 =	vadd.s32 $0x3620, v60;
	v34 =	vadd.f32 v57, v37  }
0xf9: {  	v35 =	vadd.f32 v35, v39;
	v56 =	vadd.s32 $0x3622, v60;
	v43 =	vsub.f32 v43, v38  }
0xfa: {  	v39 =	vadd.s32 $0x3623, v60;
	v57 =	vadd.s32 s29, v18;
	[tilespmem:v59+s17+$0x0] =	vst.idx.msk $0xffff, v34;
	v36 =	vsub.f32 v36, v42  }
0xfb: {  	v52 =	vshll.u32 v46, $0x1;
	v59 =	vadd.s32 s29, v19;
	v34 =	vld [tilespmem:s28+$0x0];
	[tilespmem:v61+s17+$0x0] =	vst.idx.msk $0xffff, v35;
	v58 =	vmul.f32 v43, v40  }
0xfc: {  	v61 =	vadd.s32 $0x6B8, v52;
	v47 =	vld.idx.msk [tilespmem:v63+s5+$0x0], $0xffff;
	v60 =	vmul.f32 v36, v40  }
0xfd: {  	v40 =	vld.idx.msk [tilespmem:v62+s5+$0x0], $0xffff;
	v62 =	vadd.s32 $0x6B9, v52;
	v37 =	vadd.f32 v58, v38  }
0xfe: {  	v63 =	vadd.s32 $0x6BA, v52;
	v53 =	vld.idx.msk [tilespmem:v56+s5+$0x0], $0xffff;
	v35 =	vadd.f32 v60, v42  }
0xff: {  	v54 =	vadd.s32 $0x6BB, v52;
	v39 =	vld.idx.msk [tilespmem:v39+s5+$0x0], $0xffff;
	[tilespmem:v57+s17+$0x0] =	vst.idx.msk $0xffff, v37  }
0x100: {  	v55 =	vcvt.s32.f32 v41;
	v41 =	vmul.f32 $1.600000000e+01, v34;
	[tilespmem:v59+s17+$0x0] =	vst.idx.msk $0xffff, v35;
	v35 =	vld [tilespmem:s28+$0x10]  }
0x101: {  	v36 =	vld.idx.msk [tilespmem:v61+s5+$0x0], $0xffff  }
0x102: {  	s30 =	sadd.s32 $0x420, s26;
	v2 =	vadd.s32 s26, v31;
	v57 =	vtrunc.f32 v41;
	v49 =	vld.idx.msk [tilespmem:v62+s5+$0x0], $0xffff  }
0x103: {  	v0 =	vadd.s32 s30, v4;
	v46 =	vcvt.s32.f32 v46;
	v50 =	vcvt.f32.s32 v57;
	v42 =	vld.idx.msk [tilespmem:v63+s5+$0x0], $0xffff  }
0x104: {  	v56 =	vsub.f32 v44, v55;
	v43 =	vmul.f32 $5.404000000e+03, v33;
	v39 =	vsub.f32 v39, v47;
	v37 =	vld.idx.msk [tilespmem:v54+s5+$0x0], $0xffff  }
0x105: {  	v45 =	vsub.f32 v45, v46;
	v58 =	vsub.f32 v53, v40;
	v60 =	vshll.u32 v50, $0x1  }
0x106: {  	v59 =	vtrunc.f32 v43;
	v38 =	vmul.f32 v39, v56;
	v53 =	vor.u32 $0x1, v60  }
0x107: {  	v48 =	vcvt.f32.s32 v59;
	v44 =	vmul.f32 v58, v56;
	v62 =	vadd.s32 $0x2, v60  }
0x108: {  	v54 =	vmul.f32 $6.750000000e+02, v32;
	v55 =	vadd.s32 $0x3, v60;
	v42 =	vsub.f32 v42, v36  }
0x109: {  	v39 =	vadd.f32 v44, v40;
	v44 =	vmul.f32 $1.600000000e+01, v35;
	v37 =	vsub.f32 v37, v49  }
0x10a: {  	v38 =	vadd.f32 v38, v47;
	v61 =	vcvt.s32.f32 v48;
	v47 =	vld.idx.msk [tilespmem:v60+s5+$0x0], $0xffff;
	v42 =	vmul.f32 v42, v45  }
0x10b: {  	v46 =	vadd.s32 s29, v20;
	v56 =	vtrunc.f32 v44;
	v45 =	vmul.f32 v37, v45;
	v53 =	vld.idx.msk [tilespmem:v53+s5+$0x0], $0xffff  }
0x10c: {  	v37 =	vsub.f32 v43, v61;
	v43 =	vcvt.f32.s32 v56;
	v36 =	vadd.f32 v42, v36;
	v42 =	vld.idx.msk [tilespmem:v62+s5+$0x0], $0xffff  }
0x10d: {  	v57 =	vadd.s32 s29, v21;
	v50 =	vcvt.s32.f32 v50;
	v63 =	vtrunc.f32 v54;
	v52 =	vld.idx.msk [tilespmem:v55+s5+$0x0], $0xffff  }
0x10e: {  	v51 =	vcvt.f32.s32 v63;
	v55 =	vmul.f32 $2.400000000e+01, v34;
	v56 =	vshll.u32 v43, $0x1  }
0x10f: {  	v41 =	vsub.f32 v41, v50;
	v45 =	vadd.f32 v45, v49;
	v59 =	vor.u32 $0x1, v56  }
0x110: {  	v49 =	vshll.u32 v51, $0x1;
	v50 =	vtrunc.f32 v55;
	v60 =	vadd.s32 $0x2, v56  }
0x111: {  	v50 =	vcvt.f32.s32 v50;
	v61 =	vadd.s32 $0x3, v56;
	v42 =	vsub.f32 v42, v47  }
0x112: {  	v63 =	vadd.s32 s30, v3;
	v58 =	vadd.s32 $0xA38, v49;
	v52 =	vsub.f32 v52, v53  }
0x113: {  	v62 =	vadd.s32 $0xA3A, v49;
	v1 =	vshll.u32 v50, $0x1;
	v56 =	vld.idx.msk [tilespmem:v56+s5+$0x0], $0xffff;
	v42 =	vmul.f32 v41, v42  }
0x114: {  	v40 =	vadd.s32 s26, v30;
	v59 =	vld.idx.msk [tilespmem:v59+s5+$0x0], $0xffff;
	v41 =	vmul.f32 v52, v41;
	v52 =	vadd.s32 $0x28, v1  }
0x115: {  	[tilespmem:v46+s17+$0x0] =	vst.idx.msk $0xffff, v36;
	v36 =	vshll.u32 v48, $0x1;
	v48 =	vld.idx.msk [tilespmem:v60+s5+$0x0], $0xffff;
	v46 =	vadd.f32 v42, v47;
	v47 =	vadd.s32 $0x29, v1  }
0x116: {  	[tilespmem:v57+s17+$0x0] =	vst.idx.msk $0xffff, v45;
	v50 =	vcvt.s32.f32 v50;
	v57 =	vld.idx.msk [tilespmem:v61+s5+$0x0], $0xffff;
	v45 =	vadd.f32 v41, v53;
	v53 =	vadd.s32 $0x2A, v1  }
0x117: {  	v51 =	vcvt.s32.f32 v51;
	v58 =	vld.idx.msk [tilespmem:v58+s5+$0x0], $0xffff;
	v1 =	vadd.s32 $0x2B, v1;
	[tilespmem:v63+s17+$0x0] =	vst.idx.msk $0xffff, v46;
	v46 =	vmul.f32 $2.400000000e+01, v35  }
0x118: {  	v50 =	vsub.f32 v55, v50;
	v60 =	vadd.s32 $0xA39, v49;
	v61 =	vld.idx.msk [tilespmem:v62+s5+$0x0], $0xffff;
	[tilespmem:v0+s17+$0x0] =	vst.idx.msk $0xffff, v45;
	v0 =	vcvt.s32.f32 v43  }
0x119: {  	v43 =	vsub.f32 v54, v51;
	v45 =	vadd.s32 $0xA3B, v49;
	v49 =	vld.idx.msk [tilespmem:v52+s5+$0x0], $0xffff;
	v54 =	vtrunc.f32 v46  }
0x11a: {  	s31 =	sadd.s32 $0x630, s26;
	v62 =	vsub.f32 v48, v56;
	v47 =	vld.idx.msk [tilespmem:v47+s5+$0x0], $0xffff;
	v0 =	vsub.f32 v44, v0;
	v48 =	vcvt.f32.s32 v54  }
0x11b: {  	v42 =	vadd.s32 $0x5200, v36;
	v52 =	vadd.s32 s31, v3;
	v51 =	vld.idx.msk [tilespmem:v53+s5+$0x0], $0xffff;
	v53 =	vsub.f32 v57, v59  }
0x11c: {  	v1 =	vld.idx.msk [tilespmem:v1+s5+$0x0], $0xffff;
	v54 =	vadd.s32 s31, v4;
	v44 =	vmul.f32 v0, v62;
	v57 =	vshll.u32 v48, $0x1  }
0x11d: {  	v60 =	vld.idx.msk [tilespmem:v60+s5+$0x0], $0xffff;
	v62 =	vmul.f32 $3.600000000e+01, v34;
	v0 =	vmul.f32 v53, v0;
	v53 =	vadd.s32 $0x28, v57  }
0x11e: {  	v41 =	vadd.s32 $0x5202, v36;
	v45 =	vld.idx.msk [tilespmem:v45+s5+$0x0], $0xffff;
	v55 =	vadd.s32 $0x29, v57;
	v44 =	vadd.f32 v44, v56  }
0x11f: {  	v56 =	vtrunc.f32 v62;
	v0 =	vadd.f32 v0, v59;
	v59 =	vadd.s32 $0x2A, v57  }
0x120: {  	v51 =	vsub.f32 v51, v49;
	v56 =	vcvt.f32.s32 v56;
	[tilespmem:v52+s17+$0x0] =	vst.idx.msk $0xffff, v44;
	v44 =	vadd.s32 $0x2B, v57  }
0x121: {  	v61 =	vsub.f32 v61, v58;
	v1 =	vsub.f32 v1, v47;
	v57 =	vadd.s32 s30, v5;
	[tilespmem:v54+s17+$0x0] =	vst.idx.msk $0xffff, v0  }
0x122: {  	v0 =	vmul.f32 v51, v50;
	v51 =	vadd.s32 s30, v7;
	v54 =	vshll.u32 v56, $0x1;
	v53 =	vld.idx.msk [tilespmem:v53+s5+$0x0], $0xffff  }
0x123: {  	v1 =	vmul.f32 v1, v50;
	v45 =	vsub.f32 v45, v60;
	v50 =	vadd.s32 $0x60, v54;
	v55 =	vld.idx.msk [tilespmem:v55+s5+$0x0], $0xffff  }
0x124: {  	v52 =	vmul.f32 v61, v43;
	v61 =	vadd.s32 $0x61, v54;
	v0 =	vadd.f32 v0, v49;
	v59 =	vld.idx.msk [tilespmem:v59+s5+$0x0], $0xffff  }
0x125: {  	v1 =	vadd.f32 v1, v47;
	v43 =	vmul.f32 v45, v43;
	v45 =	vadd.s32 $0x62, v54;
	v44 =	vld.idx.msk [tilespmem:v44+s5+$0x0], $0xffff  }
0x126: {  	v56 =	vcvt.s32.f32 v56;
	[tilespmem:v57+s17+$0x0] =	vst.idx.msk $0xffff, v0;
	v0 =	vadd.s32 $0x63, v54;
	v54 =	vmul.f32 $3.600000000e+01, v35  }
0x127: {  	v52 =	vadd.f32 v52, v58;
	v58 =	vadd.s32 s31, v5;
	[tilespmem:v51+s17+$0x0] =	vst.idx.msk $0xffff, v1;
	v1 =	vcvt.s32.f32 v48  }
0x128: {  	v47 =	vmul.f32 $1.023000000e+03, v32;
	v43 =	vadd.f32 v43, v60;
	v50 =	vld.idx.msk [tilespmem:v50+s5+$0x0], $0xffff;
	v60 =	vtrunc.f32 v54  }
0x129: {  	v49 =	vld.idx.msk [tilespmem:v61+s5+$0x0], $0xffff;
	v1 =	vsub.f32 v46, v1;
	v61 =	vsub.f32 v59, v53;
	v57 =	vcvt.f32.s32 v60  }
0x12a: {  	v56 =	vsub.f32 v62, v56;
	v48 =	vadd.s32 s29, v22;
	v45 =	vld.idx.msk [tilespmem:v45+s5+$0x0], $0xffff;
	v44 =	vsub.f32 v44, v55  }
0x12b: {  	v59 =	vadd.s32 s31, v7;
	v0 =	vld.idx.msk [tilespmem:v0+s5+$0x0], $0xffff;
	v46 =	vmul.f32 v61, v1;
	v60 =	vshll.u32 v57, $0x1  }
0x12c: {  	v61 =	vmul.f32 $5.500000000e+01, v34;
	v1 =	vmul.f32 v44, v1;
	v44 =	vadd.s32 $0x60, v60  }
0x12d: {  	v51 =	vtrunc.f32 v47;
	v46 =	vadd.f32 v46, v53;
	v53 =	vadd.s32 $0x61, v60  }
0x12e: {  	v62 =	vtrunc.f32 v61;
	v1 =	vadd.f32 v1, v55;
	v55 =	vadd.s32 $0x62, v60  }
0x12f: {  	v62 =	vcvt.f32.s32 v62;
	v45 =	vsub.f32 v45, v50;
	[tilespmem:v58+s17+$0x0] =	vst.idx.msk $0xffff, v46;
	v46 =	vadd.s32 $0x63, v60  }
0x130: {  	v51 =	vcvt.f32.s32 v51;
	v58 =	vadd.s32 s30, v8;
	v0 =	vsub.f32 v0, v49;
	[tilespmem:v59+s17+$0x0] =	vst.idx.msk $0xffff, v1  }
0x131: {  	[tilespmem:v40+s17+$0x0] =	vst.idx.msk $0xffff, v39;
	v1 =	vmul.f32 v45, v56;
	v45 =	vadd.s32 s30, v9;
	v59 =	vshll.u32 v62, $0x1;
	v44 =	vld.idx.msk [tilespmem:v44+s5+$0x0], $0xffff  }
0x132: {  	[tilespmem:v2+s17+$0x0] =	vst.idx.msk $0xffff, v38;
	v2 =	vadd.s32 s29, v23;
	v0 =	vmul.f32 v0, v56;
	v60 =	vadd.s32 $0xB0, v59;
	v53 =	vld.idx.msk [tilespmem:v53+s5+$0x0], $0xffff  }
0x133: {  	v39 =	vcvt.s32.f32 v51;
	v38 =	vadd.s32 $0xB1, v59;
	v1 =	vadd.f32 v1, v50;
	v50 =	vld.idx.msk [tilespmem:v55+s5+$0x0], $0xffff  }
0x134: {  	v51 =	vshll.u32 v51, $0x1;
	[tilespmem:v48+s17+$0x0] =	vst.idx.msk $0xffff, v52;
	v0 =	vadd.f32 v0, v49;
	v49 =	vadd.s32 $0xB2, v59;
	v46 =	vld.idx.msk [tilespmem:v46+s5+$0x0], $0xffff  }
0x135: {  	v41 =	vld.idx.msk [tilespmem:v41+s5+$0x0], $0xffff;
	v47 =	vsub.f32 v47, v39;
	v55 =	vmul.f32 $5.500000000e+01, v35;
	[tilespmem:v58+s17+$0x0] =	vst.idx.msk $0xffff, v1;
	v1 =	vadd.s32 $0xB3, v59  }
0x136: {  	v39 =	vld.idx.msk [tilespmem:v42+s5+$0x0], $0xffff;
	v42 =	vadd.s32 $0xF88, v51;
	v52 =	vadd.s32 s31, v8;
	[tilespmem:v45+s17+$0x0] =	vst.idx.msk $0xffff, v0;
	v0 =	vcvt.s32.f32 v57  }
0x137: {  	v56 =	vadd.s32 $0xF89, v51;
	v45 =	vadd.s32 $0xF8A, v51;
	v40 =	vld.idx.msk [tilespmem:v60+s5+$0x0], $0xffff;
	v60 =	vtrunc.f32 v55  }
0x138: {  	v38 =	vld.idx.msk [tilespmem:v38+s5+$0x0], $0xffff;
	v0 =	vsub.f32 v54, v0;
	v54 =	vcvt.f32.s32 v60;
	v50 =	vsub.f32 v50, v44  }
0x139: {  	[tilespmem:v2+s17+$0x0] =	vst.idx.msk $0xffff, v43;
	v43 =	vadd.s32 s31, v9;
	v51 =	vadd.s32 $0xF8B, v51;
	v49 =	vld.idx.msk [tilespmem:v49+s5+$0x0], $0xffff;
	v46 =	vsub.f32 v46, v53  }
0x13a: {  	v62 =	vcvt.s32.f32 v62;
	v1 =	vld.idx.msk [tilespmem:v1+s5+$0x0], $0xffff;
	v2 =	vmul.f32 v50, v0;
	v50 =	vshll.u32 v54, $0x1  }
0x13b: {  	v42 =	vld.idx.msk [tilespmem:v42+s5+$0x0], $0xffff;
	v57 =	vmul.f32 $8.400000000e+01, v34;
	v0 =	vmul.f32 v46, v0;
	v60 =	vadd.s32 $0xB0, v50  }
0x13c: {  	v48 =	vsub.f32 v61, v62;
	v56 =	vld.idx.msk [tilespmem:v56+s5+$0x0], $0xffff;
	v62 =	vadd.s32 $0xB2, v50;
	v2 =	vadd.f32 v2, v44  }
0x13d: {  	v61 =	vtrunc.f32 v57;
	v45 =	vld.idx.msk [tilespmem:v45+s5+$0x0], $0xffff;
	v44 =	vadd.s32 $0xB1, v50;
	v0 =	vadd.f32 v0, v53  }
0x13e: {  	v58 =	vcvt.f32.s32 v61;
	v51 =	vld.idx.msk [tilespmem:v51+s5+$0x0], $0xffff;
	v49 =	vsub.f32 v49, v40;
	[tilespmem:v52+s17+$0x0] =	vst.idx.msk $0xffff, v2;
	v2 =	vadd.s32 $0xB3, v50  }
0x13f: {  	v1 =	vsub.f32 v1, v38;
	v52 =	vadd.s32 s30, v10;
	[tilespmem:v43+s17+$0x0] =	vst.idx.msk $0xffff, v0  }
0x140: {  	v59 =	vshll.u32 v58, $0x1;
	v0 =	vmul.f32 v49, v48;
	v43 =	vadd.s32 s30, v11;
	v46 =	vld.idx.msk [tilespmem:v60+s5+$0x0], $0xffff  }
0x141: {  	v41 =	vsub.f32 v41, v39;
	v1 =	vmul.f32 v1, v48;
	v60 =	vadd.s32 $0x128, v59;
	v53 =	vld.idx.msk [tilespmem:v62+s5+$0x0], $0xffff  }
0x142: {  	v61 =	vadd.s32 $0x129, v59;
	v45 =	vsub.f32 v45, v42;
	v44 =	vld.idx.msk [tilespmem:v44+s5+$0x0], $0xffff;
	v0 =	vadd.f32 v0, v40  }
0x143: {  	v51 =	vsub.f32 v51, v56;
	v62 =	vadd.s32 $0x12A, v59;
	v1 =	vadd.f32 v1, v38;
	v2 =	vld.idx.msk [tilespmem:v2+s5+$0x0], $0xffff  }
0x144: {  	v49 =	vmul.f32 $8.400000000e+01, v35;
	v45 =	vmul.f32 v45, v47;
	[tilespmem:v52+s17+$0x0] =	vst.idx.msk $0xffff, v0;
	v0 =	vadd.s32 $0x12B, v59  }
0x145: {  	v41 =	vmul.f32 v41, v37;
	v50 =	vadd.s32 $0x5201, v36;
	[tilespmem:v43+s17+$0x0] =	vst.idx.msk $0xffff, v1;
	v1 =	vcvt.s32.f32 v54  }
0x146: {  	v42 =	vadd.f32 v45, v42;
	v59 =	vtrunc.f32 v49;
	v43 =	vmul.f32 v51, v47;
	v45 =	vld.idx.msk [tilespmem:v60+s5+$0x0], $0xffff  }
0x147: {  	v47 =	vcvt.f32.s32 v59;
	v40 =	vld.idx.msk [tilespmem:v61+s5+$0x0], $0xffff;
	v60 =	vsub.f32 v53, v46;
	v1 =	vsub.f32 v55, v1  }
0x148: {  	v52 =	vadd.s32 s31, v10;
	v61 =	vcvt.s32.f32 v58;
	v38 =	vld.idx.msk [tilespmem:v62+s5+$0x0], $0xffff;
	v2 =	vsub.f32 v2, v44  }
0x149: {  	v62 =	vadd.s32 s31, v11;
	v0 =	vld.idx.msk [tilespmem:v0+s5+$0x0], $0xffff;
	v48 =	vmul.f32 v60, v1;
	v60 =	vshll.u32 v47, $0x1  }
0x14a: {  	v55 =	vmul.f32 $1.270000000e+02, v34;
	v1 =	vmul.f32 v2, v1;
	v2 =	vadd.s32 $0x128, v60  }
0x14b: {  	v51 =	vsub.f32 v57, v61;
	v46 =	vadd.f32 v48, v46;
	v48 =	vadd.s32 $0x129, v60  }
0x14c: {  	v61 =	vtrunc.f32 v55;
	v1 =	vadd.f32 v1, v44;
	v44 =	vadd.s32 $0x12A, v60  }
0x14d: {  	v57 =	vcvt.f32.s32 v61;
	v38 =	vsub.f32 v38, v45;
	[tilespmem:v52+s17+$0x0] =	vst.idx.msk $0xffff, v46;
	v46 =	vadd.s32 $0x12B, v60  }
0x14e: {  	v36 =	vadd.s32 $0x5203, v36;
	v54 =	vadd.s32 s30, v12;
	v0 =	vsub.f32 v0, v40;
	[tilespmem:v62+s17+$0x0] =	vst.idx.msk $0xffff, v1  }
0x14f: {  	v60 =	vshll.u32 v57, $0x1;
	v1 =	vmul.f32 v38, v51;
	v62 =	vadd.s32 s30, v13;
	v2 =	vld.idx.msk [tilespmem:v2+s5+$0x0], $0xffff  }
0x150: {  	v58 =	vadd.s32 s29, v24;
	v0 =	vmul.f32 v0, v51;
	v51 =	vadd.s32 $0x1D8, v60;
	v48 =	vld.idx.msk [tilespmem:v48+s5+$0x0], $0xffff  }
0x151: {  	v53 =	vmul.f32 $1.270000000e+02, v35;
	v1 =	vadd.f32 v1, v45;
	v45 =	vadd.s32 $0x1D9, v60;
	v44 =	vld.idx.msk [tilespmem:v44+s5+$0x0], $0xffff  }
0x152: {  	v52 =	vmul.f32 $1.552000000e+03, v32;
	v0 =	vadd.f32 v0, v40;
	v40 =	vadd.s32 $0x1DA, v60;
	v46 =	vld.idx.msk [tilespmem:v46+s5+$0x0], $0xffff  }
0x153: {  	v43 =	vadd.f32 v43, v56;
	v57 =	vcvt.s32.f32 v57;
	[tilespmem:v54+s17+$0x0] =	vst.idx.msk $0xffff, v1;
	v1 =	vadd.s32 $0x1DB, v60  }
0x154: {  	v61 =	vtrunc.f32 v52;
	v54 =	vadd.s32 s29, v25;
	[tilespmem:v62+s17+$0x0] =	vst.idx.msk $0xffff, v0;
	v0 =	vcvt.s32.f32 v47  }
0x155: {  	v56 =	vcvt.f32.s32 v61;
	v61 =	vadd.s32 s31, v13;
	v62 =	vtrunc.f32 v53;
	v51 =	vld.idx.msk [tilespmem:v51+s5+$0x0], $0xffff  }
0x156: {  	v45 =	vld.idx.msk [tilespmem:v45+s5+$0x0], $0xffff;
	v0 =	vsub.f32 v49, v0;
	v49 =	vcvt.f32.s32 v62;
	v44 =	vsub.f32 v44, v2  }
0x157: {  	v59 =	vshll.u32 v56, $0x1;
	v40 =	vld.idx.msk [tilespmem:v40+s5+$0x0], $0xffff;
	v38 =	vsub.f32 v46, v48;
	v46 =	vadd.s32 s31, v12  }
0x158: {  	[tilespmem:v58+s17+$0x0] =	vst.idx.msk $0xffff, v42;
	v60 =	vadd.s32 $0x1792, v59;
	v1 =	vld.idx.msk [tilespmem:v1+s5+$0x0], $0xffff;
	v62 =	vshll.u32 v49, $0x1;
	v44 =	vmul.f32 v44, v0  }
0x159: {  	v42 =	vmul.f32 $1.940000000e+02, v34;
	[tilespmem:v54+s17+$0x0] =	vst.idx.msk $0xffff, v43;
	v0 =	vmul.f32 v38, v0;
	v58 =	vadd.s32 $0x1D8, v62  }
0x15a: {  	v38 =	vld.idx.msk [tilespmem:v50+s5+$0x0], $0xffff;
	v50 =	vsub.f32 v55, v57;
	v43 =	vadd.s32 $0x1DA, v62;
	v2 =	vadd.f32 v44, v2  }
0x15b: {  	v57 =	vtrunc.f32 v42;
	v44 =	vadd.s32 $0x1D9, v62;
	v0 =	vadd.f32 v0, v48  }
0x15c: {  	v55 =	vld.idx.msk [tilespmem:v36+s5+$0x0], $0xffff;
	v48 =	vcvt.f32.s32 v57;
	v40 =	vsub.f32 v40, v51;
	[tilespmem:v46+s17+$0x0] =	vst.idx.msk $0xffff, v2;
	v2 =	vadd.s32 $0x1DB, v62  }
0x15d: {  	v47 =	vadd.s32 $0x1790, v59;
	v54 =	vadd.s32 s30, v14;
	v46 =	vld.idx.msk [tilespmem:v60+s5+$0x0], $0xffff;
	v1 =	vsub.f32 v1, v45;
	[tilespmem:v61+s17+$0x0] =	vst.idx.msk $0xffff, v0  }
0x15e: {  	v62 =	vshll.u32 v48, $0x1;
	v0 =	vmul.f32 v40, v50;
	v40 =	vadd.s32 s30, v15;
	v58 =	vld.idx.msk [tilespmem:v58+s5+$0x0], $0xffff  }
0x15f: {  	v36 =	vadd.f32 v41, v39;
	v60 =	vadd.s32 $0x2E0, v62;
	v1 =	vmul.f32 v1, v50;
	v41 =	vld.idx.msk [tilespmem:v43+s5+$0x0], $0xffff  }
0x160: {  	v56 =	vcvt.s32.f32 v56;
	v39 =	vadd.s32 $0x2E1, v62;
	v44 =	vld.idx.msk [tilespmem:v44+s5+$0x0], $0xffff;
	v0 =	vadd.f32 v0, v51  }
0x161: {  	v57 =	vmul.f32 $2.940000000e+02, v34;
	v61 =	vadd.s32 $0x2E2, v62;
	v1 =	vadd.f32 v1, v45;
	v2 =	vld.idx.msk [tilespmem:v2+s5+$0x0], $0xffff  }
0x162: {  	v47 =	vld.idx.msk [tilespmem:v47+s5+$0x0], $0xffff;
	v48 =	vcvt.s32.f32 v48;
	v51 =	vmul.f32 $1.940000000e+02, v35;
	[tilespmem:v54+s17+$0x0] =	vst.idx.msk $0xffff, v0;
	v0 =	vadd.s32 $0x2E3, v62  }
0x163: {  	v43 =	vsub.f32 v52, v56;
	v54 =	vadd.s32 $0x1791, v59;
	[tilespmem:v40+s17+$0x0] =	vst.idx.msk $0xffff, v1;
	v1 =	vcvt.s32.f32 v49  }
0x164: {  	v52 =	vsub.f32 v55, v38;
	v62 =	vadd.s32 $0x1793, v59;
	v49 =	vld.idx.msk [tilespmem:v60+s5+$0x0], $0xffff;
	v60 =	vtrunc.f32 v51  }
0x165: {  	v39 =	vld.idx.msk [tilespmem:v39+s5+$0x0], $0xffff;
	v41 =	vsub.f32 v41, v58;
	v1 =	vsub.f32 v53, v1;
	v50 =	vcvt.f32.s32 v60  }
0x166: {  	v55 =	vadd.s32 s31, v15;
	v45 =	vld.idx.msk [tilespmem:v61+s5+$0x0], $0xffff;
	v53 =	vadd.s32 s31, v14;
	v2 =	vsub.f32 v2, v44  }
0x167: {  	v46 =	vsub.f32 v46, v47;
	v0 =	vld.idx.msk [tilespmem:v0+s5+$0x0], $0xffff;
	v41 =	vmul.f32 v41, v1;
	v61 =	vshll.u32 v50, $0x1  }
0x168: {  	v42 =	vsub.f32 v42, v48;
	v54 =	vld.idx.msk [tilespmem:v54+s5+$0x0], $0xffff;
	v1 =	vmul.f32 v2, v1;
	v2 =	vadd.s32 $0x2E0, v61  }
0x169: {  	v46 =	vmul.f32 v46, v43;
	v40 =	vld.idx.msk [tilespmem:v62+s5+$0x0], $0xffff;
	v48 =	vadd.s32 $0x2E1, v61;
	v41 =	vadd.f32 v41, v58  }
0x16a: {  	v62 =	vtrunc.f32 v57;
	v60 =	vadd.s32 $0x2E2, v61;
	v1 =	vadd.f32 v1, v44  }
0x16b: {  	v45 =	vsub.f32 v45, v49;
	v58 =	vcvt.f32.s32 v62;
	[tilespmem:v53+s17+$0x0] =	vst.idx.msk $0xffff, v41;
	v41 =	vadd.s32 $0x2E3, v61  }
0x16c: {  	v46 =	vadd.f32 v46, v47;
	v47 =	vadd.s32 s30, v16;
	v0 =	vsub.f32 v0, v39;
	[tilespmem:v55+s17+$0x0] =	vst.idx.msk $0xffff, v1  }
0x16d: {  	v53 =	vshll.u32 v58, $0x1;
	v1 =	vmul.f32 v45, v42;
	v45 =	vadd.s32 s30, v17;
	v2 =	vld.idx.msk [tilespmem:v2+s5+$0x0], $0xffff  }
0x16e: {  	v61 =	vadd.s32 $0x468, v53;
	v40 =	vsub.f32 v40, v54;
	v0 =	vmul.f32 v0, v42;
	v48 =	vld.idx.msk [tilespmem:v48+s5+$0x0], $0xffff  }
0x16f: {  	v55 =	vmul.f32 $2.352000000e+03, v32;
	v44 =	vld.idx.msk [tilespmem:v60+s5+$0x0], $0xffff;
	v60 =	vadd.s32 $0x46A, v53;
	v1 =	vadd.f32 v1, v49  }
0x170: {  	v40 =	vmul.f32 v40, v43;
	v49 =	vadd.s32 $0x469, v53;
	v0 =	vadd.f32 v0, v39;
	v41 =	vld.idx.msk [tilespmem:v41+s5+$0x0], $0xffff  }
0x171: {  	v62 =	vtrunc.f32 v55;
	[tilespmem:v47+s17+$0x0] =	vst.idx.msk $0xffff, v1;
	v1 =	vadd.s32 $0x46B, v53;
	v47 =	vmul.f32 $2.940000000e+02, v35  }
0x172: {  	v59 =	vadd.s32 s31, v17;
	v56 =	vcvt.f32.s32 v62;
	[tilespmem:v45+s17+$0x0] =	vst.idx.msk $0xffff, v0;
	v0 =	vcvt.s32.f32 v50  }
0x173: {  	v43 =	vadd.s32 s29, v26;
	v53 =	vcvt.s32.f32 v58;
	v42 =	vld.idx.msk [tilespmem:v61+s5+$0x0], $0xffff;
	v61 =	vtrunc.f32 v47  }
0x174: {  	v44 =	vsub.f32 v44, v2;
	v39 =	vld.idx.msk [tilespmem:v60+s5+$0x0], $0xffff;
	v0 =	vsub.f32 v51, v0;
	v51 =	vcvt.f32.s32 v61  }
0x175: {  	v58 =	vadd.s32 s31, v16;
	v45 =	vadd.s32 s29, v27;
	v49 =	vld.idx.msk [tilespmem:v49+s5+$0x0], $0xffff;
	v41 =	vsub.f32 v41, v48  }
0x176: {  	v50 =	vshll.u32 v56, $0x1;
	v1 =	vld.idx.msk [tilespmem:v1+s5+$0x0], $0xffff;
	v44 =	vmul.f32 v44, v0;
	v60 =	vshll.u32 v51, $0x1  }
0x177: {  	v61 =	vmul.f32 $4.450000000e+02, v34;
	v0 =	vmul.f32 v41, v0;
	v41 =	vadd.s32 $0x468, v60  }
0x178: {  	v53 =	vsub.f32 v57, v53;
	v2 =	vadd.f32 v44, v2;
	v44 =	vadd.s32 $0x469, v60  }
0x179: {  	v62 =	vtrunc.f32 v61;
	v0 =	vadd.f32 v0, v48;
	v48 =	vadd.s32 $0x46A, v60  }
0x17a: {  	v57 =	vcvt.f32.s32 v62;
	v39 =	vsub.f32 v39, v42;
	[tilespmem:v58+s17+$0x0] =	vst.idx.msk $0xffff, v2;
	v2 =	vadd.s32 $0x46B, v60  }
0x17b: {  	v58 =	vadd.s32 $0x23B8, v50;
	v60 =	vadd.s32 s30, v18;
	v1 =	vsub.f32 v1, v49;
	[tilespmem:v59+s17+$0x0] =	vst.idx.msk $0xffff, v0  }
0x17c: {  	v0 =	vmul.f32 v39, v53;
	v39 =	vadd.s32 s30, v19;
	v59 =	vshll.u32 v57, $0x1;
	v41 =	vld.idx.msk [tilespmem:v41+s5+$0x0], $0xffff  }
0x17d: {  	v40 =	vadd.f32 v40, v54;
	v1 =	vmul.f32 v1, v53;
	v53 =	vadd.s32 $0x6B8, v59;
	v44 =	vld.idx.msk [tilespmem:v44+s5+$0x0], $0xffff  }
0x17e: {  	[tilespmem:v43+s17+$0x0] =	vst.idx.msk $0xffff, v46;
	v0 =	vadd.f32 v0, v42;
	v42 =	vadd.s32 $0x6B9, v59;
	v62 =	vld.idx.msk [tilespmem:v48+s5+$0x0], $0xffff  }
0x17f: {  	[tilespmem:v45+s17+$0x0] =	vst.idx.msk $0xffff, v40;
	v40 =	vadd.s32 $0x6BA, v59;
	v1 =	vadd.f32 v1, v49;
	v2 =	vld.idx.msk [tilespmem:v2+s5+$0x0], $0xffff  }
0x180: {  	v37 =	vmul.f32 v52, v37;
	v45 =	vmul.f32 $4.450000000e+02, v35;
	[tilespmem:v60+s17+$0x0] =	vst.idx.msk $0xffff, v0;
	v0 =	vadd.s32 $0x6BB, v59  }
0x181: {  	v54 =	vadd.s32 s31, v19;
	v48 =	vld.idx.msk [tilespmem:v58+s5+$0x0], $0xffff;
	v49 =	vadd.s32 $0x23B9, v50;
	[tilespmem:v39+s17+$0x0] =	vst.idx.msk $0xffff, v1;
	v1 =	vcvt.s32.f32 v51  }
0x182: {  	v60 =	vtrunc.f32 v45;
	v39 =	vadd.s32 $0x23BA, v50;
	v50 =	vadd.s32 $0x23BB, v50;
	v51 =	vld.idx.msk [tilespmem:v53+s5+$0x0], $0xffff  }
0x183: {  	v42 =	vld.idx.msk [tilespmem:v42+s5+$0x0], $0xffff;
	v1 =	vsub.f32 v47, v1;
	v43 =	vsub.f32 v62, v41;
	v47 =	vcvt.f32.s32 v60  }
0x184: {  	v46 =	vcvt.s32.f32 v56;
	v40 =	vld.idx.msk [tilespmem:v40+s5+$0x0], $0xffff;
	v53 =	vadd.s32 s31, v18;
	v2 =	vsub.f32 v2, v44  }
0x185: {  	v62 =	vcvt.s32.f32 v57;
	v0 =	vld.idx.msk [tilespmem:v0+s5+$0x0], $0xffff;
	v43 =	vmul.f32 v43, v1;
	v60 =	vshll.u32 v47, $0x1  }
0x186: {  	v57 =	vmul.f32 $6.750000000e+02, v34;
	v49 =	vld.idx.msk [tilespmem:v49+s5+$0x0], $0xffff;
	v1 =	vmul.f32 v2, v1;
	v2 =	vadd.s32 $0x6B8, v60  }
0x187: {  	v52 =	vsub.f32 v61, v62;
	v39 =	vld.idx.msk [tilespmem:v39+s5+$0x0], $0xffff;
	v41 =	vadd.f32 v43, v41;
	v43 =	vadd.s32 $0x6B9, v60  }
0x188: {  	v62 =	vtrunc.f32 v57;
	v50 =	vld.idx.msk [tilespmem:v50+s5+$0x0], $0xffff;
	v1 =	vadd.f32 v1, v44;
	v44 =	vadd.s32 $0x6BA, v60  }
0x189: {  	v58 =	vcvt.f32.s32 v62;
	v40 =	vsub.f32 v40, v51;
	[tilespmem:v53+s17+$0x0] =	vst.idx.msk $0xffff, v41;
	v41 =	vadd.s32 $0x6BB, v60  }
0x18a: {  	v46 =	vsub.f32 v55, v46;
	v59 =	vadd.s32 s30, v20;
	v0 =	vsub.f32 v0, v42;
	[tilespmem:v54+s17+$0x0] =	vst.idx.msk $0xffff, v1  }
0x18b: {  	v61 =	vshll.u32 v58, $0x1;
	v60 =	vadd.s32 s30, v21;
	v1 =	vmul.f32 v40, v52;
	v2 =	vld.idx.msk [tilespmem:v2+s5+$0x0], $0xffff  }
0x18c: {  	v62 =	vadd.s32 $0xA38, v61;
	v39 =	vsub.f32 v39, v48;
	v0 =	vmul.f32 v0, v52;
	v43 =	vld.idx.msk [tilespmem:v43+s5+$0x0], $0xffff  }
0x18d: {  	v55 =	vadd.s32 $0xA39, v61;
	v50 =	vsub.f32 v50, v49;
	v1 =	vadd.f32 v1, v51;
	v44 =	vld.idx.msk [tilespmem:v44+s5+$0x0], $0xffff  }
0x18e: {  	v56 =	vadd.s32 $0xA3A, v61;
	v39 =	vmul.f32 v39, v46;
	v0 =	vadd.f32 v0, v42;
	v41 =	vld.idx.msk [tilespmem:v41+s5+$0x0], $0xffff  }
0x18f: {  	v46 =	vmul.f32 v50, v46;
	v50 =	vmul.f32 $6.750000000e+02, v35;
	[tilespmem:v59+s17+$0x0] =	vst.idx.msk $0xffff, v1;
	v1 =	vadd.s32 $0xA3B, v61  }
0x190: {  	v37 =	vadd.f32 v37, v38;
	v53 =	vmul.f32 $1.023000000e+03, v34;
	[tilespmem:v60+s17+$0x0] =	vst.idx.msk $0xffff, v0;
	v0 =	vcvt.s32.f32 v47  }
0x191: {  	v38 =	vadd.f32 v39, v48;
	v39 =	vadd.f32 v46, v49;
	v59 =	vtrunc.f32 v50;
	v46 =	vld.idx.msk [tilespmem:v62+s5+$0x0], $0xffff  }
0x192: {  	v48 =	vld.idx.msk [tilespmem:v55+s5+$0x0], $0xffff;
	v0 =	vsub.f32 v45, v0;
	v45 =	vcvt.f32.s32 v59;
	v44 =	vsub.f32 v44, v2  }
0x193: {  	v51 =	vadd.s32 s31, v21;
	v49 =	vadd.s32 s31, v20;
	v42 =	vld.idx.msk [tilespmem:v56+s5+$0x0], $0xffff;
	v41 =	vsub.f32 v41, v43  }
0x194: {  	v60 =	vcvt.s32.f32 v58;
	v1 =	vld.idx.msk [tilespmem:v1+s5+$0x0], $0xffff;
	v61 =	vshll.u32 v45, $0x1;
	v44 =	vmul.f32 v44, v0  }
0x195: {  	v40 =	vadd.s32 s29, v28;
	v62 =	vadd.s32 $0xA38, v61;
	v0 =	vmul.f32 v41, v0  }
0x196: {  	v47 =	vsub.f32 v57, v60;
	v58 =	vadd.s32 $0xA39, v61;
	v2 =	vadd.f32 v44, v2  }
0x197: {  	v59 =	vtrunc.f32 v53;
	v60 =	vadd.s32 $0xA3A, v61;
	v0 =	vadd.f32 v0, v43  }
0x198: {  	v54 =	vcvt.f32.s32 v59;
	v42 =	vsub.f32 v42, v46;
	[tilespmem:v49+s17+$0x0] =	vst.idx.msk $0xffff, v2;
	v2 =	vadd.s32 $0xA3B, v61  }
0x199: {  	v52 =	vadd.s32 s30, v22;
	v49 =	vmul.f32 $3.565000000e+03, v32;
	v1 =	vsub.f32 v1, v48;
	[tilespmem:v51+s17+$0x0] =	vst.idx.msk $0xffff, v0  }
0x19a: {  	v0 =	vmul.f32 v42, v47;
	v42 =	vadd.s32 s30, v23;
	v51 =	vshll.u32 v54, $0x1;
	v41 =	vld.idx.msk [tilespmem:v62+s5+$0x0], $0xffff  }
0x19b: {  	v56 =	vadd.s32 s29, v29;
	v1 =	vmul.f32 v1, v47;
	v62 =	vadd.s32 $0xF88, v51;
	v44 =	vld.idx.msk [tilespmem:v58+s5+$0x0], $0xffff  }
0x19c: {  	v61 =	vtrunc.f32 v49;
	v43 =	vld.idx.msk [tilespmem:v60+s5+$0x0], $0xffff;
	v60 =	vadd.s32 $0xF8A, v51;
	v0 =	vadd.f32 v0, v46  }
0x19d: {  	[tilespmem:v40+s17+$0x0] =	vst.idx.msk $0xffff, v38;
	v55 =	vcvt.f32.s32 v61;
	v46 =	vadd.s32 $0xF89, v51;
	v1 =	vadd.f32 v1, v48;
	v2 =	vld.idx.msk [tilespmem:v2+s5+$0x0], $0xffff  }
0x19e: {  	v57 =	vadd.s32 s31, v22;
	[tilespmem:v52+s17+$0x0] =	vst.idx.msk $0xffff, v0;
	v0 =	vadd.s32 $0xF8B, v51;
	v51 =	vmul.f32 $1.023000000e+03, v35  }
0x19f: {  	v40 =	vadd.s32 s31, v23;
	v61 =	vshll.u32 v55, $0x1;
	[tilespmem:v42+s17+$0x0] =	vst.idx.msk $0xffff, v1;
	v1 =	vcvt.s32.f32 v45  }
0x1a0: {  	v52 =	vadd.s32 $0x3620, v61;
	v42 =	vadd.s32 $0x3622, v61;
	v47 =	vld.idx.msk [tilespmem:v62+s5+$0x0], $0xffff;
	v62 =	vtrunc.f32 v51  }
0x1a1: {  	v43 =	vsub.f32 v43, v41;
	v48 =	vld.idx.msk [tilespmem:v60+s5+$0x0], $0xffff;
	v1 =	vsub.f32 v50, v1;
	v50 =	vcvt.f32.s32 v62  }
0x1a2: {  	v54 =	vcvt.s32.f32 v54;
	v58 =	vadd.s32 $0x3621, v61;
	v46 =	vld.idx.msk [tilespmem:v46+s5+$0x0], $0xffff;
	v2 =	vsub.f32 v2, v44  }
0x1a3: {  	v45 =	vadd.s32 $0x3623, v61;
	v0 =	vld.idx.msk [tilespmem:v0+s5+$0x0], $0xffff;
	v60 =	vmul.f32 v43, v1;
	v61 =	vshll.u32 v50, $0x1  }
0x1a4: {  	[tilespmem:v56+s17+$0x0] =	vst.idx.msk $0xffff, v39;
	v39 =	vmul.f32 $1.552000000e+03, v34;
	v1 =	vmul.f32 v2, v1;
	v2 =	vadd.s32 $0xF88, v61  }
0x1a5: {  	v53 =	vsub.f32 v53, v54;
	v52 =	vld.idx.msk [tilespmem:v52+s5+$0x0], $0xffff;
	v38 =	vadd.f32 v60, v41;
	v41 =	vadd.s32 $0xF89, v61  }
0x1a6: {  	v62 =	vtrunc.f32 v39;
	v42 =	vld.idx.msk [tilespmem:v42+s5+$0x0], $0xffff;
	v1 =	vadd.f32 v1, v44;
	v44 =	vadd.s32 $0xF8A, v61  }
0x1a7: {  	v54 =	vcvt.f32.s32 v62;
	v56 =	vld.idx.msk [tilespmem:v58+s5+$0x0], $0xffff;
	v48 =	vsub.f32 v48, v47;
	[tilespmem:v57+s17+$0x0] =	vst.idx.msk $0xffff, v38;
	v38 =	vadd.s32 $0xF8B, v61  }
0x1a8: {  	v45 =	vld.idx.msk [tilespmem:v45+s5+$0x0], $0xffff;
	v60 =	vcvt.s32.f32 v55;
	v55 =	vadd.s32 s30, v24;
	v0 =	vsub.f32 v0, v46;
	[tilespmem:v40+s17+$0x0] =	vst.idx.msk $0xffff, v1  }
0x1a9: {  	v62 =	vshll.u32 v54, $0x1;
	v61 =	vadd.s32 s30, v25;
	v1 =	vmul.f32 v48, v53;
	v2 =	vld.idx.msk [tilespmem:v2+s5+$0x0], $0xffff  }
0x1aa: {  	v43 =	vsub.f32 v49, v60;
	v57 =	vadd.s32 $0x1790, v62;
	v0 =	vmul.f32 v0, v53;
	v41 =	vld.idx.msk [tilespmem:v41+s5+$0x0], $0xffff  }
0x1ab: {  	v58 =	vadd.s32 $0x1791, v62;
	v42 =	vsub.f32 v42, v52;
	v1 =	vadd.f32 v1, v47;
	v44 =	vld.idx.msk [tilespmem:v44+s5+$0x0], $0xffff  }
0x1ac: {  	v59 =	vadd.s32 $0x1792, v62;
	v0 =	vadd.f32 v0, v46;
	v60 =	vld.idx.msk [tilespmem:v38+s5+$0x0], $0xffff  }
0x1ad: {  	v48 =	vmul.f32 $1.552000000e+03, v35;
	v42 =	vmul.f32 v42, v43;
	[tilespmem:v55+s17+$0x0] =	vst.idx.msk $0xffff, v1;
	v1 =	vadd.s32 $0x1793, v62  }
0x1ae: {  	v33 =	vmul.f32 $8.191000000e+03, v33;
	v53 =	vadd.s32 s31, v25;
	[tilespmem:v61+s17+$0x0] =	vst.idx.msk $0xffff, v0;
	v0 =	vcvt.s32.f32 v50  }
0x1af: {  	v40 =	vadd.f32 v42, v52;
	v42 =	vsub.f32 v45, v56;
	v61 =	vtrunc.f32 v48;
	v45 =	vld.idx.msk [tilespmem:v57+s5+$0x0], $0xffff  }
0x1b0: {  	v47 =	vld.idx.msk [tilespmem:v58+s5+$0x0], $0xffff;
	v49 =	vcvt.f32.s32 v61;
	v0 =	vsub.f32 v51, v0;
	v44 =	vsub.f32 v44, v2  }
0x1b1: {  	v55 =	vtrunc.f32 v33;
	v52 =	vadd.s32 s31, v24;
	v46 =	vld.idx.msk [tilespmem:v59+s5+$0x0], $0xffff;
	v60 =	vsub.f32 v60, v41  }
0x1b2: {  	v62 =	vcvt.s32.f32 v54;
	v54 =	vshll.u32 v49, $0x1;
	v1 =	vld.idx.msk [tilespmem:v1+s5+$0x0], $0xffff;
	v44 =	vmul.f32 v44, v0  }
0x1b3: {  	v57 =	vmul.f32 $2.352000000e+03, v34;
	v61 =	vadd.s32 $0x1790, v54;
	v0 =	vmul.f32 v60, v0  }
0x1b4: {  	v39 =	vsub.f32 v39, v62;
	v62 =	vadd.s32 $0x1791, v54;
	v2 =	vadd.f32 v44, v2  }
0x1b5: {  	v59 =	vtrunc.f32 v57;
	v60 =	vadd.s32 $0x1792, v54;
	v0 =	vadd.f32 v0, v41  }
0x1b6: {  	v50 =	vcvt.f32.s32 v59;
	v46 =	vsub.f32 v46, v45;
	[tilespmem:v52+s17+$0x0] =	vst.idx.msk $0xffff, v2;
	v2 =	vadd.s32 $0x1793, v54  }
0x1b7: {  	v58 =	vadd.s32 s30, v26;
	v42 =	vmul.f32 v42, v43;
	v1 =	vsub.f32 v1, v47;
	[tilespmem:v53+s17+$0x0] =	vst.idx.msk $0xffff, v0  }
0x1b8: {  	v59 =	vshll.u32 v50, $0x1;
	v0 =	vmul.f32 v46, v39;
	v46 =	vadd.s32 s30, v27;
	v51 =	vld.idx.msk [tilespmem:v61+s5+$0x0], $0xffff  }
0x1b9: {  	v52 =	vmul.f32 $5.404000000e+03, v32;
	v1 =	vmul.f32 v1, v39;
	v39 =	vadd.s32 $0x23B8, v59;
	v43 =	vld.idx.msk [tilespmem:v62+s5+$0x0], $0xffff  }
0x1ba: {  	v53 =	vmul.f32 $2.352000000e+03, v35;
	v62 =	vadd.s32 $0x23B9, v59;
	v41 =	vld.idx.msk [tilespmem:v60+s5+$0x0], $0xffff;
	v0 =	vadd.f32 v0, v45  }
0x1bb: {  	v61 =	vtrunc.f32 v52;
	v60 =	vadd.s32 $0x23BA, v59;
	v1 =	vadd.f32 v1, v47;
	v2 =	vld.idx.msk [tilespmem:v2+s5+$0x0], $0xffff  }
0x1bc: {  	v42 =	vadd.f32 v42, v56;
	v44 =	vcvt.f32.s32 v61;
	[tilespmem:v58+s17+$0x0] =	vst.idx.msk $0xffff, v0;
	v0 =	vadd.s32 $0x23BB, v59  }
0x1bd: {  	v54 =	vadd.s32 s29, v30;
	v61 =	vtrunc.f32 v53;
	[tilespmem:v46+s17+$0x0] =	vst.idx.msk $0xffff, v1;
	v1 =	vcvt.s32.f32 v49  }
0x1be: {  	v56 =	vshll.u32 v44, $0x1;
	v59 =	vadd.s32 s31, v27;
	v46 =	vadd.s32 s29, v31;
	v58 =	vld.idx.msk [tilespmem:v39+s5+$0x0], $0xffff  }
0x1bf: {  	v45 =	vld.idx.msk [tilespmem:v62+s5+$0x0], $0xffff;
	v41 =	vsub.f32 v41, v51;
	v1 =	vsub.f32 v48, v1;
	v48 =	vcvt.f32.s32 v61  }
0x1c0: {  	v39 =	vcvt.s32.f32 v50;
	v47 =	vld.idx.msk [tilespmem:v60+s5+$0x0], $0xffff;
	v50 =	vadd.s32 s31, v26;
	v2 =	vsub.f32 v2, v43  }
0x1c1: {  	v49 =	vadd.s32 $0x5200, v56;
	v0 =	vld.idx.msk [tilespmem:v0+s5+$0x0], $0xffff;
	v41 =	vmul.f32 v41, v1;
	v60 =	vshll.u32 v48, $0x1  }
0x1c2: {  	v61 =	vmul.f32 $3.565000000e+03, v34;
	v1 =	vmul.f32 v2, v1;
	v2 =	vadd.s32 $0x23B8, v60  }
0x1c3: {  	v57 =	vsub.f32 v57, v39;
	v39 =	vadd.f32 v41, v51;
	v41 =	vadd.s32 $0x23B9, v60  }
0x1c4: {  	v62 =	vtrunc.f32 v61;
	v1 =	vadd.f32 v1, v43;
	v43 =	vadd.s32 $0x23BA, v60  }
0x1c5: {  	v47 =	vsub.f32 v47, v58;
	v51 =	vcvt.f32.s32 v62;
	[tilespmem:v50+s17+$0x0] =	vst.idx.msk $0xffff, v39;
	v50 =	vadd.s32 $0x23BB, v60  }
0x1c6: {  	v62 =	vadd.s32 s30, v28;
	v60 =	vadd.s32 $0x5202, v56;
	v0 =	vsub.f32 v0, v45;
	[tilespmem:v59+s17+$0x0] =	vst.idx.msk $0xffff, v1  }
0x1c7: {  	v1 =	vmul.f32 v47, v57;
	v47 =	vadd.s32 s30, v29;
	v59 =	vshll.u32 v51, $0x1;
	v2 =	vld.idx.msk [tilespmem:v2+s5+$0x0], $0xffff  }
0x1c8: {  	v39 =	vcvt.f32.s32 v55;
	v0 =	vmul.f32 v0, v57;
	v55 =	vadd.s32 $0x3620, v59;
	v41 =	vld.idx.msk [tilespmem:v41+s5+$0x0], $0xffff  }
0x1c9: {  	[tilespmem:v54+s17+$0x0] =	vst.idx.msk $0xffff, v40;
	v54 =	vadd.s32 $0x3621, v59;
	v1 =	vadd.f32 v1, v58;
	v43 =	vld.idx.msk [tilespmem:v43+s5+$0x0], $0xffff  }
0x1ca: {  	v44 =	vcvt.s32.f32 v44;
	[tilespmem:v46+s17+$0x0] =	vst.idx.msk $0xffff, v42;
	v42 =	vadd.s32 $0x3622, v59;
	v0 =	vadd.f32 v0, v45;
	v45 =	vld.idx.msk [tilespmem:v50+s5+$0x0], $0xffff  }
0x1cb: {  	v38 =	vadd.s32 s26, v6;
	v46 =	vld.idx.msk [tilespmem:v49+s5+$0x0], $0xffff;
	v49 =	vmul.f32 $3.565000000e+03, v35;
	[tilespmem:v62+s17+$0x0] =	vst.idx.msk $0xffff, v1;
	v1 =	vadd.s32 $0x3623, v59  }
0x1cc: {  	v32 =	vmul.f32 $8.191000000e+03, v32;
	v44 =	vsub.f32 v52, v44;
	v59 =	vld.idx.msk [tilespmem:v60+s5+$0x0], $0xffff;
	[tilespmem:v47+s17+$0x0] =	vst.idx.msk $0xffff, v0;
	v0 =	vcvt.s32.f32 v48  }
0x1cd: {  	v51 =	vcvt.s32.f32 v51;
	v62 =	vadd.s32 $0x5201, v56;
	v60 =	vtrunc.f32 v49;
	v48 =	vld.idx.msk [tilespmem:v55+s5+$0x0], $0xffff  }
0x1ce: {  	v52 =	vcvt.f32.s32 v60;
	v54 =	vld.idx.msk [tilespmem:v54+s5+$0x0], $0xffff;
	v0 =	vsub.f32 v53, v0;
	v43 =	vsub.f32 v43, v2  }
0x1cf: {  	v47 =	vadd.s32 $0x5203, v56;
	v42 =	vld.idx.msk [tilespmem:v42+s5+$0x0], $0xffff;
	v53 =	vadd.s32 s31, v28;
	v45 =	vsub.f32 v45, v41  }
0x1d0: {  	v55 =	vadd.s32 s31, v29;
	v56 =	vshll.u32 v52, $0x1;
	v1 =	vld.idx.msk [tilespmem:v1+s5+$0x0], $0xffff;
	v43 =	vmul.f32 v43, v0  }
0x1d1: {  	v60 =	vmul.f32 $5.404000000e+03, v34;
	v0 =	vmul.f32 v45, v0;
	v45 =	vadd.s32 $0x3620, v56  }
0x1d2: {  	v63 =	vld [tilespmem:$0x1FFC0];
	v51 =	vsub.f32 v61, v51;
	v2 =	vadd.f32 v43, v2;
	v43 =	vadd.s32 $0x3621, v56  }
0x1d3: {  	v61 =	vtrunc.f32 v60;
	v58 =	vld.idx.msk [tilespmem:v62+s5+$0x0], $0xffff;
	v0 =	vadd.f32 v0, v41;
	v41 =	vadd.s32 $0x3622, v56  }
0x1d4: {  	v47 =	vld.idx.msk [tilespmem:v47+s5+$0x0], $0xffff;
	[tilespmem:v53+s17+$0x0] =	vst.idx.msk $0xffff, v2;
	v2 =	vsub.f32 v42, v48;
	v42 =	vcvt.f32.s32 v61;
	v53 =	vadd.s32 $0x3623, v56  }
0x1d5: {  	v62 =	vsub.f32 v59, v46;
	v59 =	vadd.s32 s30, v30;
	v1 =	vsub.f32 v1, v54;
	[tilespmem:v55+s17+$0x0] =	vst.idx.msk $0xffff, v0  }
0x1d6: {  	v0 =	vmul.f32 v2, v51;
	v2 =	vadd.s32 s30, v31;
	v55 =	vshll.u32 v42, $0x1;
	v45 =	vld.idx.msk [tilespmem:v45+s5+$0x0], $0xffff  }
0x1d7: {  	v40 =	vadd.s32 s26, v63;
	v1 =	vmul.f32 v1, v51;
	v61 =	vadd.s32 $0x5200, v55;
	v43 =	vld.idx.msk [tilespmem:v43+s5+$0x0], $0xffff  }
0x1d8: {  	v57 =	vshll.u32 v39, $0x1;
	v56 =	vmul.f32 v62, v44;
	v41 =	vld.idx.msk [tilespmem:v41+s5+$0x0], $0xffff;
	v0 =	vadd.f32 v0, v48  }
0x1d9: {  	v47 =	vsub.f32 v47, v58;
	v62 =	vadd.s32 $0x5202, v55;
	v1 =	vadd.f32 v1, v54;
	v53 =	vld.idx.msk [tilespmem:v53+s5+$0x0], $0xffff  }
0x1da: {  	v48 =	vadd.s32 $0x5201, v55;
	[tilespmem:v59+s17+$0x0] =	vst.idx.msk $0xffff, v0;
	v0 =	vadd.s32 $0x5203, v55;
	v55 =	vmul.f32 $5.404000000e+03, v35  }
0x1db: {  	v50 =	vadd.s32 $0x7C40, v57;
	v34 =	vmul.f32 $8.191000000e+03, v34;
	[tilespmem:v2+s17+$0x0] =	vst.idx.msk $0xffff, v1;
	v1 =	vcvt.s32.f32 v52  }
0x1dc: {  	v44 =	vmul.f32 v47, v44;
	v2 =	vadd.f32 v56, v46;
	v46 =	vld.idx.msk [tilespmem:v61+s5+$0x0], $0xffff;
	v61 =	vtrunc.f32 v55  }
0x1dd: {  	v41 =	vsub.f32 v41, v45;
	v1 =	vsub.f32 v49, v1;
	v49 =	vcvt.f32.s32 v61  }
0x1de: {  	v54 =	vadd.s32 $0x7C41, v57;
	v52 =	vadd.s32 s31, v30;
	v47 =	vld.idx.msk [tilespmem:v62+s5+$0x0], $0xffff;
	v62 =	vsub.f32 v53, v43  }
0x1df: {  	v53 =	vadd.s32 s31, v31;
	v41 =	vmul.f32 v41, v1;
	v56 =	vshll.u32 v49, $0x1  }
0x1e0: {  	[tilespmem:v38+s17+$0x0] =	vst.idx.msk $0xffff, v36;
	v44 =	vadd.f32 v44, v58;
	v1 =	vmul.f32 v62, v1;
	v51 =	vadd.s32 $0x5200, v56  }
0x1e1: {  	[tilespmem:v40+s17+$0x0] =	vst.idx.msk $0xffff, v37;
	v48 =	vld.idx.msk [tilespmem:v48+s5+$0x0], $0xffff;
	v61 =	vtrunc.f32 v32;
	v40 =	vadd.s32 $0x5202, v56;
	v45 =	vadd.f32 v41, v45  }
0x1e2: {  	v37 =	vcvt.f32.s32 v61;
	v0 =	vld.idx.msk [tilespmem:v0+s5+$0x0], $0xffff;
	v61 =	vadd.s32 $0x5203, v56;
	v1 =	vadd.f32 v1, v43  }
0x1e3: {  	v58 =	vtrunc.f32 v34;
	v62 =	vcvt.s32.f32 v42;
	v41 =	vadd.s32 $0x5201, v56;
	[tilespmem:v52+s17+$0x0] =	vst.idx.msk $0xffff, v45  }
0x1e4: {  	v59 =	vadd.s32 $0x7C42, v57;
	v57 =	vadd.s32 $0x7C43, v57;
	v35 =	vmul.f32 $8.191000000e+03, v35;
	v43 =	vld.idx.msk [tilespmem:v50+s5+$0x0], $0xffff;
	[tilespmem:v53+s17+$0x0] =	vst.idx.msk $0xffff, v1  }
0x1e5: {  	v49 =	vcvt.s32.f32 v49;
	v36 =	vsub.f32 v60, v62;
	v62 =	vadd.s32 s29, v6;
	v50 =	vld.idx.msk [tilespmem:v51+s5+$0x0], $0xffff  }
0x1e6: {  	v56 =	vshll.u32 v37, $0x1;
	v60 =	vsub.f32 v47, v46;
	v1 =	vadd.s32 s29, v63;
	v40 =	vld.idx.msk [tilespmem:v40+s5+$0x0], $0xffff  }
0x1e7: {  	v49 =	vsub.f32 v55, v49;
	v0 =	vsub.f32 v0, v48;
	v51 =	vadd.s32 $0x7C40, v56;
	v38 =	vld.idx.msk [tilespmem:v61+s5+$0x0], $0xffff  }
0x1e8: {  	v52 =	vadd.s32 $0x7C41, v56;
	v42 =	vmul.f32 v60, v36;
	v53 =	vadd.s32 $0x7C42, v56;
	v41 =	vld.idx.msk [tilespmem:v41+s5+$0x0], $0xffff  }
0x1e9: {  	v57 =	vld.idx.msk [tilespmem:v57+s5+$0x0], $0xffff;
	v60 =	vadd.s32 s30, v6;
	v0 =	vmul.f32 v0, v36;
	v36 =	vcvt.f32.s32 v58  }
0x1ea: {  	v47 =	vadd.s32 $0x7C43, v56;
	v56 =	vld.idx.msk [tilespmem:v59+s5+$0x0], $0xffff;
	v42 =	vadd.f32 v42, v46;
	v58 =	vadd.s32 s31, v6;
	[tilespmem:v62+s17+$0x0] =	vst.idx.msk $0xffff, v2  }
0x1eb: {  	v46 =	vld.idx.msk [tilespmem:v54+s5+$0x0], $0xffff;
	v2 =	vadd.s32 s30, v63;
	v62 =	vtrunc.f32 v35;
	v61 =	vshll.u32 v36, $0x1;
	[tilespmem:v1+s17+$0x0] =	vst.idx.msk $0xffff, v44  }
0x1ec: {  	v0 =	vadd.f32 v0, v48;
	v45 =	vadd.s32 $0x7C40, v61;
	v51 =	vld.idx.msk [tilespmem:v51+s5+$0x0], $0xffff;
	v40 =	vsub.f32 v40, v50  }
0x1ed: {  	v55 =	vcvt.f32.s32 v62;
	v44 =	vadd.s32 $0x7C42, v61;
	v52 =	vld.idx.msk [tilespmem:v52+s5+$0x0], $0xffff;
	v38 =	vsub.f32 v38, v41  }
0x1ee: {  	v54 =	vadd.s32 $0x7C43, v61;
	[tilespmem:v60+s17+$0x0] =	vst.idx.msk $0xffff, v42;
	v60 =	vadd.s32 s31, v63;
	v53 =	vld.idx.msk [tilespmem:v53+s5+$0x0], $0xffff;
	v40 =	vmul.f32 v40, v49  }
0x1ef: {  	v63 =	vsub.f32 v56, v43;
	v56 =	vld [tilespmem:$0x1FFD0];
	v38 =	vmul.f32 v38, v49  }
0x1f0: {  	v1 =	vadd.s32 $0x7C41, v61;
	v61 =	vshll.u32 v55, $0x1;
	[tilespmem:v2+s17+$0x0] =	vst.idx.msk $0xffff, v0;
	v2 =	vld.idx.msk [tilespmem:v47+s5+$0x0], $0xffff;
	v40 =	vadd.f32 v40, v50  }
0x1f1: {  	v0 =	vcvt.s32.f32 v39;
	v39 =	vadd.s32 $0x7C40, v61;
	v45 =	vld.idx.msk [tilespmem:v45+s5+$0x0], $0xffff;
	v62 =	vadd.f32 v38, v41  }
0x1f2: {  	v37 =	vcvt.s32.f32 v37;
	v47 =	vadd.s32 $0x7C41, v61;
	v41 =	vld.idx.msk [tilespmem:v44+s5+$0x0], $0xffff;
	[tilespmem:v58+s17+$0x0] =	vst.idx.msk $0xffff, v40  }
0x1f3: {  	v38 =	vadd.s32 $0x7C42, v61;
	[tilespmem:v60+s17+$0x0] =	vst.idx.msk $0xffff, v62;
	v60 =	vld.idx.msk [tilespmem:v54+s5+$0x0], $0xffff  }
0x1f4: {  	v32 =	vsub.f32 v32, v37;
	v58 =	vadd.s32 $0x7C43, v61;
	v54 =	vld [tilespmem:$0x1FFE0]  }
0x1f5: {  	v36 =	vcvt.s32.f32 v36;
	v55 =	vcvt.s32.f32 v55;
	v1 =	vld.idx.msk [tilespmem:v1+s5+$0x0], $0xffff;
	v61 =	vsub.f32 v53, v51  }
0x1f6: {  	v59 =	vsub.f32 v57, v46;
	v0 =	vsub.f32 v33, v0;
	v39 =	vld.idx.msk [tilespmem:v39+s5+$0x0], $0xffff  }
0x1f7: {  	v35 =	vsub.f32 v35, v55;
	v50 =	vsub.f32 v34, v36;
	v47 =	vld.idx.msk [tilespmem:v47+s5+$0x0], $0xffff;
	v37 =	vmul.f32 v61, v32  }
0x1f8: {  	v40 =	vmul.f32 v63, v0;
	v0 =	vmul.f32 v59, v0;
	v62 =	vadd.s32 s26, v56;
	v38 =	vld.idx.msk [tilespmem:v38+s5+$0x0], $0xffff  }
0x1f9: {  	v37 =	vadd.f32 v37, v51;
	v51 =	vsub.f32 v41, v45;
	v44 =	vld.idx.msk [tilespmem:v58+s5+$0x0], $0xffff;
	v63 =	vadd.s32 s26, v54  }
0x1fa: {  	v33 =	vadd.s32 s29, v56;
	v53 =	vadd.s32 s30, v56;
	v2 =	vsub.f32 v2, v52  }
0x1fb: {  	v40 =	vadd.f32 v40, v43;
	v0 =	vadd.f32 v0, v46;
	v34 =	vmul.f32 v51, v50  }
0x1fc: {  	v2 =	vmul.f32 v2, v32;
	v49 =	vadd.s32 s29, v54;
	v58 =	vsub.f32 v60, v1  }
0x1fd: {  	v57 =	vadd.s32 s30, v54;
	[tilespmem:v62+s17+$0x0] =	vst.idx.msk $0xffff, v40;
	v61 =	vadd.f32 v34, v45;
	v38 =	vsub.f32 v38, v39  }
0x1fe: {  	s25 =	sadd.s32 $0x4, s25;
	v60 =	vadd.s32 s31, v56;
	v59 =	vsub.f32 v44, v47;
	[tilespmem:v63+s17+$0x0] =	vst.idx.msk $0xffff, v0;
	v0 =	vmul.f32 v58, v50  }
0x1ff: {  	p0 =	slt.u32 s25, $0xC;
	v2 =	vadd.f32 v2, v52;
	[tilespmem:v33+s17+$0x0] =	vst.idx.msk $0xffff, v37;
	v62 =	vmul.f32 v38, v35;
	v63 =	vadd.s32 s31, v54  }
.Ltmp0:
0x200: {  	[tilespmem:v53+s17+$0x0] =	vst.idx.msk $0xffff, v61;
	v0 =	vadd.f32 v0, v1;
	v1 =	vmul.f32 v59, v35;
	(pc) =	sbr.rel @p0 .LBB2_3-.Ltmp0, $4  }
0x201: {  	[tilespmem:v49+s17+$0x0] =	vst.idx.msk $0xffff, v2;
	v2 =	vadd.f32 v62, v39  }
0x202: {  	[tilespmem:v57+s17+$0x0] =	vst.idx.msk $0xffff, v0;
	v0 =	vadd.f32 v1, v47  }
0x203: {  	[tilespmem:v60+s17+$0x0] =	vst.idx.msk $0xffff, v2  }
0x204: {  	s28 =	sadd.s32 $0x40, s28;
	s26 =	sadd.s32 $0x840, s26;
	[tilespmem:v63+s17+$0x0] =	vst.idx.msk $0xffff, v0  }
0x205: {  	p0 =	seq.s32 s24, $0x3F  }
0x206: {  	s25 =	sshll.u32 @!p0 s24, $0x9  }
0x207: {  	s25 =	sadd.s32 @!p0 s25, s9  }
0x208: {  	s26 =	simm.s32 @!p0 $0x0;
	p1 =	seq.s32 @!p0 s24, $0x0;
	s25 =	sshrl.u32 @!p0 s25, $0x3  }
0x209: {  	s28 =	simm.s32 @!p0 $0xBC80;
	p1 =	por p0, !p1;
	s25 =	sadd.s32 @!p0 s1, s25  }
0x20a: {  	[tilespmem:s28], [sflag:$0x3] =	stream.linear.gather @!p0 [hbm4b:s25+s26], $0x100, $0x38;
	[tilespmem:$0x1DF80] =	vst v63  }
0x20b: {  	_ =	swait.ge @p1 [sflag:s21], $0x8000  }
0x20c: {  	[sflag:s21] =	ssyncset.done @p1 $0x0  }
0x20d: {  	s31 =	simm.s32 $0xBF88;
	[sflag:s21] =	ssyncadd.s32 @p1 $0xFFFF8000  }
0x20e: {  	v0 =	vld [tilespmem:s31+$0xF7]  }
0x20f: {  	v2 =	vld [tilespmem:s31+$0xFFFFFF19]  }
0x210: {  	v32 =	vld [tilespmem:s31+$0xFFFFFF29]  }
0x211: {  	v33 =	vld [tilespmem:s31+$0xFFFFFF3A]  }
0x212: {  	v34 =	vld [tilespmem:s31+$0xE7]  }
0x213: {  	s25 =	simm.s32 $0xE380;
	v55 =	vld [tilespmem:s31+$0xFFFFFF6B]  }
0x214: {  	v56 =	vld [tilespmem:s31+$0xFFFFFF7C];
	[tilespmem:s25+$0x390] =	vst v0  }
0x215: {  	v35 =	vld [tilespmem:s31+$0xFFFFFF8C];
	[tilespmem:s25+$0xFFFFFC80] =	vst v2  }
0x216: {  	v57 =	vld [tilespmem:s31+$0xFFFFFFBE];
	[tilespmem:s25+$0xFFFFFC90] =	vst v32  }
0x217: {  	v0 =	vld [tilespmem:s31+$0xFFFFFF4A];
	[tilespmem:s25+$0xFFFFFD00] =	vst v33  }
0x218: {  	v1 =	vld [tilespmem:s31+$0xFFFFFF08];
	[tilespmem:s25+$0x380] =	vst v34  }
0x219: {  	v2 =	vld [tilespmem:s31+$0xFFFFFF5B];
	[tilespmem:s25+$0xFFFFFD90] =	vst v55  }
0x21a: {  	v58 =	vld [tilespmem:s31+$0xFFFFFFCE];
	[tilespmem:s25+$0xFFFFFE00] =	vst v56  }
0x21b: {  	v61 =	vld [tilespmem:s31+$0x21];
	[tilespmem:s25+$0xFFFFFE10] =	vst v35  }
0x21c: {  	v62 =	vld [tilespmem:s31+$0x31];
	[tilespmem:s25+$0xFFFFFF00] =	vst v57  }
0x21d: {  	[tilespmem:s25+$0xFFFFFD10] =	vst v0;
	v0 =	vld [tilespmem:s31+$0xFFFFFF9D]  }
0x21e: {  	[tilespmem:s25+$0xFFFFFD80] =	vst v2;
	v2 =	vld [tilespmem:s31+$0xFFFFFFAD]  }
0x21f: {  	v63 =	vld [tilespmem:s31+$0x63];
	[tilespmem:s25+$0xFFFFFF10] =	vst v58  }
0x220: {  	v36 =	vld [tilespmem:s31+$0x73];
	[tilespmem:s25+$0x80] =	vst v61  }
0x221: {  	v37 =	vld [tilespmem:s31+$0x84];
	[tilespmem:s25+$0x90] =	vst v62  }
0x222: {  	[tilespmem:s25+$0xFFFFFE80] =	vst v0;
	v0 =	vld [tilespmem:s31+$0xFFFFFFEF]  }
0x223: {  	[tilespmem:s25+$0xFFFFFE90] =	vst v2;
	v2 =	vld [tilespmem:s31+$0x0]  }
0x224: {  	v59 =	vld [tilespmem:s31+$0xFFFFFFDF];
	[tilespmem:s25+$0x180] =	vst v63  }
0x225: {  	v60 =	vld [tilespmem:s31+$0x10];
	[tilespmem:s25+$0x190] =	vst v36  }
0x226: {  	v33 =	vld [tilespmem:s31+$0x94];
	[tilespmem:s25+$0x200] =	vst v37  }
0x227: {  	[tilespmem:s25+$0xFFFFFF90] =	vst v0;
	v0 =	vld [tilespmem:s31+$0x42]  }
0x228: {  	[tilespmem:s25+$0x0] =	vst v2;
	v2 =	vld [tilespmem:s31+$0x52]  }
0x229: {  	v37 =	vld [tilespmem:s31+$0xFFFFFEF8];
	[tilespmem:s25+$0xFFFFFC10] =	vst v1  }
0x22a: {  	v34 =	vld [tilespmem:s31+$0xA5];
	[tilespmem:s25+$0xFFFFFF80] =	vst v59  }
0x22b: {  	v35 =	vld [tilespmem:s31+$0xB5];
	[tilespmem:s25+$0x10] =	vst v60  }
0x22c: {  	v36 =	vld [tilespmem:s31+$0xC6];
	[tilespmem:s25+$0x100] =	vst v0  }
0x22d: {  	s29 =	simm.s32 $0xC198;
	s28 =	simm.s32 $0x0;
	s26 =	simm.s32 $0xE380;
	v32 =	vld [tilespmem:s31+$0xD6];
	[tilespmem:s25+$0x110] =	vst v2  }
.LBB2_5:
0x22e: {  	v0 =	vld [tilespmem:s29+$0xF7];
	s28 =	sadd.s32 $0x10, s28;
	[tilespmem:s25+$0x210] =	vst v33  }
0x22f: {  	v1 =	vld [tilespmem:s29+$0xFFFFFF08];
	p2 =	slt.u32 s28, $0xF0;
	[tilespmem:s25+$0x280] =	vst v34  }
0x230: {  	v2 =	vld [tilespmem:s29+$0xFFFFFF19];
	[tilespmem:s25+$0x290] =	vst v35  }
0x231: {  	v33 =	vld [tilespmem:s29+$0xFFFFFF29];
	[tilespmem:s25+$0x300] =	vst v36  }
0x232: {  	s25 =	sadd.s32 $0x800, s25;
	v34 =	vld [tilespmem:s29+$0xFFFFFF3A];
	[tilespmem:s26+$0xFFFFFC00] =	vst v37  }
0x233: {  	v35 =	vld [tilespmem:s29+$0xE7];
	[tilespmem:s25+$0x390] =	vst v0  }
0x234: {  	v0 =	vld [tilespmem:s29+$0xFFFFFF4A];
	[tilespmem:s26+$0x310] =	vst v32;
	s26 =	smov.u32 s25  }
0x235: {  	[tilespmem:s25+$0xFFFFFC80] =	vst v2;
	v2 =	vld [tilespmem:s29+$0xFFFFFF5B]  }
0x236: {  	[tilespmem:s25+$0xFFFFFC90] =	vst v33;
	v32 =	vld [tilespmem:s29+$0xFFFFFF6B]  }
0x237: {  	[tilespmem:s25+$0xFFFFFD00] =	vst v34;
	v33 =	vld [tilespmem:s29+$0xFFFFFF7C]  }
0x238: {  	v34 =	vld [tilespmem:s29+$0xFFFFFF8C];
	[tilespmem:s25+$0x380] =	vst v35  }
0x239: {  	[tilespmem:s25+$0xFFFFFD10] =	vst v0;
	v0 =	vld [tilespmem:s29+$0xFFFFFF9D]  }
0x23a: {  	[tilespmem:s25+$0xFFFFFD80] =	vst v2;
	v2 =	vld [tilespmem:s29+$0xFFFFFFAD]  }
0x23b: {  	[tilespmem:s25+$0xFFFFFD90] =	vst v32;
	v32 =	vld [tilespmem:s29+$0xFFFFFFBE]  }
0x23c: {  	[tilespmem:s25+$0xFFFFFE00] =	vst v33;
	v33 =	vld [tilespmem:s29+$0xFFFFFFCE]  }
0x23d: {  	[tilespmem:s25+$0xFFFFFE10] =	vst v34;
	v34 =	vld [tilespmem:s29+$0xFFFFFFDF]  }
0x23e: {  	[tilespmem:s25+$0xFFFFFE80] =	vst v0;
	v0 =	vld [tilespmem:s29+$0xFFFFFFEF]  }
0x23f: {  	[tilespmem:s25+$0xFFFFFE90] =	vst v2;
	v2 =	vld [tilespmem:s29+$0x0]  }
0x240: {  	[tilespmem:s25+$0xFFFFFF00] =	vst v32;
	v32 =	vld [tilespmem:s29+$0x10]  }
0x241: {  	[tilespmem:s25+$0xFFFFFF10] =	vst v33;
	v33 =	vld [tilespmem:s29+$0x21]  }
0x242: {  	[tilespmem:s25+$0xFFFFFF80] =	vst v34;
	v34 =	vld [tilespmem:s29+$0x31]  }
0x243: {  	[tilespmem:s25+$0xFFFFFF90] =	vst v0;
	v0 =	vld [tilespmem:s29+$0x42]  }
0x244: {  	[tilespmem:s25+$0x0] =	vst v2;
	v2 =	vld [tilespmem:s29+$0x52]  }
0x245: {  	[tilespmem:s25+$0x10] =	vst v32;
	v32 =	vld [tilespmem:s29+$0x63]  }
0x246: {  	[tilespmem:s25+$0x80] =	vst v33;
	v36 =	vld [tilespmem:s29+$0x73]  }
0x247: {  	[tilespmem:s25+$0x90] =	vst v34;
	v37 =	vld [tilespmem:s29+$0x84]  }
0x248: {  	[tilespmem:s25+$0x100] =	vst v0;
	v33 =	vld [tilespmem:s29+$0x94]  }
.Ltmp1:
0x249: {  	[tilespmem:s25+$0x110] =	vst v2;
	v34 =	vld [tilespmem:s29+$0xA5];
	(pc) =	sbr.rel @p2 .LBB2_5-.Ltmp1, $4  }
0x24a: {  	[tilespmem:s25+$0x180] =	vst v32;
	v35 =	vld [tilespmem:s29+$0xB5]  }
0x24b: {  	[tilespmem:s25+$0x190] =	vst v36;
	v36 =	vld [tilespmem:s29+$0xC6]  }
0x24c: {  	[tilespmem:s25+$0x200] =	vst v37;
	v32 =	vld [tilespmem:s29+$0xD6]  }
0x24d: {  	v37 =	vld [tilespmem:s29+$0xFFFFFEF8];
	[tilespmem:s25+$0xFFFFFC10] =	vst v1;
	s29 =	sadd.s32 $0x210, s29  }
0x24e: {  	[tilespmem:s25+$0x210] =	vst v33  }
0x24f: {  	[tilespmem:s25+$0x280] =	vst v34  }
0x250: {  	[tilespmem:s25+$0x290] =	vst v35  }
0x251: {  	[tilespmem:s25+$0x300] =	vst v36  }
0x252: {  	s30 =	sshll.u32 s24, $0xD;
	[tilespmem:s26+$0x310] =	vst v32  }
0x253: {  	s31 =	sadd.s32 s30, s10;
	s25 =	simm.s32 $0x0;
	[tilespmem:s26+$0xFFFFFC00] =	vst v37  }
0x254: {  	[hbm4b:s31+s25] =	stream.linear.scatter [tilespmem:s18], [sflag:$0x1], $0x8000, $0x38;
	[tilespmem:$0x1DF80] =	vst v63  }
0x255: {  	_ =	swait.ge [sflag:s19], $0x100  }
0x256: {  	[sflag:s19] =	ssyncset.done $0x0  }
0x257: {  	s28 =	simm.s32 $0xBDA0;
	s26 =	simm.s32 $0xFFFFFFFC;
	[sflag:s19] =	ssyncadd.s32 $0xFFFFFF00  }
.LBB2_7:
0x258: {  	v33 =	vld [tilespmem:s28+$0xFFFFFFE0];
	_ =	sdelay $0x4  }
0x259: {  	v0 =	vmul.f32 $1.600000000e+01, v33;
	_ =	sdelay $0x1  }
0x25a: {  	v1 =	vtrunc.f32 v0  }
0x25b: {  	v1 =	vcvt.f32.s32 v1;
	_ =	sdelay $0x1  }
0x25c: {  	v2 =	vshll.u32 v1, $0x1  }
0x25d: {  	v32 =	vor.u32 $0x1, v2  }
0x25e: {  	v34 =	vadd.s32 $0x2, v2  }
0x25f: {  	v35 =	vadd.s32 $0x3, v2;
	_ =	sdelay $0x1  }
0x260: {  	v2 =	vld.idx.msk [tilespmem:v2+s5+$0x0], $0xffff  }
0x261: {  	v32 =	vld.idx.msk [tilespmem:v32+s5+$0x0], $0xffff  }
0x262: {  	v34 =	vld.idx.msk [tilespmem:v34+s5+$0x0], $0xffff  }
0x263: {  	v35 =	vld.idx.msk [tilespmem:v35+s5+$0x0], $0xffff  }
0x264: {  	v36 =	vmul.f32 $2.400000000e+01, v33  }
0x265: {  	v1 =	vcvt.s32.f32 v1  }
0x266: {  	v37 =	vtrunc.f32 v36  }
0x267: {  	v48 =	vcvt.f32.s32 v37;
	v0 =	vsub.f32 v0, v1;
	v1 =	vsub.f32 v34, v2  }
0x268: {  	v49 =	vadd.s32 s25, v3;
	v35 =	vsub.f32 v35, v32  }
0x269: {  	v38 =	vadd.s32 s25, v4;
	v39 =	vshll.u32 v48, $0x1;
	v1 =	vmul.f32 v0, v1  }
0x26a: {  	v50 =	vadd.s32 $0x28, v39;
	v0 =	vmul.f32 v35, v0  }
0x26b: {  	v51 =	vadd.s32 $0x2A, v39;
	v1 =	vadd.f32 v1, v2  }
0x26c: {  	v2 =	vadd.s32 $0x29, v39;
	v0 =	vadd.f32 v0, v32  }
0x26d: {  	[tilespmem:v49+s17+$0x0] =	vst.idx.msk $0xffff, v1;
	v1 =	vadd.s32 $0x2B, v39  }
0x26e: {  	v9 =	vld [tilespmem:$0x1FE10];
	[tilespmem:v38+s17+$0x0] =	vst.idx.msk $0xffff, v0  }
0x26f: {  	v0 =	vld.idx.msk [tilespmem:v50+s5+$0x0], $0xffff  }
0x270: {  	v32 =	vld.idx.msk [tilespmem:v51+s5+$0x0], $0xffff  }
0x271: {  	v2 =	vld.idx.msk [tilespmem:v2+s5+$0x0], $0xffff  }
0x272: {  	v1 =	vld.idx.msk [tilespmem:v1+s5+$0x0], $0xffff  }
0x273: {  	v10 =	vld [tilespmem:$0x1FE20];
	v52 =	vmul.f32 $3.600000000e+01, v33  }
0x274: {  	v34 =	vcvt.s32.f32 v48  }
0x275: {  	v53 =	vtrunc.f32 v52  }
0x276: {  	v54 =	vcvt.f32.s32 v53;
	v34 =	vsub.f32 v36, v34;
	v32 =	vsub.f32 v32, v0  }
0x277: {  	v55 =	vadd.s32 s25, v9;
	v1 =	vsub.f32 v1, v2  }
0x278: {  	v56 =	vadd.s32 s25, v10;
	v57 =	vshll.u32 v54, $0x1;
	v32 =	vmul.f32 v32, v34  }
0x279: {  	v58 =	vadd.s32 $0x60, v57;
	v1 =	vmul.f32 v1, v34  }
0x27a: {  	v59 =	vadd.s32 $0x61, v57;
	v0 =	vadd.f32 v32, v0  }
0x27b: {  	v1 =	vadd.f32 v1, v2;
	v2 =	vadd.s32 $0x62, v57  }
0x27c: {  	[tilespmem:v55+s17+$0x0] =	vst.idx.msk $0xffff, v0;
	v0 =	vadd.s32 $0x63, v57  }
0x27d: {  	v11 =	vld [tilespmem:$0x1FE30];
	[tilespmem:v56+s17+$0x0] =	vst.idx.msk $0xffff, v1  }
0x27e: {  	v1 =	vld.idx.msk [tilespmem:v58+s5+$0x0], $0xffff  }
0x27f: {  	v32 =	vld.idx.msk [tilespmem:v59+s5+$0x0], $0xffff  }
0x280: {  	v2 =	vld.idx.msk [tilespmem:v2+s5+$0x0], $0xffff  }
0x281: {  	v0 =	vld.idx.msk [tilespmem:v0+s5+$0x0], $0xffff  }
0x282: {  	v12 =	vld [tilespmem:$0x1FE40];
	v60 =	vmul.f32 $5.500000000e+01, v33  }
0x283: {  	v36 =	vcvt.s32.f32 v54  }
0x284: {  	v61 =	vtrunc.f32 v60  }
0x285: {  	v62 =	vcvt.f32.s32 v61;
	v35 =	vsub.f32 v52, v36;
	v2 =	vsub.f32 v2, v1  }
0x286: {  	v63 =	vadd.s32 s25, v11;
	v0 =	vsub.f32 v0, v32  }
0x287: {  	v16 =	vadd.s32 s25, v12;
	v17 =	vshll.u32 v62, $0x1;
	v2 =	vmul.f32 v2, v35  }
0x288: {  	v18 =	vadd.s32 $0xB0, v17;
	v0 =	vmul.f32 v0, v35  }
0x289: {  	v19 =	vadd.s32 $0xB2, v17;
	v1 =	vadd.f32 v2, v1  }
0x28a: {  	v0 =	vadd.f32 v0, v32;
	v2 =	vadd.s32 $0xB1, v17  }
0x28b: {  	[tilespmem:v63+s17+$0x0] =	vst.idx.msk $0xffff, v1;
	v1 =	vadd.s32 $0xB3, v17  }
0x28c: {  	v13 =	vld [tilespmem:$0x1FE50];
	[tilespmem:v16+s17+$0x0] =	vst.idx.msk $0xffff, v0  }
0x28d: {  	v0 =	vld.idx.msk [tilespmem:v18+s5+$0x0], $0xffff  }
0x28e: {  	v32 =	vld.idx.msk [tilespmem:v19+s5+$0x0], $0xffff  }
0x28f: {  	v2 =	vld.idx.msk [tilespmem:v2+s5+$0x0], $0xffff  }
0x290: {  	v1 =	vld.idx.msk [tilespmem:v1+s5+$0x0], $0xffff  }
0x291: {  	v14 =	vld [tilespmem:$0x1FE60];
	v20 =	vmul.f32 $8.400000000e+01, v33  }
0x292: {  	v36 =	vcvt.s32.f32 v62  }
0x293: {  	v21 =	vtrunc.f32 v20  }
0x294: {  	v22 =	vcvt.f32.s32 v21;
	v34 =	vsub.f32 v60, v36;
	v32 =	vsub.f32 v32, v0  }
0x295: {  	v23 =	vadd.s32 s25, v13;
	v1 =	vsub.f32 v1, v2  }
0x296: {  	v24 =	vadd.s32 s25, v14;
	v25 =	vshll.u32 v22, $0x1;
	v32 =	vmul.f32 v32, v34  }
0x297: {  	v26 =	vadd.s32 $0x128, v25;
	v1 =	vmul.f32 v1, v34  }
0x298: {  	v27 =	vadd.s32 $0x129, v25;
	v0 =	vadd.f32 v32, v0  }
0x299: {  	v1 =	vadd.f32 v1, v2;
	v2 =	vadd.s32 $0x12A, v25  }
0x29a: {  	[tilespmem:v23+s17+$0x0] =	vst.idx.msk $0xffff, v0;
	v0 =	vadd.s32 $0x12B, v25  }
0x29b: {  	v15 =	vld [tilespmem:$0x1FE70];
	[tilespmem:v24+s17+$0x0] =	vst.idx.msk $0xffff, v1  }
0x29c: {  	v1 =	vld.idx.msk [tilespmem:v26+s5+$0x0], $0xffff  }
0x29d: {  	v28 =	vld.idx.msk [tilespmem:v27+s5+$0x0], $0xffff  }
0x29e: {  	v2 =	vld.idx.msk [tilespmem:v2+s5+$0x0], $0xffff  }
0x29f: {  	v0 =	vld.idx.msk [tilespmem:v0+s5+$0x0], $0xffff  }
0x2a0: {  	v29 =	vmul.f32 $1.270000000e+02, v33;
	v16 =	vld [tilespmem:$0x1FE80]  }
0x2a1: {  	v44 =	vcvt.s32.f32 v22  }
0x2a2: {  	v45 =	vtrunc.f32 v29  }
0x2a3: {  	v36 =	vcvt.f32.s32 v45;
	v35 =	vsub.f32 v20, v44;
	v2 =	vsub.f32 v2, v1  }
0x2a4: {  	v46 =	vadd.s32 s25, v15;
	v0 =	vsub.f32 v0, v28  }
0x2a5: {  	v40 =	vshll.u32 v36, $0x1;
	v47 =	vadd.s32 s25, v16;
	v32 =	vld [tilespmem:s28+$0xFFFFFFF0];
	v2 =	vmul.f32 v2, v35  }
0x2a6: {  	v48 =	vadd.s32 $0x1D8, v40;
	v0 =	vmul.f32 v0, v35  }
0x2a7: {  	v49 =	vadd.s32 $0x1DA, v40;
	v1 =	vadd.f32 v2, v1  }
0x2a8: {  	v0 =	vadd.f32 v0, v28;
	v2 =	vadd.s32 $0x1D9, v40  }
0x2a9: {  	[tilespmem:v46+s17+$0x0] =	vst.idx.msk $0xffff, v1;
	v1 =	vadd.s32 $0x1DB, v40  }
0x2aa: {  	v17 =	vld [tilespmem:$0x1FE90];
	[tilespmem:v47+s17+$0x0] =	vst.idx.msk $0xffff, v0;
	v0 =	vmul.f32 $1.600000000e+01, v32  }
0x2ab: {  	v35 =	vld.idx.msk [tilespmem:v48+s5+$0x0], $0xffff  }
0x2ac: {  	v34 =	vld.idx.msk [tilespmem:v49+s5+$0x0], $0xffff;
	v50 =	vtrunc.f32 v0  }
0x2ad: {  	v2 =	vld.idx.msk [tilespmem:v2+s5+$0x0], $0xffff;
	v38 =	vcvt.f32.s32 v50  }
0x2ae: {  	v51 =	vmul.f32 $1.940000000e+02, v33;
	v1 =	vld.idx.msk [tilespmem:v1+s5+$0x0], $0xffff  }
0x2af: {  	v18 =	vld [tilespmem:$0x1FEA0];
	v52 =	vshll.u32 v38, $0x1  }
0x2b0: {  	v53 =	vtrunc.f32 v51;
	v36 =	vcvt.s32.f32 v36;
	v41 =	vor.u32 $0x1, v52  }
0x2b1: {  	v37 =	vcvt.f32.s32 v53;
	v42 =	vadd.s32 $0x2, v52  }
0x2b2: {  	v36 =	vsub.f32 v29, v36;
	v34 =	vsub.f32 v34, v35;
	v43 =	vadd.s32 $0x3, v52  }
0x2b3: {  	v44 =	vadd.s32 s25, v17;
	v1 =	vsub.f32 v1, v2  }
0x2b4: {  	v45 =	vadd.s32 s25, v18;
	v46 =	vshll.u32 v37, $0x1;
	v34 =	vmul.f32 v34, v36;
	v40 =	vld.idx.msk [tilespmem:v52+s5+$0x0], $0xffff  }
0x2b5: {  	v54 =	vadd.s32 $0x2E0, v46;
	v1 =	vmul.f32 v1, v36;
	v41 =	vld.idx.msk [tilespmem:v41+s5+$0x0], $0xffff  }
0x2b6: {  	v55 =	vadd.s32 $0x2E1, v46;
	v34 =	vadd.f32 v34, v35;
	v42 =	vld.idx.msk [tilespmem:v42+s5+$0x0], $0xffff  }
0x2b7: {  	v43 =	vld.idx.msk [tilespmem:v43+s5+$0x0], $0xffff;
	v1 =	vadd.f32 v1, v2;
	v2 =	vadd.s32 $0x2E2, v46  }
0x2b8: {  	v57 =	vmul.f32 $2.400000000e+01, v32;
	v56 =	vadd.s32 $0x2E3, v46;
	[tilespmem:v44+s17+$0x0] =	vst.idx.msk $0xffff, v34  }
0x2b9: {  	v19 =	vld [tilespmem:$0x1FEB0];
	[tilespmem:v45+s17+$0x0] =	vst.idx.msk $0xffff, v1;
	v1 =	vcvt.s32.f32 v38  }
0x2ba: {  	v58 =	vtrunc.f32 v57;
	v36 =	vld.idx.msk [tilespmem:v54+s5+$0x0], $0xffff  }
0x2bb: {  	s29 =	sadd.s32 $0x210, s25;
	v38 =	vcvt.f32.s32 v58;
	v35 =	vld.idx.msk [tilespmem:v55+s5+$0x0], $0xffff;
	v0 =	vsub.f32 v0, v1;
	v1 =	vsub.f32 v42, v40  }
0x2bc: {  	v60 =	vadd.s32 s29, v4;
	v59 =	vadd.s32 s29, v3;
	v43 =	vsub.f32 v43, v41;
	v2 =	vld.idx.msk [tilespmem:v2+s5+$0x0], $0xffff  }
0x2bd: {  	v37 =	vcvt.s32.f32 v37;
	v34 =	vld.idx.msk [tilespmem:v56+s5+$0x0], $0xffff;
	v61 =	vshll.u32 v38, $0x1;
	v1 =	vmul.f32 v0, v1  }
0x2be: {  	v20 =	vld [tilespmem:$0x1FEC0];
	v47 =	vmul.f32 $2.940000000e+02, v33;
	v62 =	vadd.s32 $0x28, v61;
	v0 =	vmul.f32 v43, v0  }
0x2bf: {  	v37 =	vsub.f32 v51, v37;
	v63 =	vadd.s32 $0x29, v61;
	v1 =	vadd.f32 v1, v40  }
0x2c0: {  	v24 =	vtrunc.f32 v47;
	v25 =	vadd.s32 $0x2A, v61;
	v0 =	vadd.f32 v0, v41  }
0x2c1: {  	v40 =	vcvt.f32.s32 v24;
	v2 =	vsub.f32 v2, v36;
	[tilespmem:v59+s17+$0x0] =	vst.idx.msk $0xffff, v1;
	v1 =	vadd.s32 $0x2B, v61  }
0x2c2: {  	v26 =	vadd.s32 s25, v19;
	v34 =	vsub.f32 v34, v35;
	[tilespmem:v60+s17+$0x0] =	vst.idx.msk $0xffff, v0  }
0x2c3: {  	v27 =	vshll.u32 v40, $0x1;
	v0 =	vmul.f32 v2, v37;
	v2 =	vadd.s32 s25, v20;
	v43 =	vld.idx.msk [tilespmem:v62+s5+$0x0], $0xffff  }
0x2c4: {  	v34 =	vmul.f32 v34, v37;
	v28 =	vadd.s32 $0x468, v27;
	v39 =	vld.idx.msk [tilespmem:v63+s5+$0x0], $0xffff  }
0x2c5: {  	v29 =	vadd.s32 $0x469, v27;
	v41 =	vld.idx.msk [tilespmem:v25+s5+$0x0], $0xffff;
	v0 =	vadd.f32 v0, v36  }
0x2c6: {  	v30 =	vadd.s32 $0x46A, v27;
	v34 =	vadd.f32 v34, v35;
	v1 =	vld.idx.msk [tilespmem:v1+s5+$0x0], $0xffff  }
0x2c7: {  	v31 =	vmul.f32 $3.600000000e+01, v32;
	[tilespmem:v26+s17+$0x0] =	vst.idx.msk $0xffff, v0;
	v0 =	vadd.s32 $0x46B, v27  }
0x2c8: {  	v21 =	vld [tilespmem:$0x1FED0];
	[tilespmem:v2+s17+$0x0] =	vst.idx.msk $0xffff, v34;
	v2 =	vcvt.s32.f32 v38  }
0x2c9: {  	v46 =	vtrunc.f32 v31;
	v34 =	vld.idx.msk [tilespmem:v28+s5+$0x0], $0xffff  }
0x2ca: {  	v37 =	vcvt.f32.s32 v46;
	v48 =	vsub.f32 v41, v43;
	v36 =	vld.idx.msk [tilespmem:v29+s5+$0x0], $0xffff;
	v2 =	vsub.f32 v57, v2  }
0x2cb: {  	v49 =	vadd.s32 s29, v9;
	v50 =	vadd.s32 s29, v10;
	v35 =	vld.idx.msk [tilespmem:v30+s5+$0x0], $0xffff;
	v1 =	vsub.f32 v1, v39  }
0x2cc: {  	v52 =	vmul.f32 $4.450000000e+02, v33;
	v51 =	vshll.u32 v37, $0x1;
	v0 =	vld.idx.msk [tilespmem:v0+s5+$0x0], $0xffff;
	v38 =	vmul.f32 v48, v2  }
0x2cd: {  	v22 =	vld [tilespmem:$0x1FEE0];
	v40 =	vcvt.s32.f32 v40;
	v1 =	vmul.f32 v1, v2;
	v2 =	vadd.s32 $0x60, v51  }
0x2ce: {  	v54 =	vtrunc.f32 v52;
	v53 =	vadd.s32 $0x61, v51;
	v38 =	vadd.f32 v38, v43  }
0x2cf: {  	v40 =	vsub.f32 v47, v40;
	v55 =	vadd.s32 $0x62, v51;
	v1 =	vadd.f32 v1, v39  }
0x2d0: {  	v47 =	vcvt.f32.s32 v54;
	v56 =	vadd.s32 $0x63, v51;
	v35 =	vsub.f32 v35, v34;
	[tilespmem:v49+s17+$0x0] =	vst.idx.msk $0xffff, v38  }
0x2d1: {  	v57 =	vadd.s32 s25, v21;
	v0 =	vsub.f32 v0, v36;
	[tilespmem:v50+s17+$0x0] =	vst.idx.msk $0xffff, v1  }
0x2d2: {  	v58 =	vadd.s32 s25, v22;
	v59 =	vshll.u32 v47, $0x1;
	v1 =	vmul.f32 v35, v40;
	v2 =	vld.idx.msk [tilespmem:v2+s5+$0x0], $0xffff  }
0x2d3: {  	v60 =	vadd.s32 $0x6B8, v59;
	v43 =	vld.idx.msk [tilespmem:v53+s5+$0x0], $0xffff;
	v0 =	vmul.f32 v0, v40  }
0x2d4: {  	v61 =	vadd.s32 $0x6B9, v59;
	v39 =	vld.idx.msk [tilespmem:v55+s5+$0x0], $0xffff;
	v1 =	vadd.f32 v1, v34  }
0x2d5: {  	v62 =	vadd.s32 $0x6BA, v59;
	v38 =	vld.idx.msk [tilespmem:v56+s5+$0x0], $0xffff;
	v0 =	vadd.f32 v0, v36  }
0x2d6: {  	v63 =	vmul.f32 $5.500000000e+01, v32;
	[tilespmem:v57+s17+$0x0] =	vst.idx.msk $0xffff, v1;
	v1 =	vadd.s32 $0x6BB, v59  }
0x2d7: {  	v23 =	vld [tilespmem:$0x1FEF0];
	[tilespmem:v58+s17+$0x0] =	vst.idx.msk $0xffff, v0;
	v0 =	vcvt.s32.f32 v37  }
0x2d8: {  	v24 =	vtrunc.f32 v63;
	v35 =	vld.idx.msk [tilespmem:v60+s5+$0x0], $0xffff  }
0x2d9: {  	v39 =	vsub.f32 v39, v2;
	v37 =	vcvt.f32.s32 v24;
	v34 =	vld.idx.msk [tilespmem:v61+s5+$0x0], $0xffff;
	v0 =	vsub.f32 v31, v0  }
0x2da: {  	v26 =	vadd.s32 s29, v11;
	v27 =	vadd.s32 s29, v12;
	v38 =	vsub.f32 v38, v43;
	v36 =	vld.idx.msk [tilespmem:v62+s5+$0x0], $0xffff  }
0x2db: {  	v29 =	vmul.f32 $6.750000000e+02, v33;
	v28 =	vshll.u32 v37, $0x1;
	v1 =	vld.idx.msk [tilespmem:v1+s5+$0x0], $0xffff;
	v39 =	vmul.f32 v39, v0  }
0x2dc: {  	v25 =	vcvt.s32.f32 v47;
	v24 =	vld [tilespmem:$0x1FF00];
	v30 =	vadd.s32 $0xB0, v28;
	v0 =	vmul.f32 v38, v0  }
0x2dd: {  	v48 =	vtrunc.f32 v29;
	v31 =	vadd.s32 $0xB1, v28;
	v2 =	vadd.f32 v39, v2  }
0x2de: {  	v46 =	vcvt.f32.s32 v48;
	v49 =	vadd.s32 $0xB2, v28;
	v0 =	vadd.f32 v0, v43  }
0x2df: {  	v40 =	vsub.f32 v52, v25;
	v36 =	vsub.f32 v36, v35;
	[tilespmem:v26+s17+$0x0] =	vst.idx.msk $0xffff, v2;
	v2 =	vadd.s32 $0xB3, v28  }
0x2e0: {  	v50 =	vadd.s32 s25, v23;
	v1 =	vsub.f32 v1, v34;
	[tilespmem:v27+s17+$0x0] =	vst.idx.msk $0xffff, v0  }
0x2e1: {  	v52 =	vshll.u32 v46, $0x1;
	v51 =	vadd.s32 s25, v24;
	v0 =	vmul.f32 v36, v40;
	v38 =	vld.idx.msk [tilespmem:v30+s5+$0x0], $0xffff  }
0x2e2: {  	v53 =	vadd.s32 $0xA38, v52;
	v1 =	vmul.f32 v1, v40;
	v39 =	vld.idx.msk [tilespmem:v31+s5+$0x0], $0xffff  }
0x2e3: {  	v54 =	vadd.s32 $0xA39, v52;
	v43 =	vld.idx.msk [tilespmem:v49+s5+$0x0], $0xffff;
	v0 =	vadd.f32 v0, v35  }
0x2e4: {  	v55 =	vadd.s32 $0xA3A, v52;
	v1 =	vadd.f32 v1, v34;
	v2 =	vld.idx.msk [tilespmem:v2+s5+$0x0], $0xffff  }
0x2e5: {  	v56 =	vmul.f32 $8.400000000e+01, v32;
	[tilespmem:v50+s17+$0x0] =	vst.idx.msk $0xffff, v0;
	v0 =	vadd.s32 $0xA3B, v52  }
0x2e6: {  	v25 =	vld [tilespmem:$0x1FF10];
	[tilespmem:v51+s17+$0x0] =	vst.idx.msk $0xffff, v1;
	v1 =	vcvt.s32.f32 v37  }
0x2e7: {  	v57 =	vtrunc.f32 v56;
	v36 =	vld.idx.msk [tilespmem:v53+s5+$0x0], $0xffff  }
0x2e8: {  	v37 =	vcvt.f32.s32 v57;
	v35 =	vld.idx.msk [tilespmem:v54+s5+$0x0], $0xffff;
	v58 =	vsub.f32 v43, v38;
	v1 =	vsub.f32 v63, v1  }
0x2e9: {  	v59 =	vcvt.s32.f32 v46;
	v60 =	vadd.s32 s29, v13;
	v34 =	vld.idx.msk [tilespmem:v55+s5+$0x0], $0xffff;
	v2 =	vsub.f32 v2, v39  }
0x2ea: {  	v61 =	vadd.s32 s29, v14;
	v62 =	vshll.u32 v37, $0x1;
	v0 =	vld.idx.msk [tilespmem:v0+s5+$0x0], $0xffff;
	v40 =	vmul.f32 v58, v1  }
0x2eb: {  	v26 =	vld [tilespmem:$0x1FF20];
	v63 =	vmul.f32 $1.023000000e+03, v33;
	v1 =	vmul.f32 v2, v1;
	v2 =	vadd.s32 $0x128, v62  }
0x2ec: {  	v41 =	vsub.f32 v29, v59;
	v28 =	vadd.s32 $0x129, v62;
	v38 =	vadd.f32 v40, v38  }
0x2ed: {  	v30 =	vadd.s32 $0x12A, v62;
	v29 =	vtrunc.f32 v63;
	v1 =	vadd.f32 v1, v39  }
0x2ee: {  	v31 =	vadd.s32 $0x12B, v62;
	v47 =	vcvt.f32.s32 v29;
	v34 =	vsub.f32 v34, v36;
	[tilespmem:v60+s17+$0x0] =	vst.idx.msk $0xffff, v38  }
0x2ef: {  	v48 =	vadd.s32 s25, v25;
	v0 =	vsub.f32 v0, v35;
	[tilespmem:v61+s17+$0x0] =	vst.idx.msk $0xffff, v1  }
0x2f0: {  	v49 =	vadd.s32 s25, v26;
	v50 =	vshll.u32 v47, $0x1;
	v1 =	vmul.f32 v34, v41;
	v2 =	vld.idx.msk [tilespmem:v2+s5+$0x0], $0xffff  }
0x2f1: {  	v51 =	vadd.s32 $0xF88, v50;
	v0 =	vmul.f32 v0, v41;
	v40 =	vld.idx.msk [tilespmem:v28+s5+$0x0], $0xffff  }
0x2f2: {  	v52 =	vadd.s32 $0xF89, v50;
	v39 =	vld.idx.msk [tilespmem:v30+s5+$0x0], $0xffff;
	v1 =	vadd.f32 v1, v36  }
0x2f3: {  	v53 =	vadd.s32 $0xF8A, v50;
	v38 =	vld.idx.msk [tilespmem:v31+s5+$0x0], $0xffff;
	v0 =	vadd.f32 v0, v35  }
0x2f4: {  	v43 =	vmul.f32 $1.270000000e+02, v32;
	[tilespmem:v48+s17+$0x0] =	vst.idx.msk $0xffff, v1;
	v1 =	vadd.s32 $0xF8B, v50  }
0x2f5: {  	v27 =	vld [tilespmem:$0x1FF30];
	[tilespmem:v49+s17+$0x0] =	vst.idx.msk $0xffff, v0;
	v0 =	vcvt.s32.f32 v37  }
0x2f6: {  	v54 =	vtrunc.f32 v43;
	v34 =	vld.idx.msk [tilespmem:v51+s5+$0x0], $0xffff  }
0x2f7: {  	v37 =	vcvt.f32.s32 v54;
	v36 =	vld.idx.msk [tilespmem:v52+s5+$0x0], $0xffff;
	v39 =	vsub.f32 v39, v2;
	v0 =	vsub.f32 v56, v0  }
0x2f8: {  	v59 =	vmul.f32 $1.552000000e+03, v33;
	v35 =	vld.idx.msk [tilespmem:v53+s5+$0x0], $0xffff;
	v38 =	vsub.f32 v38, v40;
	v56 =	vadd.s32 s29, v15  }
0x2f9: {  	v57 =	vadd.s32 s29, v16;
	v58 =	vshll.u32 v37, $0x1;
	v1 =	vld.idx.msk [tilespmem:v1+s5+$0x0], $0xffff;
	v39 =	vmul.f32 v39, v0  }
0x2fa: {  	v55 =	vcvt.s32.f32 v47;
	v28 =	vld [tilespmem:$0x1FF40];
	v60 =	vadd.s32 $0x1D8, v58;
	v0 =	vmul.f32 v38, v0  }
0x2fb: {  	v62 =	vtrunc.f32 v59;
	v61 =	vadd.s32 $0x1D9, v58;
	v2 =	vadd.f32 v39, v2  }
0x2fc: {  	v41 =	vsub.f32 v63, v55;
	v63 =	vadd.s32 $0x1DA, v58;
	v0 =	vadd.f32 v0, v40  }
0x2fd: {  	v46 =	vcvt.f32.s32 v62;
	v35 =	vsub.f32 v35, v34;
	[tilespmem:v56+s17+$0x0] =	vst.idx.msk $0xffff, v2;
	v2 =	vadd.s32 $0x1DB, v58  }
0x2fe: {  	v48 =	vadd.s32 s25, v27;
	v1 =	vsub.f32 v1, v36;
	[tilespmem:v57+s17+$0x0] =	vst.idx.msk $0xffff, v0  }
0x2ff: {  	v50 =	vshll.u32 v46, $0x1;
	v49 =	vadd.s32 s25, v28;
	v0 =	vmul.f32 v35, v41;
	v38 =	vld.idx.msk [tilespmem:v60+s5+$0x0], $0xffff  }
0x300: {  	v51 =	vadd.s32 $0x1790, v50;
	v39 =	vld.idx.msk [tilespmem:v61+s5+$0x0], $0xffff;
	v1 =	vmul.f32 v1, v41  }
0x301: {  	v52 =	vadd.s32 $0x1791, v50;
	v40 =	vld.idx.msk [tilespmem:v63+s5+$0x0], $0xffff;
	v0 =	vadd.f32 v0, v34  }
0x302: {  	v53 =	vadd.s32 $0x1792, v50;
	v1 =	vadd.f32 v1, v36;
	v2 =	vld.idx.msk [tilespmem:v2+s5+$0x0], $0xffff  }
0x303: {  	v42 =	vmul.f32 $1.940000000e+02, v32;
	[tilespmem:v48+s17+$0x0] =	vst.idx.msk $0xffff, v0;
	v0 =	vadd.s32 $0x1793, v50  }
0x304: {  	v29 =	vld [tilespmem:$0x1FF50];
	[tilespmem:v49+s17+$0x0] =	vst.idx.msk $0xffff, v1;
	v1 =	vcvt.s32.f32 v37  }
0x305: {  	v54 =	vtrunc.f32 v42;
	v35 =	vld.idx.msk [tilespmem:v51+s5+$0x0], $0xffff  }
0x306: {  	v40 =	vsub.f32 v40, v38;
	v37 =	vcvt.f32.s32 v54;
	v34 =	vld.idx.msk [tilespmem:v52+s5+$0x0], $0xffff;
	v1 =	vsub.f32 v43, v1  }
0x307: {  	v55 =	vcvt.s32.f32 v46;
	v56 =	vadd.s32 s29, v17;
	v36 =	vld.idx.msk [tilespmem:v53+s5+$0x0], $0xffff;
	v2 =	vsub.f32 v2, v39  }
0x308: {  	v57 =	vadd.s32 s29, v18;
	v58 =	vshll.u32 v37, $0x1;
	v0 =	vld.idx.msk [tilespmem:v0+s5+$0x0], $0xffff;
	v40 =	vmul.f32 v40, v1  }
0x309: {  	v30 =	vld [tilespmem:$0x1FF60];
	v1 =	vmul.f32 v2, v1;
	v2 =	vadd.s32 $0x2E0, v58  }
0x30a: {  	v41 =	vsub.f32 v59, v55;
	v59 =	vadd.s32 $0x2E1, v58;
	v38 =	vadd.f32 v40, v38  }
0x30b: {  	v61 =	vadd.s32 $0x2E2, v58;
	v1 =	vadd.f32 v1, v39  }
0x30c: {  	v62 =	vadd.s32 $0x2E3, v58;
	v36 =	vsub.f32 v36, v35;
	[tilespmem:v56+s17+$0x0] =	vst.idx.msk $0xffff, v38  }
0x30d: {  	v63 =	vadd.s32 s25, v29;
	v0 =	vsub.f32 v0, v34;
	[tilespmem:v57+s17+$0x0] =	vst.idx.msk $0xffff, v1  }
0x30e: {  	v46 =	vmul.f32 $2.352000000e+03, v33;
	v48 =	vadd.s32 s25, v30;
	v1 =	vmul.f32 v36, v41;
	v2 =	vld.idx.msk [tilespmem:v2+s5+$0x0], $0xffff  }
0x30f: {  	v0 =	vmul.f32 v0, v41;
	v40 =	vld.idx.msk [tilespmem:v59+s5+$0x0], $0xffff  }
0x310: {  	v60 =	vtrunc.f32 v46;
	v39 =	vld.idx.msk [tilespmem:v61+s5+$0x0], $0xffff;
	v1 =	vadd.f32 v1, v35  }
0x311: {  	v47 =	vcvt.f32.s32 v60;
	v38 =	vld.idx.msk [tilespmem:v62+s5+$0x0], $0xffff;
	v0 =	vadd.f32 v0, v34  }
0x312: {  	v43 =	vmul.f32 $2.940000000e+02, v32;
	[tilespmem:v63+s17+$0x0] =	vst.idx.msk $0xffff, v1  }
0x313: {  	v55 =	vadd.s32 s29, v20;
	v49 =	vshll.u32 v47, $0x1;
	[tilespmem:v48+s17+$0x0] =	vst.idx.msk $0xffff, v0;
	v0 =	vcvt.s32.f32 v37  }
0x314: {  	v50 =	vadd.s32 $0x23B8, v49;
	v51 =	vadd.s32 $0x23B9, v49;
	v53 =	vtrunc.f32 v43  }
0x315: {  	v37 =	vcvt.f32.s32 v53;
	v39 =	vsub.f32 v39, v2;
	v0 =	vsub.f32 v42, v0  }
0x316: {  	v54 =	vadd.s32 s29, v19;
	v52 =	vadd.s32 $0x23BA, v49;
	v38 =	vsub.f32 v38, v40  }
0x317: {  	v7 =	vld [tilespmem:$0x1FF80];
	v1 =	vadd.s32 $0x23BB, v49;
	v56 =	vshll.u32 v37, $0x1;
	v39 =	vmul.f32 v39, v0  }
0x318: {  	v31 =	vld [tilespmem:$0x1FF70];
	v57 =	vadd.s32 $0x468, v56;
	v0 =	vmul.f32 v38, v0  }
0x319: {  	v36 =	vld.idx.msk [tilespmem:v50+s5+$0x0], $0xffff;
	v59 =	vadd.s32 $0x469, v56;
	v2 =	vadd.f32 v39, v2  }
0x31a: {  	v35 =	vld.idx.msk [tilespmem:v51+s5+$0x0], $0xffff;
	v60 =	vadd.s32 $0x46A, v56;
	v0 =	vadd.f32 v0, v40  }
0x31b: {  	v34 =	vld.idx.msk [tilespmem:v52+s5+$0x0], $0xffff;
	[tilespmem:v54+s17+$0x0] =	vst.idx.msk $0xffff, v2;
	v2 =	vadd.s32 $0x46B, v56  }
0x31c: {  	v41 =	vmul.f32 $3.565000000e+03, v33;
	v1 =	vld.idx.msk [tilespmem:v1+s5+$0x0], $0xffff;
	[tilespmem:v55+s17+$0x0] =	vst.idx.msk $0xffff, v0  }
0x31d: {  	v58 =	vcvt.s32.f32 v47;
	v38 =	vld.idx.msk [tilespmem:v57+s5+$0x0], $0xffff  }
0x31e: {  	v61 =	vtrunc.f32 v41;
	v39 =	vld.idx.msk [tilespmem:v59+s5+$0x0], $0xffff  }
0x31f: {  	v45 =	vsub.f32 v46, v58;
	v63 =	vadd.s32 s25, v31;
	v42 =	vcvt.f32.s32 v61;
	v62 =	vld.idx.msk [tilespmem:v60+s5+$0x0], $0xffff  }
0x320: {  	v53 =	vadd.s32 s25, v7;
	v37 =	vcvt.s32.f32 v37;
	v34 =	vsub.f32 v34, v36;
	v2 =	vld.idx.msk [tilespmem:v2+s5+$0x0], $0xffff  }
0x321: {  	v52 =	vshll.u32 v42, $0x1;
	v40 =	vmul.f32 $4.450000000e+02, v32;
	v1 =	vsub.f32 v1, v35  }
0x322: {  	v37 =	vsub.f32 v43, v37;
	v56 =	vadd.s32 $0x3622, v52;
	v0 =	vmul.f32 v34, v45  }
0x323: {  	v48 =	vtrunc.f32 v40;
	v55 =	vadd.s32 $0x3621, v52;
	v1 =	vmul.f32 v1, v45  }
0x324: {  	v43 =	vcvt.f32.s32 v48;
	v0 =	vadd.f32 v0, v36;
	v34 =	vsub.f32 v62, v38  }
0x325: {  	v57 =	vadd.s32 s29, v21;
	v1 =	vadd.f32 v1, v35;
	v2 =	vsub.f32 v2, v39  }
0x326: {  	v58 =	vadd.s32 s29, v22;
	v54 =	vadd.s32 $0x3620, v52;
	[tilespmem:v63+s17+$0x0] =	vst.idx.msk $0xffff, v0;
	v0 =	vmul.f32 v34, v37;
	v34 =	vld [tilespmem:s28+$0x0]  }
0x327: {  	v36 =	vadd.s32 $0x3623, v52;
	v49 =	vshll.u32 v43, $0x1;
	[tilespmem:v53+s17+$0x0] =	vst.idx.msk $0xffff, v1;
	v1 =	vmul.f32 v2, v37  }
0x328: {  	v0 =	vadd.f32 v0, v38;
	v2 =	vadd.s32 $0x6B8, v49  }
0x329: {  	v60 =	vadd.s32 $0x6BA, v49;
	v44 =	vld.idx.msk [tilespmem:v55+s5+$0x0], $0xffff;
	v1 =	vadd.f32 v1, v39  }
0x32a: {  	v61 =	vld.idx.msk [tilespmem:v56+s5+$0x0], $0xffff;
	[tilespmem:v57+s17+$0x0] =	vst.idx.msk $0xffff, v0  }
0x32b: {  	v59 =	vadd.s32 $0x6B9, v49;
	v37 =	vld.idx.msk [tilespmem:v54+s5+$0x0], $0xffff;
	[tilespmem:v58+s17+$0x0] =	vst.idx.msk $0xffff, v1;
	v1 =	vcvt.s32.f32 v42;
	v42 =	vmul.f32 $1.600000000e+01, v34  }
0x32c: {  	v36 =	vld.idx.msk [tilespmem:v36+s5+$0x0], $0xffff;
	v0 =	vadd.s32 $0x6BB, v49  }
0x32d: {  	v43 =	vcvt.s32.f32 v43;
	v2 =	vld.idx.msk [tilespmem:v2+s5+$0x0], $0xffff;
	v53 =	vtrunc.f32 v42  }
0x32e: {  	v46 =	vadd.s32 s29, v23;
	v52 =	vld.idx.msk [tilespmem:v60+s5+$0x0], $0xffff;
	v56 =	vcvt.f32.s32 v53  }
0x32f: {  	v50 =	vmul.f32 $6.750000000e+02, v32;
	v35 =	vld [tilespmem:s28+$0x10];
	v40 =	vsub.f32 v40, v43;
	v62 =	vmul.f32 $5.404000000e+03, v33  }
0x330: {  	v63 =	vld.idx.msk [tilespmem:v59+s5+$0x0], $0xffff;
	v54 =	vsub.f32 v61, v37;
	v1 =	vsub.f32 v41, v1;
	v57 =	vshll.u32 v56, $0x1  }
0x331: {  	v55 =	vtrunc.f32 v62;
	v36 =	vsub.f32 v36, v44;
	v0 =	vld.idx.msk [tilespmem:v0+s5+$0x0], $0xffff;
	v59 =	vor.u32 $0x1, v57  }
0x332: {  	v41 =	vcvt.f32.s32 v55;
	v39 =	vmul.f32 v54, v1;
	v60 =	vadd.s32 $0x2, v57  }
0x333: {  	v8 =	vld [tilespmem:$0x1FF90];
	v1 =	vmul.f32 v36, v1;
	v38 =	vsub.f32 v52, v2;
	v51 =	vadd.s32 $0x3, v57  }
0x334: {  	v5 =	vld [tilespmem:$0x1FFA0];
	v53 =	vmul.f32 $1.600000000e+01, v35;
	v58 =	vcvt.s32.f32 v41;
	v54 =	vadd.s32 s29, v24  }
0x335: {  	v45 =	vcvt.s32.f32 v56;
	v52 =	vmul.f32 v38, v40;
	v38 =	vadd.f32 v1, v44;
	v44 =	vld.idx.msk [tilespmem:v57+s5+$0x0], $0xffff  }
0x336: {  	v61 =	vtrunc.f32 v53;
	v39 =	vadd.f32 v39, v37;
	v0 =	vsub.f32 v0, v63;
	v48 =	vld.idx.msk [tilespmem:v59+s5+$0x0], $0xffff  }
0x337: {  	v37 =	vsub.f32 v62, v58;
	v43 =	vcvt.f32.s32 v61;
	v42 =	vsub.f32 v42, v45;
	v62 =	vld.idx.msk [tilespmem:v60+s5+$0x0], $0xffff  }
0x338: {  	v1 =	vtrunc.f32 v50;
	v0 =	vmul.f32 v0, v40;
	v40 =	vadd.s32 s25, v8;
	v49 =	vld.idx.msk [tilespmem:v51+s5+$0x0], $0xffff  }
0x339: {  	v1 =	vcvt.f32.s32 v1;
	v2 =	vadd.f32 v52, v2;
	v52 =	vshll.u32 v43, $0x1  }
0x33a: {  	v0 =	vadd.f32 v0, v63;
	v51 =	vmul.f32 $2.400000000e+01, v34;
	v56 =	vor.u32 $0x1, v52  }
0x33b: {  	s30 =	sadd.s32 $0x420, s25;
	v47 =	vshll.u32 v1, $0x1;
	v57 =	vadd.s32 $0x2, v52;
	v58 =	vadd.s32 $0x3, v52  }
0x33c: {  	v60 =	vadd.s32 s30, v3;
	v3 =	vadd.s32 s25, v5;
	v63 =	vtrunc.f32 v51  }
0x33d: {  	[tilespmem:v46+s17+$0x0] =	vst.idx.msk $0xffff, v2;
	v45 =	vcvt.f32.s32 v63;
	v36 =	vsub.f32 v62, v44;
	v49 =	vsub.f32 v49, v48  }
0x33e: {  	v55 =	vadd.s32 $0xA38, v47;
	v59 =	vadd.s32 $0xA3A, v47;
	[tilespmem:v54+s17+$0x0] =	vst.idx.msk $0xffff, v0;
	v52 =	vld.idx.msk [tilespmem:v52+s5+$0x0], $0xffff;
	v62 =	vadd.s32 s30, v4  }
0x33f: {  	v63 =	vshll.u32 v45, $0x1;
	v56 =	vld.idx.msk [tilespmem:v56+s5+$0x0], $0xffff;
	v61 =	vmul.f32 v42, v36;
	v49 =	vmul.f32 v49, v42  }
0x340: {  	v6 =	vmov v4;
	v1 =	vcvt.s32.f32 v1;
	[tilespmem:v40+s17+$0x0] =	vst.idx.msk $0xffff, v39;
	v46 =	vld.idx.msk [tilespmem:v57+s5+$0x0], $0xffff;
	v4 =	vadd.s32 $0x28, v63  }
0x341: {  	v2 =	vadd.f32 v61, v44;
	v44 =	vadd.s32 $0x29, v63;
	v0 =	vadd.f32 v49, v48;
	v49 =	vld.idx.msk [tilespmem:v58+s5+$0x0], $0xffff  }
0x342: {  	v1 =	vsub.f32 v50, v1;
	v57 =	vadd.s32 $0xA39, v47;
	[tilespmem:v3+s17+$0x0] =	vst.idx.msk $0xffff, v38;
	v48 =	vadd.s32 $0x2A, v63;
	v61 =	vld [tilespmem:$0x1FFF0]  }
0x343: {  	v45 =	vcvt.s32.f32 v45;
	v54 =	vld.idx.msk [tilespmem:v55+s5+$0x0], $0xffff;
	v55 =	vmul.f32 $2.400000000e+01, v35;
	[tilespmem:v60+s17+$0x0] =	vst.idx.msk $0xffff, v2;
	v2 =	vadd.s32 $0x2B, v63  }
0x344: {  	v3 =	vadd.s32 s29, v26;
	v36 =	vshll.u32 v41, $0x1;
	v58 =	vld.idx.msk [tilespmem:v59+s5+$0x0], $0xffff;
	[tilespmem:v62+s17+$0x0] =	vst.idx.msk $0xffff, v0;
	v0 =	vcvt.s32.f32 v43  }
0x345: {  	v45 =	vsub.f32 v51, v45;
	v60 =	vtrunc.f32 v55;
	v43 =	vadd.s32 $0xA3B, v47;
	v4 =	vld.idx.msk [tilespmem:v4+s5+$0x0], $0xffff  }
0x346: {  	s31 =	sadd.s32 $0x630, s25;
	v46 =	vsub.f32 v46, v52;
	v47 =	vcvt.f32.s32 v60;
	v44 =	vld.idx.msk [tilespmem:v44+s5+$0x0], $0xffff;
	v0 =	vsub.f32 v53, v0  }
0x347: {  	v60 =	vmul.f32 $3.600000000e+01, v34;
	v48 =	vld.idx.msk [tilespmem:v48+s5+$0x0], $0xffff;
	v50 =	vadd.s32 s31, v61;
	v49 =	vsub.f32 v49, v56  }
0x348: {  	v53 =	vadd.s32 s31, v6;
	v59 =	vshll.u32 v47, $0x1;
	v2 =	vld.idx.msk [tilespmem:v2+s5+$0x0], $0xffff;
	v46 =	vmul.f32 v0, v46  }
0x349: {  	v42 =	vadd.s32 $0x5200, v36;
	v57 =	vld.idx.msk [tilespmem:v57+s5+$0x0], $0xffff;
	v0 =	vmul.f32 v49, v0;
	v49 =	vadd.s32 $0x28, v59  }
0x34a: {  	v62 =	vtrunc.f32 v60;
	v51 =	vadd.s32 $0x29, v59;
	v43 =	vld.idx.msk [tilespmem:v43+s5+$0x0], $0xffff;
	v46 =	vadd.f32 v46, v52  }
0x34b: {  	v0 =	vadd.f32 v0, v56;
	v56 =	vadd.s32 $0x2A, v59;
	v52 =	vcvt.f32.s32 v62  }
0x34c: {  	v48 =	vsub.f32 v48, v4;
	[tilespmem:v50+s17+$0x0] =	vst.idx.msk $0xffff, v46;
	v46 =	vadd.s32 $0x2B, v59;
	v50 =	vsub.f32 v58, v54  }
0x34d: {  	v58 =	vadd.s32 s30, v9;
	v61 =	vshll.u32 v52, $0x1;
	v2 =	vsub.f32 v2, v44;
	[tilespmem:v53+s17+$0x0] =	vst.idx.msk $0xffff, v0  }
0x34e: {  	v52 =	vcvt.s32.f32 v52;
	v0 =	vmul.f32 v48, v45;
	v48 =	vadd.s32 s30, v10;
	v49 =	vld.idx.msk [tilespmem:v49+s5+$0x0], $0xffff  }
0x34f: {  	v62 =	vadd.s32 $0x60, v61;
	v43 =	vsub.f32 v43, v57;
	v51 =	vld.idx.msk [tilespmem:v51+s5+$0x0], $0xffff;
	v2 =	vmul.f32 v2, v45  }
0x350: {  	v50 =	vmul.f32 v50, v1;
	v0 =	vadd.f32 v0, v4;
	v4 =	vadd.s32 $0x61, v61;
	v56 =	vld.idx.msk [tilespmem:v56+s5+$0x0], $0xffff  }
0x351: {  	v1 =	vmul.f32 v43, v1;
	v43 =	vadd.s32 $0x62, v61;
	v2 =	vadd.f32 v2, v44;
	v59 =	vld.idx.msk [tilespmem:v46+s5+$0x0], $0xffff  }
0x352: {  	v41 =	vadd.s32 $0x5202, v36;
	v53 =	vmul.f32 $3.600000000e+01, v35;
	[tilespmem:v58+s17+$0x0] =	vst.idx.msk $0xffff, v0;
	v0 =	vadd.s32 $0x63, v61  }
0x353: {  	v52 =	vsub.f32 v60, v52;
	v50 =	vadd.f32 v50, v54;
	[tilespmem:v48+s17+$0x0] =	vst.idx.msk $0xffff, v2;
	v2 =	vcvt.s32.f32 v47  }
0x354: {  	v46 =	vmul.f32 $1.023000000e+03, v32;
	v61 =	vtrunc.f32 v53;
	v1 =	vadd.f32 v1, v57;
	v45 =	vld.idx.msk [tilespmem:v62+s5+$0x0], $0xffff  }
0x355: {  	v54 =	vcvt.f32.s32 v61;
	v4 =	vld.idx.msk [tilespmem:v4+s5+$0x0], $0xffff;
	v62 =	vsub.f32 v56, v49;
	v2 =	vsub.f32 v55, v2  }
0x356: {  	v57 =	vadd.s32 s31, v10;
	v56 =	vadd.s32 s31, v9;
	v43 =	vld.idx.msk [tilespmem:v43+s5+$0x0], $0xffff;
	v44 =	vsub.f32 v59, v51  }
0x357: {  	v47 =	vadd.s32 s29, v25;
	v58 =	vshll.u32 v54, $0x1;
	v0 =	vld.idx.msk [tilespmem:v0+s5+$0x0], $0xffff;
	v55 =	vmul.f32 v62, v2  }
0x358: {  	v39 =	vld.idx.msk [tilespmem:v42+s5+$0x0], $0xffff;
	v59 =	vmul.f32 $5.500000000e+01, v34;
	v2 =	vmul.f32 v44, v2;
	v44 =	vadd.s32 $0x60, v58  }
0x359: {  	v41 =	vld.idx.msk [tilespmem:v41+s5+$0x0], $0xffff;
	v48 =	vtrunc.f32 v46;
	v10 =	vadd.s32 $0x62, v58;
	v49 =	vadd.f32 v55, v49  }
0x35a: {  	v9 =	vtrunc.f32 v59;
	v55 =	vadd.s32 $0x61, v58;
	v2 =	vadd.f32 v2, v51  }
0x35b: {  	v60 =	vcvt.f32.s32 v9;
	v43 =	vsub.f32 v43, v45;
	[tilespmem:v56+s17+$0x0] =	vst.idx.msk $0xffff, v49;
	v49 =	vadd.s32 $0x63, v58  }
0x35c: {  	v48 =	vcvt.f32.s32 v48;
	v0 =	vsub.f32 v0, v4;
	v56 =	vadd.s32 s30, v11;
	[tilespmem:v57+s17+$0x0] =	vst.idx.msk $0xffff, v2  }
0x35d: {  	v2 =	vmul.f32 v43, v52;
	v43 =	vadd.s32 s30, v12;
	v57 =	vshll.u32 v60, $0x1;
	v44 =	vld.idx.msk [tilespmem:v44+s5+$0x0], $0xffff  }
0x35e: {  	v41 =	vsub.f32 v41, v39;
	v0 =	vmul.f32 v0, v52;
	v62 =	vadd.s32 $0xB0, v57;
	v10 =	vld.idx.msk [tilespmem:v10+s5+$0x0], $0xffff  }
0x35f: {  	v61 =	vcvt.s32.f32 v48;
	v9 =	vadd.s32 $0xB1, v57;
	v52 =	vld.idx.msk [tilespmem:v55+s5+$0x0], $0xffff;
	v2 =	vadd.f32 v2, v45  }
0x360: {  	v48 =	vshll.u32 v48, $0x1;
	[tilespmem:v47+s17+$0x0] =	vst.idx.msk $0xffff, v50;
	v0 =	vadd.f32 v0, v4;
	v4 =	vadd.s32 $0xB2, v57;
	v49 =	vld.idx.msk [tilespmem:v49+s5+$0x0], $0xffff  }
0x361: {  	v46 =	vsub.f32 v46, v61;
	v51 =	vmul.f32 $5.500000000e+01, v35;
	[tilespmem:v56+s17+$0x0] =	vst.idx.msk $0xffff, v2;
	v2 =	vadd.s32 $0xB3, v57  }
0x362: {  	v61 =	vadd.s32 $0xF8A, v48;
	v58 =	vadd.s32 $0xF88, v48;
	[tilespmem:v43+s17+$0x0] =	vst.idx.msk $0xffff, v0;
	v0 =	vcvt.s32.f32 v54  }
0x363: {  	[tilespmem:v3+s17+$0x0] =	vst.idx.msk $0xffff, v1;
	v3 =	vadd.s32 s31, v12;
	v55 =	vadd.s32 $0xF89, v48;
	v40 =	vld.idx.msk [tilespmem:v62+s5+$0x0], $0xffff;
	v62 =	vtrunc.f32 v51  }
0x364: {  	v38 =	vld.idx.msk [tilespmem:v9+s5+$0x0], $0xffff;
	v45 =	vsub.f32 v10, v44;
	v0 =	vsub.f32 v53, v0;
	v53 =	vcvt.f32.s32 v62  }
0x365: {  	v48 =	vadd.s32 $0xF8B, v48;
	v10 =	vadd.s32 s31, v11;
	v4 =	vld.idx.msk [tilespmem:v4+s5+$0x0], $0xffff;
	v49 =	vsub.f32 v49, v52  }
0x366: {  	v54 =	vmul.f32 $8.400000000e+01, v34;
	v1 =	vld.idx.msk [tilespmem:v2+s5+$0x0], $0xffff;
	v2 =	vmul.f32 v45, v0;
	v11 =	vshll.u32 v53, $0x1  }
0x367: {  	v42 =	vld.idx.msk [tilespmem:v58+s5+$0x0], $0xffff;
	v9 =	vcvt.s32.f32 v60;
	v12 =	vadd.s32 $0xB0, v11;
	v0 =	vmul.f32 v49, v0  }
0x368: {  	v43 =	vld.idx.msk [tilespmem:v61+s5+$0x0], $0xffff;
	v61 =	vtrunc.f32 v54;
	v60 =	vadd.s32 $0xB1, v11;
	v2 =	vadd.f32 v2, v44  }
0x369: {  	v47 =	vsub.f32 v59, v9;
	v62 =	vadd.s32 $0xB2, v11;
	v0 =	vadd.f32 v0, v52  }
0x36a: {  	v55 =	vld.idx.msk [tilespmem:v55+s5+$0x0], $0xffff;
	v56 =	vcvt.f32.s32 v61;
	v4 =	vsub.f32 v4, v40;
	[tilespmem:v10+s17+$0x0] =	vst.idx.msk $0xffff, v2;
	v2 =	vadd.s32 $0xB3, v11  }
0x36b: {  	v48 =	vld.idx.msk [tilespmem:v48+s5+$0x0], $0xffff;
	v9 =	vadd.s32 s30, v13;
	v1 =	vsub.f32 v1, v38;
	[tilespmem:v3+s17+$0x0] =	vst.idx.msk $0xffff, v0  }
0x36c: {  	v0 =	vmul.f32 v4, v47;
	v3 =	vadd.s32 s30, v14;
	v4 =	vshll.u32 v56, $0x1;
	v49 =	vld.idx.msk [tilespmem:v12+s5+$0x0], $0xffff  }
0x36d: {  	v43 =	vsub.f32 v43, v42;
	v1 =	vmul.f32 v1, v47;
	v10 =	vadd.s32 $0x128, v4;
	v44 =	vld.idx.msk [tilespmem:v60+s5+$0x0], $0xffff  }
0x36e: {  	v41 =	vmul.f32 v41, v37;
	v11 =	vadd.s32 $0x129, v4;
	v52 =	vld.idx.msk [tilespmem:v62+s5+$0x0], $0xffff;
	v0 =	vadd.f32 v0, v40  }
0x36f: {  	v43 =	vmul.f32 v43, v46;
	v12 =	vadd.s32 $0x12A, v4;
	v1 =	vadd.f32 v1, v38;
	v2 =	vld.idx.msk [tilespmem:v2+s5+$0x0], $0xffff  }
0x370: {  	v48 =	vsub.f32 v48, v55;
	[tilespmem:v9+s17+$0x0] =	vst.idx.msk $0xffff, v0;
	v0 =	vadd.s32 $0x12B, v4;
	v4 =	vmul.f32 $8.400000000e+01, v35  }
0x371: {  	v50 =	vmul.f32 $1.552000000e+03, v32;
	v59 =	vadd.s32 s31, v13;
	[tilespmem:v3+s17+$0x0] =	vst.idx.msk $0xffff, v1;
	v1 =	vcvt.s32.f32 v53  }
0x372: {  	v3 =	vadd.f32 v43, v42;
	v42 =	vmul.f32 v48, v46;
	v43 =	vld.idx.msk [tilespmem:v10+s5+$0x0], $0xffff;
	v53 =	vtrunc.f32 v4  }
0x373: {  	v40 =	vld.idx.msk [tilespmem:v11+s5+$0x0], $0xffff;
	v57 =	vsub.f32 v52, v49;
	v1 =	vsub.f32 v51, v1;
	v46 =	vcvt.f32.s32 v53  }
0x374: {  	v13 =	vadd.s32 s30, v16;
	v58 =	vcvt.s32.f32 v56;
	v38 =	vld.idx.msk [tilespmem:v12+s5+$0x0], $0xffff;
	v2 =	vsub.f32 v2, v44  }
0x375: {  	v60 =	vadd.s32 s31, v14;
	v0 =	vld.idx.msk [tilespmem:v0+s5+$0x0], $0xffff;
	v47 =	vmul.f32 v57, v1;
	v61 =	vshll.u32 v46, $0x1  }
0x376: {  	v53 =	vmul.f32 $1.270000000e+02, v34;
	v1 =	vmul.f32 v2, v1;
	v2 =	vadd.s32 $0x128, v61  }
0x377: {  	v48 =	vsub.f32 v54, v58;
	v62 =	vadd.s32 $0x129, v61;
	v47 =	vadd.f32 v47, v49  }
0x378: {  	v9 =	vtrunc.f32 v53;
	v10 =	vadd.s32 $0x12A, v61;
	v1 =	vadd.f32 v1, v44  }
0x379: {  	v54 =	vcvt.f32.s32 v9;
	v11 =	vadd.s32 $0x12B, v61;
	v38 =	vsub.f32 v38, v43;
	[tilespmem:v59+s17+$0x0] =	vst.idx.msk $0xffff, v47  }
0x37a: {  	v45 =	vadd.s32 $0x5201, v36;
	v12 =	vadd.s32 s30, v15;
	v0 =	vsub.f32 v0, v40;
	[tilespmem:v60+s17+$0x0] =	vst.idx.msk $0xffff, v1  }
0x37b: {  	v36 =	vadd.s32 $0x5203, v36;
	v14 =	vshll.u32 v54, $0x1;
	v1 =	vmul.f32 v38, v48;
	v2 =	vld.idx.msk [tilespmem:v2+s5+$0x0], $0xffff  }
0x37c: {  	v42 =	vadd.f32 v42, v55;
	v60 =	vadd.s32 $0x1D8, v14;
	v49 =	vld.idx.msk [tilespmem:v62+s5+$0x0], $0xffff;
	v0 =	vmul.f32 v0, v48  }
0x37d: {  	v61 =	vtrunc.f32 v50;
	v62 =	vadd.s32 $0x1D9, v14;
	v44 =	vld.idx.msk [tilespmem:v10+s5+$0x0], $0xffff;
	v1 =	vadd.f32 v1, v43  }
0x37e: {  	v55 =	vcvt.f32.s32 v61;
	v9 =	vadd.s32 $0x1DA, v14;
	v47 =	vld.idx.msk [tilespmem:v11+s5+$0x0], $0xffff;
	v0 =	vadd.f32 v0, v40  }
0x37f: {  	v51 =	vmul.f32 $1.270000000e+02, v35;
	v54 =	vcvt.s32.f32 v54;
	[tilespmem:v12+s17+$0x0] =	vst.idx.msk $0xffff, v1;
	v1 =	vadd.s32 $0x1DB, v14  }
0x380: {  	v57 =	vshll.u32 v55, $0x1;
	v10 =	vadd.s32 s29, v27;
	[tilespmem:v13+s17+$0x0] =	vst.idx.msk $0xffff, v0;
	v0 =	vcvt.s32.f32 v46  }
0x381: {  	v58 =	vadd.s32 $0x1792, v57;
	v11 =	vadd.s32 s29, v28;
	v12 =	vtrunc.f32 v51;
	v48 =	vld.idx.msk [tilespmem:v60+s5+$0x0], $0xffff  }
0x382: {  	v43 =	vld.idx.msk [tilespmem:v62+s5+$0x0], $0xffff;
	v0 =	vsub.f32 v4, v0;
	v4 =	vsub.f32 v44, v2;
	v44 =	vcvt.f32.s32 v12  }
0x383: {  	v14 =	vadd.s32 s31, v15;
	v15 =	vadd.s32 s31, v16;
	v13 =	vsub.f32 v47, v49;
	v40 =	vld.idx.msk [tilespmem:v9+s5+$0x0], $0xffff  }
0x384: {  	v46 =	vadd.s32 $0x1790, v57;
	v1 =	vld.idx.msk [tilespmem:v1+s5+$0x0], $0xffff;
	v4 =	vmul.f32 v4, v0;
	v16 =	vshll.u32 v44, $0x1  }
0x385: {  	[tilespmem:v10+s17+$0x0] =	vst.idx.msk $0xffff, v3;
	v3 =	vmul.f32 $1.940000000e+02, v34;
	v0 =	vmul.f32 v13, v0;
	v62 =	vadd.s32 $0x1D8, v16  }
0x386: {  	v38 =	vld.idx.msk [tilespmem:v45+s5+$0x0], $0xffff;
	v9 =	vsub.f32 v53, v54;
	v12 =	vadd.s32 $0x1DA, v16;
	v2 =	vadd.f32 v4, v2  }
0x387: {  	v10 =	vld.idx.msk [tilespmem:v36+s5+$0x0], $0xffff;
	[tilespmem:v11+s17+$0x0] =	vst.idx.msk $0xffff, v42;
	v11 =	vtrunc.f32 v3;
	v4 =	vadd.s32 $0x1D9, v16;
	v0 =	vadd.f32 v0, v49  }
0x388: {  	v13 =	vld.idx.msk [tilespmem:v58+s5+$0x0], $0xffff;
	v40 =	vsub.f32 v40, v48;
	v49 =	vcvt.f32.s32 v11;
	[tilespmem:v14+s17+$0x0] =	vst.idx.msk $0xffff, v2;
	v2 =	vadd.s32 $0x1DB, v16  }
0x389: {  	v55 =	vcvt.s32.f32 v55;
	v46 =	vld.idx.msk [tilespmem:v46+s5+$0x0], $0xffff;
	v1 =	vsub.f32 v1, v43;
	v14 =	vadd.s32 s30, v17;
	[tilespmem:v15+s17+$0x0] =	vst.idx.msk $0xffff, v0  }
0x38a: {  	v16 =	vshll.u32 v49, $0x1;
	v0 =	vmul.f32 v40, v9;
	v15 =	vadd.s32 s30, v18;
	v56 =	vld.idx.msk [tilespmem:v62+s5+$0x0], $0xffff  }
0x38b: {  	v59 =	vmul.f32 $4.450000000e+02, v34;
	v60 =	vadd.s32 $0x2E0, v16;
	v1 =	vmul.f32 v1, v9;
	v62 =	vld.idx.msk [tilespmem:v12+s5+$0x0], $0xffff  }
0x38c: {  	v36 =	vadd.f32 v41, v39;
	v61 =	vadd.s32 $0x2E1, v16;
	v4 =	vld.idx.msk [tilespmem:v4+s5+$0x0], $0xffff;
	v0 =	vadd.f32 v0, v48  }
0x38d: {  	v42 =	vsub.f32 v50, v55;
	v9 =	vadd.s32 $0x2E2, v16;
	v1 =	vadd.f32 v1, v43;
	v2 =	vld.idx.msk [tilespmem:v2+s5+$0x0], $0xffff  }
0x38e: {  	v47 =	vsub.f32 v13, v46;
	v48 =	vmul.f32 $1.940000000e+02, v35;
	[tilespmem:v14+s17+$0x0] =	vst.idx.msk $0xffff, v0;
	v0 =	vadd.s32 $0x2E3, v16  }
0x38f: {  	v50 =	vsub.f32 v10, v38;
	v10 =	vadd.s32 $0x1791, v57;
	[tilespmem:v15+s17+$0x0] =	vst.idx.msk $0xffff, v1;
	v1 =	vcvt.s32.f32 v44  }
0x390: {  	v11 =	vadd.s32 $0x1793, v57;
	v12 =	vmul.f32 v47, v42;
	v13 =	vtrunc.f32 v48;
	v45 =	vld.idx.msk [tilespmem:v60+s5+$0x0], $0xffff  }
0x391: {  	v47 =	vcvt.f32.s32 v13;
	v39 =	vld.idx.msk [tilespmem:v61+s5+$0x0], $0xffff;
	v41 =	vsub.f32 v62, v56;
	v1 =	vsub.f32 v51, v1  }
0x392: {  	v49 =	vcvt.s32.f32 v49;
	v14 =	vadd.s32 s31, v17;
	v43 =	vld.idx.msk [tilespmem:v9+s5+$0x0], $0xffff;
	v2 =	vsub.f32 v2, v4  }
0x393: {  	v15 =	vadd.s32 s31, v18;
	v16 =	vshll.u32 v47, $0x1;
	v0 =	vld.idx.msk [tilespmem:v0+s5+$0x0], $0xffff;
	v41 =	vmul.f32 v41, v1  }
0x394: {  	v55 =	vmul.f32 $2.940000000e+02, v34;
	v1 =	vmul.f32 v2, v1;
	v2 =	vadd.s32 $0x2E0, v16  }
0x395: {  	v52 =	vld.idx.msk [tilespmem:v10+s5+$0x0], $0xffff;
	v3 =	vsub.f32 v3, v49;
	v17 =	vadd.s32 $0x2E1, v16;
	v41 =	vadd.f32 v41, v56  }
0x396: {  	v40 =	vld.idx.msk [tilespmem:v11+s5+$0x0], $0xffff;
	v18 =	vtrunc.f32 v55;
	v1 =	vadd.f32 v1, v4;
	v4 =	vadd.s32 $0x2E2, v16  }
0x397: {  	v60 =	vadd.s32 $0x2E3, v16;
	v43 =	vsub.f32 v43, v45;
	v56 =	vcvt.f32.s32 v18;
	[tilespmem:v14+s17+$0x0] =	vst.idx.msk $0xffff, v41  }
0x398: {  	v53 =	vmul.f32 $2.352000000e+03, v32;
	v61 =	vadd.s32 s30, v19;
	v0 =	vsub.f32 v0, v39;
	[tilespmem:v15+s17+$0x0] =	vst.idx.msk $0xffff, v1  }
0x399: {  	v62 =	vadd.s32 s30, v20;
	v9 =	vshll.u32 v56, $0x1;
	v1 =	vmul.f32 v43, v3;
	v2 =	vld.idx.msk [tilespmem:v2+s5+$0x0], $0xffff  }
0x39a: {  	v11 =	vtrunc.f32 v53;
	v0 =	vmul.f32 v0, v3;
	v3 =	vadd.s32 $0x468, v9;
	v49 =	vld.idx.msk [tilespmem:v17+s5+$0x0], $0xffff  }
0x39b: {  	v40 =	vsub.f32 v40, v52;
	v10 =	vadd.s32 $0x469, v9;
	v1 =	vadd.f32 v1, v45;
	v4 =	vld.idx.msk [tilespmem:v4+s5+$0x0], $0xffff  }
0x39c: {  	v44 =	vadd.f32 v12, v46;
	v12 =	vadd.s32 $0x46A, v9;
	v41 =	vld.idx.msk [tilespmem:v60+s5+$0x0], $0xffff;
	v0 =	vadd.f32 v0, v39  }
0x39d: {  	v46 =	vmul.f32 $2.940000000e+02, v35;
	v40 =	vmul.f32 v40, v42;
	[tilespmem:v61+s17+$0x0] =	vst.idx.msk $0xffff, v1;
	v1 =	vadd.s32 $0x46B, v9  }
0x39e: {  	v54 =	vcvt.f32.s32 v11;
	v13 =	vadd.s32 s29, v29;
	[tilespmem:v62+s17+$0x0] =	vst.idx.msk $0xffff, v0;
	v0 =	vcvt.s32.f32 v47  }
0x39f: {  	v18 =	vadd.s32 s31, v20;
	v40 =	vadd.f32 v40, v52;
	v15 =	vtrunc.f32 v46;
	v3 =	vld.idx.msk [tilespmem:v3+s5+$0x0], $0xffff  }
0x3a0: {  	v45 =	vld.idx.msk [tilespmem:v10+s5+$0x0], $0xffff;
	v0 =	vsub.f32 v48, v0;
	v48 =	vcvt.f32.s32 v15;
	v4 =	vsub.f32 v4, v2  }
0x3a1: {  	v16 =	vcvt.s32.f32 v56;
	v17 =	vadd.s32 s31, v19;
	v39 =	vld.idx.msk [tilespmem:v12+s5+$0x0], $0xffff;
	v41 =	vsub.f32 v41, v49  }
0x3a2: {  	v14 =	vadd.s32 s29, v30;
	v1 =	vld.idx.msk [tilespmem:v1+s5+$0x0], $0xffff;
	v19 =	vshll.u32 v48, $0x1;
	v4 =	vmul.f32 v4, v0  }
0x3a3: {  	v51 =	vsub.f32 v55, v16;
	v0 =	vmul.f32 v41, v0;
	v20 =	vadd.s32 $0x468, v19  }
0x3a4: {  	v60 =	vtrunc.f32 v59;
	v61 =	vadd.s32 $0x46A, v19;
	v2 =	vadd.f32 v4, v2  }
0x3a5: {  	v55 =	vcvt.f32.s32 v60;
	v4 =	vadd.s32 $0x469, v19;
	v0 =	vadd.f32 v0, v49  }
0x3a6: {  	v9 =	vadd.s32 s30, v21;
	v39 =	vsub.f32 v39, v3;
	[tilespmem:v17+s17+$0x0] =	vst.idx.msk $0xffff, v2;
	v2 =	vadd.s32 $0x46B, v19  }
0x3a7: {  	v11 =	vshll.u32 v55, $0x1;
	v47 =	vshll.u32 v54, $0x1;
	v1 =	vsub.f32 v1, v45;
	[tilespmem:v18+s17+$0x0] =	vst.idx.msk $0xffff, v0  }
0x3a8: {  	v62 =	vadd.s32 $0x23B8, v47;
	v10 =	vadd.s32 s30, v22;
	v0 =	vmul.f32 v39, v51;
	v41 =	vld.idx.msk [tilespmem:v20+s5+$0x0], $0xffff  }
0x3a9: {  	[tilespmem:v13+s17+$0x0] =	vst.idx.msk $0xffff, v44;
	v12 =	vadd.s32 $0x6B8, v11;
	v1 =	vmul.f32 v1, v51;
	v13 =	vld.idx.msk [tilespmem:v61+s5+$0x0], $0xffff  }
0x3aa: {  	[tilespmem:v14+s17+$0x0] =	vst.idx.msk $0xffff, v40;
	v14 =	vadd.s32 $0x6BA, v11;
	v4 =	vld.idx.msk [tilespmem:v4+s5+$0x0], $0xffff;
	v0 =	vadd.f32 v0, v3  }
0x3ab: {  	v3 =	vadd.s32 $0x6B9, v11;
	v1 =	vadd.f32 v1, v45;
	v2 =	vld.idx.msk [tilespmem:v2+s5+$0x0], $0xffff  }
0x3ac: {  	v37 =	vmul.f32 v50, v37;
	v43 =	vmul.f32 $4.450000000e+02, v35;
	[tilespmem:v9+s17+$0x0] =	vst.idx.msk $0xffff, v0;
	v0 =	vadd.s32 $0x6BB, v11  }
0x3ad: {  	v60 =	vcvt.s32.f32 v55;
	v16 =	vadd.s32 $0x23B9, v47;
	v45 =	vld.idx.msk [tilespmem:v62+s5+$0x0], $0xffff;
	[tilespmem:v10+s17+$0x0] =	vst.idx.msk $0xffff, v1;
	v1 =	vcvt.s32.f32 v48  }
0x3ae: {  	v17 =	vadd.s32 $0x23BA, v47;
	v47 =	vadd.s32 $0x23BB, v47;
	v19 =	vtrunc.f32 v43;
	v18 =	vld.idx.msk [tilespmem:v12+s5+$0x0], $0xffff  }
0x3af: {  	v20 =	vcvt.f32.s32 v19;
	v42 =	vsub.f32 v13, v41;
	v40 =	vld.idx.msk [tilespmem:v14+s5+$0x0], $0xffff;
	v1 =	vsub.f32 v46, v1  }
0x3b0: {  	v50 =	vsub.f32 v59, v60;
	v61 =	vadd.s32 s31, v21;
	v3 =	vld.idx.msk [tilespmem:v3+s5+$0x0], $0xffff;
	v2 =	vsub.f32 v2, v4  }
0x3b1: {  	v62 =	vadd.s32 s31, v22;
	v9 =	vshll.u32 v20, $0x1;
	v0 =	vld.idx.msk [tilespmem:v0+s5+$0x0], $0xffff;
	v42 =	vmul.f32 v42, v1  }
0x3b2: {  	v49 =	vld.idx.msk [tilespmem:v16+s5+$0x0], $0xffff;
	v10 =	vmul.f32 $6.750000000e+02, v34;
	v1 =	vmul.f32 v2, v1;
	v2 =	vadd.s32 $0x6B8, v9  }
0x3b3: {  	v15 =	vcvt.s32.f32 v54;
	v39 =	vld.idx.msk [tilespmem:v17+s5+$0x0], $0xffff;
	v11 =	vadd.s32 $0x6B9, v9;
	v41 =	vadd.f32 v42, v41  }
0x3b4: {  	v47 =	vld.idx.msk [tilespmem:v47+s5+$0x0], $0xffff;
	v12 =	vtrunc.f32 v10;
	v1 =	vadd.f32 v1, v4;
	v4 =	vadd.s32 $0x6BA, v9  }
0x3b5: {  	v13 =	vadd.s32 $0x6BB, v9;
	v56 =	vcvt.f32.s32 v12;
	v40 =	vsub.f32 v40, v18;
	[tilespmem:v61+s17+$0x0] =	vst.idx.msk $0xffff, v41  }
0x3b6: {  	v44 =	vsub.f32 v53, v15;
	v14 =	vadd.s32 s30, v23;
	v0 =	vsub.f32 v0, v3;
	[tilespmem:v62+s17+$0x0] =	vst.idx.msk $0xffff, v1  }
0x3b7: {  	v15 =	vadd.s32 s30, v24;
	v16 =	vshll.u32 v56, $0x1;
	v1 =	vmul.f32 v40, v50;
	v2 =	vld.idx.msk [tilespmem:v2+s5+$0x0], $0xffff  }
0x3b8: {  	v39 =	vsub.f32 v39, v45;
	v17 =	vadd.s32 $0xA38, v16;
	v0 =	vmul.f32 v0, v50;
	v42 =	vld.idx.msk [tilespmem:v11+s5+$0x0], $0xffff  }
0x3b9: {  	v47 =	vsub.f32 v47, v49;
	v1 =	vadd.f32 v1, v18;
	v18 =	vadd.s32 $0xA39, v16;
	v4 =	vld.idx.msk [tilespmem:v4+s5+$0x0], $0xffff  }
0x3ba: {  	v39 =	vmul.f32 v39, v44;
	v41 =	vld.idx.msk [tilespmem:v13+s5+$0x0], $0xffff;
	v0 =	vadd.f32 v0, v3;
	v3 =	vadd.s32 $0xA3A, v16  }
0x3bb: {  	v44 =	vmul.f32 v47, v44;
	v47 =	vmul.f32 $6.750000000e+02, v35;
	[tilespmem:v14+s17+$0x0] =	vst.idx.msk $0xffff, v1;
	v1 =	vadd.s32 $0xA3B, v16  }
0x3bc: {  	v33 =	vmul.f32 $8.191000000e+03, v33;
	v57 =	vadd.s32 s31, v25;
	[tilespmem:v15+s17+$0x0] =	vst.idx.msk $0xffff, v0;
	v0 =	vcvt.s32.f32 v20  }
0x3bd: {  	v37 =	vadd.f32 v37, v38;
	v59 =	vadd.s32 s31, v23;
	v20 =	vtrunc.f32 v47;
	v19 =	vld.idx.msk [tilespmem:v17+s5+$0x0], $0xffff  }
0x3be: {  	v22 =	vcvt.f32.s32 v20;
	v21 =	vld.idx.msk [tilespmem:v18+s5+$0x0], $0xffff;
	v0 =	vsub.f32 v43, v0;
	v4 =	vsub.f32 v4, v2  }
0x3bf: {  	v60 =	vadd.s32 s31, v24;
	v58 =	vcvt.s32.f32 v56;
	v41 =	vsub.f32 v41, v42;
	v3 =	vld.idx.msk [tilespmem:v3+s5+$0x0], $0xffff  }
0x3c0: {  	v38 =	vadd.f32 v39, v45;
	v61 =	vshll.u32 v22, $0x1;
	v1 =	vld.idx.msk [tilespmem:v1+s5+$0x0], $0xffff;
	v4 =	vmul.f32 v4, v0  }
0x3c1: {  	v62 =	vmul.f32 $1.023000000e+03, v34;
	v9 =	vadd.s32 $0xA38, v61;
	v0 =	vmul.f32 v41, v0  }
0x3c2: {  	v45 =	vsub.f32 v10, v58;
	v11 =	vadd.s32 $0xA3A, v61;
	v2 =	vadd.f32 v4, v2  }
0x3c3: {  	v10 =	vtrunc.f32 v62;
	v4 =	vadd.s32 $0xA39, v61;
	v0 =	vadd.f32 v0, v42  }
0x3c4: {  	v52 =	vcvt.f32.s32 v10;
	v3 =	vsub.f32 v3, v19;
	[tilespmem:v59+s17+$0x0] =	vst.idx.msk $0xffff, v2;
	v2 =	vadd.s32 $0xA3B, v61  }
0x3c5: {  	v12 =	vadd.s32 s30, v25;
	v39 =	vadd.f32 v44, v49;
	v1 =	vsub.f32 v1, v21;
	[tilespmem:v60+s17+$0x0] =	vst.idx.msk $0xffff, v0  }
0x3c6: {  	v13 =	vshll.u32 v52, $0x1;
	v0 =	vmul.f32 v3, v45;
	v3 =	vadd.s32 s30, v26;
	v41 =	vld.idx.msk [tilespmem:v9+s5+$0x0], $0xffff  }
0x3c7: {  	v49 =	vmul.f32 $1.023000000e+03, v35;
	v15 =	vadd.s32 $0xF88, v13;
	v1 =	vmul.f32 v1, v45;
	v42 =	vld.idx.msk [tilespmem:v11+s5+$0x0], $0xffff  }
0x3c8: {  	v48 =	vmul.f32 $3.565000000e+03, v32;
	v16 =	vadd.s32 $0xF89, v13;
	v4 =	vld.idx.msk [tilespmem:v4+s5+$0x0], $0xffff;
	v0 =	vadd.f32 v0, v19  }
0x3c9: {  	v23 =	vtrunc.f32 v49;
	v18 =	vadd.s32 $0xF8A, v13;
	v1 =	vadd.f32 v1, v21;
	v2 =	vld.idx.msk [tilespmem:v2+s5+$0x0], $0xffff  }
0x3ca: {  	v24 =	vcvt.f32.s32 v23;
	v14 =	vtrunc.f32 v48;
	[tilespmem:v12+s17+$0x0] =	vst.idx.msk $0xffff, v0;
	v0 =	vadd.s32 $0xF8B, v13  }
0x3cb: {  	v40 =	vadd.s32 s29, v31;
	v53 =	vcvt.f32.s32 v14;
	[tilespmem:v3+s17+$0x0] =	vst.idx.msk $0xffff, v1;
	v1 =	vcvt.s32.f32 v22  }
0x3cc: {  	v52 =	vcvt.s32.f32 v52;
	v17 =	vadd.s32 s29, v7;
	v59 =	vadd.s32 s31, v26;
	v45 =	vld.idx.msk [tilespmem:v15+s5+$0x0], $0xffff  }
0x3cd: {  	v19 =	vshll.u32 v53, $0x1;
	v44 =	vld.idx.msk [tilespmem:v16+s5+$0x0], $0xffff;
	v42 =	vsub.f32 v42, v41;
	v1 =	vsub.f32 v47, v1  }
0x3ce: {  	v61 =	vmul.f32 $1.552000000e+03, v34;
	v20 =	vadd.s32 $0x3620, v19;
	v46 =	vld.idx.msk [tilespmem:v18+s5+$0x0], $0xffff;
	v2 =	vsub.f32 v2, v4  }
0x3cf: {  	v60 =	vshll.u32 v24, $0x1;
	v21 =	vadd.s32 $0x3621, v19;
	v0 =	vld.idx.msk [tilespmem:v0+s5+$0x0], $0xffff;
	v58 =	vmul.f32 v42, v1  }
0x3d0: {  	v51 =	vsub.f32 v62, v52;
	v1 =	vmul.f32 v2, v1;
	v2 =	vadd.s32 $0xF88, v60  }
0x3d1: {  	[tilespmem:v40+s17+$0x0] =	vst.idx.msk $0xffff, v38;
	v62 =	vadd.s32 $0xF89, v60;
	v9 =	vtrunc.f32 v61;
	v38 =	vadd.f32 v58, v41  }
0x3d2: {  	[tilespmem:v17+s17+$0x0] =	vst.idx.msk $0xffff, v39;
	v52 =	vcvt.f32.s32 v9;
	v9 =	vld [tilespmem:$0x1FFB0];
	v1 =	vadd.f32 v1, v4;
	v4 =	vadd.s32 $0xF8A, v60  }
0x3d3: {  	v10 =	vadd.s32 $0xF8B, v60;
	v12 =	vadd.s32 s30, v27;
	v50 =	vld.idx.msk [tilespmem:v20+s5+$0x0], $0xffff;
	v46 =	vsub.f32 v46, v45;
	[tilespmem:v57+s17+$0x0] =	vst.idx.msk $0xffff, v38  }
0x3d4: {  	v13 =	vadd.s32 s30, v28;
	v3 =	vadd.s32 $0x3622, v19;
	v54 =	vld.idx.msk [tilespmem:v21+s5+$0x0], $0xffff;
	v0 =	vsub.f32 v0, v44;
	[tilespmem:v59+s17+$0x0] =	vst.idx.msk $0xffff, v1  }
0x3d5: {  	v14 =	vshll.u32 v52, $0x1;
	v22 =	vadd.s32 $0x3623, v19;
	v1 =	vmul.f32 v46, v51;
	v2 =	vld.idx.msk [tilespmem:v2+s5+$0x0], $0xffff  }
0x3d6: {  	v25 =	vadd.s32 s31, v27;
	v15 =	vadd.s32 $0x1790, v14;
	v0 =	vmul.f32 v0, v51;
	v41 =	vld.idx.msk [tilespmem:v62+s5+$0x0], $0xffff  }
0x3d7: {  	v11 =	vcvt.s32.f32 v53;
	v16 =	vadd.s32 $0x1791, v14;
	v1 =	vadd.f32 v1, v45;
	v4 =	vld.idx.msk [tilespmem:v4+s5+$0x0], $0xffff  }
0x3d8: {  	v53 =	vtrunc.f32 v33;
	v17 =	vadd.s32 $0x1792, v14;
	v18 =	vld.idx.msk [tilespmem:v10+s5+$0x0], $0xffff;
	v0 =	vadd.f32 v0, v44  }
0x3d9: {  	v23 =	vcvt.s32.f32 v52;
	v19 =	vmul.f32 $1.552000000e+03, v35;
	v3 =	vld.idx.msk [tilespmem:v3+s5+$0x0], $0xffff;
	[tilespmem:v12+s17+$0x0] =	vst.idx.msk $0xffff, v1;
	v1 =	vadd.s32 $0x1793, v14  }
0x3da: {  	v26 =	vadd.s32 s31, v28;
	v28 =	vmul.f32 $2.352000000e+03, v34;
	v43 =	vld.idx.msk [tilespmem:v22+s5+$0x0], $0xffff;
	[tilespmem:v13+s17+$0x0] =	vst.idx.msk $0xffff, v0;
	v0 =	vcvt.s32.f32 v24  }
0x3db: {  	v39 =	vsub.f32 v61, v23;
	v61 =	vadd.s32 s30, v30;
	v22 =	vtrunc.f32 v19;
	v21 =	vld.idx.msk [tilespmem:v15+s5+$0x0], $0xffff  }
0x3dc: {  	v47 =	vcvt.f32.s32 v22;
	v45 =	vld.idx.msk [tilespmem:v16+s5+$0x0], $0xffff;
	v0 =	vsub.f32 v49, v0;
	v4 =	vsub.f32 v4, v2  }
0x3dd: {  	v42 =	vsub.f32 v48, v11;
	v58 =	vtrunc.f32 v28;
	v44 =	vld.idx.msk [tilespmem:v17+s5+$0x0], $0xffff;
	v24 =	vsub.f32 v18, v41  }
0x3de: {  	v22 =	vadd.s32 s31, v30;
	v27 =	vshll.u32 v47, $0x1;
	v1 =	vld.idx.msk [tilespmem:v1+s5+$0x0], $0xffff;
	v4 =	vmul.f32 v4, v0  }
0x3df: {  	v30 =	vadd.s32 s30, v7;
	v57 =	vadd.s32 $0x1790, v27;
	v0 =	vmul.f32 v24, v0  }
0x3e0: {  	v48 =	vcvt.f32.s32 v58;
	v59 =	vadd.s32 $0x1792, v27;
	v2 =	vadd.f32 v4, v2  }
0x3e1: {  	v58 =	vmul.f32 $5.404000000e+03, v34;
	v4 =	vadd.s32 $0x1791, v27;
	v0 =	vadd.f32 v0, v41  }
0x3e2: {  	v38 =	vadd.s32 s25, v9;
	v44 =	vsub.f32 v44, v21;
	[tilespmem:v25+s17+$0x0] =	vst.idx.msk $0xffff, v2;
	v2 =	vadd.s32 $0x1793, v27  }
0x3e3: {  	v60 =	vadd.s32 s30, v29;
	v3 =	vsub.f32 v3, v50;
	v1 =	vsub.f32 v1, v45;
	[tilespmem:v26+s17+$0x0] =	vst.idx.msk $0xffff, v0  }
0x3e4: {  	v20 =	vsub.f32 v43, v54;
	v62 =	vshll.u32 v48, $0x1;
	v0 =	vmul.f32 v44, v39;
	v49 =	vld.idx.msk [tilespmem:v57+s5+$0x0], $0xffff  }
0x3e5: {  	v51 =	vmul.f32 $2.352000000e+03, v35;
	v10 =	vadd.s32 $0x23B8, v62;
	v1 =	vmul.f32 v1, v39;
	v41 =	vld.idx.msk [tilespmem:v59+s5+$0x0], $0xffff  }
0x3e6: {  	v3 =	vmul.f32 v3, v42;
	v12 =	vadd.s32 $0x23B9, v62;
	v4 =	vld.idx.msk [tilespmem:v4+s5+$0x0], $0xffff;
	v0 =	vadd.f32 v0, v21  }
0x3e7: {  	v40 =	vmul.f32 v20, v42;
	v13 =	vadd.s32 $0x23BA, v62;
	v1 =	vadd.f32 v1, v45;
	v2 =	vld.idx.msk [tilespmem:v2+s5+$0x0], $0xffff  }
0x3e8: {  	v20 =	vcvt.s32.f32 v48;
	v3 =	vadd.f32 v3, v50;
	[tilespmem:v60+s17+$0x0] =	vst.idx.msk $0xffff, v0;
	v0 =	vadd.s32 $0x23BB, v62  }
0x3e9: {  	v50 =	vmul.f32 $5.404000000e+03, v32;
	v40 =	vadd.f32 v40, v54;
	[tilespmem:v61+s17+$0x0] =	vst.idx.msk $0xffff, v1;
	v1 =	vcvt.s32.f32 v47  }
0x3ea: {  	v14 =	vadd.s32 s29, v8;
	v55 =	vsub.f32 v28, v20;
	v18 =	vtrunc.f32 v51;
	v17 =	vld.idx.msk [tilespmem:v10+s5+$0x0], $0xffff  }
0x3eb: {  	v43 =	vld.idx.msk [tilespmem:v12+s5+$0x0], $0xffff;
	v41 =	vsub.f32 v41, v49;
	v1 =	vsub.f32 v19, v1;
	v19 =	vcvt.f32.s32 v18  }
0x3ec: {  	v20 =	vadd.s32 s31, v31;
	v21 =	vadd.s32 s31, v29;
	v45 =	vld.idx.msk [tilespmem:v13+s5+$0x0], $0xffff;
	v2 =	vsub.f32 v2, v4  }
0x3ed: {  	v11 =	vtrunc.f32 v50;
	v0 =	vld.idx.msk [tilespmem:v0+s5+$0x0], $0xffff;
	v41 =	vmul.f32 v41, v1;
	v23 =	vshll.u32 v19, $0x1  }
0x3ee: {  	v59 =	vmul.f32 $3.565000000e+03, v34;
	v1 =	vmul.f32 v2, v1;
	v2 =	vadd.s32 $0x23B8, v23  }
0x3ef: {  	v15 =	vadd.s32 s29, v5;
	v25 =	vadd.s32 $0x23B9, v23;
	v24 =	vadd.f32 v41, v49  }
0x3f0: {  	v63 =	vld [tilespmem:$0x1FFC0];
	v26 =	vtrunc.f32 v59;
	v1 =	vadd.f32 v1, v4;
	v4 =	vadd.s32 $0x23BA, v23  }
0x3f1: {  	v27 =	vadd.s32 $0x23BB, v23;
	v45 =	vsub.f32 v45, v17;
	v49 =	vcvt.f32.s32 v26;
	[tilespmem:v21+s17+$0x0] =	vst.idx.msk $0xffff, v24  }
0x3f2: {  	v42 =	vcvt.f32.s32 v11;
	v29 =	vadd.s32 s30, v31;
	v0 =	vsub.f32 v0, v43;
	[tilespmem:v22+s17+$0x0] =	vst.idx.msk $0xffff, v1  }
0x3f3: {  	v32 =	vmul.f32 $8.191000000e+03, v32;
	v61 =	vshll.u32 v49, $0x1;
	v1 =	vmul.f32 v45, v55;
	v2 =	vld.idx.msk [tilespmem:v2+s5+$0x0], $0xffff  }
0x3f4: {  	v54 =	vshll.u32 v42, $0x1;
	v62 =	vadd.s32 $0x3620, v61;
	v0 =	vmul.f32 v0, v55;
	v41 =	vld.idx.msk [tilespmem:v25+s5+$0x0], $0xffff  }
0x3f5: {  	[tilespmem:v14+s17+$0x0] =	vst.idx.msk $0xffff, v3;
	v3 =	vadd.s32 s25, v63;
	v10 =	vadd.s32 $0x3621, v61;
	v1 =	vadd.f32 v1, v17;
	v4 =	vld.idx.msk [tilespmem:v4+s5+$0x0], $0xffff  }
0x3f6: {  	v42 =	vcvt.s32.f32 v42;
	[tilespmem:v15+s17+$0x0] =	vst.idx.msk $0xffff, v40;
	v12 =	vadd.s32 $0x3622, v61;
	v13 =	vld.idx.msk [tilespmem:v27+s5+$0x0], $0xffff;
	v0 =	vadd.f32 v0, v43  }
0x3f7: {  	v14 =	vmul.f32 $3.565000000e+03, v35;
	v16 =	vadd.s32 $0x5200, v54;
	[tilespmem:v29+s17+$0x0] =	vst.idx.msk $0xffff, v1;
	v1 =	vadd.s32 $0x3623, v61  }
0x3f8: {  	v28 =	vadd.s32 $0x5202, v54;
	v15 =	vadd.s32 $0x5201, v54;
	[tilespmem:v30+s17+$0x0] =	vst.idx.msk $0xffff, v0;
	v0 =	vcvt.s32.f32 v19  }
0x3f9: {  	v42 =	vsub.f32 v50, v42;
	v39 =	vcvt.f32.s32 v53;
	v19 =	vtrunc.f32 v14;
	v18 =	vld.idx.msk [tilespmem:v62+s5+$0x0], $0xffff  }
0x3fa: {  	v52 =	vld.idx.msk [tilespmem:v10+s5+$0x0], $0xffff;
	v50 =	vcvt.f32.s32 v19;
	v0 =	vsub.f32 v51, v0;
	v4 =	vsub.f32 v4, v2  }
0x3fb: {  	v53 =	vmul.f32 $5.404000000e+03, v35;
	v21 =	vadd.s32 s31, v7;
	v40 =	vld.idx.msk [tilespmem:v12+s5+$0x0], $0xffff;
	v43 =	vsub.f32 v13, v41  }
0x3fc: {  	v17 =	vadd.s32 $0x5203, v54;
	v22 =	vshll.u32 v50, $0x1;
	v1 =	vld.idx.msk [tilespmem:v1+s5+$0x0], $0xffff;
	v4 =	vmul.f32 v4, v0  }
0x3fd: {  	v56 =	vld.idx.msk [tilespmem:v15+s5+$0x0], $0xffff;
	v15 =	vadd.s32 s31, v8;
	v23 =	vadd.s32 $0x3620, v22;
	v0 =	vmul.f32 v43, v0  }
0x3fe: {  	v44 =	vld.idx.msk [tilespmem:v16+s5+$0x0], $0xffff;
	v49 =	vcvt.s32.f32 v49;
	v25 =	vadd.s32 $0x3622, v22;
	v2 =	vadd.f32 v4, v2  }
0x3ff: {  	v16 =	vld.idx.msk [tilespmem:v28+s5+$0x0], $0xffff;
	v34 =	vmul.f32 $8.191000000e+03, v34;
	v27 =	vadd.s32 $0x3623, v22;
	v0 =	vadd.f32 v0, v41  }
0x400: {  	v49 =	vsub.f32 v59, v49;
	v4 =	vadd.s32 $0x3621, v22;
	[tilespmem:v20+s17+$0x0] =	vst.idx.msk $0xffff, v2;
	v2 =	vsub.f32 v40, v18  }
0x401: {  	v24 =	vtrunc.f32 v58;
	v29 =	vadd.s32 s30, v8;
	v45 =	vld.idx.msk [tilespmem:v17+s5+$0x0], $0xffff;
	v1 =	vsub.f32 v1, v52;
	[tilespmem:v21+s17+$0x0] =	vst.idx.msk $0xffff, v0  }
0x402: {  	v26 =	vcvt.f32.s32 v24;
	v0 =	vmul.f32 v2, v49;
	v2 =	vadd.s32 s30, v5;
	v43 =	vld.idx.msk [tilespmem:v23+s5+$0x0], $0xffff  }
0x403: {  	v35 =	vmul.f32 $8.191000000e+03, v35;
	v11 =	vshll.u32 v39, $0x1;
	v1 =	vmul.f32 v1, v49;
	v41 =	vld.idx.msk [tilespmem:v25+s5+$0x0], $0xffff  }
0x404: {  	[tilespmem:v38+s17+$0x0] =	vst.idx.msk $0xffff, v36;
	v55 =	vadd.s32 $0x7C43, v11;
	v30 =	vshll.u32 v26, $0x1;
	v51 =	vld.idx.msk [tilespmem:v27+s5+$0x0], $0xffff;
	v0 =	vadd.f32 v0, v18  }
0x405: {  	v28 =	vsub.f32 v16, v44;
	v31 =	vadd.s32 $0x5200, v30;
	v4 =	vld.idx.msk [tilespmem:v4+s5+$0x0], $0xffff;
	v1 =	vadd.f32 v1, v52  }
0x406: {  	v48 =	vadd.s32 $0x7C40, v11;
	v16 =	vadd.s32 s31, v5;
	v60 =	vadd.s32 $0x5201, v30;
	[tilespmem:v29+s17+$0x0] =	vst.idx.msk $0xffff, v0  }
0x407: {  	v54 =	vmul.f32 v28, v42;
	v61 =	vadd.s32 $0x5202, v30;
	[tilespmem:v2+s17+$0x0] =	vst.idx.msk $0xffff, v1;
	v1 =	vcvt.s32.f32 v50  }
0x408: {  	[tilespmem:v3+s17+$0x0] =	vst.idx.msk $0xffff, v37;
	v10 =	vadd.s32 $0x7C42, v11;
	v12 =	vtrunc.f32 v53;
	v0 =	vadd.s32 $0x5203, v30  }
0x409: {  	v55 =	vld.idx.msk [tilespmem:v55+s5+$0x0], $0xffff;
	v13 =	vcvt.f32.s32 v12;
	v41 =	vsub.f32 v41, v43;
	v1 =	vsub.f32 v14, v1  }
0x40a: {  	v62 =	vadd.s32 $0x7C41, v11;
	v45 =	vsub.f32 v45, v56;
	v11 =	vld.idx.msk [tilespmem:v31+s5+$0x0], $0xffff;
	v14 =	vsub.f32 v51, v4  }
0x40b: {  	v17 =	vshll.u32 v13, $0x1;
	v47 =	vcvt.s32.f32 v13;
	v46 =	vld.idx.msk [tilespmem:v60+s5+$0x0], $0xffff;
	v41 =	vmul.f32 v41, v1  }
0x40c: {  	v19 =	vadd.s32 $0x5200, v17;
	v42 =	vmul.f32 v45, v42;
	v45 =	vld.idx.msk [tilespmem:v61+s5+$0x0], $0xffff;
	v1 =	vmul.f32 v14, v1  }
0x40d: {  	v24 =	vadd.s32 $0x5203, v17;
	v22 =	vadd.s32 $0x5201, v17;
	v0 =	vld.idx.msk [tilespmem:v0+s5+$0x0], $0xffff;
	v21 =	vadd.f32 v41, v43  }
0x40e: {  	v10 =	vld.idx.msk [tilespmem:v10+s5+$0x0], $0xffff;
	v20 =	vcvt.s32.f32 v26;
	v1 =	vadd.f32 v1, v4;
	v4 =	vadd.s32 $0x5202, v17  }
0x40f: {  	v47 =	vsub.f32 v53, v47;
	v42 =	vadd.f32 v42, v56;
	v18 =	vtrunc.f32 v32;
	[tilespmem:v15+s17+$0x0] =	vst.idx.msk $0xffff, v21  }
0x410: {  	v13 =	vtrunc.f32 v35;
	v36 =	vsub.f32 v58, v20;
	v3 =	vcvt.f32.s32 v18;
	v60 =	vld.idx.msk [tilespmem:v62+s5+$0x0], $0xffff;
	[tilespmem:v16+s17+$0x0] =	vst.idx.msk $0xffff, v1  }
0x411: {  	v25 =	vadd.s32 s29, v9;
	v29 =	vtrunc.f32 v34;
	v23 =	vsub.f32 v45, v11;
	v27 =	vld.idx.msk [tilespmem:v19+s5+$0x0], $0xffff  }
0x412: {  	v26 =	vshll.u32 v3, $0x1;
	v0 =	vsub.f32 v0, v46;
	v1 =	vadd.s32 s29, v63;
	v40 =	vld.idx.msk [tilespmem:v22+s5+$0x0], $0xffff  }
0x413: {  	v2 =	vadd.f32 v54, v44;
	v28 =	vadd.s32 $0x7C40, v26;
	v37 =	vmul.f32 v23, v36;
	v4 =	vld.idx.msk [tilespmem:v4+s5+$0x0], $0xffff  }
0x414: {  	v30 =	vadd.s32 $0x7C41, v26;
	v38 =	vld.idx.msk [tilespmem:v24+s5+$0x0], $0xffff;
	v0 =	vmul.f32 v0, v36;
	v36 =	vcvt.f32.s32 v29  }
0x415: {  	v31 =	vadd.s32 $0x7C42, v26;
	v61 =	vadd.s32 s30, v9;
	v14 =	vcvt.f32.s32 v13;
	v41 =	vld.idx.msk [tilespmem:v48+s5+$0x0], $0xffff  }
0x416: {  	[tilespmem:v25+s17+$0x0] =	vst.idx.msk $0xffff, v2;
	v2 =	vadd.s32 s30, v63;
	v45 =	vadd.s32 $0x7C43, v26;
	v23 =	vld [tilespmem:$0x1FFE0];
	v62 =	vshll.u32 v36, $0x1  }
0x417: {  	v17 =	vshll.u32 v14, $0x1;
	v37 =	vadd.f32 v37, v11;
	v22 =	vld [tilespmem:$0x1FFD0];
	v11 =	vadd.s32 $0x7C40, v62;
	[tilespmem:v1+s17+$0x0] =	vst.idx.msk $0xffff, v42  }
0x418: {  	v15 =	vadd.s32 s31, v9;
	v1 =	vadd.s32 $0x7C41, v62;
	v49 =	vld.idx.msk [tilespmem:v28+s5+$0x0], $0xffff;
	v4 =	vsub.f32 v4, v27  }
0x419: {  	v0 =	vadd.f32 v0, v46;
	v12 =	vadd.s32 $0x7C42, v62;
	v50 =	vld.idx.msk [tilespmem:v30+s5+$0x0], $0xffff;
	v38 =	vsub.f32 v38, v40  }
0x41a: {  	v16 =	vadd.s32 s31, v63;
	[tilespmem:v61+s17+$0x0] =	vst.idx.msk $0xffff, v37;
	v52 =	vadd.s32 $0x7C43, v62;
	v51 =	vld.idx.msk [tilespmem:v31+s5+$0x0], $0xffff;
	v4 =	vmul.f32 v4, v47  }
0x41b: {  	v18 =	vadd.s32 $0x7C40, v17;
	[tilespmem:v2+s17+$0x0] =	vst.idx.msk $0xffff, v0;
	v2 =	vld.idx.msk [tilespmem:v45+s5+$0x0], $0xffff;
	v38 =	vmul.f32 v38, v47  }
0x41c: {  	v3 =	vcvt.s32.f32 v3;
	v19 =	vadd.s32 $0x7C41, v17;
	v43 =	vld.idx.msk [tilespmem:v11+s5+$0x0], $0xffff;
	v4 =	vadd.f32 v4, v27  }
0x41d: {  	v58 =	vcvt.s32.f32 v14;
	v21 =	vadd.s32 $0x7C42, v17;
	v1 =	vld.idx.msk [tilespmem:v1+s5+$0x0], $0xffff;
	v20 =	vadd.f32 v38, v40  }
0x41e: {  	v3 =	vsub.f32 v32, v3;
	v25 =	vadd.s32 $0x7C43, v17;
	v0 =	vcvt.s32.f32 v39;
	v24 =	vld.idx.msk [tilespmem:v12+s5+$0x0], $0xffff;
	[tilespmem:v15+s17+$0x0] =	vst.idx.msk $0xffff, v4  }
0x41f: {  	v26 =	vsub.f32 v55, v60;
	v35 =	vsub.f32 v35, v58;
	v28 =	vld.idx.msk [tilespmem:v52+s5+$0x0], $0xffff;
	[tilespmem:v16+s17+$0x0] =	vst.idx.msk $0xffff, v20  }
0x420: {  	v29 =	vadd.s32 s29, v23;
	v0 =	vsub.f32 v33, v0;
	v4 =	vsub.f32 v10, v41;
	v39 =	vld.idx.msk [tilespmem:v18+s5+$0x0], $0xffff  }
0x421: {  	v48 =	vsub.f32 v51, v49;
	v51 =	vadd.s32 s25, v22;
	v2 =	vsub.f32 v2, v50;
	v45 =	vld.idx.msk [tilespmem:v19+s5+$0x0], $0xffff  }
0x422: {  	v36 =	vcvt.s32.f32 v36;
	v52 =	vadd.s32 s25, v23;
	v4 =	vmul.f32 v4, v0;
	v38 =	vld.idx.msk [tilespmem:v21+s5+$0x0], $0xffff  }
0x423: {  	v27 =	vadd.s32 s29, v22;
	v32 =	vmul.f32 v48, v3;
	v2 =	vmul.f32 v2, v3;
	v42 =	vld.idx.msk [tilespmem:v25+s5+$0x0], $0xffff  }
0x424: {  	v3 =	vsub.f32 v34, v36;
	v0 =	vmul.f32 v26, v0;
	v4 =	vadd.f32 v4, v41  }
0x425: {  	v59 =	vadd.s32 s30, v23;
	v32 =	vadd.f32 v32, v49;
	v55 =	vsub.f32 v24, v43  }
0x426: {  	v57 =	vadd.s32 s30, v22;
	v0 =	vadd.f32 v0, v60;
	[tilespmem:v51+s17+$0x0] =	vst.idx.msk $0xffff, v4;
	v4 =	vsub.f32 v28, v1  }
0x427: {  	v2 =	vadd.f32 v2, v50;
	v34 =	vmul.f32 v55, v3;
	v60 =	vsub.f32 v38, v39  }
0x428: {  	s26 =	sadd.s32 $0x4, s26;
	[tilespmem:v52+s17+$0x0] =	vst.idx.msk $0xffff, v0;
	v0 =	vmul.f32 v4, v3;
	v3 =	vsub.f32 v42, v45;
	v4 =	vadd.s32 s31, v22  }
0x429: {  	p2 =	slt.u32 s26, $0xC;
	v63 =	vadd.s32 s31, v23;
	[tilespmem:v27+s17+$0x0] =	vst.idx.msk $0xffff, v32;
	v61 =	vadd.f32 v34, v43;
	v62 =	vmul.f32 v60, v35  }
.Ltmp2:
0x42a: {  	[tilespmem:v29+s17+$0x0] =	vst.idx.msk $0xffff, v2;
	v0 =	vadd.f32 v0, v1;
	v1 =	vmul.f32 v3, v35;
	(pc) =	sbr.rel @p2 .LBB2_7-.Ltmp2, $4  }
0x42b: {  	[tilespmem:v57+s17+$0x0] =	vst.idx.msk $0xffff, v61;
	v2 =	vadd.f32 v62, v39  }
0x42c: {  	[tilespmem:v59+s17+$0x0] =	vst.idx.msk $0xffff, v0;
	v0 =	vadd.f32 v1, v45  }
0x42d: {  	[tilespmem:v4+s17+$0x0] =	vst.idx.msk $0xffff, v2  }
0x42e: {  	s28 =	sadd.s32 $0x40, s28;
	s25 =	sadd.s32 $0x840, s25;
	v3 =	vld [tilespmem:$0x1FFF0];
	v4 =	vmov v6;
	[tilespmem:v63+s17+$0x0] =	vst.idx.msk $0xffff, v0  }
0x42f: {  	s26 =	sshll.u32 s24, $0x9  }
0x430: {  	s25 =	sadd.s32 @!p0 s26, s11  }
0x431: {  	s25 =	sshrl.u32 @!p0 s25, $0x3  }
0x432: {  	s28 =	simm.s32 @!p0 $0x0;
	s29 =	simm.s32 @!p0 $0xBD80;
	s25 =	sadd.s32 @!p0 s1, s25  }
0x433: {  	[tilespmem:s29], [sflag:$0x4] =	stream.linear.gather @!p0 [hbm4b:s25+s28], $0x100, $0x38;
	[tilespmem:$0x1DF80] =	vst v63  }
0x434: {  	_ =	swait.ge @p1 [sflag:s22], $0x8000  }
0x435: {  	[sflag:s22] =	ssyncset.done @p1 $0x0  }
0x436: {  	s28 =	simm.s32 $0xBF88;
	[sflag:s22] =	ssyncadd.s32 @p1 $0xFFFF8000  }
0x437: {  	v0 =	vld [tilespmem:s28+$0xF7]  }
0x438: {  	v2 =	vld [tilespmem:s28+$0xFFFFFF19]  }
0x439: {  	v3 =	vld [tilespmem:s28+$0xFFFFFF29]  }
0x43a: {  	v4 =	vld [tilespmem:s28+$0xFFFFFF3A]  }
0x43b: {  	v32 =	vld [tilespmem:s28+$0xE7]  }
0x43c: {  	s25 =	simm.s32 $0x16380;
	v49 =	vld [tilespmem:s28+$0xFFFFFF4A]  }
0x43d: {  	v50 =	vld [tilespmem:s28+$0xFFFFFF5B];
	[tilespmem:s25+$0x390] =	vst v0  }
0x43e: {  	v51 =	vld [tilespmem:s28+$0xFFFFFF6B];
	[tilespmem:s25+$0xFFFFFC80] =	vst v2  }
0x43f: {  	v33 =	vld [tilespmem:s28+$0xFFFFFF8C];
	[tilespmem:s25+$0xFFFFFC90] =	vst v3  }
0x440: {  	v52 =	vld [tilespmem:s28+$0xFFFFFF9D];
	[tilespmem:s25+$0xFFFFFD00] =	vst v4  }
0x441: {  	v53 =	vld [tilespmem:s28+$0xFFFFFFAD];
	[tilespmem:s25+$0x380] =	vst v32  }
0x442: {  	v4 =	vld [tilespmem:s28+$0xFFFFFF7C];
	[tilespmem:s25+$0xFFFFFD10] =	vst v49  }
0x443: {  	v54 =	vld [tilespmem:s28+$0xFFFFFFBE];
	[tilespmem:s25+$0xFFFFFD80] =	vst v50  }
0x444: {  	v55 =	vld [tilespmem:s28+$0xFFFFFFDF];
	[tilespmem:s25+$0xFFFFFD90] =	vst v51  }
0x445: {  	v56 =	vld [tilespmem:s28+$0xFFFFFFEF];
	[tilespmem:s25+$0xFFFFFE10] =	vst v33  }
0x446: {  	v57 =	vld [tilespmem:s28+$0x0];
	[tilespmem:s25+$0xFFFFFE80] =	vst v52  }
0x447: {  	[tilespmem:s25+$0xFFFFFE00] =	vst v4;
	v4 =	vld [tilespmem:s28+$0xFFFFFFCE]  }
0x448: {  	v58 =	vld [tilespmem:s28+$0x10];
	[tilespmem:s25+$0xFFFFFE90] =	vst v53  }
0x449: {  	v60 =	vld [tilespmem:s28+$0x42];
	[tilespmem:s25+$0xFFFFFF80] =	vst v55  }
0x44a: {  	v61 =	vld [tilespmem:s28+$0x52];
	[tilespmem:s25+$0xFFFFFF90] =	vst v56  }
0x44b: {  	v63 =	vld [tilespmem:s28+$0x84];
	[tilespmem:s25+$0x0] =	vst v57  }
0x44c: {  	[tilespmem:s25+$0xFFFFFF10] =	vst v4;
	v4 =	vld [tilespmem:s28+$0x21]  }
0x44d: {  	v1 =	vld [tilespmem:s28+$0xFFFFFF08];
	[tilespmem:s25+$0x10] =	vst v58  }
0x44e: {  	v59 =	vld [tilespmem:s28+$0x31];
	[tilespmem:s25+$0x100] =	vst v60  }
0x44f: {  	v62 =	vld [tilespmem:s28+$0x63];
	[tilespmem:s25+$0x110] =	vst v61  }
0x450: {  	v33 =	vld [tilespmem:s28+$0x94];
	[tilespmem:s25+$0x200] =	vst v63  }
0x451: {  	[tilespmem:s25+$0x80] =	vst v4;
	v4 =	vld [tilespmem:s28+$0x73]  }
0x452: {  	v37 =	vld [tilespmem:s28+$0xFFFFFEF8];
	[tilespmem:s25+$0xFFFFFC10] =	vst v1  }
0x453: {  	v34 =	vld [tilespmem:s28+$0xA5];
	[tilespmem:s25+$0xFFFFFF00] =	vst v54  }
0x454: {  	v35 =	vld [tilespmem:s28+$0xB5];
	[tilespmem:s25+$0x90] =	vst v59  }
0x455: {  	v36 =	vld [tilespmem:s28+$0xC6];
	[tilespmem:s25+$0x180] =	vst v62  }
0x456: {  	v32 =	vld [tilespmem:s28+$0xD6];
	[tilespmem:s25+$0x190] =	vst v4  }
0x457: {  	v7 =	vld [tilespmem:$0x1FE20]  }
0x458: {  	v8 =	vld [tilespmem:$0x1FE30]  }
0x459: {  	v9 =	vld [tilespmem:$0x1FE40]  }
0x45a: {  	v10 =	vld [tilespmem:$0x1FE50]  }
0x45b: {  	v11 =	vld [tilespmem:$0x1FE60]  }
0x45c: {  	v12 =	vld [tilespmem:$0x1FE70]  }
0x45d: {  	v13 =	vld [tilespmem:$0x1FE80]  }
0x45e: {  	v14 =	vld [tilespmem:$0x1FE90]  }
0x45f: {  	v15 =	vld [tilespmem:$0x1FEA0]  }
0x460: {  	v16 =	vld [tilespmem:$0x1FEB0]  }
0x461: {  	v17 =	vld [tilespmem:$0x1FEC0]  }
0x462: {  	v18 =	vld [tilespmem:$0x1FED0]  }
0x463: {  	v19 =	vld [tilespmem:$0x1FEE0]  }
0x464: {  	v20 =	vld [tilespmem:$0x1FEF0]  }
0x465: {  	v21 =	vld [tilespmem:$0x1FF00]  }
0x466: {  	v22 =	vld [tilespmem:$0x1FF10]  }
0x467: {  	v23 =	vld [tilespmem:$0x1FF20]  }
0x468: {  	v24 =	vld [tilespmem:$0x1FF30]  }
0x469: {  	v25 =	vld [tilespmem:$0x1FF40]  }
0x46a: {  	v26 =	vld [tilespmem:$0x1FF50]  }
0x46b: {  	v27 =	vld [tilespmem:$0x1FF60]  }
0x46c: {  	v28 =	vld [tilespmem:$0x1FF70]  }
0x46d: {  	v29 =	vld [tilespmem:$0x1FF80]  }
0x46e: {  	s30 =	simm.s32 $0xC198;
	s26 =	sadd.s32 s26, s6;
	v30 =	vld [tilespmem:$0x1FF90]  }
0x46f: {  	s26 =	sadd.s32 $0x100, s26;
	s29 =	simm.s32 $0x0;
	s28 =	simm.s32 $0x16380;
	v31 =	vld [tilespmem:$0x1FFA0]  }
.LBB2_9:
0x470: {  	v0 =	vld [tilespmem:s30+$0xF7];
	s29 =	sadd.s32 $0x10, s29;
	[tilespmem:s25+$0x210] =	vst v33  }
0x471: {  	v1 =	vld [tilespmem:s30+$0xFFFFFF08];
	p0 =	slt.u32 s29, $0xF0;
	[tilespmem:s25+$0x280] =	vst v34  }
0x472: {  	v2 =	vld [tilespmem:s30+$0xFFFFFF19];
	[tilespmem:s25+$0x290] =	vst v35  }
0x473: {  	v3 =	vld [tilespmem:s30+$0xFFFFFF29];
	[tilespmem:s25+$0x300] =	vst v36  }
0x474: {  	s25 =	sadd.s32 $0x800, s25;
	v4 =	vld [tilespmem:s30+$0xFFFFFF3A];
	[tilespmem:s28+$0xFFFFFC00] =	vst v37  }
0x475: {  	v33 =	vld [tilespmem:s30+$0xE7];
	[tilespmem:s25+$0x390] =	vst v0  }
0x476: {  	v0 =	vld [tilespmem:s30+$0xFFFFFF4A];
	[tilespmem:s28+$0x310] =	vst v32;
	s28 =	smov.u32 s25  }
0x477: {  	[tilespmem:s25+$0xFFFFFC80] =	vst v2;
	v2 =	vld [tilespmem:s30+$0xFFFFFF5B]  }
0x478: {  	[tilespmem:s25+$0xFFFFFC90] =	vst v3;
	v3 =	vld [tilespmem:s30+$0xFFFFFF6B]  }
0x479: {  	[tilespmem:s25+$0xFFFFFD00] =	vst v4;
	v4 =	vld [tilespmem:s30+$0xFFFFFF7C]  }
0x47a: {  	v32 =	vld [tilespmem:s30+$0xFFFFFF8C];
	[tilespmem:s25+$0x380] =	vst v33  }
0x47b: {  	[tilespmem:s25+$0xFFFFFD10] =	vst v0;
	v0 =	vld [tilespmem:s30+$0xFFFFFF9D]  }
0x47c: {  	[tilespmem:s25+$0xFFFFFD80] =	vst v2;
	v2 =	vld [tilespmem:s30+$0xFFFFFFAD]  }
0x47d: {  	[tilespmem:s25+$0xFFFFFD90] =	vst v3;
	v3 =	vld [tilespmem:s30+$0xFFFFFFBE]  }
0x47e: {  	[tilespmem:s25+$0xFFFFFE00] =	vst v4;
	v4 =	vld [tilespmem:s30+$0xFFFFFFCE]  }
0x47f: {  	[tilespmem:s25+$0xFFFFFE10] =	vst v32;
	v32 =	vld [tilespmem:s30+$0xFFFFFFDF]  }
0x480: {  	[tilespmem:s25+$0xFFFFFE80] =	vst v0;
	v0 =	vld [tilespmem:s30+$0xFFFFFFEF]  }
0x481: {  	[tilespmem:s25+$0xFFFFFE90] =	vst v2;
	v2 =	vld [tilespmem:s30+$0x0]  }
0x482: {  	[tilespmem:s25+$0xFFFFFF00] =	vst v3;
	v3 =	vld [tilespmem:s30+$0x10]  }
0x483: {  	[tilespmem:s25+$0xFFFFFF10] =	vst v4;
	v4 =	vld [tilespmem:s30+$0x21]  }
0x484: {  	[tilespmem:s25+$0xFFFFFF80] =	vst v32;
	v32 =	vld [tilespmem:s30+$0x31]  }
0x485: {  	[tilespmem:s25+$0xFFFFFF90] =	vst v0;
	v0 =	vld [tilespmem:s30+$0x42]  }
0x486: {  	[tilespmem:s25+$0x0] =	vst v2;
	v2 =	vld [tilespmem:s30+$0x52]  }
0x487: {  	[tilespmem:s25+$0x10] =	vst v3;
	v3 =	vld [tilespmem:s30+$0x63]  }
0x488: {  	[tilespmem:s25+$0x80] =	vst v4;
	v4 =	vld [tilespmem:s30+$0x73]  }
0x489: {  	[tilespmem:s25+$0x90] =	vst v32;
	v32 =	vld [tilespmem:s30+$0x84]  }
0x48a: {  	[tilespmem:s25+$0x100] =	vst v0;
	v33 =	vld [tilespmem:s30+$0x94]  }
.Ltmp3:
0x48b: {  	[tilespmem:s25+$0x110] =	vst v2;
	v34 =	vld [tilespmem:s30+$0xA5];
	(pc) =	sbr.rel @p0 .LBB2_9-.Ltmp3, $4  }
0x48c: {  	[tilespmem:s25+$0x180] =	vst v3;
	v35 =	vld [tilespmem:s30+$0xB5]  }
0x48d: {  	[tilespmem:s25+$0x190] =	vst v4;
	v36 =	vld [tilespmem:s30+$0xC6]  }
0x48e: {  	[tilespmem:s25+$0x200] =	vst v32;
	v32 =	vld [tilespmem:s30+$0xD6]  }
0x48f: {  	v37 =	vld [tilespmem:s30+$0xFFFFFEF8];
	[tilespmem:s25+$0xFFFFFC10] =	vst v1;
	s30 =	sadd.s32 $0x210, s30  }
0x490: {  	[tilespmem:s25+$0x210] =	vst v33  }
0x491: {  	[tilespmem:s25+$0x280] =	vst v34  }
0x492: {  	s24 =	sadd.s32 $0x1, s24;
	[tilespmem:s25+$0x290] =	vst v35  }
0x493: {  	p0 =	sne.s32 s24, $0x40;
	[tilespmem:s25+$0x300] =	vst v36  }
.Ltmp4:
0x494: {  	[tilespmem:s28+$0x310] =	vst v32;
	(pc) =	sbr.rel @p0 .LBB2_2-.Ltmp4, $4  }
0x495: {  	[tilespmem:s28+$0xFFFFFC00] =	vst v37  }
0x496: {  	s31 =	sshll.u32 s26, $0x4;
	v3 =	vld [tilespmem:$0x1FFF0]  }
0x497: {  	s25 =	sadd.s32 s4, s31;
	v5 =	vld [tilespmem:$0x1FE10]  }
0x498: {  	v4 =	vmov v6;
	[hbm4b:s25+s5] =	stream.linear.scatter [tilespmem:s20], [sflag:$0x2], $0x8000, $0x38;
	v6 =	vld [tilespmem:$0x1FFB0]  }
0x499: {  	s23 =	sadd.s32 $0x1, s23  }
0x49a: {  	_ =	swait.ge [sflag:s21], $0x8000;
	p0 =	sne.s32 s23, s12  }
.Ltmp5:
0x49b: {  	[sflag:s21] =	ssyncset.done $0x0;
	(pc) =	sbr.rel @p0 .LBB2_1-.Ltmp5, $4  }
0x49c: {  	[sflag:s21] =	ssyncadd.s32 $0xFFFF8000  }
0x49d: {  	_ =	swait.ge [sflag:s22], $0x8000  }
0x49e: {  	[sflag:s22] =	ssyncset.done $0x0  }
0x49f: {  	[sflag:s22] =	ssyncadd.s32 $0xFFFF8000  }
0x4a0: {  	_ =	sfence.sel $0x180000  }
0x4a1: {  	[bflag:$0x0] =	sbarrier.arrive $0xFFFF  }
0x4a2: {  	p0 =	sne.s32 s0, $0x0;
	_ =	strace $0x90000047  }
0x4a3: {  	s0 =	sadd.s32 @!p0 $0x100000, s3;
	[bflag:$0x2] =	sbarrier.arrive $0xFFFF  }
0x4a4: {  	[sflag:s0] =	ssyncadd.tile.s32 @!p0 $0x1;
	_ =	shalt  }
.Lfunc_end2:
_tile_overlayer_lowered:
.L_overlay_start_2:
0x4a5: {  	(tag) =	ssettag $0x2  }
0x4a6: {  	s0 =	rddreg [dreg:$0x0];
	s2 =	stileid.u32  }
0x4a7: {  	s1 =	rddreg [dreg:$0x1];
	p0 =	sne.s32 s2, $0x0  }
0x4a8: {  	s3 =	rddreg [dreg:$0x2];
	[bflag:$0x3] =	sbarrier.arrive $0xFFFF;
	s2 =	simm.s32 @!p0 $0x1C05  }
0x4a9: {  	[timem:s3], [sflag:s2] =	dma.local @!p0 [hbm:s0], s1  }
0x4aa: {  	s0 =	simm.s32 @!p0 $0x5  }
0x4ab: {  	_ =	swait.ge @!p0 [sflag:s0], s1  }
0x4ac: {  	s1 =	ssub.s32 @!p0 $0x0, s1;
	[sflag:s0] =	ssyncset.done @!p0 $0x0  }
0x4ad: {  	[sflag:s0] =	ssyncadd.s32 @!p0 s1  }
0x4ae: {  	[bflag:$0x3] =	sbarrier.arrive $0xFFFF  }
0x4af: {  	_ =	shalt  }

</sc_bundles>
